<compile_context>
chip_gen: v7x
topology: tpu7x:2x2x1
jax: 0.10.2.dev20260603
libtpu: 0.0.44.dev20260713+nightly
codegen_flags: <defaults>
</compile_context>

<pallas_src>
import functools

import jax
import jax.numpy as jnp
from jax import lax
from jax.experimental import pallas as pl
from jax.experimental.pallas import tpu as pltpu
from jax.experimental.pallas import tpu_sc as plsc

_NC = 2
_NS = 16
_NW = _NC * _NS
_CH = 128


def _mesh():
    return plsc.VectorSubcoreMesh(core_axis_name="c", subcore_axis_name="s",
                                  num_cores=_NC, num_subcores=_NS)


def _fill(buf, value):
    rows, cols = buf.shape
    vec = jnp.full((16,), value, jnp.float32)

    def bi(i, carry):
        def bj(j, c2):
            buf[i, pl.ds(j * 16, 16)] = vec
            return c2
        return lax.fori_loop(0, cols // 16, bj, carry)

    lax.fori_loop(0, rows, bi, 0)


def _deg_call(dst2d, hd, acc_rows):
    rpt = dst2d.shape[0] // _NW
    zpt = acc_rows // _NS

    @functools.partial(
        pl.kernel,
        mesh=_mesh(),
        out_type=jax.ShapeDtypeStruct((_NC, acc_rows, hd), jnp.float32),
        scratch_types=[
            pltpu.VMEM((rpt, _CH), jnp.int32),
            pltpu.VMEM((_CH, hd), jnp.float32),
            pltpu.VMEM_SHARED((acc_rows, hd), jnp.float32),
        ],
        compiler_params=pltpu.CompilerParams(use_tc_tiling_on_sc=False),
    )
    def deg_kernel(dst_hbm, out_hbm, idx_v, val_v, acc):
        c = lax.axis_index("c")
        s = lax.axis_index("s")
        w = c * _NS + s
        _fill(val_v, 0.0)
        for k in range(zpt // _CH):
            pltpu.sync_copy(val_v, acc.at[pl.ds(s * zpt + k * _CH, _CH)])
        _fill(val_v, 1.0)
        pltpu.sync_copy(dst_hbm.at[pl.ds(w * rpt, rpt)], idx_v)
        plsc.subcore_barrier()

        def body(j, carry):
            pltpu.sync_copy(val_v, acc.at[idx_v.at[j]], add=True)
            return carry

        lax.fori_loop(0, rpt, body, 0)
        plsc.subcore_barrier()
        for k in range(zpt // _CH):
            pltpu.sync_copy(acc.at[pl.ds(s * zpt + k * _CH, _CH)],
                            out_hbm.at[c, pl.ds(s * zpt + k * _CH, _CH)])

    return deg_kernel(dst2d)


def _scatter_call(gs, src2d, dst2d, hd, acc_rows):
    rpt = src2d.shape[0] // _NS
    zpt = acc_rows // _NS
    nch = 2
    hr = rpt // nch

    @functools.partial(
        pl.kernel,
        mesh=_mesh(),
        out_type=jax.ShapeDtypeStruct((_NC, acc_rows, hd), jnp.float32),
        scratch_types=[
            pltpu.VMEM((hr, _CH), jnp.int32),
            pltpu.VMEM((hr, _CH), jnp.int32),
            pltpu.VMEM((_CH, hd), jnp.float32),
            pltpu.VMEM((_CH, hd), jnp.float32),
            pltpu.VMEM_SHARED((acc_rows, hd), jnp.float32),
            pltpu.VMEM_SHARED((acc_rows, hd), jnp.float32),
            pltpu.SemaphoreType.DMA,
            pltpu.SemaphoreType.DMA,
            pltpu.SemaphoreType.DMA,
            pltpu.SemaphoreType.DMA,
        ],
        compiler_params=pltpu.CompilerParams(use_tc_tiling_on_sc=False),
    )
    def scatter_kernel(gs_hbm, src_hbm, dst_hbm, out_hbm,
                       src_v, dst_v, buf0, buf1, gsm, acc, sem0, sem1, sem2, sem3):
        c = lax.axis_index("c")
        s = lax.axis_index("s")
        pltpu.sync_copy(gs_hbm.at[c, pl.ds(s * zpt, zpt)],
                        gsm.at[pl.ds(s * zpt, zpt)])
        _fill(buf0, 0.0)
        for k in range(zpt // _CH):
            pltpu.sync_copy(buf0, acc.at[pl.ds(s * zpt + k * _CH, _CH)])
        plsc.subcore_barrier()

        for half in range(nch):
            base = s * rpt + half * hr
            pltpu.sync_copy(src_hbm.at[pl.ds(base, hr)], src_v)
            pltpu.sync_copy(dst_hbm.at[pl.ds(base, hr)], dst_v)
            pltpu.async_copy(gsm.at[src_v.at[0]], buf0, sem0)
            pltpu.async_copy(gsm.at[src_v.at[1]], buf1, sem1)

            def body(k, carry):
                j = 2 * k
                pltpu.make_async_copy(gsm.at[src_v.at[j]], buf0, sem0).wait()
                pltpu.sync_copy(buf0, acc.at[dst_v.at[j]], add=True)
                pltpu.async_copy(gsm.at[src_v.at[j + 2]], buf0, sem0)
                pltpu.make_async_copy(gsm.at[src_v.at[j + 1]], buf1, sem1).wait()
                pltpu.sync_copy(buf1, acc.at[dst_v.at[j + 1]], add=True)
                pltpu.async_copy(gsm.at[src_v.at[j + 3]], buf1, sem1)
                return carry

            lax.fori_loop(0, hr // 2 - 1, body, 0)
            j = hr - 2
            pltpu.make_async_copy(gsm.at[src_v.at[j]], buf0, sem0).wait()
            pltpu.sync_copy(buf0, acc.at[dst_v.at[j]], add=True)
            pltpu.make_async_copy(gsm.at[src_v.at[j + 1]], buf1, sem1).wait()
            pltpu.sync_copy(buf1, acc.at[dst_v.at[j + 1]], add=True)
        plsc.subcore_barrier()
        for k in range(zpt // _CH):
            pltpu.sync_copy(acc.at[pl.ds(s * zpt + k * _CH, _CH)],
                            out_hbm.at[c, pl.ds(s * zpt + k * _CH, _CH)])

    return scatter_kernel(gs, src2d, dst2d)


def _matmul2_call(x, wc, wl, blk):
    n, d = x.shape
    grid = (n // blk,)

    def body(x_ref, wc_ref, wl_ref, g_ref, l_ref):
        h = x_ref[...]
        g_ref[...] = jnp.dot(h, wc_ref[...], preferred_element_type=jnp.float32)
        l_ref[...] = jnp.dot(h, wl_ref[...], preferred_element_type=jnp.float32)

    return pl.pallas_call(
        body,
        grid=grid,
        in_specs=[
            pl.BlockSpec((blk, d), lambda i: (i, 0)),
            pl.BlockSpec((d, d), lambda i: (0, 0)),
            pl.BlockSpec((d, d), lambda i: (0, 0)),
        ],
        out_specs=[
            pl.BlockSpec((blk, d), lambda i: (i, 0)),
            pl.BlockSpec((blk, d), lambda i: (i, 0)),
        ],
        out_shape=[
            jax.ShapeDtypeStruct((n, d), jnp.float32),
            jax.ShapeDtypeStruct((n, d), jnp.float32),
        ],
    )(x, wc, wl)


def _layer0_call(g, l, degp, dw, b, blk, acc_rows):
    n, d = g.shape
    hd = d // 2
    grid = (n // blk,)

    def body(g_ref, l_ref, degp_ref, b_ref, gs_ref, z_ref, dinv_ref):
        dsum = degp_ref[0, :, 0:1] + degp_ref[1, :, 0:1]
        dv = lax.rsqrt(dsum + 1.0)
        g = g_ref[...]
        gsall = dv * g
        gs_ref[0, :, :] = gsall[:, :hd]
        gs_ref[1, :, :] = gsall[:, hd:]
        z_ref[...] = l_ref[...] + b_ref[...] + (dv * dv) * g
        dinv_ref[...] = dv

    return pl.pallas_call(
        body,
        grid=grid,
        in_specs=[
            pl.BlockSpec((blk, d), lambda i: (i, 0)),
            pl.BlockSpec((blk, d), lambda i: (i, 0)),
            pl.BlockSpec((_NC, blk, dw), lambda i: (0, i, 0)),
            pl.BlockSpec((1, d), lambda i: (0, 0)),
        ],
        out_specs=[
            pl.BlockSpec((_NC, blk, hd), lambda i: (0, i, 0)),
            pl.BlockSpec((blk, d), lambda i: (i, 0)),
            pl.BlockSpec((blk, 1), lambda i: (i, 0)),
        ],
        out_shape=[
            jax.ShapeDtypeStruct((_NC, acc_rows, hd), jnp.float32),
            jax.ShapeDtypeStruct((n, d), jnp.float32),
            jax.ShapeDtypeStruct((n, 1), jnp.float32),
        ],
    )(g, l, degp, b)


def _layer_call(p, z, dinv, wc, wl, b, blk, acc_rows):
    n, d = z.shape
    hd = d // 2
    grid = (n // blk,)

    def body(p_ref, zin_ref, dinv_ref, wc_ref, wl_ref, b_ref, gs_ref, zout_ref):
        dv = dinv_ref[...]
        psum = jnp.concatenate([p_ref[0], p_ref[1]], axis=1)
        h = jnp.maximum(dv * psum + zin_ref[...], 0.0)
        g = jnp.dot(h, wc_ref[...], preferred_element_type=jnp.float32)
        gsall = dv * g
        gs_ref[0, :, :] = gsall[:, :hd]
        gs_ref[1, :, :] = gsall[:, hd:]
        zout_ref[...] = (jnp.dot(h, wl_ref[...], preferred_element_type=jnp.float32)
                         + b_ref[...] + (dv * dv) * g)

    return pl.pallas_call(
        body,
        grid=grid,
        in_specs=[
            pl.BlockSpec((_NC, blk, hd), lambda i: (0, i, 0)),
            pl.BlockSpec((blk, d), lambda i: (i, 0)),
            pl.BlockSpec((blk, 1), lambda i: (i, 0)),
            pl.BlockSpec((d, d), lambda i: (0, 0)),
            pl.BlockSpec((d, d), lambda i: (0, 0)),
            pl.BlockSpec((1, d), lambda i: (0, 0)),
        ],
        out_specs=[
            pl.BlockSpec((_NC, blk, hd), lambda i: (0, i, 0)),
            pl.BlockSpec((blk, d), lambda i: (i, 0)),
        ],
        out_shape=[
            jax.ShapeDtypeStruct((_NC, acc_rows, hd), jnp.float32),
            jax.ShapeDtypeStruct((n, d), jnp.float32),
        ],
    )(p, z, dinv, wc, wl, b)


def _final_call(p, z, dinv, blk):
    n, d = z.shape
    hd = d // 2
    grid = (n // blk,)

    def body(p_ref, zin_ref, dinv_ref, out_ref):
        psum = jnp.concatenate([p_ref[0], p_ref[1]], axis=1)
        out_ref[...] = dinv_ref[...] * psum + zin_ref[...]

    return pl.pallas_call(
        body,
        grid=grid,
        in_specs=[
            pl.BlockSpec((_NC, blk, hd), lambda i: (0, i, 0)),
            pl.BlockSpec((blk, d), lambda i: (i, 0)),
            pl.BlockSpec((blk, 1), lambda i: (i, 0)),
        ],
        out_specs=pl.BlockSpec((blk, d), lambda i: (i, 0)),
        out_shape=jax.ShapeDtypeStruct((n, d), jnp.float32),
    )(p, z, dinv)


def kernel(x, edge_index, Wc, bc, Wl, bl):
    n, d = x.shape
    e = edge_index.shape[1]
    nl = Wc.shape[0]

    ept = -(-e // (_NW * _CH * 8)) * (_CH * 8)
    epad = ept * _NW
    src = jnp.concatenate(
        [edge_index[0], jnp.zeros((epad - e,), jnp.int32)]).reshape(-1, _CH)
    dst = jnp.concatenate(
        [edge_index[1], jnp.full((epad - e,), n, jnp.int32)]).reshape(-1, _CH)

    acc_rows = -(-(n + 1) // (_NS * _CH)) * (_NS * _CH)
    blk = 1000
    hd = d // 2
    dw = 32

    degp = _deg_call(dst, dw, acc_rows)
    g0, l0 = _matmul2_call(x, Wc[0], Wl[0], blk)
    b0 = (bc[0] + bl[0]).reshape(1, d)
    gs, z, dinv = _layer0_call(g0, l0, degp, dw, b0, blk, acc_rows)
    for layer in range(1, nl):
        p = _scatter_call(gs, src, dst, hd, acc_rows)
        bsum = (bc[layer] + bl[layer]).reshape(1, d)
        gs, z = _layer_call(p, z, dinv, Wc[layer], Wl[layer], bsum, blk, acc_rows)
    p = _scatter_call(gs, src, dst, hd, acc_rows)
    return _final_call(p, z, dinv, blk)

# --- scband reference (transcript-rebuilt; emitter-appended) ---
"""Pipeline reference for scband-gnn-node-10703058502290 (READ-ONLY COPY).

The authoritative reference and input builder live on the scoring server;
editing this copy changes nothing except your own understanding.
"""

import jax, jax.numpy as jnp
import numpy as np

N = 10000
E = 320000
D = 128
L = 4


def setup_inputs(seed: int = 0) -> dict:
    key = jax.random.key(seed)
    ks = jax.random.split(key, 8)
    x = jax.random.normal(ks[0], (N, D), dtype=jnp.float32)
    edge_index = jax.random.randint(ks[1], (2, E), 0, N, dtype=jnp.int32)
    # learned parameters: per-layer GCNConv weight/bias and Linear weight/bias
    Wc = jax.random.normal(ks[2], (L, D, D), dtype=jnp.float32) * (1.0 / np.sqrt(D))
    bc = jnp.zeros((L, D), dtype=jnp.float32)
    Wl = jax.random.normal(ks[3], (L, D, D), dtype=jnp.float32) * (1.0 / np.sqrt(D))
    bl = jnp.zeros((L, D), dtype=jnp.float32)
    return {"x": x, "edge_index": edge_index, "Wc": Wc, "bc": bc, "Wl": Wl, "bl": bl}


def _gcn_conv(h, edge_index, W, b):
    # PyG-style GCNConv: add self loops, symmetric degree normalization,
    # message = norm * (x @ W)[src], scatter-add into dst, then bias.
    src = edge_index[0]
    dst = edge_index[1]
    loop = jnp.arange(N, dtype=src.dtype)
    src = jnp.concatenate([src, loop], axis=0)
    dst = jnp.concatenate([dst, loop], axis=0)
    deg = jnp.zeros((N,), dtype=h.dtype).at[dst].add(1.0)
    dinv = 1.0 / jnp.sqrt(jnp.maximum(deg, 1.0))
    norm = dinv[src] * dinv[dst]
    hw = h @ W
    msgs = hw[src] * norm[:, None]
    out = jnp.zeros((N, hw.shape[1]), dtype=h.dtype).at[dst].add(msgs)
    return out + b


def reference(x, edge_index, Wc, bc, Wl, bl):
    h = x.astype(jnp.float32)
    for layer in range(L - 1):
        h = jax.nn.relu(_gcn_conv(h, edge_index, Wc[layer], bc[layer]) + h @ Wl[layer] + bl[layer])
    h = _gcn_conv(h, edge_index, Wc[L - 1], bc[L - 1]) + h @ Wl[L - 1] + bl[L - 1]
    return h

if __name__ == "__main__":
    import jax
    _d = setup_inputs()
    print(jax.jit(kernel)(*tuple(_d.values())))

</pallas_src>

<mosaic_0001>
#map = affine_map<(d0, d1) -> (0, 0, 0)>
#map1 = affine_map<(d0, d1) -> (0, 0)>
module attributes {stable_mosaic.version = 14 : i64} {
  func.func @scatter_kernel(%arg0: i32, %arg1: i32, %arg2: memref<2x10240x64xf32, #tpu.memory_space<hbm>>, %arg3: memref<2560x128xi32, #tpu.memory_space<hbm>>, %arg4: memref<2560x128xi32, #tpu.memory_space<hbm>>, %arg5: memref<2x10240x64xf32, #tpu.memory_space<hbm>>, %arg6: memref<80x128xi32, #tpu.memory_space<vmem>>, %arg7: memref<80x128xi32, #tpu.memory_space<vmem>>, %arg8: memref<128x64xf32, #tpu.memory_space<vmem>>, %arg9: memref<128x64xf32, #tpu.memory_space<vmem>>, %arg10: memref<10240x64xf32, #tpu.memory_space<vmem_shared>>, %arg11: memref<10240x64xf32, #tpu.memory_space<vmem_shared>>, %arg12: memref<!tpu.dma_semaphore, #tpu.memory_space<semaphore_mem>>, %arg13: memref<!tpu.dma_semaphore, #tpu.memory_space<semaphore_mem>>, %arg14: memref<!tpu.dma_semaphore, #tpu.memory_space<semaphore_mem>>, %arg15: memref<!tpu.dma_semaphore, #tpu.memory_space<semaphore_mem>>) attributes {dimension_semantics = [#tpu.dimension_semantics<core_parallel>, #tpu.dimension_semantics<subcore_parallel>], iteration_bounds = array<i64: 2, 16>, scalar_prefetch = 0 : i64, scratch_operands = 10 : i64, tpu.core_type = #tpu.core_type<sc_vector_subcore>, window_params = [{transform_indices = #map}, {transform_indices = #map1}, {transform_indices = #map1}, {transform_indices = #map}]} {
    %mul3A = arith.constant 640 : i32
    %mul3A_0 = arith.muli %arg1, %mul3A : i32
    %mul3A_1 = arith.constant 640 : i32
    %mul3A_2 = arith.muli %arg1, %mul3A_1 : i32
    "tpu.region"() ({
      %run_scoped3A_146 = tpu.sem_alloc : memref<!tpu.dma_semaphore, #tpu.memory_space<semaphore_mem>>
      %dma_start3A_147 = arith.constant 0 : i32
      %dma_start3A_148 = tpu.memref_slice %arg10[%mul3A_2, %dma_start3A_147] : memref<10240x64xf32, #tpu.memory_space<vmem_shared>> -> memref<640x64xf32, #tpu.memory_space<vmem_shared>>
      %dma_start3A_149 = arith.constant 0 : i32
      %dma_start3A_150 = tpu.memref_slice %arg2[%arg0, %mul3A_0, %dma_start3A_149] : memref<2x10240x64xf32, #tpu.memory_space<hbm>> -> memref<1x640x64xf32, #tpu.memory_space<hbm>>
      %dma_start3A_151 = tpu.memref_squeeze %dma_start3A_150 : memref<1x640x64xf32, #tpu.memory_space<hbm>> -> memref<640x64xf32, #tpu.memory_space<hbm>>
      tpu.enqueue_dma source(%dma_start3A_151 : memref<640x64xf32, #tpu.memory_space<hbm>>) target(%dma_start3A_148 : memref<640x64xf32, #tpu.memory_space<vmem_shared>>) target_semaphore(%run_scoped3A_146 : memref<!tpu.dma_semaphore, #tpu.memory_space<semaphore_mem>>)
      %dma_wait3A_152 = arith.constant 0 : i32
      %dma_wait3A_153 = tpu.memref_slice %arg10[%mul3A_2, %dma_wait3A_152] : memref<10240x64xf32, #tpu.memory_space<vmem_shared>> -> memref<640x64xf32, #tpu.memory_space<vmem_shared>>
      %dma_wait3A_154 = arith.constant 0 : i32
      %dma_wait3A_155 = tpu.memref_slice %arg2[%arg0, %mul3A_0, %dma_wait3A_154] : memref<2x10240x64xf32, #tpu.memory_space<hbm>> -> memref<1x640x64xf32, #tpu.memory_space<hbm>>
      %dma_wait3A_156 = tpu.memref_squeeze %dma_wait3A_155 : memref<1x640x64xf32, #tpu.memory_space<hbm>> -> memref<640x64xf32, #tpu.memory_space<hbm>>
      tpu.wait_dma2 semaphore(%run_scoped3A_146 : memref<!tpu.dma_semaphore, #tpu.memory_space<semaphore_mem>>) src(%dma_wait3A_156 : memref<640x64xf32, #tpu.memory_space<hbm>>) dst(%dma_wait3A_153 : memref<640x64xf32, #tpu.memory_space<vmem_shared>>)
      tpu.yield
    }) : () -> ()
    %broadcast_in_dim3A = arith.constant 0.000000e+00 : f32
    %broadcast_in_dim3A_3 = vector.broadcast %broadcast_in_dim3A : f32 to vector<16xf32>
    %scan3A = arith.constant 0 : i32
    %scan3A_4 = arith.constant 0 : i32
    %scan3A_5 = arith.constant 128 : i32
    %scan3A_6 = arith.addi %scan3A_4, %scan3A_5 : i32
    %scan3A_7 = arith.constant 1 : i32
    scf.for %scan3A_146 = %scan3A_4 to %scan3A_6 step %scan3A_7  : i32 {
      %scan3A_147 = arith.constant 0 : i32
      %scan3A_148 = arith.constant 4 : i32
      %scan3A_149 = arith.addi %scan3A_147, %scan3A_148 : i32
      %scan3A_150 = arith.constant 1 : i32
      scf.for %scan3A_152 = %scan3A_147 to %scan3A_149 step %scan3A_150  : i32 {
        %mul3A_153 = arith.constant 16 : i32
        %mul3A_154 = arith.muli %scan3A_152, %mul3A_153 : i32
        %swap3A = arith.index_cast %scan3A_146 : i32 to index
        %swap3A_155 = arith.index_cast %mul3A_154 : i32 to index
        %swap3A_156 = tpu.vector_load %arg8[%swap3A, %swap3A_155] {strides = array<i32>} : memref<128x64xf32, #tpu.memory_space<vmem>>, vector<1x16xf32>,
        %swap3A_157 = vector.shape_cast %swap3A_156 : vector<1x16xf32> to vector<16xf32>
        %swap3A_158 = vector.shape_cast %broadcast_in_dim3A_3 : vector<16xf32> to vector<1x16xf32>
        tpu.vector_store %arg8[%swap3A, %swap3A_155], %swap3A_158 {strides = array<i32>} : memref<128x64xf32, #tpu.memory_space<vmem>>, vector<1x16xf32>,
      }
      %scan3A_151 = arith.constant 4 : i32
    }
    %scan3A_8 = arith.constant 128 : i32
    %mul3A_9 = arith.constant 640 : i32
    %mul3A_10 = arith.muli %arg1, %mul3A_9 : i32
    %add3A = arith.constant 0 : i32
    %add3A_11 = arith.addi %mul3A_10, %add3A : i32
    "tpu.region"() ({
      %run_scoped3A_146 = tpu.sem_alloc : memref<!tpu.dma_semaphore, #tpu.memory_space<semaphore_mem>>
      %dma_start3A_147 = arith.constant 0 : i32
      %dma_start3A_148 = tpu.memref_slice %arg11[%add3A_11, %dma_start3A_147] : memref<10240x64xf32, #tpu.memory_space<vmem_shared>> -> memref<128x64xf32, #tpu.memory_space<vmem_shared>>
      %dma_start3A_149 = arith.constant 0 : i32
      %dma_start3A_150 = tpu.memref_slice %arg11[%add3A_11, %dma_start3A_149] : memref<10240x64xf32, #tpu.memory_space<vmem_shared>> -> memref<128x64xf32, #tpu.memory_space<vmem_shared>>
      tpu.enqueue_dma source(%arg8 : memref<128x64xf32, #tpu.memory_space<vmem>>) target(%dma_start3A_150 : memref<128x64xf32, #tpu.memory_space<vmem_shared>>) target_semaphore(%run_scoped3A_146 : memref<!tpu.dma_semaphore, #tpu.memory_space<semaphore_mem>>)
      %dma_wait3A_151 = arith.constant 0 : i32
      %dma_wait3A_152 = tpu.memref_slice %arg11[%add3A_11, %dma_wait3A_151] : memref<10240x64xf32, #tpu.memory_space<vmem_shared>> -> memref<128x64xf32, #tpu.memory_space<vmem_shared>>
      %dma_wait3A_153 = arith.constant 0 : i32
      %dma_wait3A_154 = tpu.memref_slice %arg11[%add3A_11, %dma_wait3A_153] : memref<10240x64xf32, #tpu.memory_space<vmem_shared>> -> memref<128x64xf32, #tpu.memory_space<vmem_shared>>
      tpu.wait_dma2 semaphore(%run_scoped3A_146 : memref<!tpu.dma_semaphore, #tpu.memory_space<semaphore_mem>>) src(%arg8 : memref<128x64xf32, #tpu.memory_space<vmem>>) dst(%dma_wait3A_154 : memref<128x64xf32, #tpu.memory_space<vmem_shared>>)
      tpu.yield
    }) : () -> ()
    %mul3A_12 = arith.constant 640 : i32
    %mul3A_13 = arith.muli %arg1, %mul3A_12 : i32
    %add3A_14 = arith.constant 128 : i32
    %add3A_15 = arith.addi %mul3A_13, %add3A_14 : i32
    "tpu.region"() ({
      %run_scoped3A_146 = tpu.sem_alloc : memref<!tpu.dma_semaphore, #tpu.memory_space<semaphore_mem>>
      %dma_start3A_147 = arith.constant 0 : i32
      %dma_start3A_148 = tpu.memref_slice %arg11[%add3A_15, %dma_start3A_147] : memref<10240x64xf32, #tpu.memory_space<vmem_shared>> -> memref<128x64xf32, #tpu.memory_space<vmem_shared>>
      %dma_start3A_149 = arith.constant 0 : i32
      %dma_start3A_150 = tpu.memref_slice %arg11[%add3A_15, %dma_start3A_149] : memref<10240x64xf32, #tpu.memory_space<vmem_shared>> -> memref<128x64xf32, #tpu.memory_space<vmem_shared>>
      tpu.enqueue_dma source(%arg8 : memref<128x64xf32, #tpu.memory_space<vmem>>) target(%dma_start3A_150 : memref<128x64xf32, #tpu.memory_space<vmem_shared>>) target_semaphore(%run_scoped3A_146 : memref<!tpu.dma_semaphore, #tpu.memory_space<semaphore_mem>>)
      %dma_wait3A_151 = arith.constant 0 : i32
      %dma_wait3A_152 = tpu.memref_slice %arg11[%add3A_15, %dma_wait3A_151] : memref<10240x64xf32, #tpu.memory_space<vmem_shared>> -> memref<128x64xf32, #tpu.memory_space<vmem_shared>>
      %dma_wait3A_153 = arith.constant 0 : i32
      %dma_wait3A_154 = tpu.memref_slice %arg11[%add3A_15, %dma_wait3A_153] : memref<10240x64xf32, #tpu.memory_space<vmem_shared>> -> memref<128x64xf32, #tpu.memory_space<vmem_shared>>
      tpu.wait_dma2 semaphore(%run_scoped3A_146 : memref<!tpu.dma_semaphore, #tpu.memory_space<semaphore_mem>>) src(%arg8 : memref<128x64xf32, #tpu.memory_space<vmem>>) dst(%dma_wait3A_154 : memref<128x64xf32, #tpu.memory_space<vmem_shared>>)
      tpu.yield
    }) : () -> ()
    %mul3A_16 = arith.constant 640 : i32
    %mul3A_17 = arith.muli %arg1, %mul3A_16 : i32
    %add3A_18 = arith.constant 256 : i32
    %add3A_19 = arith.addi %mul3A_17, %add3A_18 : i32
    "tpu.region"() ({
      %run_scoped3A_146 = tpu.sem_alloc : memref<!tpu.dma_semaphore, #tpu.memory_space<semaphore_mem>>
      %dma_start3A_147 = arith.constant 0 : i32
      %dma_start3A_148 = tpu.memref_slice %arg11[%add3A_19, %dma_start3A_147] : memref<10240x64xf32, #tpu.memory_space<vmem_shared>> -> memref<128x64xf32, #tpu.memory_space<vmem_shared>>
      %dma_start3A_149 = arith.constant 0 : i32
      %dma_start3A_150 = tpu.memref_slice %arg11[%add3A_19, %dma_start3A_149] : memref<10240x64xf32, #tpu.memory_space<vmem_shared>> -> memref<128x64xf32, #tpu.memory_space<vmem_shared>>
      tpu.enqueue_dma source(%arg8 : memref<128x64xf32, #tpu.memory_space<vmem>>) target(%dma_start3A_150 : memref<128x64xf32, #tpu.memory_space<vmem_shared>>) target_semaphore(%run_scoped3A_146 : memref<!tpu.dma_semaphore, #tpu.memory_space<semaphore_mem>>)
      %dma_wait3A_151 = arith.constant 0 : i32
      %dma_wait3A_152 = tpu.memref_slice %arg11[%add3A_19, %dma_wait3A_151] : memref<10240x64xf32, #tpu.memory_space<vmem_shared>> -> memref<128x64xf32, #tpu.memory_space<vmem_shared>>
      %dma_wait3A_153 = arith.constant 0 : i32
      %dma_wait3A_154 = tpu.memref_slice %arg11[%add3A_19, %dma_wait3A_153] : memref<10240x64xf32, #tpu.memory_space<vmem_shared>> -> memref<128x64xf32, #tpu.memory_space<vmem_shared>>
      tpu.wait_dma2 semaphore(%run_scoped3A_146 : memref<!tpu.dma_semaphore, #tpu.memory_space<semaphore_mem>>) src(%arg8 : memref<128x64xf32, #tpu.memory_space<vmem>>) dst(%dma_wait3A_154 : memref<128x64xf32, #tpu.memory_space<vmem_shared>>)
      tpu.yield
    }) : () -> ()
    %mul3A_20 = arith.constant 640 : i32
    %mul3A_21 = arith.muli %arg1, %mul3A_20 : i32
    %add3A_22 = arith.constant 384 : i32
    %add3A_23 = arith.addi %mul3A_21, %add3A_22 : i32
    "tpu.region"() ({
      %run_scoped3A_146 = tpu.sem_alloc : memref<!tpu.dma_semaphore, #tpu.memory_space<semaphore_mem>>
      %dma_start3A_147 = arith.constant 0 : i32
      %dma_start3A_148 = tpu.memref_slice %arg11[%add3A_23, %dma_start3A_147] : memref<10240x64xf32, #tpu.memory_space<vmem_shared>> -> memref<128x64xf32, #tpu.memory_space<vmem_shared>>
      %dma_start3A_149 = arith.constant 0 : i32
      %dma_start3A_150 = tpu.memref_slice %arg11[%add3A_23, %dma_start3A_149] : memref<10240x64xf32, #tpu.memory_space<vmem_shared>> -> memref<128x64xf32, #tpu.memory_space<vmem_shared>>
      tpu.enqueue_dma source(%arg8 : memref<128x64xf32, #tpu.memory_space<vmem>>) target(%dma_start3A_150 : memref<128x64xf32, #tpu.memory_space<vmem_shared>>) target_semaphore(%run_scoped3A_146 : memref<!tpu.dma_semaphore, #tpu.memory_space<semaphore_mem>>)
      %dma_wait3A_151 = arith.constant 0 : i32
      %dma_wait3A_152 = tpu.memref_slice %arg11[%add3A_23, %dma_wait3A_151] : memref<10240x64xf32, #tpu.memory_space<vmem_shared>> -> memref<128x64xf32, #tpu.memory_space<vmem_shared>>
      %dma_wait3A_153 = arith.constant 0 : i32
      %dma_wait3A_154 = tpu.memref_slice %arg11[%add3A_23, %dma_wait3A_153] : memref<10240x64xf32, #tpu.memory_space<vmem_shared>> -> memref<128x64xf32, #tpu.memory_space<vmem_shared>>
      tpu.wait_dma2 semaphore(%run_scoped3A_146 : memref<!tpu.dma_semaphore, #tpu.memory_space<semaphore_mem>>) src(%arg8 : memref<128x64xf32, #tpu.memory_space<vmem>>) dst(%dma_wait3A_154 : memref<128x64xf32, #tpu.memory_space<vmem_shared>>)
      tpu.yield
    }) : () -> ()
    %mul3A_24 = arith.constant 640 : i32
    %mul3A_25 = arith.muli %arg1, %mul3A_24 : i32
    %add3A_26 = arith.constant 512 : i32
    %add3A_27 = arith.addi %mul3A_25, %add3A_26 : i32
    "tpu.region"() ({
      %run_scoped3A_146 = tpu.sem_alloc : memref<!tpu.dma_semaphore, #tpu.memory_space<semaphore_mem>>
      %dma_start3A_147 = arith.constant 0 : i32
      %dma_start3A_148 = tpu.memref_slice %arg11[%add3A_27, %dma_start3A_147] : memref<10240x64xf32, #tpu.memory_space<vmem_shared>> -> memref<128x64xf32, #tpu.memory_space<vmem_shared>>
      %dma_start3A_149 = arith.constant 0 : i32
      %dma_start3A_150 = tpu.memref_slice %arg11[%add3A_27, %dma_start3A_149] : memref<10240x64xf32, #tpu.memory_space<vmem_shared>> -> memref<128x64xf32, #tpu.memory_space<vmem_shared>>
      tpu.enqueue_dma source(%arg8 : memref<128x64xf32, #tpu.memory_space<vmem>>) target(%dma_start3A_150 : memref<128x64xf32, #tpu.memory_space<vmem_shared>>) target_semaphore(%run_scoped3A_146 : memref<!tpu.dma_semaphore, #tpu.memory_space<semaphore_mem>>)
      %dma_wait3A_151 = arith.constant 0 : i32
      %dma_wait3A_152 = tpu.memref_slice %arg11[%add3A_27, %dma_wait3A_151] : memref<10240x64xf32, #tpu.memory_space<vmem_shared>> -> memref<128x64xf32, #tpu.memory_space<vmem_shared>>
      %dma_wait3A_153 = arith.constant 0 : i32
      %dma_wait3A_154 = tpu.memref_slice %arg11[%add3A_27, %dma_wait3A_153] : memref<10240x64xf32, #tpu.memory_space<vmem_shared>> -> memref<128x64xf32, #tpu.memory_space<vmem_shared>>
      tpu.wait_dma2 semaphore(%run_scoped3A_146 : memref<!tpu.dma_semaphore, #tpu.memory_space<semaphore_mem>>) src(%arg8 : memref<128x64xf32, #tpu.memory_space<vmem>>) dst(%dma_wait3A_154 : memref<128x64xf32, #tpu.memory_space<vmem_shared>>)
      tpu.yield
    }) : () -> ()
    %barrier3A = arith.constant 0 : index
    tpu.barrier barrier_id(%barrier3A)
    %mul3A_28 = arith.constant 160 : i32
    %mul3A_29 = arith.muli %arg1, %mul3A_28 : i32
    %add3A_30 = arith.constant 0 : i32
    %add3A_31 = arith.addi %mul3A_29, %add3A_30 : i32
    "tpu.region"() ({
      %run_scoped3A_146 = tpu.sem_alloc : memref<!tpu.dma_semaphore, #tpu.memory_space<semaphore_mem>>
      %dma_start3A_147 = arith.constant 0 : i32
      %dma_start3A_148 = tpu.memref_slice %arg3[%add3A_31, %dma_start3A_147] : memref<2560x128xi32, #tpu.memory_space<hbm>> -> memref<80x128xi32, #tpu.memory_space<hbm>>
      %dma_start3A_149 = arith.constant 0 : i32
      %dma_start3A_150 = tpu.memref_slice %arg3[%add3A_31, %dma_start3A_149] : memref<2560x128xi32, #tpu.memory_space<hbm>> -> memref<80x128xi32, #tpu.memory_space<hbm>>
      tpu.enqueue_dma source(%dma_start3A_150 : memref<80x128xi32, #tpu.memory_space<hbm>>) target(%arg6 : memref<80x128xi32, #tpu.memory_space<vmem>>) target_semaphore(%run_scoped3A_146 : memref<!tpu.dma_semaphore, #tpu.memory_space<semaphore_mem>>)
      %dma_wait3A_151 = arith.constant 0 : i32
      %dma_wait3A_152 = tpu.memref_slice %arg3[%add3A_31, %dma_wait3A_151] : memref<2560x128xi32, #tpu.memory_space<hbm>> -> memref<80x128xi32, #tpu.memory_space<hbm>>
      %dma_wait3A_153 = arith.constant 0 : i32
      %dma_wait3A_154 = tpu.memref_slice %arg3[%add3A_31, %dma_wait3A_153] : memref<2560x128xi32, #tpu.memory_space<hbm>> -> memref<80x128xi32, #tpu.memory_space<hbm>>
      tpu.wait_dma2 semaphore(%run_scoped3A_146 : memref<!tpu.dma_semaphore, #tpu.memory_space<semaphore_mem>>) src(%dma_wait3A_154 : memref<80x128xi32, #tpu.memory_space<hbm>>) dst(%arg6 : memref<80x128xi32, #tpu.memory_space<vmem>>)
      tpu.yield
    }) : () -> ()
    "tpu.region"() ({
      %run_scoped3A_146 = tpu.sem_alloc : memref<!tpu.dma_semaphore, #tpu.memory_space<semaphore_mem>>
      %dma_start3A_147 = arith.constant 0 : i32
      %dma_start3A_148 = tpu.memref_slice %arg4[%add3A_31, %dma_start3A_147] : memref<2560x128xi32, #tpu.memory_space<hbm>> -> memref<80x128xi32, #tpu.memory_space<hbm>>
      %dma_start3A_149 = arith.constant 0 : i32
      %dma_start3A_150 = tpu.memref_slice %arg4[%add3A_31, %dma_start3A_149] : memref<2560x128xi32, #tpu.memory_space<hbm>> -> memref<80x128xi32, #tpu.memory_space<hbm>>
      tpu.enqueue_dma source(%dma_start3A_150 : memref<80x128xi32, #tpu.memory_space<hbm>>) target(%arg7 : memref<80x128xi32, #tpu.memory_space<vmem>>) target_semaphore(%run_scoped3A_146 : memref<!tpu.dma_semaphore, #tpu.memory_space<semaphore_mem>>)
      %dma_wait3A_151 = arith.constant 0 : i32
      %dma_wait3A_152 = tpu.memref_slice %arg4[%add3A_31, %dma_wait3A_151] : memref<2560x128xi32, #tpu.memory_space<hbm>> -> memref<80x128xi32, #tpu.memory_space<hbm>>
      %dma_wait3A_153 = arith.constant 0 : i32
      %dma_wait3A_154 = tpu.memref_slice %arg4[%add3A_31, %dma_wait3A_153] : memref<2560x128xi32, #tpu.memory_space<hbm>> -> memref<80x128xi32, #tpu.memory_space<hbm>>
      tpu.wait_dma2 semaphore(%run_scoped3A_146 : memref<!tpu.dma_semaphore, #tpu.memory_space<semaphore_mem>>) src(%dma_wait3A_154 : memref<80x128xi32, #tpu.memory_space<hbm>>) dst(%arg7 : memref<80x128xi32, #tpu.memory_space<vmem>>)
      tpu.yield
    }) : () -> ()
    %dma_start3A = arith.constant 0 : i32
    %dma_start3A_32 = arith.constant 0 : i32
    %dma_start3A_33 = tpu.memref_slice %arg6[%dma_start3A, %dma_start3A_32] : memref<80x128xi32, #tpu.memory_space<vmem>> -> memref<1x128xi32, #tpu.memory_space<vmem>>
    %dma_start3A_34 = tpu.memref_squeeze %dma_start3A_33 : memref<1x128xi32, #tpu.memory_space<vmem>> -> memref<128xi32, #tpu.memory_space<vmem>>
    %dma_start3A_35 = arith.constant 0 : i32
    %dma_start3A_36 = arith.constant 0 : i32
    %dma_start3A_37 = tpu.memref_slice %arg10[%dma_start3A_35, %dma_start3A_36] : memref<10240x64xf32, #tpu.memory_space<vmem_shared>> -> memref<10240x64xf32, #tpu.memory_space<vmem_shared>>
    tpu.enqueue_indirect_dma source(%dma_start3A_37 : memref<10240x64xf32, #tpu.memory_space<vmem_shared>>) target(%arg8 : memref<128x64xf32, #tpu.memory_space<vmem>>) offsets(%dma_start3A_34 : memref<128xi32, #tpu.memory_space<vmem>>) semaphore(%arg12 : memref<!tpu.dma_semaphore, #tpu.memory_space<semaphore_mem>>)
    %dma_start3A_38 = arith.constant 1 : i32
    %dma_start3A_39 = arith.constant 0 : i32
    %dma_start3A_40 = tpu.memref_slice %arg6[%dma_start3A_38, %dma_start3A_39] : memref<80x128xi32, #tpu.memory_space<vmem>> -> memref<1x128xi32, #tpu.memory_space<vmem>>
    %dma_start3A_41 = tpu.memref_squeeze %dma_start3A_40 : memref<1x128xi32, #tpu.memory_space<vmem>> -> memref<128xi32, #tpu.memory_space<vmem>>
    %dma_start3A_42 = arith.constant 0 : i32
    %dma_start3A_43 = arith.constant 0 : i32
    %dma_start3A_44 = tpu.memref_slice %arg10[%dma_start3A_42, %dma_start3A_43] : memref<10240x64xf32, #tpu.memory_space<vmem_shared>> -> memref<10240x64xf32, #tpu.memory_space<vmem_shared>>
    tpu.enqueue_indirect_dma source(%dma_start3A_44 : memref<10240x64xf32, #tpu.memory_space<vmem_shared>>) target(%arg9 : memref<128x64xf32, #tpu.memory_space<vmem>>) offsets(%dma_start3A_41 : memref<128xi32, #tpu.memory_space<vmem>>) semaphore(%arg13 : memref<!tpu.dma_semaphore, #tpu.memory_space<semaphore_mem>>)
    %scan3A_45 = arith.constant 0 : i32
    %scan3A_46 = arith.constant 0 : i32
    %scan3A_47 = arith.constant 39 : i32
    %scan3A_48 = arith.addi %scan3A_46, %scan3A_47 : i32
    %scan3A_49 = arith.constant 1 : i32
    scf.for %scan3A_146 = %scan3A_46 to %scan3A_48 step %scan3A_49  : i32 {
      %mul3A_147 = arith.constant 2 : i32
      %mul3A_148 = arith.muli %mul3A_147, %scan3A_146 : i32
      %dma_wait3A_149 = arith.constant 0 : i32
      %dma_wait3A_150 = tpu.memref_slice %arg6[%mul3A_148, %dma_wait3A_149] : memref<80x128xi32, #tpu.memory_space<vmem>> -> memref<1x128xi32, #tpu.memory_space<vmem>>
      %dma_wait3A_151 = tpu.memref_squeeze %dma_wait3A_150 : memref<1x128xi32, #tpu.memory_space<vmem>> -> memref<128xi32, #tpu.memory_space<vmem>>
      %dma_wait3A_152 = arith.constant 0 : i32
      %dma_wait3A_153 = arith.constant 0 : i32
      %dma_wait3A_154 = tpu.memref_slice %arg10[%dma_wait3A_152, %dma_wait3A_153] : memref<10240x64xf32, #tpu.memory_space<vmem_shared>> -> memref<10240x64xf32, #tpu.memory_space<vmem_shared>>
      tpu.wait_indirect_dma semaphore(%arg12 : memref<!tpu.dma_semaphore, #tpu.memory_space<semaphore_mem>>) src(%dma_wait3A_154 : memref<10240x64xf32, #tpu.memory_space<vmem_shared>>) dst(%arg8 : memref<128x64xf32, #tpu.memory_space<vmem>>)
      "tpu.region"() ({
        %run_scoped3A_181 = tpu.sem_alloc : memref<!tpu.dma_semaphore, #tpu.memory_space<semaphore_mem>>
        %dma_start3A_182 = arith.constant 0 : i32
        %dma_start3A_183 = tpu.memref_slice %arg7[%mul3A_148, %dma_start3A_182] : memref<80x128xi32, #tpu.memory_space<vmem>> -> memref<1x128xi32, #tpu.memory_space<vmem>>
        %dma_start3A_184 = tpu.memref_squeeze %dma_start3A_183 : memref<1x128xi32, #tpu.memory_space<vmem>> -> memref<128xi32, #tpu.memory_space<vmem>>
        %dma_start3A_185 = arith.constant 0 : i32
        %dma_start3A_186 = arith.constant 0 : i32
        %dma_start3A_187 = tpu.memref_slice %arg11[%dma_start3A_185, %dma_start3A_186] : memref<10240x64xf32, #tpu.memory_space<vmem_shared>> -> memref<10240x64xf32, #tpu.memory_space<vmem_shared>>
        tpu.enqueue_indirect_dma source(%arg8 : memref<128x64xf32, #tpu.memory_space<vmem>>) target(%dma_start3A_187 : memref<10240x64xf32, #tpu.memory_space<vmem_shared>>) offsets(%dma_start3A_184 : memref<128xi32, #tpu.memory_space<vmem>>) semaphore(%run_scoped3A_181 : memref<!tpu.dma_semaphore, #tpu.memory_space<semaphore_mem>>) {add = true}
        %dma_wait3A_188 = arith.constant 0 : i32
        %dma_wait3A_189 = tpu.memref_slice %arg7[%mul3A_148, %dma_wait3A_188] : memref<80x128xi32, #tpu.memory_space<vmem>> -> memref<1x128xi32, #tpu.memory_space<vmem>>
        %dma_wait3A_190 = tpu.memref_squeeze %dma_wait3A_189 : memref<1x128xi32, #tpu.memory_space<vmem>> -> memref<128xi32, #tpu.memory_space<vmem>>
        %dma_wait3A_191 = arith.constant 0 : i32
        %dma_wait3A_192 = arith.constant 0 : i32
        %dma_wait3A_193 = tpu.memref_slice %arg11[%dma_wait3A_191, %dma_wait3A_192] : memref<10240x64xf32, #tpu.memory_space<vmem_shared>> -> memref<10240x64xf32, #tpu.memory_space<vmem_shared>>
        tpu.wait_indirect_dma semaphore(%run_scoped3A_181 : memref<!tpu.dma_semaphore, #tpu.memory_space<semaphore_mem>>) src(%arg8 : memref<128x64xf32, #tpu.memory_space<vmem>>) dst(%dma_wait3A_193 : memref<10240x64xf32, #tpu.memory_space<vmem_shared>>)
        tpu.yield
      }) : () -> ()
      %add3A_155 = arith.constant 2 : i32
      %add3A_156 = arith.addi %mul3A_148, %add3A_155 : i32
      %dma_start3A_157 = arith.constant 0 : i32
      %dma_start3A_158 = tpu.memref_slice %arg6[%add3A_156, %dma_start3A_157] : memref<80x128xi32, #tpu.memory_space<vmem>> -> memref<1x128xi32, #tpu.memory_space<vmem>>
      %dma_start3A_159 = tpu.memref_squeeze %dma_start3A_158 : memref<1x128xi32, #tpu.memory_space<vmem>> -> memref<128xi32, #tpu.memory_space<vmem>>
      %dma_start3A_160 = arith.constant 0 : i32
      %dma_start3A_161 = arith.constant 0 : i32
      %dma_start3A_162 = tpu.memref_slice %arg10[%dma_start3A_160, %dma_start3A_161] : memref<10240x64xf32, #tpu.memory_space<vmem_shared>> -> memref<10240x64xf32, #tpu.memory_space<vmem_shared>>
      tpu.enqueue_indirect_dma source(%dma_start3A_162 : memref<10240x64xf32, #tpu.memory_space<vmem_shared>>) target(%arg8 : memref<128x64xf32, #tpu.memory_space<vmem>>) offsets(%dma_start3A_159 : memref<128xi32, #tpu.memory_space<vmem>>) semaphore(%arg12 : memref<!tpu.dma_semaphore, #tpu.memory_space<semaphore_mem>>)
      %add3A_163 = arith.constant 1 : i32
      %add3A_164 = arith.addi %mul3A_148, %add3A_163 : i32
      %dma_wait3A_165 = arith.constant 0 : i32
      %dma_wait3A_166 = tpu.memref_slice %arg6[%add3A_164, %dma_wait3A_165] : memref<80x128xi32, #tpu.memory_space<vmem>> -> memref<1x128xi32, #tpu.memory_space<vmem>>
      %dma_wait3A_167 = tpu.memref_squeeze %dma_wait3A_166 : memref<1x128xi32, #tpu.memory_space<vmem>> -> memref<128xi32, #tpu.memory_space<vmem>>
      %dma_wait3A_168 = arith.constant 0 : i32
      %dma_wait3A_169 = arith.constant 0 : i32
      %dma_wait3A_170 = tpu.memref_slice %arg10[%dma_wait3A_168, %dma_wait3A_169] : memref<10240x64xf32, #tpu.memory_space<vmem_shared>> -> memref<10240x64xf32, #tpu.memory_space<vmem_shared>>
      tpu.wait_indirect_dma semaphore(%arg13 : memref<!tpu.dma_semaphore, #tpu.memory_space<semaphore_mem>>) src(%dma_wait3A_170 : memref<10240x64xf32, #tpu.memory_space<vmem_shared>>) dst(%arg9 : memref<128x64xf32, #tpu.memory_space<vmem>>)
      %add3A_171 = arith.constant 1 : i32
      %add3A_172 = arith.addi %mul3A_148, %add3A_171 : i32
      "tpu.region"() ({
        %run_scoped3A_181 = tpu.sem_alloc : memref<!tpu.dma_semaphore, #tpu.memory_space<semaphore_mem>>
        %dma_start3A_182 = arith.constant 0 : i32
        %dma_start3A_183 = tpu.memref_slice %arg7[%add3A_172, %dma_start3A_182] : memref<80x128xi32, #tpu.memory_space<vmem>> -> memref<1x128xi32, #tpu.memory_space<vmem>>
        %dma_start3A_184 = tpu.memref_squeeze %dma_start3A_183 : memref<1x128xi32, #tpu.memory_space<vmem>> -> memref<128xi32, #tpu.memory_space<vmem>>
        %dma_start3A_185 = arith.constant 0 : i32
        %dma_start3A_186 = arith.constant 0 : i32
        %dma_start3A_187 = tpu.memref_slice %arg11[%dma_start3A_185, %dma_start3A_186] : memref<10240x64xf32, #tpu.memory_space<vmem_shared>> -> memref<10240x64xf32, #tpu.memory_space<vmem_shared>>
        tpu.enqueue_indirect_dma source(%arg9 : memref<128x64xf32, #tpu.memory_space<vmem>>) target(%dma_start3A_187 : memref<10240x64xf32, #tpu.memory_space<vmem_shared>>) offsets(%dma_start3A_184 : memref<128xi32, #tpu.memory_space<vmem>>) semaphore(%run_scoped3A_181 : memref<!tpu.dma_semaphore, #tpu.memory_space<semaphore_mem>>) {add = true}
        %dma_wait3A_188 = arith.constant 0 : i32
        %dma_wait3A_189 = tpu.memref_slice %arg7[%add3A_172, %dma_wait3A_188] : memref<80x128xi32, #tpu.memory_space<vmem>> -> memref<1x128xi32, #tpu.memory_space<vmem>>
        %dma_wait3A_190 = tpu.memref_squeeze %dma_wait3A_189 : memref<1x128xi32, #tpu.memory_space<vmem>> -> memref<128xi32, #tpu.memory_space<vmem>>
        %dma_wait3A_191 = arith.constant 0 : i32
        %dma_wait3A_192 = arith.constant 0 : i32
        %dma_wait3A_193 = tpu.memref_slice %arg11[%dma_wait3A_191, %dma_wait3A_192] : memref<10240x64xf32, #tpu.memory_space<vmem_shared>> -> memref<10240x64xf32, #tpu.memory_space<vmem_shared>>
        tpu.wait_indirect_dma semaphore(%run_scoped3A_181 : memref<!tpu.dma_semaphore, #tpu.memory_space<semaphore_mem>>) src(%arg9 : memref<128x64xf32, #tpu.memory_space<vmem>>) dst(%dma_wait3A_193 : memref<10240x64xf32, #tpu.memory_space<vmem_shared>>)
        tpu.yield
      }) : () -> ()
      %add3A_173 = arith.constant 3 : i32
      %add3A_174 = arith.addi %mul3A_148, %add3A_173 : i32
      %dma_start3A_175 = arith.constant 0 : i32
      %dma_start3A_176 = tpu.memref_slice %arg6[%add3A_174, %dma_start3A_175] : memref<80x128xi32, #tpu.memory_space<vmem>> -> memref<1x128xi32, #tpu.memory_space<vmem>>
      %dma_start3A_177 = tpu.memref_squeeze %dma_start3A_176 : memref<1x128xi32, #tpu.memory_space<vmem>> -> memref<128xi32, #tpu.memory_space<vmem>>
      %dma_start3A_178 = arith.constant 0 : i32
      %dma_start3A_179 = arith.constant 0 : i32
      %dma_start3A_180 = tpu.memref_slice %arg10[%dma_start3A_178, %dma_start3A_179] : memref<10240x64xf32, #tpu.memory_space<vmem_shared>> -> memref<10240x64xf32, #tpu.memory_space<vmem_shared>>
      tpu.enqueue_indirect_dma source(%dma_start3A_180 : memref<10240x64xf32, #tpu.memory_space<vmem_shared>>) target(%arg9 : memref<128x64xf32, #tpu.memory_space<vmem>>) offsets(%dma_start3A_177 : memref<128xi32, #tpu.memory_space<vmem>>) semaphore(%arg13 : memref<!tpu.dma_semaphore, #tpu.memory_space<semaphore_mem>>)
    }
    %scan3A_50 = arith.constant 39 : i32
    %dma_wait3A = arith.constant 78 : i32
    %dma_wait3A_51 = arith.constant 0 : i32
    %dma_wait3A_52 = tpu.memref_slice %arg6[%dma_wait3A, %dma_wait3A_51] : memref<80x128xi32, #tpu.memory_space<vmem>> -> memref<1x128xi32, #tpu.memory_space<vmem>>
    %dma_wait3A_53 = tpu.memref_squeeze %dma_wait3A_52 : memref<1x128xi32, #tpu.memory_space<vmem>> -> memref<128xi32, #tpu.memory_space<vmem>>
    %dma_wait3A_54 = arith.constant 0 : i32
    %dma_wait3A_55 = arith.constant 0 : i32
    %dma_wait3A_56 = tpu.memref_slice %arg10[%dma_wait3A_54, %dma_wait3A_55] : memref<10240x64xf32, #tpu.memory_space<vmem_shared>> -> memref<10240x64xf32, #tpu.memory_space<vmem_shared>>
    tpu.wait_indirect_dma semaphore(%arg12 : memref<!tpu.dma_semaphore, #tpu.memory_space<semaphore_mem>>) src(%dma_wait3A_56 : memref<10240x64xf32, #tpu.memory_space<vmem_shared>>) dst(%arg8 : memref<128x64xf32, #tpu.memory_space<vmem>>)
    %run_scoped3A = arith.constant 78 : i32
    "tpu.region"() ({
      %run_scoped3A_146 = tpu.sem_alloc : memref<!tpu.dma_semaphore, #tpu.memory_space<semaphore_mem>>
      %dma_start3A_147 = arith.constant 0 : i32
      %dma_start3A_148 = tpu.memref_slice %arg7[%run_scoped3A, %dma_start3A_147] : memref<80x128xi32, #tpu.memory_space<vmem>> -> memref<1x128xi32, #tpu.memory_space<vmem>>
      %dma_start3A_149 = tpu.memref_squeeze %dma_start3A_148 : memref<1x128xi32, #tpu.memory_space<vmem>> -> memref<128xi32, #tpu.memory_space<vmem>>
      %dma_start3A_150 = arith.constant 0 : i32
      %dma_start3A_151 = arith.constant 0 : i32
      %dma_start3A_152 = tpu.memref_slice %arg11[%dma_start3A_150, %dma_start3A_151] : memref<10240x64xf32, #tpu.memory_space<vmem_shared>> -> memref<10240x64xf32, #tpu.memory_space<vmem_shared>>
      tpu.enqueue_indirect_dma source(%arg8 : memref<128x64xf32, #tpu.memory_space<vmem>>) target(%dma_start3A_152 : memref<10240x64xf32, #tpu.memory_space<vmem_shared>>) offsets(%dma_start3A_149 : memref<128xi32, #tpu.memory_space<vmem>>) semaphore(%run_scoped3A_146 : memref<!tpu.dma_semaphore, #tpu.memory_space<semaphore_mem>>) {add = true}
      %dma_wait3A_153 = arith.constant 0 : i32
      %dma_wait3A_154 = tpu.memref_slice %arg7[%run_scoped3A, %dma_wait3A_153] : memref<80x128xi32, #tpu.memory_space<vmem>> -> memref<1x128xi32, #tpu.memory_space<vmem>>
      %dma_wait3A_155 = tpu.memref_squeeze %dma_wait3A_154 : memref<1x128xi32, #tpu.memory_space<vmem>> -> memref<128xi32, #tpu.memory_space<vmem>>
      %dma_wait3A_156 = arith.constant 0 : i32
      %dma_wait3A_157 = arith.constant 0 : i32
      %dma_wait3A_158 = tpu.memref_slice %arg11[%dma_wait3A_156, %dma_wait3A_157] : memref<10240x64xf32, #tpu.memory_space<vmem_shared>> -> memref<10240x64xf32, #tpu.memory_space<vmem_shared>>
      tpu.wait_indirect_dma semaphore(%run_scoped3A_146 : memref<!tpu.dma_semaphore, #tpu.memory_space<semaphore_mem>>) src(%arg8 : memref<128x64xf32, #tpu.memory_space<vmem>>) dst(%dma_wait3A_158 : memref<10240x64xf32, #tpu.memory_space<vmem_shared>>)
      tpu.yield
    }) : () -> ()
    %dma_wait3A_57 = arith.constant 79 : i32
    %dma_wait3A_58 = arith.constant 0 : i32
    %dma_wait3A_59 = tpu.memref_slice %arg6[%dma_wait3A_57, %dma_wait3A_58] : memref<80x128xi32, #tpu.memory_space<vmem>> -> memref<1x128xi32, #tpu.memory_space<vmem>>
    %dma_wait3A_60 = tpu.memref_squeeze %dma_wait3A_59 : memref<1x128xi32, #tpu.memory_space<vmem>> -> memref<128xi32, #tpu.memory_space<vmem>>
    %dma_wait3A_61 = arith.constant 0 : i32
    %dma_wait3A_62 = arith.constant 0 : i32
    %dma_wait3A_63 = tpu.memref_slice %arg10[%dma_wait3A_61, %dma_wait3A_62] : memref<10240x64xf32, #tpu.memory_space<vmem_shared>> -> memref<10240x64xf32, #tpu.memory_space<vmem_shared>>
    tpu.wait_indirect_dma semaphore(%arg13 : memref<!tpu.dma_semaphore, #tpu.memory_space<semaphore_mem>>) src(%dma_wait3A_63 : memref<10240x64xf32, #tpu.memory_space<vmem_shared>>) dst(%arg9 : memref<128x64xf32, #tpu.memory_space<vmem>>)
    %run_scoped3A_64 = arith.constant 79 : i32
    "tpu.region"() ({
      %run_scoped3A_146 = tpu.sem_alloc : memref<!tpu.dma_semaphore, #tpu.memory_space<semaphore_mem>>
      %dma_start3A_147 = arith.constant 0 : i32
      %dma_start3A_148 = tpu.memref_slice %arg7[%run_scoped3A_64, %dma_start3A_147] : memref<80x128xi32, #tpu.memory_space<vmem>> -> memref<1x128xi32, #tpu.memory_space<vmem>>
      %dma_start3A_149 = tpu.memref_squeeze %dma_start3A_148 : memref<1x128xi32, #tpu.memory_space<vmem>> -> memref<128xi32, #tpu.memory_space<vmem>>
      %dma_start3A_150 = arith.constant 0 : i32
      %dma_start3A_151 = arith.constant 0 : i32
      %dma_start3A_152 = tpu.memref_slice %arg11[%dma_start3A_150, %dma_start3A_151] : memref<10240x64xf32, #tpu.memory_space<vmem_shared>> -> memref<10240x64xf32, #tpu.memory_space<vmem_shared>>
      tpu.enqueue_indirect_dma source(%arg9 : memref<128x64xf32, #tpu.memory_space<vmem>>) target(%dma_start3A_152 : memref<10240x64xf32, #tpu.memory_space<vmem_shared>>) offsets(%dma_start3A_149 : memref<128xi32, #tpu.memory_space<vmem>>) semaphore(%run_scoped3A_146 : memref<!tpu.dma_semaphore, #tpu.memory_space<semaphore_mem>>) {add = true}
      %dma_wait3A_153 = arith.constant 0 : i32
      %dma_wait3A_154 = tpu.memref_slice %arg7[%run_scoped3A_64, %dma_wait3A_153] : memref<80x128xi32, #tpu.memory_space<vmem>> -> memref<1x128xi32, #tpu.memory_space<vmem>>
      %dma_wait3A_155 = tpu.memref_squeeze %dma_wait3A_154 : memref<1x128xi32, #tpu.memory_space<vmem>> -> memref<128xi32, #tpu.memory_space<vmem>>
      %dma_wait3A_156 = arith.constant 0 : i32
      %dma_wait3A_157 = arith.constant 0 : i32
      %dma_wait3A_158 = tpu.memref_slice %arg11[%dma_wait3A_156, %dma_wait3A_157] : memref<10240x64xf32, #tpu.memory_space<vmem_shared>> -> memref<10240x64xf32, #tpu.memory_space<vmem_shared>>
      tpu.wait_indirect_dma semaphore(%run_scoped3A_146 : memref<!tpu.dma_semaphore, #tpu.memory_space<semaphore_mem>>) src(%arg9 : memref<128x64xf32, #tpu.memory_space<vmem>>) dst(%dma_wait3A_158 : memref<10240x64xf32, #tpu.memory_space<vmem_shared>>)
      tpu.yield
    }) : () -> ()
    %mul3A_65 = arith.constant 160 : i32
    %mul3A_66 = arith.muli %arg1, %mul3A_65 : i32
    %add3A_67 = arith.constant 80 : i32
    %add3A_68 = arith.addi %mul3A_66, %add3A_67 : i32
    "tpu.region"() ({
      %run_scoped3A_146 = tpu.sem_alloc : memref<!tpu.dma_semaphore, #tpu.memory_space<semaphore_mem>>
      %dma_start3A_147 = arith.constant 0 : i32
      %dma_start3A_148 = tpu.memref_slice %arg3[%add3A_68, %dma_start3A_147] : memref<2560x128xi32, #tpu.memory_space<hbm>> -> memref<80x128xi32, #tpu.memory_space<hbm>>
      %dma_start3A_149 = arith.constant 0 : i32
      %dma_start3A_150 = tpu.memref_slice %arg3[%add3A_68, %dma_start3A_149] : memref<2560x128xi32, #tpu.memory_space<hbm>> -> memref<80x128xi32, #tpu.memory_space<hbm>>
      tpu.enqueue_dma source(%dma_start3A_150 : memref<80x128xi32, #tpu.memory_space<hbm>>) target(%arg6 : memref<80x128xi32, #tpu.memory_space<vmem>>) target_semaphore(%run_scoped3A_146 : memref<!tpu.dma_semaphore, #tpu.memory_space<semaphore_mem>>)
      %dma_wait3A_151 = arith.constant 0 : i32
      %dma_wait3A_152 = tpu.memref_slice %arg3[%add3A_68, %dma_wait3A_151] : memref<2560x128xi32, #tpu.memory_space<hbm>> -> memref<80x128xi32, #tpu.memory_space<hbm>>
      %dma_wait3A_153 = arith.constant 0 : i32
      %dma_wait3A_154 = tpu.memref_slice %arg3[%add3A_68, %dma_wait3A_153] : memref<2560x128xi32, #tpu.memory_space<hbm>> -> memref<80x128xi32, #tpu.memory_space<hbm>>
      tpu.wait_dma2 semaphore(%run_scoped3A_146 : memref<!tpu.dma_semaphore, #tpu.memory_space<semaphore_mem>>) src(%dma_wait3A_154 : memref<80x128xi32, #tpu.memory_space<hbm>>) dst(%arg6 : memref<80x128xi32, #tpu.memory_space<vmem>>)
      tpu.yield
    }) : () -> ()
    "tpu.region"() ({
      %run_scoped3A_146 = tpu.sem_alloc : memref<!tpu.dma_semaphore, #tpu.memory_space<semaphore_mem>>
      %dma_start3A_147 = arith.constant 0 : i32
      %dma_start3A_148 = tpu.memref_slice %arg4[%add3A_68, %dma_start3A_147] : memref<2560x128xi32, #tpu.memory_space<hbm>> -> memref<80x128xi32, #tpu.memory_space<hbm>>
      %dma_start3A_149 = arith.constant 0 : i32
      %dma_start3A_150 = tpu.memref_slice %arg4[%add3A_68, %dma_start3A_149] : memref<2560x128xi32, #tpu.memory_space<hbm>> -> memref<80x128xi32, #tpu.memory_space<hbm>>
      tpu.enqueue_dma source(%dma_start3A_150 : memref<80x128xi32, #tpu.memory_space<hbm>>) target(%arg7 : memref<80x128xi32, #tpu.memory_space<vmem>>) target_semaphore(%run_scoped3A_146 : memref<!tpu.dma_semaphore, #tpu.memory_space<semaphore_mem>>)
      %dma_wait3A_151 = arith.constant 0 : i32
      %dma_wait3A_152 = tpu.memref_slice %arg4[%add3A_68, %dma_wait3A_151] : memref<2560x128xi32, #tpu.memory_space<hbm>> -> memref<80x128xi32, #tpu.memory_space<hbm>>
      %dma_wait3A_153 = arith.constant 0 : i32
      %dma_wait3A_154 = tpu.memref_slice %arg4[%add3A_68, %dma_wait3A_153] : memref<2560x128xi32, #tpu.memory_space<hbm>> -> memref<80x128xi32, #tpu.memory_space<hbm>>
      tpu.wait_dma2 semaphore(%run_scoped3A_146 : memref<!tpu.dma_semaphore, #tpu.memory_space<semaphore_mem>>) src(%dma_wait3A_154 : memref<80x128xi32, #tpu.memory_space<hbm>>) dst(%arg7 : memref<80x128xi32, #tpu.memory_space<vmem>>)
      tpu.yield
    }) : () -> ()
    %dma_start3A_69 = arith.constant 0 : i32
    %dma_start3A_70 = arith.constant 0 : i32
    %dma_start3A_71 = tpu.memref_slice %arg6[%dma_start3A_69, %dma_start3A_70] : memref<80x128xi32, #tpu.memory_space<vmem>> -> memref<1x128xi32, #tpu.memory_space<vmem>>
    %dma_start3A_72 = tpu.memref_squeeze %dma_start3A_71 : memref<1x128xi32, #tpu.memory_space<vmem>> -> memref<128xi32, #tpu.memory_space<vmem>>
    %dma_start3A_73 = arith.constant 0 : i32
    %dma_start3A_74 = arith.constant 0 : i32
    %dma_start3A_75 = tpu.memref_slice %arg10[%dma_start3A_73, %dma_start3A_74] : memref<10240x64xf32, #tpu.memory_space<vmem_shared>> -> memref<10240x64xf32, #tpu.memory_space<vmem_shared>>
    tpu.enqueue_indirect_dma source(%dma_start3A_75 : memref<10240x64xf32, #tpu.memory_space<vmem_shared>>) target(%arg8 : memref<128x64xf32, #tpu.memory_space<vmem>>) offsets(%dma_start3A_72 : memref<128xi32, #tpu.memory_space<vmem>>) semaphore(%arg12 : memref<!tpu.dma_semaphore, #tpu.memory_space<semaphore_mem>>)
    %dma_start3A_76 = arith.constant 1 : i32
    %dma_start3A_77 = arith.constant 0 : i32
    %dma_start3A_78 = tpu.memref_slice %arg6[%dma_start3A_76, %dma_start3A_77] : memref<80x128xi32, #tpu.memory_space<vmem>> -> memref<1x128xi32, #tpu.memory_space<vmem>>
    %dma_start3A_79 = tpu.memref_squeeze %dma_start3A_78 : memref<1x128xi32, #tpu.memory_space<vmem>> -> memref<128xi32, #tpu.memory_space<vmem>>
    %dma_start3A_80 = arith.constant 0 : i32
    %dma_start3A_81 = arith.constant 0 : i32
    %dma_start3A_82 = tpu.memref_slice %arg10[%dma_start3A_80, %dma_start3A_81] : memref<10240x64xf32, #tpu.memory_space<vmem_shared>> -> memref<10240x64xf32, #tpu.memory_space<vmem_shared>>
    tpu.enqueue_indirect_dma source(%dma_start3A_82 : memref<10240x64xf32, #tpu.memory_space<vmem_shared>>) target(%arg9 : memref<128x64xf32, #tpu.memory_space<vmem>>) offsets(%dma_start3A_79 : memref<128xi32, #tpu.memory_space<vmem>>) semaphore(%arg13 : memref<!tpu.dma_semaphore, #tpu.memory_space<semaphore_mem>>)
    %scan3A_83 = arith.constant 0 : i32
    %scan3A_84 = arith.constant 0 : i32
    %scan3A_85 = arith.constant 39 : i32
    %scan3A_86 = arith.addi %scan3A_84, %scan3A_85 : i32
    %scan3A_87 = arith.constant 1 : i32
    scf.for %scan3A_146 = %scan3A_84 to %scan3A_86 step %scan3A_87  : i32 {
      %mul3A_147 = arith.constant 2 : i32
      %mul3A_148 = arith.muli %mul3A_147, %scan3A_146 : i32
      %dma_wait3A_149 = arith.constant 0 : i32
      %dma_wait3A_150 = tpu.memref_slice %arg6[%mul3A_148, %dma_wait3A_149] : memref<80x128xi32, #tpu.memory_space<vmem>> -> memref<1x128xi32, #tpu.memory_space<vmem>>
      %dma_wait3A_151 = tpu.memref_squeeze %dma_wait3A_150 : memref<1x128xi32, #tpu.memory_space<vmem>> -> memref<128xi32, #tpu.memory_space<vmem>>
      %dma_wait3A_152 = arith.constant 0 : i32
      %dma_wait3A_153 = arith.constant 0 : i32
      %dma_wait3A_154 = tpu.memref_slice %arg10[%dma_wait3A_152, %dma_wait3A_153] : memref<10240x64xf32, #tpu.memory_space<vmem_shared>> -> memref<10240x64xf32, #tpu.memory_space<vmem_shared>>
      tpu.wait_indirect_dma semaphore(%arg12 : memref<!tpu.dma_semaphore, #tpu.memory_space<semaphore_mem>>) src(%dma_wait3A_154 : memref<10240x64xf32, #tpu.memory_space<vmem_shared>>) dst(%arg8 : memref<128x64xf32, #tpu.memory_space<vmem>>)
      "tpu.region"() ({
        %run_scoped3A_181 = tpu.sem_alloc : memref<!tpu.dma_semaphore, #tpu.memory_space<semaphore_mem>>
        %dma_start3A_182 = arith.constant 0 : i32
        %dma_start3A_183 = tpu.memref_slice %arg7[%mul3A_148, %dma_start3A_182] : memref<80x128xi32, #tpu.memory_space<vmem>> -> memref<1x128xi32, #tpu.memory_space<vmem>>
        %dma_start3A_184 = tpu.memref_squeeze %dma_start3A_183 : memref<1x128xi32, #tpu.memory_space<vmem>> -> memref<128xi32, #tpu.memory_space<vmem>>
        %dma_start3A_185 = arith.constant 0 : i32
        %dma_start3A_186 = arith.constant 0 : i32
        %dma_start3A_187 = tpu.memref_slice %arg11[%dma_start3A_185, %dma_start3A_186] : memref<10240x64xf32, #tpu.memory_space<vmem_shared>> -> memref<10240x64xf32, #tpu.memory_space<vmem_shared>>
        tpu.enqueue_indirect_dma source(%arg8 : memref<128x64xf32, #tpu.memory_space<vmem>>) target(%dma_start3A_187 : memref<10240x64xf32, #tpu.memory_space<vmem_shared>>) offsets(%dma_start3A_184 : memref<128xi32, #tpu.memory_space<vmem>>) semaphore(%run_scoped3A_181 : memref<!tpu.dma_semaphore, #tpu.memory_space<semaphore_mem>>) {add = true}
        %dma_wait3A_188 = arith.constant 0 : i32
        %dma_wait3A_189 = tpu.memref_slice %arg7[%mul3A_148, %dma_wait3A_188] : memref<80x128xi32, #tpu.memory_space<vmem>> -> memref<1x128xi32, #tpu.memory_space<vmem>>
        %dma_wait3A_190 = tpu.memref_squeeze %dma_wait3A_189 : memref<1x128xi32, #tpu.memory_space<vmem>> -> memref<128xi32, #tpu.memory_space<vmem>>
        %dma_wait3A_191 = arith.constant 0 : i32
        %dma_wait3A_192 = arith.constant 0 : i32
        %dma_wait3A_193 = tpu.memref_slice %arg11[%dma_wait3A_191, %dma_wait3A_192] : memref<10240x64xf32, #tpu.memory_space<vmem_shared>> -> memref<10240x64xf32, #tpu.memory_space<vmem_shared>>
        tpu.wait_indirect_dma semaphore(%run_scoped3A_181 : memref<!tpu.dma_semaphore, #tpu.memory_space<semaphore_mem>>) src(%arg8 : memref<128x64xf32, #tpu.memory_space<vmem>>) dst(%dma_wait3A_193 : memref<10240x64xf32, #tpu.memory_space<vmem_shared>>)
        tpu.yield
      }) : () -> ()
      %add3A_155 = arith.constant 2 : i32
      %add3A_156 = arith.addi %mul3A_148, %add3A_155 : i32
      %dma_start3A_157 = arith.constant 0 : i32
      %dma_start3A_158 = tpu.memref_slice %arg6[%add3A_156, %dma_start3A_157] : memref<80x128xi32, #tpu.memory_space<vmem>> -> memref<1x128xi32, #tpu.memory_space<vmem>>
      %dma_start3A_159 = tpu.memref_squeeze %dma_start3A_158 : memref<1x128xi32, #tpu.memory_space<vmem>> -> memref<128xi32, #tpu.memory_space<vmem>>
      %dma_start3A_160 = arith.constant 0 : i32
      %dma_start3A_161 = arith.constant 0 : i32
      %dma_start3A_162 = tpu.memref_slice %arg10[%dma_start3A_160, %dma_start3A_161] : memref<10240x64xf32, #tpu.memory_space<vmem_shared>> -> memref<10240x64xf32, #tpu.memory_space<vmem_shared>>
      tpu.enqueue_indirect_dma source(%dma_start3A_162 : memref<10240x64xf32, #tpu.memory_space<vmem_shared>>) target(%arg8 : memref<128x64xf32, #tpu.memory_space<vmem>>) offsets(%dma_start3A_159 : memref<128xi32, #tpu.memory_space<vmem>>) semaphore(%arg12 : memref<!tpu.dma_semaphore, #tpu.memory_space<semaphore_mem>>)
      %add3A_163 = arith.constant 1 : i32
      %add3A_164 = arith.addi %mul3A_148, %add3A_163 : i32
      %dma_wait3A_165 = arith.constant 0 : i32
      %dma_wait3A_166 = tpu.memref_slice %arg6[%add3A_164, %dma_wait3A_165] : memref<80x128xi32, #tpu.memory_space<vmem>> -> memref<1x128xi32, #tpu.memory_space<vmem>>
      %dma_wait3A_167 = tpu.memref_squeeze %dma_wait3A_166 : memref<1x128xi32, #tpu.memory_space<vmem>> -> memref<128xi32, #tpu.memory_space<vmem>>
      %dma_wait3A_168 = arith.constant 0 : i32
      %dma_wait3A_169 = arith.constant 0 : i32
      %dma_wait3A_170 = tpu.memref_slice %arg10[%dma_wait3A_168, %dma_wait3A_169] : memref<10240x64xf32, #tpu.memory_space<vmem_shared>> -> memref<10240x64xf32, #tpu.memory_space<vmem_shared>>
      tpu.wait_indirect_dma semaphore(%arg13 : memref<!tpu.dma_semaphore, #tpu.memory_space<semaphore_mem>>) src(%dma_wait3A_170 : memref<10240x64xf32, #tpu.memory_space<vmem_shared>>) dst(%arg9 : memref<128x64xf32, #tpu.memory_space<vmem>>)
      %add3A_171 = arith.constant 1 : i32
      %add3A_172 = arith.addi %mul3A_148, %add3A_171 : i32
      "tpu.region"() ({
        %run_scoped3A_181 = tpu.sem_alloc : memref<!tpu.dma_semaphore, #tpu.memory_space<semaphore_mem>>
        %dma_start3A_182 = arith.constant 0 : i32
        %dma_start3A_183 = tpu.memref_slice %arg7[%add3A_172, %dma_start3A_182] : memref<80x128xi32, #tpu.memory_space<vmem>> -> memref<1x128xi32, #tpu.memory_space<vmem>>
        %dma_start3A_184 = tpu.memref_squeeze %dma_start3A_183 : memref<1x128xi32, #tpu.memory_space<vmem>> -> memref<128xi32, #tpu.memory_space<vmem>>
        %dma_start3A_185 = arith.constant 0 : i32
        %dma_start3A_186 = arith.constant 0 : i32
        %dma_start3A_187 = tpu.memref_slice %arg11[%dma_start3A_185, %dma_start3A_186] : memref<10240x64xf32, #tpu.memory_space<vmem_shared>> -> memref<10240x64xf32, #tpu.memory_space<vmem_shared>>
        tpu.enqueue_indirect_dma source(%arg9 : memref<128x64xf32, #tpu.memory_space<vmem>>) target(%dma_start3A_187 : memref<10240x64xf32, #tpu.memory_space<vmem_shared>>) offsets(%dma_start3A_184 : memref<128xi32, #tpu.memory_space<vmem>>) semaphore(%run_scoped3A_181 : memref<!tpu.dma_semaphore, #tpu.memory_space<semaphore_mem>>) {add = true}
        %dma_wait3A_188 = arith.constant 0 : i32
        %dma_wait3A_189 = tpu.memref_slice %arg7[%add3A_172, %dma_wait3A_188] : memref<80x128xi32, #tpu.memory_space<vmem>> -> memref<1x128xi32, #tpu.memory_space<vmem>>
        %dma_wait3A_190 = tpu.memref_squeeze %dma_wait3A_189 : memref<1x128xi32, #tpu.memory_space<vmem>> -> memref<128xi32, #tpu.memory_space<vmem>>
        %dma_wait3A_191 = arith.constant 0 : i32
        %dma_wait3A_192 = arith.constant 0 : i32
        %dma_wait3A_193 = tpu.memref_slice %arg11[%dma_wait3A_191, %dma_wait3A_192] : memref<10240x64xf32, #tpu.memory_space<vmem_shared>> -> memref<10240x64xf32, #tpu.memory_space<vmem_shared>>
        tpu.wait_indirect_dma semaphore(%run_scoped3A_181 : memref<!tpu.dma_semaphore, #tpu.memory_space<semaphore_mem>>) src(%arg9 : memref<128x64xf32, #tpu.memory_space<vmem>>) dst(%dma_wait3A_193 : memref<10240x64xf32, #tpu.memory_space<vmem_shared>>)
        tpu.yield
      }) : () -> ()
      %add3A_173 = arith.constant 3 : i32
      %add3A_174 = arith.addi %mul3A_148, %add3A_173 : i32
      %dma_start3A_175 = arith.constant 0 : i32
      %dma_start3A_176 = tpu.memref_slice %arg6[%add3A_174, %dma_start3A_175] : memref<80x128xi32, #tpu.memory_space<vmem>> -> memref<1x128xi32, #tpu.memory_space<vmem>>
      %dma_start3A_177 = tpu.memref_squeeze %dma_start3A_176 : memref<1x128xi32, #tpu.memory_space<vmem>> -> memref<128xi32, #tpu.memory_space<vmem>>
      %dma_start3A_178 = arith.constant 0 : i32
      %dma_start3A_179 = arith.constant 0 : i32
      %dma_start3A_180 = tpu.memref_slice %arg10[%dma_start3A_178, %dma_start3A_179] : memref<10240x64xf32, #tpu.memory_space<vmem_shared>> -> memref<10240x64xf32, #tpu.memory_space<vmem_shared>>
      tpu.enqueue_indirect_dma source(%dma_start3A_180 : memref<10240x64xf32, #tpu.memory_space<vmem_shared>>) target(%arg9 : memref<128x64xf32, #tpu.memory_space<vmem>>) offsets(%dma_start3A_177 : memref<128xi32, #tpu.memory_space<vmem>>) semaphore(%arg13 : memref<!tpu.dma_semaphore, #tpu.memory_space<semaphore_mem>>)
    }
    %scan3A_88 = arith.constant 39 : i32
    %dma_wait3A_89 = arith.constant 78 : i32
    %dma_wait3A_90 = arith.constant 0 : i32
    %dma_wait3A_91 = tpu.memref_slice %arg6[%dma_wait3A_89, %dma_wait3A_90] : memref<80x128xi32, #tpu.memory_space<vmem>> -> memref<1x128xi32, #tpu.memory_space<vmem>>
    %dma_wait3A_92 = tpu.memref_squeeze %dma_wait3A_91 : memref<1x128xi32, #tpu.memory_space<vmem>> -> memref<128xi32, #tpu.memory_space<vmem>>
    %dma_wait3A_93 = arith.constant 0 : i32
    %dma_wait3A_94 = arith.constant 0 : i32
    %dma_wait3A_95 = tpu.memref_slice %arg10[%dma_wait3A_93, %dma_wait3A_94] : memref<10240x64xf32, #tpu.memory_space<vmem_shared>> -> memref<10240x64xf32, #tpu.memory_space<vmem_shared>>
    tpu.wait_indirect_dma semaphore(%arg12 : memref<!tpu.dma_semaphore, #tpu.memory_space<semaphore_mem>>) src(%dma_wait3A_95 : memref<10240x64xf32, #tpu.memory_space<vmem_shared>>) dst(%arg8 : memref<128x64xf32, #tpu.memory_space<vmem>>)
    %run_scoped3A_96 = arith.constant 78 : i32
    "tpu.region"() ({
      %run_scoped3A_146 = tpu.sem_alloc : memref<!tpu.dma_semaphore, #tpu.memory_space<semaphore_mem>>
      %dma_start3A_147 = arith.constant 0 : i32
      %dma_start3A_148 = tpu.memref_slice %arg7[%run_scoped3A_96, %dma_start3A_147] : memref<80x128xi32, #tpu.memory_space<vmem>> -> memref<1x128xi32, #tpu.memory_space<vmem>>
      %dma_start3A_149 = tpu.memref_squeeze %dma_start3A_148 : memref<1x128xi32, #tpu.memory_space<vmem>> -> memref<128xi32, #tpu.memory_space<vmem>>
      %dma_start3A_150 = arith.constant 0 : i32
      %dma_start3A_151 = arith.constant 0 : i32
      %dma_start3A_152 = tpu.memref_slice %arg11[%dma_start3A_150, %dma_start3A_151] : memref<10240x64xf32, #tpu.memory_space<vmem_shared>> -> memref<10240x64xf32, #tpu.memory_space<vmem_shared>>
      tpu.enqueue_indirect_dma source(%arg8 : memref<128x64xf32, #tpu.memory_space<vmem>>) target(%dma_start3A_152 : memref<10240x64xf32, #tpu.memory_space<vmem_shared>>) offsets(%dma_start3A_149 : memref<128xi32, #tpu.memory_space<vmem>>) semaphore(%run_scoped3A_146 : memref<!tpu.dma_semaphore, #tpu.memory_space<semaphore_mem>>) {add = true}
      %dma_wait3A_153 = arith.constant 0 : i32
      %dma_wait3A_154 = tpu.memref_slice %arg7[%run_scoped3A_96, %dma_wait3A_153] : memref<80x128xi32, #tpu.memory_space<vmem>> -> memref<1x128xi32, #tpu.memory_space<vmem>>
      %dma_wait3A_155 = tpu.memref_squeeze %dma_wait3A_154 : memref<1x128xi32, #tpu.memory_space<vmem>> -> memref<128xi32, #tpu.memory_space<vmem>>
      %dma_wait3A_156 = arith.constant 0 : i32
      %dma_wait3A_157 = arith.constant 0 : i32
      %dma_wait3A_158 = tpu.memref_slice %arg11[%dma_wait3A_156, %dma_wait3A_157] : memref<10240x64xf32, #tpu.memory_space<vmem_shared>> -> memref<10240x64xf32, #tpu.memory_space<vmem_shared>>
      tpu.wait_indirect_dma semaphore(%run_scoped3A_146 : memref<!tpu.dma_semaphore, #tpu.memory_space<semaphore_mem>>) src(%arg8 : memref<128x64xf32, #tpu.memory_space<vmem>>) dst(%dma_wait3A_158 : memref<10240x64xf32, #tpu.memory_space<vmem_shared>>)
      tpu.yield
    }) : () -> ()
    %dma_wait3A_97 = arith.constant 79 : i32
    %dma_wait3A_98 = arith.constant 0 : i32
    %dma_wait3A_99 = tpu.memref_slice %arg6[%dma_wait3A_97, %dma_wait3A_98] : memref<80x128xi32, #tpu.memory_space<vmem>> -> memref<1x128xi32, #tpu.memory_space<vmem>>
    %dma_wait3A_100 = tpu.memref_squeeze %dma_wait3A_99 : memref<1x128xi32, #tpu.memory_space<vmem>> -> memref<128xi32, #tpu.memory_space<vmem>>
    %dma_wait3A_101 = arith.constant 0 : i32
    %dma_wait3A_102 = arith.constant 0 : i32
    %dma_wait3A_103 = tpu.memref_slice %arg10[%dma_wait3A_101, %dma_wait3A_102] : memref<10240x64xf32, #tpu.memory_space<vmem_shared>> -> memref<10240x64xf32, #tpu.memory_space<vmem_shared>>
    tpu.wait_indirect_dma semaphore(%arg13 : memref<!tpu.dma_semaphore, #tpu.memory_space<semaphore_mem>>) src(%dma_wait3A_103 : memref<10240x64xf32, #tpu.memory_space<vmem_shared>>) dst(%arg9 : memref<128x64xf32, #tpu.memory_space<vmem>>)
    %run_scoped3A_104 = arith.constant 79 : i32
    "tpu.region"() ({
      %run_scoped3A_146 = tpu.sem_alloc : memref<!tpu.dma_semaphore, #tpu.memory_space<semaphore_mem>>
      %dma_start3A_147 = arith.constant 0 : i32
      %dma_start3A_148 = tpu.memref_slice %arg7[%run_scoped3A_104, %dma_start3A_147] : memref<80x128xi32, #tpu.memory_space<vmem>> -> memref<1x128xi32, #tpu.memory_space<vmem>>
      %dma_start3A_149 = tpu.memref_squeeze %dma_start3A_148 : memref<1x128xi32, #tpu.memory_space<vmem>> -> memref<128xi32, #tpu.memory_space<vmem>>
      %dma_start3A_150 = arith.constant 0 : i32
      %dma_start3A_151 = arith.constant 0 : i32
      %dma_start3A_152 = tpu.memref_slice %arg11[%dma_start3A_150, %dma_start3A_151] : memref<10240x64xf32, #tpu.memory_space<vmem_shared>> -> memref<10240x64xf32, #tpu.memory_space<vmem_shared>>
      tpu.enqueue_indirect_dma source(%arg9 : memref<128x64xf32, #tpu.memory_space<vmem>>) target(%dma_start3A_152 : memref<10240x64xf32, #tpu.memory_space<vmem_shared>>) offsets(%dma_start3A_149 : memref<128xi32, #tpu.memory_space<vmem>>) semaphore(%run_scoped3A_146 : memref<!tpu.dma_semaphore, #tpu.memory_space<semaphore_mem>>) {add = true}
      %dma_wait3A_153 = arith.constant 0 : i32
      %dma_wait3A_154 = tpu.memref_slice %arg7[%run_scoped3A_104, %dma_wait3A_153] : memref<80x128xi32, #tpu.memory_space<vmem>> -> memref<1x128xi32, #tpu.memory_space<vmem>>
      %dma_wait3A_155 = tpu.memref_squeeze %dma_wait3A_154 : memref<1x128xi32, #tpu.memory_space<vmem>> -> memref<128xi32, #tpu.memory_space<vmem>>
      %dma_wait3A_156 = arith.constant 0 : i32
      %dma_wait3A_157 = arith.constant 0 : i32
      %dma_wait3A_158 = tpu.memref_slice %arg11[%dma_wait3A_156, %dma_wait3A_157] : memref<10240x64xf32, #tpu.memory_space<vmem_shared>> -> memref<10240x64xf32, #tpu.memory_space<vmem_shared>>
      tpu.wait_indirect_dma semaphore(%run_scoped3A_146 : memref<!tpu.dma_semaphore, #tpu.memory_space<semaphore_mem>>) src(%arg9 : memref<128x64xf32, #tpu.memory_space<vmem>>) dst(%dma_wait3A_158 : memref<10240x64xf32, #tpu.memory_space<vmem_shared>>)
      tpu.yield
    }) : () -> ()
    %barrier3A_105 = arith.constant 0 : index
    tpu.barrier barrier_id(%barrier3A_105)
    %mul3A_106 = arith.constant 640 : i32
    %mul3A_107 = arith.muli %arg1, %mul3A_106 : i32
    %add3A_108 = arith.constant 0 : i32
    %add3A_109 = arith.addi %mul3A_107, %add3A_108 : i32
    %mul3A_110 = arith.constant 640 : i32
    %mul3A_111 = arith.muli %arg1, %mul3A_110 : i32
    %add3A_112 = arith.constant 0 : i32
    %add3A_113 = arith.addi %mul3A_111, %add3A_112 : i32
    "tpu.region"() ({
      %run_scoped3A_146 = tpu.sem_alloc : memref<!tpu.dma_semaphore, #tpu.memory_space<semaphore_mem>>
      %dma_start3A_147 = arith.constant 0 : i32
      %dma_start3A_148 = tpu.memref_slice %arg5[%arg0, %add3A_113, %dma_start3A_147] : memref<2x10240x64xf32, #tpu.memory_space<hbm>> -> memref<1x128x64xf32, #tpu.memory_space<hbm>>
      %dma_start3A_149 = tpu.memref_squeeze %dma_start3A_148 : memref<1x128x64xf32, #tpu.memory_space<hbm>> -> memref<128x64xf32, #tpu.memory_space<hbm>>
      %dma_start3A_150 = arith.constant 0 : i32
      %dma_start3A_151 = tpu.memref_slice %arg11[%add3A_109, %dma_start3A_150] : memref<10240x64xf32, #tpu.memory_space<vmem_shared>> -> memref<128x64xf32, #tpu.memory_space<vmem_shared>>
      tpu.enqueue_dma source(%dma_start3A_151 : memref<128x64xf32, #tpu.memory_space<vmem_shared>>) target(%dma_start3A_149 : memref<128x64xf32, #tpu.memory_space<hbm>>) target_semaphore(%run_scoped3A_146 : memref<!tpu.dma_semaphore, #tpu.memory_space<semaphore_mem>>)
      %dma_wait3A_152 = arith.constant 0 : i32
      %dma_wait3A_153 = tpu.memref_slice %arg5[%arg0, %add3A_113, %dma_wait3A_152] : memref<2x10240x64xf32, #tpu.memory_space<hbm>> -> memref<1x128x64xf32, #tpu.memory_space<hbm>>
      %dma_wait3A_154 = tpu.memref_squeeze %dma_wait3A_153 : memref<1x128x64xf32, #tpu.memory_space<hbm>> -> memref<128x64xf32, #tpu.memory_space<hbm>>
      %dma_wait3A_155 = arith.constant 0 : i32
      %dma_wait3A_156 = tpu.memref_slice %arg11[%add3A_109, %dma_wait3A_155] : memref<10240x64xf32, #tpu.memory_space<vmem_shared>> -> memref<128x64xf32, #tpu.memory_space<vmem_shared>>
      tpu.wait_dma2 semaphore(%run_scoped3A_146 : memref<!tpu.dma_semaphore, #tpu.memory_space<semaphore_mem>>) src(%dma_wait3A_156 : memref<128x64xf32, #tpu.memory_space<vmem_shared>>) dst(%dma_wait3A_154 : memref<128x64xf32, #tpu.memory_space<hbm>>)
      tpu.yield
    }) : () -> ()
    %mul3A_114 = arith.constant 640 : i32
    %mul3A_115 = arith.muli %arg1, %mul3A_114 : i32
    %add3A_116 = arith.constant 128 : i32
    %add3A_117 = arith.addi %mul3A_115, %add3A_116 : i32
    %mul3A_118 = arith.constant 640 : i32
    %mul3A_119 = arith.muli %arg1, %mul3A_118 : i32
    %add3A_120 = arith.constant 128 : i32
    %add3A_121 = arith.addi %mul3A_119, %add3A_120 : i32
    "tpu.region"() ({
      %run_scoped3A_146 = tpu.sem_alloc : memref<!tpu.dma_semaphore, #tpu.memory_space<semaphore_mem>>
      %dma_start3A_147 = arith.constant 0 : i32
      %dma_start3A_148 = tpu.memref_slice %arg5[%arg0, %add3A_121, %dma_start3A_147] : memref<2x10240x64xf32, #tpu.memory_space<hbm>> -> memref<1x128x64xf32, #tpu.memory_space<hbm>>
      %dma_start3A_149 = tpu.memref_squeeze %dma_start3A_148 : memref<1x128x64xf32, #tpu.memory_space<hbm>> -> memref<128x64xf32, #tpu.memory_space<hbm>>
      %dma_start3A_150 = arith.constant 0 : i32
      %dma_start3A_151 = tpu.memref_slice %arg11[%add3A_117, %dma_start3A_150] : memref<10240x64xf32, #tpu.memory_space<vmem_shared>> -> memref<128x64xf32, #tpu.memory_space<vmem_shared>>
      tpu.enqueue_dma source(%dma_start3A_151 : memref<128x64xf32, #tpu.memory_space<vmem_shared>>) target(%dma_start3A_149 : memref<128x64xf32, #tpu.memory_space<hbm>>) target_semaphore(%run_scoped3A_146 : memref<!tpu.dma_semaphore, #tpu.memory_space<semaphore_mem>>)
      %dma_wait3A_152 = arith.constant 0 : i32
      %dma_wait3A_153 = tpu.memref_slice %arg5[%arg0, %add3A_121, %dma_wait3A_152] : memref<2x10240x64xf32, #tpu.memory_space<hbm>> -> memref<1x128x64xf32, #tpu.memory_space<hbm>>
      %dma_wait3A_154 = tpu.memref_squeeze %dma_wait3A_153 : memref<1x128x64xf32, #tpu.memory_space<hbm>> -> memref<128x64xf32, #tpu.memory_space<hbm>>
      %dma_wait3A_155 = arith.constant 0 : i32
      %dma_wait3A_156 = tpu.memref_slice %arg11[%add3A_117, %dma_wait3A_155] : memref<10240x64xf32, #tpu.memory_space<vmem_shared>> -> memref<128x64xf32, #tpu.memory_space<vmem_shared>>
      tpu.wait_dma2 semaphore(%run_scoped3A_146 : memref<!tpu.dma_semaphore, #tpu.memory_space<semaphore_mem>>) src(%dma_wait3A_156 : memref<128x64xf32, #tpu.memory_space<vmem_shared>>) dst(%dma_wait3A_154 : memref<128x64xf32, #tpu.memory_space<hbm>>)
      tpu.yield
    }) : () -> ()
    %mul3A_122 = arith.constant 640 : i32
    %mul3A_123 = arith.muli %arg1, %mul3A_122 : i32
    %add3A_124 = arith.constant 256 : i32
    %add3A_125 = arith.addi %mul3A_123, %add3A_124 : i32
    %mul3A_126 = arith.constant 640 : i32
    %mul3A_127 = arith.muli %arg1, %mul3A_126 : i32
    %add3A_128 = arith.constant 256 : i32
    %add3A_129 = arith.addi %mul3A_127, %add3A_128 : i32
    "tpu.region"() ({
      %run_scoped3A_146 = tpu.sem_alloc : memref<!tpu.dma_semaphore, #tpu.memory_space<semaphore_mem>>
      %dma_start3A_147 = arith.constant 0 : i32
      %dma_start3A_148 = tpu.memref_slice %arg5[%arg0, %add3A_129, %dma_start3A_147] : memref<2x10240x64xf32, #tpu.memory_space<hbm>> -> memref<1x128x64xf32, #tpu.memory_space<hbm>>
      %dma_start3A_149 = tpu.memref_squeeze %dma_start3A_148 : memref<1x128x64xf32, #tpu.memory_space<hbm>> -> memref<128x64xf32, #tpu.memory_space<hbm>>
      %dma_start3A_150 = arith.constant 0 : i32
      %dma_start3A_151 = tpu.memref_slice %arg11[%add3A_125, %dma_start3A_150] : memref<10240x64xf32, #tpu.memory_space<vmem_shared>> -> memref<128x64xf32, #tpu.memory_space<vmem_shared>>
      tpu.enqueue_dma source(%dma_start3A_151 : memref<128x64xf32, #tpu.memory_space<vmem_shared>>) target(%dma_start3A_149 : memref<128x64xf32, #tpu.memory_space<hbm>>) target_semaphore(%run_scoped3A_146 : memref<!tpu.dma_semaphore, #tpu.memory_space<semaphore_mem>>)
      %dma_wait3A_152 = arith.constant 0 : i32
      %dma_wait3A_153 = tpu.memref_slice %arg5[%arg0, %add3A_129, %dma_wait3A_152] : memref<2x10240x64xf32, #tpu.memory_space<hbm>> -> memref<1x128x64xf32, #tpu.memory_space<hbm>>
      %dma_wait3A_154 = tpu.memref_squeeze %dma_wait3A_153 : memref<1x128x64xf32, #tpu.memory_space<hbm>> -> memref<128x64xf32, #tpu.memory_space<hbm>>
      %dma_wait3A_155 = arith.constant 0 : i32
      %dma_wait3A_156 = tpu.memref_slice %arg11[%add3A_125, %dma_wait3A_155] : memref<10240x64xf32, #tpu.memory_space<vmem_shared>> -> memref<128x64xf32, #tpu.memory_space<vmem_shared>>
      tpu.wait_dma2 semaphore(%run_scoped3A_146 : memref<!tpu.dma_semaphore, #tpu.memory_space<semaphore_mem>>) src(%dma_wait3A_156 : memref<128x64xf32, #tpu.memory_space<vmem_shared>>) dst(%dma_wait3A_154 : memref<128x64xf32, #tpu.memory_space<hbm>>)
      tpu.yield
    }) : () -> ()
    %mul3A_130 = arith.constant 640 : i32
    %mul3A_131 = arith.muli %arg1, %mul3A_130 : i32
    %add3A_132 = arith.constant 384 : i32
    %add3A_133 = arith.addi %mul3A_131, %add3A_132 : i32
    %mul3A_134 = arith.constant 640 : i32
    %mul3A_135 = arith.muli %arg1, %mul3A_134 : i32
    %add3A_136 = arith.constant 384 : i32
    %add3A_137 = arith.addi %mul3A_135, %add3A_136 : i32
    "tpu.region"() ({
      %run_scoped3A_146 = tpu.sem_alloc : memref<!tpu.dma_semaphore, #tpu.memory_space<semaphore_mem>>
      %dma_start3A_147 = arith.constant 0 : i32
      %dma_start3A_148 = tpu.memref_slice %arg5[%arg0, %add3A_137, %dma_start3A_147] : memref<2x10240x64xf32, #tpu.memory_space<hbm>> -> memref<1x128x64xf32, #tpu.memory_space<hbm>>
      %dma_start3A_149 = tpu.memref_squeeze %dma_start3A_148 : memref<1x128x64xf32, #tpu.memory_space<hbm>> -> memref<128x64xf32, #tpu.memory_space<hbm>>
      %dma_start3A_150 = arith.constant 0 : i32
      %dma_start3A_151 = tpu.memref_slice %arg11[%add3A_133, %dma_start3A_150] : memref<10240x64xf32, #tpu.memory_space<vmem_shared>> -> memref<128x64xf32, #tpu.memory_space<vmem_shared>>
      tpu.enqueue_dma source(%dma_start3A_151 : memref<128x64xf32, #tpu.memory_space<vmem_shared>>) target(%dma_start3A_149 : memref<128x64xf32, #tpu.memory_space<hbm>>) target_semaphore(%run_scoped3A_146 : memref<!tpu.dma_semaphore, #tpu.memory_space<semaphore_mem>>)
      %dma_wait3A_152 = arith.constant 0 : i32
      %dma_wait3A_153 = tpu.memref_slice %arg5[%arg0, %add3A_137, %dma_wait3A_152] : memref<2x10240x64xf32, #tpu.memory_space<hbm>> -> memref<1x128x64xf32, #tpu.memory_space<hbm>>
      %dma_wait3A_154 = tpu.memref_squeeze %dma_wait3A_153 : memref<1x128x64xf32, #tpu.memory_space<hbm>> -> memref<128x64xf32, #tpu.memory_space<hbm>>
      %dma_wait3A_155 = arith.constant 0 : i32
      %dma_wait3A_156 = tpu.memref_slice %arg11[%add3A_133, %dma_wait3A_155] : memref<10240x64xf32, #tpu.memory_space<vmem_shared>> -> memref<128x64xf32, #tpu.memory_space<vmem_shared>>
      tpu.wait_dma2 semaphore(%run_scoped3A_146 : memref<!tpu.dma_semaphore, #tpu.memory_space<semaphore_mem>>) src(%dma_wait3A_156 : memref<128x64xf32, #tpu.memory_space<vmem_shared>>) dst(%dma_wait3A_154 : memref<128x64xf32, #tpu.memory_space<hbm>>)
      tpu.yield
    }) : () -> ()
    %mul3A_138 = arith.constant 640 : i32
    %mul3A_139 = arith.muli %arg1, %mul3A_138 : i32
    %add3A_140 = arith.constant 512 : i32
    %add3A_141 = arith.addi %mul3A_139, %add3A_140 : i32
    %mul3A_142 = arith.constant 640 : i32
    %mul3A_143 = arith.muli %arg1, %mul3A_142 : i32
    %add3A_144 = arith.constant 512 : i32
    %add3A_145 = arith.addi %mul3A_143, %add3A_144 : i32
    "tpu.region"() ({
      %run_scoped3A_146 = tpu.sem_alloc : memref<!tpu.dma_semaphore, #tpu.memory_space<semaphore_mem>>
      %dma_start3A_147 = arith.constant 0 : i32
      %dma_start3A_148 = tpu.memref_slice %arg5[%arg0, %add3A_145, %dma_start3A_147] : memref<2x10240x64xf32, #tpu.memory_space<hbm>> -> memref<1x128x64xf32, #tpu.memory_space<hbm>>
      %dma_start3A_149 = tpu.memref_squeeze %dma_start3A_148 : memref<1x128x64xf32, #tpu.memory_space<hbm>> -> memref<128x64xf32, #tpu.memory_space<hbm>>
      %dma_start3A_150 = arith.constant 0 : i32
      %dma_start3A_151 = tpu.memref_slice %arg11[%add3A_141, %dma_start3A_150] : memref<10240x64xf32, #tpu.memory_space<vmem_shared>> -> memref<128x64xf32, #tpu.memory_space<vmem_shared>>
      tpu.enqueue_dma source(%dma_start3A_151 : memref<128x64xf32, #tpu.memory_space<vmem_shared>>) target(%dma_start3A_149 : memref<128x64xf32, #tpu.memory_space<hbm>>) target_semaphore(%run_scoped3A_146 : memref<!tpu.dma_semaphore, #tpu.memory_space<semaphore_mem>>)
      %dma_wait3A_152 = arith.constant 0 : i32
      %dma_wait3A_153 = tpu.memref_slice %arg5[%arg0, %add3A_145, %dma_wait3A_152] : memref<2x10240x64xf32, #tpu.memory_space<hbm>> -> memref<1x128x64xf32, #tpu.memory_space<hbm>>
      %dma_wait3A_154 = tpu.memref_squeeze %dma_wait3A_153 : memref<1x128x64xf32, #tpu.memory_space<hbm>> -> memref<128x64xf32, #tpu.memory_space<hbm>>
      %dma_wait3A_155 = arith.constant 0 : i32
      %dma_wait3A_156 = tpu.memref_slice %arg11[%add3A_141, %dma_wait3A_155] : memref<10240x64xf32, #tpu.memory_space<vmem_shared>> -> memref<128x64xf32, #tpu.memory_space<vmem_shared>>
      tpu.wait_dma2 semaphore(%run_scoped3A_146 : memref<!tpu.dma_semaphore, #tpu.memory_space<semaphore_mem>>) src(%dma_wait3A_156 : memref<128x64xf32, #tpu.memory_space<vmem_shared>>) dst(%dma_wait3A_154 : memref<128x64xf32, #tpu.memory_space<hbm>>)
      tpu.yield
    }) : () -> ()
    return
  }
}

#map = affine_map<(d0, d1) -> (0, 0, 0)>
#map1 = affine_map<(d0, d1) -> (0, 0)>
module attributes {stable_mosaic.version = 14 : i64} {
  func.func @scatter_kernel(%arg0: i32, %arg1: i32, %arg2: memref<2x10240x64xf32, #tpu.memory_space<hbm>>, %arg3: memref<2560x128xi32, #tpu.memory_space<hbm>>, %arg4: memref<2560x128xi32, #tpu.memory_space<hbm>>, %arg5: memref<2x10240x64xf32, #tpu.memory_space<hbm>>, %arg6: memref<80x128xi32, #tpu.memory_space<vmem>>, %arg7: memref<80x128xi32, #tpu.memory_space<vmem>>, %arg8: memref<128x64xf32, #tpu.memory_space<vmem>>, %arg9: memref<128x64xf32, #tpu.memory_space<vmem>>, %arg10: memref<10240x64xf32, #tpu.memory_space<vmem_shared>>, %arg11: memref<10240x64xf32, #tpu.memory_space<vmem_shared>>, %arg12: memref<!tpu.dma_semaphore, #tpu.memory_space<semaphore_mem>>, %arg13: memref<!tpu.dma_semaphore, #tpu.memory_space<semaphore_mem>>, %arg14: memref<!tpu.dma_semaphore, #tpu.memory_space<semaphore_mem>>, %arg15: memref<!tpu.dma_semaphore, #tpu.memory_space<semaphore_mem>>) attributes {dimension_semantics = [#tpu.dimension_semantics<core_parallel>, #tpu.dimension_semantics<subcore_parallel>], iteration_bounds = array<i64: 2, 16>, scalar_prefetch = 0 : i64, scratch_operands = 10 : i64, tpu.core_type = #tpu.core_type<sc_vector_subcore>, window_params = [{transform_indices = #map}, {transform_indices = #map1}, {transform_indices = #map1}, {transform_indices = #map}]} {
    %mul3A = arith.constant 640 : i32
    %mul3A_0 = arith.muli %arg1, %mul3A : i32
    %mul3A_1 = arith.constant 640 : i32
    %mul3A_2 = arith.muli %arg1, %mul3A_1 : i32
    "tpu.region"() ({
      %run_scoped3A_146 = tpu.sem_alloc : memref<!tpu.dma_semaphore, #tpu.memory_space<semaphore_mem>>
      %dma_start3A_147 = arith.constant 0 : i32
      %dma_start3A_148 = tpu.memref_slice %arg10[%mul3A_2, %dma_start3A_147] : memref<10240x64xf32, #tpu.memory_space<vmem_shared>> -> memref<640x64xf32, #tpu.memory_space<vmem_shared>>
      %dma_start3A_149 = arith.constant 0 : i32
      %dma_start3A_150 = tpu.memref_slice %arg2[%arg0, %mul3A_0, %dma_start3A_149] : memref<2x10240x64xf32, #tpu.memory_space<hbm>> -> memref<1x640x64xf32, #tpu.memory_space<hbm>>
      %dma_start3A_151 = tpu.memref_squeeze %dma_start3A_150 : memref<1x640x64xf32, #tpu.memory_space<hbm>> -> memref<640x64xf32, #tpu.memory_space<hbm>>
      tpu.enqueue_dma source(%dma_start3A_151 : memref<640x64xf32, #tpu.memory_space<hbm>>) target(%dma_start3A_148 : memref<640x64xf32, #tpu.memory_space<vmem_shared>>) target_semaphore(%run_scoped3A_146 : memref<!tpu.dma_semaphore, #tpu.memory_space<semaphore_mem>>)
      %dma_wait3A_152 = arith.constant 0 : i32
      %dma_wait3A_153 = tpu.memref_slice %arg10[%mul3A_2, %dma_wait3A_152] : memref<10240x64xf32, #tpu.memory_space<vmem_shared>> -> memref<640x64xf32, #tpu.memory_space<vmem_shared>>
      %dma_wait3A_154 = arith.constant 0 : i32
      %dma_wait3A_155 = tpu.memref_slice %arg2[%arg0, %mul3A_0, %dma_wait3A_154] : memref<2x10240x64xf32, #tpu.memory_space<hbm>> -> memref<1x640x64xf32, #tpu.memory_space<hbm>>
      %dma_wait3A_156 = tpu.memref_squeeze %dma_wait3A_155 : memref<1x640x64xf32, #tpu.memory_space<hbm>> -> memref<640x64xf32, #tpu.memory_space<hbm>>
      tpu.wait_dma2 semaphore(%run_scoped3A_146 : memref<!tpu.dma_semaphore, #tpu.memory_space<semaphore_mem>>) src(%dma_wait3A_156 : memref<640x64xf32, #tpu.memory_space<hbm>>) dst(%dma_wait3A_153 : memref<640x64xf32, #tpu.memory_space<vmem_shared>>)
      tpu.yield
    }) : () -> ()
    %broadcast_in_dim3A = arith.constant 0.000000e+00 : f32
    %broadcast_in_dim3A_3 = vector.broadcast %broadcast_in_dim3A : f32 to vector<16xf32>
    %scan3A = arith.constant 0 : i32
    %scan3A_4 = arith.constant 0 : i32
    %scan3A_5 = arith.constant 128 : i32
    %scan3A_6 = arith.addi %scan3A_4, %scan3A_5 : i32
    %scan3A_7 = arith.constant 1 : i32
    scf.for %scan3A_146 = %scan3A_4 to %scan3A_6 step %scan3A_7  : i32 {
      %scan3A_147 = arith.constant 0 : i32
      %scan3A_148 = arith.constant 4 : i32
      %scan3A_149 = arith.addi %scan3A_147, %scan3A_148 : i32
      %scan3A_150 = arith.constant 1 : i32
      scf.for %scan3A_152 = %scan3A_147 to %scan3A_149 step %scan3A_150  : i32 {
        %mul3A_153 = arith.constant 16 : i32
        %mul3A_154 = arith.muli %scan3A_152, %mul3A_153 : i32
        %swap3A = arith.index_cast %scan3A_146 : i32 to index
        %swap3A_155 = arith.index_cast %mul3A_154 : i32 to index
        %swap3A_156 = tpu.vector_load %arg8[%swap3A, %swap3A_155] {strides = array<i32>} : memref<128x64xf32, #tpu.memory_space<vmem>>, vector<1x16xf32>,
        %swap3A_157 = vector.shape_cast %swap3A_156 : vector<1x16xf32> to vector<16xf32>
        %swap3A_158 = vector.shape_cast %broadcast_in_dim3A_3 : vector<16xf32> to vector<1x16xf32>
        tpu.vector_store %arg8[%swap3A, %swap3A_155], %swap3A_158 {strides = array<i32>} : memref<128x64xf32, #tpu.memory_space<vmem>>, vector<1x16xf32>,
      }
      %scan3A_151 = arith.constant 4 : i32
    }
    %scan3A_8 = arith.constant 128 : i32
    %mul3A_9 = arith.constant 640 : i32
    %mul3A_10 = arith.muli %arg1, %mul3A_9 : i32
    %add3A = arith.constant 0 : i32
    %add3A_11 = arith.addi %mul3A_10, %add3A : i32
    "tpu.region"() ({
      %run_scoped3A_146 = tpu.sem_alloc : memref<!tpu.dma_semaphore, #tpu.memory_space<semaphore_mem>>
      %dma_start3A_147 = arith.constant 0 : i32
      %dma_start3A_148 = tpu.memref_slice %arg11[%add3A_11, %dma_start3A_147] : memref<10240x64xf32, #tpu.memory_space<vmem_shared>> -> memref<128x64xf32, #tpu.memory_space<vmem_shared>>
      %dma_start3A_149 = arith.constant 0 : i32
      %dma_start3A_150 = tpu.memref_slice %arg11[%add3A_11, %dma_start3A_149] : memref<10240x64xf32, #tpu.memory_space<vmem_shared>> -> memref<128x64xf32, #tpu.memory_space<vmem_shared>>
      tpu.enqueue_dma source(%arg8 : memref<128x64xf32, #tpu.memory_space<vmem>>) target(%dma_start3A_150 : memref<128x64xf32, #tpu.memory_space<vmem_shared>>) target_semaphore(%run_scoped3A_146 : memref<!tpu.dma_semaphore, #tpu.memory_space<semaphore_mem>>)
      %dma_wait3A_151 = arith.constant 0 : i32
      %dma_wait3A_152 = tpu.memref_slice %arg11[%add3A_11, %dma_wait3A_151] : memref<10240x64xf32, #tpu.memory_space<vmem_shared>> -> memref<128x64xf32, #tpu.memory_space<vmem_shared>>
      %dma_wait3A_153 = arith.constant 0 : i32
      %dma_wait3A_154 = tpu.memref_slice %arg11[%add3A_11, %dma_wait3A_153] : memref<10240x64xf32, #tpu.memory_space<vmem_shared>> -> memref<128x64xf32, #tpu.memory_space<vmem_shared>>
      tpu.wait_dma2 semaphore(%run_scoped3A_146 : memref<!tpu.dma_semaphore, #tpu.memory_space<semaphore_mem>>) src(%arg8 : memref<128x64xf32, #tpu.memory_space<vmem>>) dst(%dma_wait3A_154 : memref<128x64xf32, #tpu.memory_space<vmem_shared>>)
      tpu.yield
    }) : () -> ()
    %mul3A_12 = arith.constant 640 : i32
    %mul3A_13 = arith.muli %arg1, %mul3A_12 : i32
    %add3A_14 = arith.constant 128 : i32
    %add3A_15 = arith.addi %mul3A_13, %add3A_14 : i32
    "tpu.region"() ({
      %run_scoped3A_146 = tpu.sem_alloc : memref<!tpu.dma_semaphore, #tpu.memory_space<semaphore_mem>>
      %dma_start3A_147 = arith.constant 0 : i32
      %dma_start3A_148 = tpu.memref_slice %arg11[%add3A_15, %dma_start3A_147] : memref<10240x64xf32, #tpu.memory_space<vmem_shared>> -> memref<128x64xf32, #tpu.memory_space<vmem_shared>>
      %dma_start3A_149 = arith.constant 0 : i32
      %dma_start3A_150 = tpu.memref_slice %arg11[%add3A_15, %dma_start3A_149] : memref<10240x64xf32, #tpu.memory_space<vmem_shared>> -> memref<128x64xf32, #tpu.memory_space<vmem_shared>>
      tpu.enqueue_dma source(%arg8 : memref<128x64xf32, #tpu.memory_space<vmem>>) target(%dma_start3A_150 : memref<128x64xf32, #tpu.memory_space<vmem_shared>>) target_semaphore(%run_scoped3A_146 : memref<!tpu.dma_semaphore, #tpu.memory_space<semaphore_mem>>)
      %dma_wait3A_151 = arith.constant 0 : i32
      %dma_wait3A_152 = tpu.memref_slice %arg11[%add3A_15, %dma_wait3A_151] : memref<10240x64xf32, #tpu.memory_space<vmem_shared>> -> memref<128x64xf32, #tpu.memory_space<vmem_shared>>
      %dma_wait3A_153 = arith.constant 0 : i32
      %dma_wait3A_154 = tpu.memref_slice %arg11[%add3A_15, %dma_wait3A_153] : memref<10240x64xf32, #tpu.memory_space<vmem_shared>> -> memref<128x64xf32, #tpu.memory_space<vmem_shared>>
      tpu.wait_dma2 semaphore(%run_scoped3A_146 : memref<!tpu.dma_semaphore, #tpu.memory_space<semaphore_mem>>) src(%arg8 : memref<128x64xf32, #tpu.memory_space<vmem>>) dst(%dma_wait3A_154 : memref<128x64xf32, #tpu.memory_space<vmem_shared>>)
      tpu.yield
    }) : () -> ()
    %mul3A_16 = arith.constant 640 : i32
    %mul3A_17 = arith.muli %arg1, %mul3A_16 : i32
    %add3A_18 = arith.constant 256 : i32
    %add3A_19 = arith.addi %mul3A_17, %add3A_18 : i32
    "tpu.region"() ({
      %run_scoped3A_146 = tpu.sem_alloc : memref<!tpu.dma_semaphore, #tpu.memory_space<semaphore_mem>>
      %dma_start3A_147 = arith.constant 0 : i32
      %dma_start3A_148 = tpu.memref_slice %arg11[%add3A_19, %dma_start3A_147] : memref<10240x64xf32, #tpu.memory_space<vmem_shared>> -> memref<128x64xf32, #tpu.memory_space<vmem_shared>>
      %dma_start3A_149 = arith.constant 0 : i32
      %dma_start3A_150 = tpu.memref_slice %arg11[%add3A_19, %dma_start3A_149] : memref<10240x64xf32, #tpu.memory_space<vmem_shared>> -> memref<128x64xf32, #tpu.memory_space<vmem_shared>>
      tpu.enqueue_dma source(%arg8 : memref<128x64xf32, #tpu.memory_space<vmem>>) target(%dma_start3A_150 : memref<128x64xf32, #tpu.memory_space<vmem_shared>>) target_semaphore(%run_scoped3A_146 : memref<!tpu.dma_semaphore, #tpu.memory_space<semaphore_mem>>)
      %dma_wait3A_151 = arith.constant 0 : i32
      %dma_wait3A_152 = tpu.memref_slice %arg11[%add3A_19, %dma_wait3A_151] : memref<10240x64xf32, #tpu.memory_space<vmem_shared>> -> memref<128x64xf32, #tpu.memory_space<vmem_shared>>
      %dma_wait3A_153 = arith.constant 0 : i32
      %dma_wait3A_154 = tpu.memref_slice %arg11[%add3A_19, %dma_wait3A_153] : memref<10240x64xf32, #tpu.memory_space<vmem_shared>> -> memref<128x64xf32, #tpu.memory_space<vmem_shared>>
      tpu.wait_dma2 semaphore(%run_scoped3A_146 : memref<!tpu.dma_semaphore, #tpu.memory_space<semaphore_mem>>) src(%arg8 : memref<128x64xf32, #tpu.memory_space<vmem>>) dst(%dma_wait3A_154 : memref<128x64xf32, #tpu.memory_space<vmem_shared>>)
      tpu.yield
    }) : () -> ()
    %mul3A_20 = arith.constant 640 : i32
    %mul3A_21 = arith.muli %arg1, %mul3A_20 : i32
    %add3A_22 = arith.constant 384 : i32
    %add3A_23 = arith.addi %mul3A_21, %add3A_22 : i32
    "tpu.region"() ({
      %run_scoped3A_146 = tpu.sem_alloc : memref<!tpu.dma_semaphore, #tpu.memory_space<semaphore_mem>>
      %dma_start3A_147 = arith.constant 0 : i32
      %dma_start3A_148 = tpu.memref_slice %arg11[%add3A_23, %dma_start3A_147] : memref<10240x64xf32, #tpu.memory_space<vmem_shared>> -> memref<128x64xf32, #tpu.memory_space<vmem_shared>>
      %dma_start3A_149 = arith.constant 0 : i32
      %dma_start3A_150 = tpu.memref_slice %arg11[%add3A_23, %dma_start3A_149] : memref<10240x64xf32, #tpu.memory_space<vmem_shared>> -> memref<128x64xf32, #tpu.memory_space<vmem_shared>>
      tpu.enqueue_dma source(%arg8 : memref<128x64xf32, #tpu.memory_space<vmem>>) target(%dma_start3A_150 : memref<128x64xf32, #tpu.memory_space<vmem_shared>>) target_semaphore(%run_scoped3A_146 : memref<!tpu.dma_semaphore, #tpu.memory_space<semaphore_mem>>)
      %dma_wait3A_151 = arith.constant 0 : i32
      %dma_wait3A_152 = tpu.memref_slice %arg11[%add3A_23, %dma_wait3A_151] : memref<10240x64xf32, #tpu.memory_space<vmem_shared>> -> memref<128x64xf32, #tpu.memory_space<vmem_shared>>
      %dma_wait3A_153 = arith.constant 0 : i32
      %dma_wait3A_154 = tpu.memref_slice %arg11[%add3A_23, %dma_wait3A_153] : memref<10240x64xf32, #tpu.memory_space<vmem_shared>> -> memref<128x64xf32, #tpu.memory_space<vmem_shared>>
      tpu.wait_dma2 semaphore(%run_scoped3A_146 : memref<!tpu.dma_semaphore, #tpu.memory_space<semaphore_mem>>) src(%arg8 : memref<128x64xf32, #tpu.memory_space<vmem>>) dst(%dma_wait3A_154 : memref<128x64xf32, #tpu.memory_space<vmem_shared>>)
      tpu.yield
    }) : () -> ()
    %mul3A_24 = arith.constant 640 : i32
    %mul3A_25 = arith.muli %arg1, %mul3A_24 : i32
    %add3A_26 = arith.constant 512 : i32
    %add3A_27 = arith.addi %mul3A_25, %add3A_26 : i32
    "tpu.region"() ({
      %run_scoped3A_146 = tpu.sem_alloc : memref<!tpu.dma_semaphore, #tpu.memory_space<semaphore_mem>>
      %dma_start3A_147 = arith.constant 0 : i32
      %dma_start3A_148 = tpu.memref_slice %arg11[%add3A_27, %dma_start3A_147] : memref<10240x64xf32, #tpu.memory_space<vmem_shared>> -> memref<128x64xf32, #tpu.memory_space<vmem_shared>>
      %dma_start3A_149 = arith.constant 0 : i32
      %dma_start3A_150 = tpu.memref_slice %arg11[%add3A_27, %dma_start3A_149] : memref<10240x64xf32, #tpu.memory_space<vmem_shared>> -> memref<128x64xf32, #tpu.memory_space<vmem_shared>>
      tpu.enqueue_dma source(%arg8 : memref<128x64xf32, #tpu.memory_space<vmem>>) target(%dma_start3A_150 : memref<128x64xf32, #tpu.memory_space<vmem_shared>>) target_semaphore(%run_scoped3A_146 : memref<!tpu.dma_semaphore, #tpu.memory_space<semaphore_mem>>)
      %dma_wait3A_151 = arith.constant 0 : i32
      %dma_wait3A_152 = tpu.memref_slice %arg11[%add3A_27, %dma_wait3A_151] : memref<10240x64xf32, #tpu.memory_space<vmem_shared>> -> memref<128x64xf32, #tpu.memory_space<vmem_shared>>
      %dma_wait3A_153 = arith.constant 0 : i32
      %dma_wait3A_154 = tpu.memref_slice %arg11[%add3A_27, %dma_wait3A_153] : memref<10240x64xf32, #tpu.memory_space<vmem_shared>> -> memref<128x64xf32, #tpu.memory_space<vmem_shared>>
      tpu.wait_dma2 semaphore(%run_scoped3A_146 : memref<!tpu.dma_semaphore, #tpu.memory_space<semaphore_mem>>) src(%arg8 : memref<128x64xf32, #tpu.memory_space<vmem>>) dst(%dma_wait3A_154 : memref<128x64xf32, #tpu.memory_space<vmem_shared>>)
      tpu.yield
    }) : () -> ()
    %barrier3A = arith.constant 0 : index
    tpu.barrier barrier_id(%barrier3A)
    %mul3A_28 = arith.constant 160 : i32
    %mul3A_29 = arith.muli %arg1, %mul3A_28 : i32
    %add3A_30 = arith.constant 0 : i32
    %add3A_31 = arith.addi %mul3A_29, %add3A_30 : i32
    "tpu.region"() ({
      %run_scoped3A_146 = tpu.sem_alloc : memref<!tpu.dma_semaphore, #tpu.memory_space<semaphore_mem>>
      %dma_start3A_147 = arith.constant 0 : i32
      %dma_start3A_148 = tpu.memref_slice %arg3[%add3A_31, %dma_start3A_147] : memref<2560x128xi32, #tpu.memory_space<hbm>> -> memref<80x128xi32, #tpu.memory_space<hbm>>
      %dma_start3A_149 = arith.constant 0 : i32
      %dma_start3A_150 = tpu.memref_slice %arg3[%add3A_31, %dma_start3A_149] : memref<2560x128xi32, #tpu.memory_space<hbm>> -> memref<80x128xi32, #tpu.memory_space<hbm>>
      tpu.enqueue_dma source(%dma_start3A_150 : memref<80x128xi32, #tpu.memory_space<hbm>>) target(%arg6 : memref<80x128xi32, #tpu.memory_space<vmem>>) target_semaphore(%run_scoped3A_146 : memref<!tpu.dma_semaphore, #tpu.memory_space<semaphore_mem>>)
      %dma_wait3A_151 = arith.constant 0 : i32
      %dma_wait3A_152 = tpu.memref_slice %arg3[%add3A_31, %dma_wait3A_151] : memref<2560x128xi32, #tpu.memory_space<hbm>> -> memref<80x128xi32, #tpu.memory_space<hbm>>
      %dma_wait3A_153 = arith.constant 0 : i32
      %dma_wait3A_154 = tpu.memref_slice %arg3[%add3A_31, %dma_wait3A_153] : memref<2560x128xi32, #tpu.memory_space<hbm>> -> memref<80x128xi32, #tpu.memory_space<hbm>>
      tpu.wait_dma2 semaphore(%run_scoped3A_146 : memref<!tpu.dma_semaphore, #tpu.memory_space<semaphore_mem>>) src(%dma_wait3A_154 : memref<80x128xi32, #tpu.memory_space<hbm>>) dst(%arg6 : memref<80x128xi32, #tpu.memory_space<vmem>>)
      tpu.yield
    }) : () -> ()
    "tpu.region"() ({
      %run_scoped3A_146 = tpu.sem_alloc : memref<!tpu.dma_semaphore, #tpu.memory_space<semaphore_mem>>
      %dma_start3A_147 = arith.constant 0 : i32
      %dma_start3A_148 = tpu.memref_slice %arg4[%add3A_31, %dma_start3A_147] : memref<2560x128xi32, #tpu.memory_space<hbm>> -> memref<80x128xi32, #tpu.memory_space<hbm>>
      %dma_start3A_149 = arith.constant 0 : i32
      %dma_start3A_150 = tpu.memref_slice %arg4[%add3A_31, %dma_start3A_149] : memref<2560x128xi32, #tpu.memory_space<hbm>> -> memref<80x128xi32, #tpu.memory_space<hbm>>
      tpu.enqueue_dma source(%dma_start3A_150 : memref<80x128xi32, #tpu.memory_space<hbm>>) target(%arg7 : memref<80x128xi32, #tpu.memory_space<vmem>>) target_semaphore(%run_scoped3A_146 : memref<!tpu.dma_semaphore, #tpu.memory_space<semaphore_mem>>)
      %dma_wait3A_151 = arith.constant 0 : i32
      %dma_wait3A_152 = tpu.memref_slice %arg4[%add3A_31, %dma_wait3A_151] : memref<2560x128xi32, #tpu.memory_space<hbm>> -> memref<80x128xi32, #tpu.memory_space<hbm>>
      %dma_wait3A_153 = arith.constant 0 : i32
      %dma_wait3A_154 = tpu.memref_slice %arg4[%add3A_31, %dma_wait3A_153] : memref<2560x128xi32, #tpu.memory_space<hbm>> -> memref<80x128xi32, #tpu.memory_space<hbm>>
      tpu.wait_dma2 semaphore(%run_scoped3A_146 : memref<!tpu.dma_semaphore, #tpu.memory_space<semaphore_mem>>) src(%dma_wait3A_154 : memref<80x128xi32, #tpu.memory_space<hbm>>) dst(%arg7 : memref<80x128xi32, #tpu.memory_space<vmem>>)
      tpu.yield
    }) : () -> ()
    %dma_start3A = arith.constant 0 : i32
    %dma_start3A_32 = arith.constant 0 : i32
    %dma_start3A_33 = tpu.memref_slice %arg6[%dma_start3A, %dma_start3A_32] : memref<80x128xi32, #tpu.memory_space<vmem>> -> memref<1x128xi32, #tpu.memory_space<vmem>>
    %dma_start3A_34 = tpu.memref_squeeze %dma_start3A_33 : memref<1x128xi32, #tpu.memory_space<vmem>> -> memref<128xi32, #tpu.memory_space<vmem>>
    %dma_start3A_35 = arith.constant 0 : i32
    %dma_start3A_36 = arith.constant 0 : i32
    %dma_start3A_37 = tpu.memref_slice %arg10[%dma_start3A_35, %dma_start3A_36] : memref<10240x64xf32, #tpu.memory_space<vmem_shared>> -> memref<10240x64xf32, #tpu.memory_space<vmem_shared>>
    tpu.enqueue_indirect_dma source(%dma_start3A_37 : memref<10240x64xf32, #tpu.memory_space<vmem_shared>>) target(%arg8 : memref<128x64xf32, #tpu.memory_space<vmem>>) offsets(%dma_start3A_34 : memref<128xi32, #tpu.memory_space<vmem>>) semaphore(%arg12 : memref<!tpu.dma_semaphore, #tpu.memory_space<semaphore_mem>>)
    %dma_start3A_38 = arith.constant 1 : i32
    %dma_start3A_39 = arith.constant 0 : i32
    %dma_start3A_40 = tpu.memref_slice %arg6[%dma_start3A_38, %dma_start3A_39] : memref<80x128xi32, #tpu.memory_space<vmem>> -> memref<1x128xi32, #tpu.memory_space<vmem>>
    %dma_start3A_41 = tpu.memref_squeeze %dma_start3A_40 : memref<1x128xi32, #tpu.memory_space<vmem>> -> memref<128xi32, #tpu.memory_space<vmem>>
    %dma_start3A_42 = arith.constant 0 : i32
    %dma_start3A_43 = arith.constant 0 : i32
    %dma_start3A_44 = tpu.memref_slice %arg10[%dma_start3A_42, %dma_start3A_43] : memref<10240x64xf32, #tpu.memory_space<vmem_shared>> -> memref<10240x64xf32, #tpu.memory_space<vmem_shared>>
    tpu.enqueue_indirect_dma source(%dma_start3A_44 : memref<10240x64xf32, #tpu.memory_space<vmem_shared>>) target(%arg9 : memref<128x64xf32, #tpu.memory_space<vmem>>) offsets(%dma_start3A_41 : memref<128xi32, #tpu.memory_space<vmem>>) semaphore(%arg13 : memref<!tpu.dma_semaphore, #tpu.memory_space<semaphore_mem>>)
    %scan3A_45 = arith.constant 0 : i32
    %scan3A_46 = arith.constant 0 : i32
    %scan3A_47 = arith.constant 39 : i32
    %scan3A_48 = arith.addi %scan3A_46, %scan3A_47 : i32
    %scan3A_49 = arith.constant 1 : i32
    scf.for %scan3A_146 = %scan3A_46 to %scan3A_48 step %scan3A_49  : i32 {
      %mul3A_147 = arith.constant 2 : i32
      %mul3A_148 = arith.muli %mul3A_147, %scan3A_146 : i32
      %dma_wait3A_149 = arith.constant 0 : i32
      %dma_wait3A_150 = tpu.memref_slice %arg6[%mul3A_148, %dma_wait3A_149] : memref<80x128xi32, #tpu.memory_space<vmem>> -> memref<1x128xi32, #tpu.memory_space<vmem>>
      %dma_wait3A_151 = tpu.memref_squeeze %dma_wait3A_150 : memref<1x128xi32, #tpu.memory_space<vmem>> -> memref<128xi32, #tpu.memory_space<vmem>>
      %dma_wait3A_152 = arith.constant 0 : i32
      %dma_wait3A_153 = arith.constant 0 : i32
      %dma_wait3A_154 = tpu.memref_slice %arg10[%dma_wait3A_152, %dma_wait3A_153] : memref<10240x64xf32, #tpu.memory_space<vmem_shared>> -> memref<10240x64xf32, #tpu.memory_space<vmem_shared>>
      tpu.wait_indirect_dma semaphore(%arg12 : memref<!tpu.dma_semaphore, #tpu.memory_space<semaphore_mem>>) src(%dma_wait3A_154 : memref<10240x64xf32, #tpu.memory_space<vmem_shared>>) dst(%arg8 : memref<128x64xf32, #tpu.memory_space<vmem>>)
      "tpu.region"() ({
        %run_scoped3A_181 = tpu.sem_alloc : memref<!tpu.dma_semaphore, #tpu.memory_space<semaphore_mem>>
        %dma_start3A_182 = arith.constant 0 : i32
        %dma_start3A_183 = tpu.memref_slice %arg7[%mul3A_148, %dma_start3A_182] : memref<80x128xi32, #tpu.memory_space<vmem>> -> memref<1x128xi32, #tpu.memory_space<vmem>>
        %dma_start3A_184 = tpu.memref_squeeze %dma_start3A_183 : memref<1x128xi32, #tpu.memory_space<vmem>> -> memref<128xi32, #tpu.memory_space<vmem>>
        %dma_start3A_185 = arith.constant 0 : i32
        %dma_start3A_186 = arith.constant 0 : i32
        %dma_start3A_187 = tpu.memref_slice %arg11[%dma_start3A_185, %dma_start3A_186] : memref<10240x64xf32, #tpu.memory_space<vmem_shared>> -> memref<10240x64xf32, #tpu.memory_space<vmem_shared>>
        tpu.enqueue_indirect_dma source(%arg8 : memref<128x64xf32, #tpu.memory_space<vmem>>) target(%dma_start3A_187 : memref<10240x64xf32, #tpu.memory_space<vmem_shared>>) offsets(%dma_start3A_184 : memref<128xi32, #tpu.memory_space<vmem>>) semaphore(%run_scoped3A_181 : memref<!tpu.dma_semaphore, #tpu.memory_space<semaphore_mem>>) {add = true}
        %dma_wait3A_188 = arith.constant 0 : i32
        %dma_wait3A_189 = tpu.memref_slice %arg7[%mul3A_148, %dma_wait3A_188] : memref<80x128xi32, #tpu.memory_space<vmem>> -> memref<1x128xi32, #tpu.memory_space<vmem>>
        %dma_wait3A_190 = tpu.memref_squeeze %dma_wait3A_189 : memref<1x128xi32, #tpu.memory_space<vmem>> -> memref<128xi32, #tpu.memory_space<vmem>>
        %dma_wait3A_191 = arith.constant 0 : i32
        %dma_wait3A_192 = arith.constant 0 : i32
        %dma_wait3A_193 = tpu.memref_slice %arg11[%dma_wait3A_191, %dma_wait3A_192] : memref<10240x64xf32, #tpu.memory_space<vmem_shared>> -> memref<10240x64xf32, #tpu.memory_space<vmem_shared>>
        tpu.wait_indirect_dma semaphore(%run_scoped3A_181 : memref<!tpu.dma_semaphore, #tpu.memory_space<semaphore_mem>>) src(%arg8 : memref<128x64xf32, #tpu.memory_space<vmem>>) dst(%dma_wait3A_193 : memref<10240x64xf32, #tpu.memory_space<vmem_shared>>)
        tpu.yield
      }) : () -> ()
      %add3A_155 = arith.constant 2 : i32
      %add3A_156 = arith.addi %mul3A_148, %add3A_155 : i32
      %dma_start3A_157 = arith.constant 0 : i32
      %dma_start3A_158 = tpu.memref_slice %arg6[%add3A_156, %dma_start3A_157] : memref<80x128xi32, #tpu.memory_space<vmem>> -> memref<1x128xi32, #tpu.memory_space<vmem>>
      %dma_start3A_159 = tpu.memref_squeeze %dma_start3A_158 : memref<1x128xi32, #tpu.memory_space<vmem>> -> memref<128xi32, #tpu.memory_space<vmem>>
      %dma_start3A_160 = arith.constant 0 : i32
      %dma_start3A_161 = arith.constant 0 : i32
      %dma_start3A_162 = tpu.memref_slice %arg10[%dma_start3A_160, %dma_start3A_161] : memref<10240x64xf32, #tpu.memory_space<vmem_shared>> -> memref<10240x64xf32, #tpu.memory_space<vmem_shared>>
      tpu.enqueue_indirect_dma source(%dma_start3A_162 : memref<10240x64xf32, #tpu.memory_space<vmem_shared>>) target(%arg8 : memref<128x64xf32, #tpu.memory_space<vmem>>) offsets(%dma_start3A_159 : memref<128xi32, #tpu.memory_space<vmem>>) semaphore(%arg12 : memref<!tpu.dma_semaphore, #tpu.memory_space<semaphore_mem>>)
      %add3A_163 = arith.constant 1 : i32
      %add3A_164 = arith.addi %mul3A_148, %add3A_163 : i32
      %dma_wait3A_165 = arith.constant 0 : i32
      %dma_wait3A_166 = tpu.memref_slice %arg6[%add3A_164, %dma_wait3A_165] : memref<80x128xi32, #tpu.memory_space<vmem>> -> memref<1x128xi32, #tpu.memory_space<vmem>>
      %dma_wait3A_167 = tpu.memref_squeeze %dma_wait3A_166 : memref<1x128xi32, #tpu.memory_space<vmem>> -> memref<128xi32, #tpu.memory_space<vmem>>
      %dma_wait3A_168 = arith.constant 0 : i32
      %dma_wait3A_169 = arith.constant 0 : i32
      %dma_wait3A_170 = tpu.memref_slice %arg10[%dma_wait3A_168, %dma_wait3A_169] : memref<10240x64xf32, #tpu.memory_space<vmem_shared>> -> memref<10240x64xf32, #tpu.memory_space<vmem_shared>>
      tpu.wait_indirect_dma semaphore(%arg13 : memref<!tpu.dma_semaphore, #tpu.memory_space<semaphore_mem>>) src(%dma_wait3A_170 : memref<10240x64xf32, #tpu.memory_space<vmem_shared>>) dst(%arg9 : memref<128x64xf32, #tpu.memory_space<vmem>>)
      %add3A_171 = arith.constant 1 : i32
      %add3A_172 = arith.addi %mul3A_148, %add3A_171 : i32
      "tpu.region"() ({
        %run_scoped3A_181 = tpu.sem_alloc : memref<!tpu.dma_semaphore, #tpu.memory_space<semaphore_mem>>
        %dma_start3A_182 = arith.constant 0 : i32
        %dma_start3A_183 = tpu.memref_slice %arg7[%add3A_172, %dma_start3A_182] : memref<80x128xi32, #tpu.memory_space<vmem>> -> memref<1x128xi32, #tpu.memory_space<vmem>>
        %dma_start3A_184 = tpu.memref_squeeze %dma_start3A_183 : memref<1x128xi32, #tpu.memory_space<vmem>> -> memref<128xi32, #tpu.memory_space<vmem>>
        %dma_start3A_185 = arith.constant 0 : i32
        %dma_start3A_186 = arith.constant 0 : i32
        %dma_start3A_187 = tpu.memref_slice %arg11[%dma_start3A_185, %dma_start3A_186] : memref<10240x64xf32, #tpu.memory_space<vmem_shared>> -> memref<10240x64xf32, #tpu.memory_space<vmem_shared>>
        tpu.enqueue_indirect_dma source(%arg9 : memref<128x64xf32, #tpu.memory_space<vmem>>) target(%dma_start3A_187 : memref<10240x64xf32, #tpu.memory_space<vmem_shared>>) offsets(%dma_start3A_184 : memref<128xi32, #tpu.memory_space<vmem>>) semaphore(%run_scoped3A_181 : memref<!tpu.dma_semaphore, #tpu.memory_space<semaphore_mem>>) {add = true}
        %dma_wait3A_188 = arith.constant 0 : i32
        %dma_wait3A_189 = tpu.memref_slice %arg7[%add3A_172, %dma_wait3A_188] : memref<80x128xi32, #tpu.memory_space<vmem>> -> memref<1x128xi32, #tpu.memory_space<vmem>>
        %dma_wait3A_190 = tpu.memref_squeeze %dma_wait3A_189 : memref<1x128xi32, #tpu.memory_space<vmem>> -> memref<128xi32, #tpu.memory_space<vmem>>
        %dma_wait3A_191 = arith.constant 0 : i32
        %dma_wait3A_192 = arith.constant 0 : i32
        %dma_wait3A_193 = tpu.memref_slice %arg11[%dma_wait3A_191, %dma_wait3A_192] : memref<10240x64xf32, #tpu.memory_space<vmem_shared>> -> memref<10240x64xf32, #tpu.memory_space<vmem_shared>>
        tpu.wait_indirect_dma semaphore(%run_scoped3A_181 : memref<!tpu.dma_semaphore, #tpu.memory_space<semaphore_mem>>) src(%arg9 : memref<128x64xf32, #tpu.memory_space<vmem>>) dst(%dma_wait3A_193 : memref<10240x64xf32, #tpu.memory_space<vmem_shared>>)
        tpu.yield
      }) : () -> ()
      %add3A_173 = arith.constant 3 : i32
      %add3A_174 = arith.addi %mul3A_148, %add3A_173 : i32
      %dma_start3A_175 = arith.constant 0 : i32
      %dma_start3A_176 = tpu.memref_slice %arg6[%add3A_174, %dma_start3A_175] : memref<80x128xi32, #tpu.memory_space<vmem>> -> memref<1x128xi32, #tpu.memory_space<vmem>>
      %dma_start3A_177 = tpu.memref_squeeze %dma_start3A_176 : memref<1x128xi32, #tpu.memory_space<vmem>> -> memref<128xi32, #tpu.memory_space<vmem>>
      %dma_start3A_178 = arith.constant 0 : i32
      %dma_start3A_179 = arith.constant 0 : i32
      %dma_start3A_180 = tpu.memref_slice %arg10[%dma_start3A_178, %dma_start3A_179] : memref<10240x64xf32, #tpu.memory_space<vmem_shared>> -> memref<10240x64xf32, #tpu.memory_space<vmem_shared>>
      tpu.enqueue_indirect_dma source(%dma_start3A_180 : memref<10240x64xf32, #tpu.memory_space<vmem_shared>>) target(%arg9 : memref<128x64xf32, #tpu.memory_space<vmem>>) offsets(%dma_start3A_177 : memref<128xi32, #tpu.memory_space<vmem>>) semaphore(%arg13 : memref<!tpu.dma_semaphore, #tpu.memory_space<semaphore_mem>>)
    }
    %scan3A_50 = arith.constant 39 : i32
    %dma_wait3A = arith.constant 78 : i32
    %dma_wait3A_51 = arith.constant 0 : i32
    %dma_wait3A_52 = tpu.memref_slice %arg6[%dma_wait3A, %dma_wait3A_51] : memref<80x128xi32, #tpu.memory_space<vmem>> -> memref<1x128xi32, #tpu.memory_space<vmem>>
    %dma_wait3A_53 = tpu.memref_squeeze %dma_wait3A_52 : memref<1x128xi32, #tpu.memory_space<vmem>> -> memref<128xi32, #tpu.memory_space<vmem>>
    %dma_wait3A_54 = arith.constant 0 : i32
    %dma_wait3A_55 = arith.constant 0 : i32
    %dma_wait3A_56 = tpu.memref_slice %arg10[%dma_wait3A_54, %dma_wait3A_55] : memref<10240x64xf32, #tpu.memory_space<vmem_shared>> -> memref<10240x64xf32, #tpu.memory_space<vmem_shared>>
    tpu.wait_indirect_dma semaphore(%arg12 : memref<!tpu.dma_semaphore, #tpu.memory_space<semaphore_mem>>) src(%dma_wait3A_56 : memref<10240x64xf32, #tpu.memory_space<vmem_shared>>) dst(%arg8 : memref<128x64xf32, #tpu.memory_space<vmem>>)
    %run_scoped3A = arith.constant 78 : i32
    "tpu.region"() ({
      %run_scoped3A_146 = tpu.sem_alloc : memref<!tpu.dma_semaphore, #tpu.memory_space<semaphore_mem>>
      %dma_start3A_147 = arith.constant 0 : i32
      %dma_start3A_148 = tpu.memref_slice %arg7[%run_scoped3A, %dma_start3A_147] : memref<80x128xi32, #tpu.memory_space<vmem>> -> memref<1x128xi32, #tpu.memory_space<vmem>>
      %dma_start3A_149 = tpu.memref_squeeze %dma_start3A_148 : memref<1x128xi32, #tpu.memory_space<vmem>> -> memref<128xi32, #tpu.memory_space<vmem>>
      %dma_start3A_150 = arith.constant 0 : i32
      %dma_start3A_151 = arith.constant 0 : i32
      %dma_start3A_152 = tpu.memref_slice %arg11[%dma_start3A_150, %dma_start3A_151] : memref<10240x64xf32, #tpu.memory_space<vmem_shared>> -> memref<10240x64xf32, #tpu.memory_space<vmem_shared>>
      tpu.enqueue_indirect_dma source(%arg8 : memref<128x64xf32, #tpu.memory_space<vmem>>) target(%dma_start3A_152 : memref<10240x64xf32, #tpu.memory_space<vmem_shared>>) offsets(%dma_start3A_149 : memref<128xi32, #tpu.memory_space<vmem>>) semaphore(%run_scoped3A_146 : memref<!tpu.dma_semaphore, #tpu.memory_space<semaphore_mem>>) {add = true}
      %dma_wait3A_153 = arith.constant 0 : i32
      %dma_wait3A_154 = tpu.memref_slice %arg7[%run_scoped3A, %dma_wait3A_153] : memref<80x128xi32, #tpu.memory_space<vmem>> -> memref<1x128xi32, #tpu.memory_space<vmem>>
      %dma_wait3A_155 = tpu.memref_squeeze %dma_wait3A_154 : memref<1x128xi32, #tpu.memory_space<vmem>> -> memref<128xi32, #tpu.memory_space<vmem>>
      %dma_wait3A_156 = arith.constant 0 : i32
      %dma_wait3A_157 = arith.constant 0 : i32
      %dma_wait3A_158 = tpu.memref_slice %arg11[%dma_wait3A_156, %dma_wait3A_157] : memref<10240x64xf32, #tpu.memory_space<vmem_shared>> -> memref<10240x64xf32, #tpu.memory_space<vmem_shared>>
      tpu.wait_indirect_dma semaphore(%run_scoped3A_146 : memref<!tpu.dma_semaphore, #tpu.memory_space<semaphore_mem>>) src(%arg8 : memref<128x64xf32, #tpu.memory_space<vmem>>) dst(%dma_wait3A_158 : memref<10240x64xf32, #tpu.memory_space<vmem_shared>>)
      tpu.yield
    }) : () -> ()
    %dma_wait3A_57 = arith.constant 79 : i32
    %dma_wait3A_58 = arith.constant 0 : i32
    %dma_wait3A_59 = tpu.memref_slice %arg6[%dma_wait3A_57, %dma_wait3A_58] : memref<80x128xi32, #tpu.memory_space<vmem>> -> memref<1x128xi32, #tpu.memory_space<vmem>>
    %dma_wait3A_60 = tpu.memref_squeeze %dma_wait3A_59 : memref<1x128xi32, #tpu.memory_space<vmem>> -> memref<128xi32, #tpu.memory_space<vmem>>
    %dma_wait3A_61 = arith.constant 0 : i32
    %dma_wait3A_62 = arith.constant 0 : i32
    %dma_wait3A_63 = tpu.memref_slice %arg10[%dma_wait3A_61, %dma_wait3A_62] : memref<10240x64xf32, #tpu.memory_space<vmem_shared>> -> memref<10240x64xf32, #tpu.memory_space<vmem_shared>>
    tpu.wait_indirect_dma semaphore(%arg13 : memref<!tpu.dma_semaphore, #tpu.memory_space<semaphore_mem>>) src(%dma_wait3A_63 : memref<10240x64xf32, #tpu.memory_space<vmem_shared>>) dst(%arg9 : memref<128x64xf32, #tpu.memory_space<vmem>>)
    %run_scoped3A_64 = arith.constant 79 : i32
    "tpu.region"() ({
      %run_scoped3A_146 = tpu.sem_alloc : memref<!tpu.dma_semaphore, #tpu.memory_space<semaphore_mem>>
      %dma_start3A_147 = arith.constant 0 : i32
      %dma_start3A_148 = tpu.memref_slice %arg7[%run_scoped3A_64, %dma_start3A_147] : memref<80x128xi32, #tpu.memory_space<vmem>> -> memref<1x128xi32, #tpu.memory_space<vmem>>
      %dma_start3A_149 = tpu.memref_squeeze %dma_start3A_148 : memref<1x128xi32, #tpu.memory_space<vmem>> -> memref<128xi32, #tpu.memory_space<vmem>>
      %dma_start3A_150 = arith.constant 0 : i32
      %dma_start3A_151 = arith.constant 0 : i32
      %dma_start3A_152 = tpu.memref_slice %arg11[%dma_start3A_150, %dma_start3A_151] : memref<10240x64xf32, #tpu.memory_space<vmem_shared>> -> memref<10240x64xf32, #tpu.memory_space<vmem_shared>>
      tpu.enqueue_indirect_dma source(%arg9 : memref<128x64xf32, #tpu.memory_space<vmem>>) target(%dma_start3A_152 : memref<10240x64xf32, #tpu.memory_space<vmem_shared>>) offsets(%dma_start3A_149 : memref<128xi32, #tpu.memory_space<vmem>>) semaphore(%run_scoped3A_146 : memref<!tpu.dma_semaphore, #tpu.memory_space<semaphore_mem>>) {add = true}
      %dma_wait3A_153 = arith.constant 0 : i32
      %dma_wait3A_154 = tpu.memref_slice %arg7[%run_scoped3A_64, %dma_wait3A_153] : memref<80x128xi32, #tpu.memory_space<vmem>> -> memref<1x128xi32, #tpu.memory_space<vmem>>
      %dma_wait3A_155 = tpu.memref_squeeze %dma_wait3A_154 : memref<1x128xi32, #tpu.memory_space<vmem>> -> memref<128xi32, #tpu.memory_space<vmem>>
      %dma_wait3A_156 = arith.constant 0 : i32
      %dma_wait3A_157 = arith.constant 0 : i32
      %dma_wait3A_158 = tpu.memref_slice %arg11[%dma_wait3A_156, %dma_wait3A_157] : memref<10240x64xf32, #tpu.memory_space<vmem_shared>> -> memref<10240x64xf32, #tpu.memory_space<vmem_shared>>
      tpu.wait_indirect_dma semaphore(%run_scoped3A_146 : memref<!tpu.dma_semaphore, #tpu.memory_space<semaphore_mem>>) src(%arg9 : memref<128x64xf32, #tpu.memory_space<vmem>>) dst(%dma_wait3A_158 : memref<10240x64xf32, #tpu.memory_space<vmem_shared>>)
      tpu.yield
    }) : () -> ()
    %mul3A_65 = arith.constant 160 : i32
    %mul3A_66 = arith.muli %arg1, %mul3A_65 : i32
    %add3A_67 = arith.constant 80 : i32
    %add3A_68 = arith.addi %mul3A_66, %add3A_67 : i32
    "tpu.region"() ({
      %run_scoped3A_146 = tpu.sem_alloc : memref<!tpu.dma_semaphore, #tpu.memory_space<semaphore_mem>>
      %dma_start3A_147 = arith.constant 0 : i32
      %dma_start3A_148 = tpu.memref_slice %arg3[%add3A_68, %dma_start3A_147] : memref<2560x128xi32, #tpu.memory_space<hbm>> -> memref<80x128xi32, #tpu.memory_space<hbm>>
      %dma_start3A_149 = arith.constant 0 : i32
      %dma_start3A_150 = tpu.memref_slice %arg3[%add3A_68, %dma_start3A_149] : memref<2560x128xi32, #tpu.memory_space<hbm>> -> memref<80x128xi32, #tpu.memory_space<hbm>>
      tpu.enqueue_dma source(%dma_start3A_150 : memref<80x128xi32, #tpu.memory_space<hbm>>) target(%arg6 : memref<80x128xi32, #tpu.memory_space<vmem>>) target_semaphore(%run_scoped3A_146 : memref<!tpu.dma_semaphore, #tpu.memory_space<semaphore_mem>>)
      %dma_wait3A_151 = arith.constant 0 : i32
      %dma_wait3A_152 = tpu.memref_slice %arg3[%add3A_68, %dma_wait3A_151] : memref<2560x128xi32, #tpu.memory_space<hbm>> -> memref<80x128xi32, #tpu.memory_space<hbm>>
      %dma_wait3A_153 = arith.constant 0 : i32
      %dma_wait3A_154 = tpu.memref_slice %arg3[%add3A_68, %dma_wait3A_153] : memref<2560x128xi32, #tpu.memory_space<hbm>> -> memref<80x128xi32, #tpu.memory_space<hbm>>
      tpu.wait_dma2 semaphore(%run_scoped3A_146 : memref<!tpu.dma_semaphore, #tpu.memory_space<semaphore_mem>>) src(%dma_wait3A_154 : memref<80x128xi32, #tpu.memory_space<hbm>>) dst(%arg6 : memref<80x128xi32, #tpu.memory_space<vmem>>)
      tpu.yield
    }) : () -> ()
    "tpu.region"() ({
      %run_scoped3A_146 = tpu.sem_alloc : memref<!tpu.dma_semaphore, #tpu.memory_space<semaphore_mem>>
      %dma_start3A_147 = arith.constant 0 : i32
      %dma_start3A_148 = tpu.memref_slice %arg4[%add3A_68, %dma_start3A_147] : memref<2560x128xi32, #tpu.memory_space<hbm>> -> memref<80x128xi32, #tpu.memory_space<hbm>>
      %dma_start3A_149 = arith.constant 0 : i32
      %dma_start3A_150 = tpu.memref_slice %arg4[%add3A_68, %dma_start3A_149] : memref<2560x128xi32, #tpu.memory_space<hbm>> -> memref<80x128xi32, #tpu.memory_space<hbm>>
      tpu.enqueue_dma source(%dma_start3A_150 : memref<80x128xi32, #tpu.memory_space<hbm>>) target(%arg7 : memref<80x128xi32, #tpu.memory_space<vmem>>) target_semaphore(%run_scoped3A_146 : memref<!tpu.dma_semaphore, #tpu.memory_space<semaphore_mem>>)
      %dma_wait3A_151 = arith.constant 0 : i32
      %dma_wait3A_152 = tpu.memref_slice %arg4[%add3A_68, %dma_wait3A_151] : memref<2560x128xi32, #tpu.memory_space<hbm>> -> memref<80x128xi32, #tpu.memory_space<hbm>>
      %dma_wait3A_153 = arith.constant 0 : i32
      %dma_wait3A_154 = tpu.memref_slice %arg4[%add3A_68, %dma_wait3A_153] : memref<2560x128xi32, #tpu.memory_space<hbm>> -> memref<80x128xi32, #tpu.memory_space<hbm>>
      tpu.wait_dma2 semaphore(%run_scoped3A_146 : memref<!tpu.dma_semaphore, #tpu.memory_space<semaphore_mem>>) src(%dma_wait3A_154 : memref<80x128xi32, #tpu.memory_space<hbm>>) dst(%arg7 : memref<80x128xi32, #tpu.memory_space<vmem>>)
      tpu.yield
    }) : () -> ()
    %dma_start3A_69 = arith.constant 0 : i32
    %dma_start3A_70 = arith.constant 0 : i32
    %dma_start3A_71 = tpu.memref_slice %arg6[%dma_start3A_69, %dma_start3A_70] : memref<80x128xi32, #tpu.memory_space<vmem>> -> memref<1x128xi32, #tpu.memory_space<vmem>>
    %dma_start3A_72 = tpu.memref_squeeze %dma_start3A_71 : memref<1x128xi32, #tpu.memory_space<vmem>> -> memref<128xi32, #tpu.memory_space<vmem>>
    %dma_start3A_73 = arith.constant 0 : i32
    %dma_start3A_74 = arith.constant 0 : i32
    %dma_start3A_75 = tpu.memref_slice %arg10[%dma_start3A_73, %dma_start3A_74] : memref<10240x64xf32, #tpu.memory_space<vmem_shared>> -> memref<10240x64xf32, #tpu.memory_space<vmem_shared>>
    tpu.enqueue_indirect_dma source(%dma_start3A_75 : memref<10240x64xf32, #tpu.memory_space<vmem_shared>>) target(%arg8 : memref<128x64xf32, #tpu.memory_space<vmem>>) offsets(%dma_start3A_72 : memref<128xi32, #tpu.memory_space<vmem>>) semaphore(%arg12 : memref<!tpu.dma_semaphore, #tpu.memory_space<semaphore_mem>>)
    %dma_start3A_76 = arith.constant 1 : i32
    %dma_start3A_77 = arith.constant 0 : i32
    %dma_start3A_78 = tpu.memref_slice %arg6[%dma_start3A_76, %dma_start3A_77] : memref<80x128xi32, #tpu.memory_space<vmem>> -> memref<1x128xi32, #tpu.memory_space<vmem>>
    %dma_start3A_79 = tpu.memref_squeeze %dma_start3A_78 : memref<1x128xi32, #tpu.memory_space<vmem>> -> memref<128xi32, #tpu.memory_space<vmem>>
    %dma_start3A_80 = arith.constant 0 : i32
    %dma_start3A_81 = arith.constant 0 : i32
    %dma_start3A_82 = tpu.memref_slice %arg10[%dma_start3A_80, %dma_start3A_81] : memref<10240x64xf32, #tpu.memory_space<vmem_shared>> -> memref<10240x64xf32, #tpu.memory_space<vmem_shared>>
    tpu.enqueue_indirect_dma source(%dma_start3A_82 : memref<10240x64xf32, #tpu.memory_space<vmem_shared>>) target(%arg9 : memref<128x64xf32, #tpu.memory_space<vmem>>) offsets(%dma_start3A_79 : memref<128xi32, #tpu.memory_space<vmem>>) semaphore(%arg13 : memref<!tpu.dma_semaphore, #tpu.memory_space<semaphore_mem>>)
    %scan3A_83 = arith.constant 0 : i32
    %scan3A_84 = arith.constant 0 : i32
    %scan3A_85 = arith.constant 39 : i32
    %scan3A_86 = arith.addi %scan3A_84, %scan3A_85 : i32
    %scan3A_87 = arith.constant 1 : i32
    scf.for %scan3A_146 = %scan3A_84 to %scan3A_86 step %scan3A_87  : i32 {
      %mul3A_147 = arith.constant 2 : i32
      %mul3A_148 = arith.muli %mul3A_147, %scan3A_146 : i32
      %dma_wait3A_149 = arith.constant 0 : i32
      %dma_wait3A_150 = tpu.memref_slice %arg6[%mul3A_148, %dma_wait3A_149] : memref<80x128xi32, #tpu.memory_space<vmem>> -> memref<1x128xi32, #tpu.memory_space<vmem>>
      %dma_wait3A_151 = tpu.memref_squeeze %dma_wait3A_150 : memref<1x128xi32, #tpu.memory_space<vmem>> -> memref<128xi32, #tpu.memory_space<vmem>>
      %dma_wait3A_152 = arith.constant 0 : i32
      %dma_wait3A_153 = arith.constant 0 : i32
      %dma_wait3A_154 = tpu.memref_slice %arg10[%dma_wait3A_152, %dma_wait3A_153] : memref<10240x64xf32, #tpu.memory_space<vmem_shared>> -> memref<10240x64xf32, #tpu.memory_space<vmem_shared>>
      tpu.wait_indirect_dma semaphore(%arg12 : memref<!tpu.dma_semaphore, #tpu.memory_space<semaphore_mem>>) src(%dma_wait3A_154 : memref<10240x64xf32, #tpu.memory_space<vmem_shared>>) dst(%arg8 : memref<128x64xf32, #tpu.memory_space<vmem>>)
      "tpu.region"() ({
        %run_scoped3A_181 = tpu.sem_alloc : memref<!tpu.dma_semaphore, #tpu.memory_space<semaphore_mem>>
        %dma_start3A_182 = arith.constant 0 : i32
        %dma_start3A_183 = tpu.memref_slice %arg7[%mul3A_148, %dma_start3A_182] : memref<80x128xi32, #tpu.memory_space<vmem>> -> memref<1x128xi32, #tpu.memory_space<vmem>>
        %dma_start3A_184 = tpu.memref_squeeze %dma_start3A_183 : memref<1x128xi32, #tpu.memory_space<vmem>> -> memref<128xi32, #tpu.memory_space<vmem>>
        %dma_start3A_185 = arith.constant 0 : i32
        %dma_start3A_186 = arith.constant 0 : i32
        %dma_start3A_187 = tpu.memref_slice %arg11[%dma_start3A_185, %dma_start3A_186] : memref<10240x64xf32, #tpu.memory_space<vmem_shared>> -> memref<10240x64xf32, #tpu.memory_space<vmem_shared>>
        tpu.enqueue_indirect_dma source(%arg8 : memref<128x64xf32, #tpu.memory_space<vmem>>) target(%dma_start3A_187 : memref<10240x64xf32, #tpu.memory_space<vmem_shared>>) offsets(%dma_start3A_184 : memref<128xi32, #tpu.memory_space<vmem>>) semaphore(%run_scoped3A_181 : memref<!tpu.dma_semaphore, #tpu.memory_space<semaphore_mem>>) {add = true}
        %dma_wait3A_188 = arith.constant 0 : i32
        %dma_wait3A_189 = tpu.memref_slice %arg7[%mul3A_148, %dma_wait3A_188] : memref<80x128xi32, #tpu.memory_space<vmem>> -> memref<1x128xi32, #tpu.memory_space<vmem>>
        %dma_wait3A_190 = tpu.memref_squeeze %dma_wait3A_189 : memref<1x128xi32, #tpu.memory_space<vmem>> -> memref<128xi32, #tpu.memory_space<vmem>>
        %dma_wait3A_191 = arith.constant 0 : i32
        %dma_wait3A_192 = arith.constant 0 : i32
        %dma_wait3A_193 = tpu.memref_slice %arg11[%dma_wait3A_191, %dma_wait3A_192] : memref<10240x64xf32, #tpu.memory_space<vmem_shared>> -> memref<10240x64xf32, #tpu.memory_space<vmem_shared>>
        tpu.wait_indirect_dma semaphore(%run_scoped3A_181 : memref<!tpu.dma_semaphore, #tpu.memory_space<semaphore_mem>>) src(%arg8 : memref<128x64xf32, #tpu.memory_space<vmem>>) dst(%dma_wait3A_193 : memref<10240x64xf32, #tpu.memory_space<vmem_shared>>)
        tpu.yield
      }) : () -> ()
      %add3A_155 = arith.constant 2 : i32
      %add3A_156 = arith.addi %mul3A_148, %add3A_155 : i32
      %dma_start3A_157 = arith.constant 0 : i32
      %dma_start3A_158 = tpu.memref_slice %arg6[%add3A_156, %dma_start3A_157] : memref<80x128xi32, #tpu.memory_space<vmem>> -> memref<1x128xi32, #tpu.memory_space<vmem>>
      %dma_start3A_159 = tpu.memref_squeeze %dma_start3A_158 : memref<1x128xi32, #tpu.memory_space<vmem>> -> memref<128xi32, #tpu.memory_space<vmem>>
      %dma_start3A_160 = arith.constant 0 : i32
      %dma_start3A_161 = arith.constant 0 : i32
      %dma_start3A_162 = tpu.memref_slice %arg10[%dma_start3A_160, %dma_start3A_161] : memref<10240x64xf32, #tpu.memory_space<vmem_shared>> -> memref<10240x64xf32, #tpu.memory_space<vmem_shared>>
      tpu.enqueue_indirect_dma source(%dma_start3A_162 : memref<10240x64xf32, #tpu.memory_space<vmem_shared>>) target(%arg8 : memref<128x64xf32, #tpu.memory_space<vmem>>) offsets(%dma_start3A_159 : memref<128xi32, #tpu.memory_space<vmem>>) semaphore(%arg12 : memref<!tpu.dma_semaphore, #tpu.memory_space<semaphore_mem>>)
      %add3A_163 = arith.constant 1 : i32
      %add3A_164 = arith.addi %mul3A_148, %add3A_163 : i32
      %dma_wait3A_165 = arith.constant 0 : i32
      %dma_wait3A_166 = tpu.memref_slice %arg6[%add3A_164, %dma_wait3A_165] : memref<80x128xi32, #tpu.memory_space<vmem>> -> memref<1x128xi32, #tpu.memory_space<vmem>>
      %dma_wait3A_167 = tpu.memref_squeeze %dma_wait3A_166 : memref<1x128xi32, #tpu.memory_space<vmem>> -> memref<128xi32, #tpu.memory_space<vmem>>
      %dma_wait3A_168 = arith.constant 0 : i32
      %dma_wait3A_169 = arith.constant 0 : i32
      %dma_wait3A_170 = tpu.memref_slice %arg10[%dma_wait3A_168, %dma_wait3A_169] : memref<10240x64xf32, #tpu.memory_space<vmem_shared>> -> memref<10240x64xf32, #tpu.memory_space<vmem_shared>>
      tpu.wait_indirect_dma semaphore(%arg13 : memref<!tpu.dma_semaphore, #tpu.memory_space<semaphore_mem>>) src(%dma_wait3A_170 : memref<10240x64xf32, #tpu.memory_space<vmem_shared>>) dst(%arg9 : memref<128x64xf32, #tpu.memory_space<vmem>>)
      %add3A_171 = arith.constant 1 : i32
      %add3A_172 = arith.addi %mul3A_148, %add3A_171 : i32
      "tpu.region"() ({
        %run_scoped3A_181 = tpu.sem_alloc : memref<!tpu.dma_semaphore, #tpu.memory_space<semaphore_mem>>
        %dma_start3A_182 = arith.constant 0 : i32
        %dma_start3A_183 = tpu.memref_slice %arg7[%add3A_172, %dma_start3A_182] : memref<80x128xi32, #tpu.memory_space<vmem>> -> memref<1x128xi32, #tpu.memory_space<vmem>>
        %dma_start3A_184 = tpu.memref_squeeze %dma_start3A_183 : memref<1x128xi32, #tpu.memory_space<vmem>> -> memref<128xi32, #tpu.memory_space<vmem>>
        %dma_start3A_185 = arith.constant 0 : i32
        %dma_start3A_186 = arith.constant 0 : i32
        %dma_start3A_187 = tpu.memref_slice %arg11[%dma_start3A_185, %dma_start3A_186] : memref<10240x64xf32, #tpu.memory_space<vmem_shared>> -> memref<10240x64xf32, #tpu.memory_space<vmem_shared>>
        tpu.enqueue_indirect_dma source(%arg9 : memref<128x64xf32, #tpu.memory_space<vmem>>) target(%dma_start3A_187 : memref<10240x64xf32, #tpu.memory_space<vmem_shared>>) offsets(%dma_start3A_184 : memref<128xi32, #tpu.memory_space<vmem>>) semaphore(%run_scoped3A_181 : memref<!tpu.dma_semaphore, #tpu.memory_space<semaphore_mem>>) {add = true}
        %dma_wait3A_188 = arith.constant 0 : i32
        %dma_wait3A_189 = tpu.memref_slice %arg7[%add3A_172, %dma_wait3A_188] : memref<80x128xi32, #tpu.memory_space<vmem>> -> memref<1x128xi32, #tpu.memory_space<vmem>>
        %dma_wait3A_190 = tpu.memref_squeeze %dma_wait3A_189 : memref<1x128xi32, #tpu.memory_space<vmem>> -> memref<128xi32, #tpu.memory_space<vmem>>
        %dma_wait3A_191 = arith.constant 0 : i32
        %dma_wait3A_192 = arith.constant 0 : i32
        %dma_wait3A_193 = tpu.memref_slice %arg11[%dma_wait3A_191, %dma_wait3A_192] : memref<10240x64xf32, #tpu.memory_space<vmem_shared>> -> memref<10240x64xf32, #tpu.memory_space<vmem_shared>>
        tpu.wait_indirect_dma semaphore(%run_scoped3A_181 : memref<!tpu.dma_semaphore, #tpu.memory_space<semaphore_mem>>) src(%arg9 : memref<128x64xf32, #tpu.memory_space<vmem>>) dst(%dma_wait3A_193 : memref<10240x64xf32, #tpu.memory_space<vmem_shared>>)
        tpu.yield
      }) : () -> ()
      %add3A_173 = arith.constant 3 : i32
      %add3A_174 = arith.addi %mul3A_148, %add3A_173 : i32
      %dma_start3A_175 = arith.constant 0 : i32
      %dma_start3A_176 = tpu.memref_slice %arg6[%add3A_174, %dma_start3A_175] : memref<80x128xi32, #tpu.memory_space<vmem>> -> memref<1x128xi32, #tpu.memory_space<vmem>>
      %dma_start3A_177 = tpu.memref_squeeze %dma_start3A_176 : memref<1x128xi32, #tpu.memory_space<vmem>> -> memref<128xi32, #tpu.memory_space<vmem>>
      %dma_start3A_178 = arith.constant 0 : i32
      %dma_start3A_179 = arith.constant 0 : i32
      %dma_start3A_180 = tpu.memref_slice %arg10[%dma_start3A_178, %dma_start3A_179] : memref<10240x64xf32, #tpu.memory_space<vmem_shared>> -> memref<10240x64xf32, #tpu.memory_space<vmem_shared>>
      tpu.enqueue_indirect_dma source(%dma_start3A_180 : memref<10240x64xf32, #tpu.memory_space<vmem_shared>>) target(%arg9 : memref<128x64xf32, #tpu.memory_space<vmem>>) offsets(%dma_start3A_177 : memref<128xi32, #tpu.memory_space<vmem>>) semaphore(%arg13 : memref<!tpu.dma_semaphore, #tpu.memory_space<semaphore_mem>>)
    }
    %scan3A_88 = arith.constant 39 : i32
    %dma_wait3A_89 = arith.constant 78 : i32
    %dma_wait3A_90 = arith.constant 0 : i32
    %dma_wait3A_91 = tpu.memref_slice %arg6[%dma_wait3A_89, %dma_wait3A_90] : memref<80x128xi32, #tpu.memory_space<vmem>> -> memref<1x128xi32, #tpu.memory_space<vmem>>
    %dma_wait3A_92 = tpu.memref_squeeze %dma_wait3A_91 : memref<1x128xi32, #tpu.memory_space<vmem>> -> memref<128xi32, #tpu.memory_space<vmem>>
    %dma_wait3A_93 = arith.constant 0 : i32
    %dma_wait3A_94 = arith.constant 0 : i32
    %dma_wait3A_95 = tpu.memref_slice %arg10[%dma_wait3A_93, %dma_wait3A_94] : memref<10240x64xf32, #tpu.memory_space<vmem_shared>> -> memref<10240x64xf32, #tpu.memory_space<vmem_shared>>
    tpu.wait_indirect_dma semaphore(%arg12 : memref<!tpu.dma_semaphore, #tpu.memory_space<semaphore_mem>>) src(%dma_wait3A_95 : memref<10240x64xf32, #tpu.memory_space<vmem_shared>>) dst(%arg8 : memref<128x64xf32, #tpu.memory_space<vmem>>)
    %run_scoped3A_96 = arith.constant 78 : i32
    "tpu.region"() ({
      %run_scoped3A_146 = tpu.sem_alloc : memref<!tpu.dma_semaphore, #tpu.memory_space<semaphore_mem>>
      %dma_start3A_147 = arith.constant 0 : i32
      %dma_start3A_148 = tpu.memref_slice %arg7[%run_scoped3A_96, %dma_start3A_147] : memref<80x128xi32, #tpu.memory_space<vmem>> -> memref<1x128xi32, #tpu.memory_space<vmem>>
      %dma_start3A_149 = tpu.memref_squeeze %dma_start3A_148 : memref<1x128xi32, #tpu.memory_space<vmem>> -> memref<128xi32, #tpu.memory_space<vmem>>
      %dma_start3A_150 = arith.constant 0 : i32
      %dma_start3A_151 = arith.constant 0 : i32
      %dma_start3A_152 = tpu.memref_slice %arg11[%dma_start3A_150, %dma_start3A_151] : memref<10240x64xf32, #tpu.memory_space<vmem_shared>> -> memref<10240x64xf32, #tpu.memory_space<vmem_shared>>
      tpu.enqueue_indirect_dma source(%arg8 : memref<128x64xf32, #tpu.memory_space<vmem>>) target(%dma_start3A_152 : memref<10240x64xf32, #tpu.memory_space<vmem_shared>>) offsets(%dma_start3A_149 : memref<128xi32, #tpu.memory_space<vmem>>) semaphore(%run_scoped3A_146 : memref<!tpu.dma_semaphore, #tpu.memory_space<semaphore_mem>>) {add = true}
      %dma_wait3A_153 = arith.constant 0 : i32
      %dma_wait3A_154 = tpu.memref_slice %arg7[%run_scoped3A_96, %dma_wait3A_153] : memref<80x128xi32, #tpu.memory_space<vmem>> -> memref<1x128xi32, #tpu.memory_space<vmem>>
      %dma_wait3A_155 = tpu.memref_squeeze %dma_wait3A_154 : memref<1x128xi32, #tpu.memory_space<vmem>> -> memref<128xi32, #tpu.memory_space<vmem>>
      %dma_wait3A_156 = arith.constant 0 : i32
      %dma_wait3A_157 = arith.constant 0 : i32
      %dma_wait3A_158 = tpu.memref_slice %arg11[%dma_wait3A_156, %dma_wait3A_157] : memref<10240x64xf32, #tpu.memory_space<vmem_shared>> -> memref<10240x64xf32, #tpu.memory_space<vmem_shared>>
      tpu.wait_indirect_dma semaphore(%run_scoped3A_146 : memref<!tpu.dma_semaphore, #tpu.memory_space<semaphore_mem>>) src(%arg8 : memref<128x64xf32, #tpu.memory_space<vmem>>) dst(%dma_wait3A_158 : memref<10240x64xf32, #tpu.memory_space<vmem_shared>>)
      tpu.yield
    }) : () -> ()
    %dma_wait3A_97 = arith.constant 79 : i32
    %dma_wait3A_98 = arith.constant 0 : i32
    %dma_wait3A_99 = tpu.memref_slice %arg6[%dma_wait3A_97, %dma_wait3A_98] : memref<80x128xi32, #tpu.memory_space<vmem>> -> memref<1x128xi32, #tpu.memory_space<vmem>>
    %dma_wait3A_100 = tpu.memref_squeeze %dma_wait3A_99 : memref<1x128xi32, #tpu.memory_space<vmem>> -> memref<128xi32, #tpu.memory_space<vmem>>
    %dma_wait3A_101 = arith.constant 0 : i32
    %dma_wait3A_102 = arith.constant 0 : i32
    %dma_wait3A_103 = tpu.memref_slice %arg10[%dma_wait3A_101, %dma_wait3A_102] : memref<10240x64xf32, #tpu.memory_space<vmem_shared>> -> memref<10240x64xf32, #tpu.memory_space<vmem_shared>>
    tpu.wait_indirect_dma semaphore(%arg13 : memref<!tpu.dma_semaphore, #tpu.memory_space<semaphore_mem>>) src(%dma_wait3A_103 : memref<10240x64xf32, #tpu.memory_space<vmem_shared>>) dst(%arg9 : memref<128x64xf32, #tpu.memory_space<vmem>>)
    %run_scoped3A_104 = arith.constant 79 : i32
    "tpu.region"() ({
      %run_scoped3A_146 = tpu.sem_alloc : memref<!tpu.dma_semaphore, #tpu.memory_space<semaphore_mem>>
      %dma_start3A_147 = arith.constant 0 : i32
      %dma_start3A_148 = tpu.memref_slice %arg7[%run_scoped3A_104, %dma_start3A_147] : memref<80x128xi32, #tpu.memory_space<vmem>> -> memref<1x128xi32, #tpu.memory_space<vmem>>
      %dma_start3A_149 = tpu.memref_squeeze %dma_start3A_148 : memref<1x128xi32, #tpu.memory_space<vmem>> -> memref<128xi32, #tpu.memory_space<vmem>>
      %dma_start3A_150 = arith.constant 0 : i32
      %dma_start3A_151 = arith.constant 0 : i32
      %dma_start3A_152 = tpu.memref_slice %arg11[%dma_start3A_150, %dma_start3A_151] : memref<10240x64xf32, #tpu.memory_space<vmem_shared>> -> memref<10240x64xf32, #tpu.memory_space<vmem_shared>>
      tpu.enqueue_indirect_dma source(%arg9 : memref<128x64xf32, #tpu.memory_space<vmem>>) target(%dma_start3A_152 : memref<10240x64xf32, #tpu.memory_space<vmem_shared>>) offsets(%dma_start3A_149 : memref<128xi32, #tpu.memory_space<vmem>>) semaphore(%run_scoped3A_146 : memref<!tpu.dma_semaphore, #tpu.memory_space<semaphore_mem>>) {add = true}
      %dma_wait3A_153 = arith.constant 0 : i32
      %dma_wait3A_154 = tpu.memref_slice %arg7[%run_scoped3A_104, %dma_wait3A_153] : memref<80x128xi32, #tpu.memory_space<vmem>> -> memref<1x128xi32, #tpu.memory_space<vmem>>
      %dma_wait3A_155 = tpu.memref_squeeze %dma_wait3A_154 : memref<1x128xi32, #tpu.memory_space<vmem>> -> memref<128xi32, #tpu.memory_space<vmem>>
      %dma_wait3A_156 = arith.constant 0 : i32
      %dma_wait3A_157 = arith.constant 0 : i32
      %dma_wait3A_158 = tpu.memref_slice %arg11[%dma_wait3A_156, %dma_wait3A_157] : memref<10240x64xf32, #tpu.memory_space<vmem_shared>> -> memref<10240x64xf32, #tpu.memory_space<vmem_shared>>
      tpu.wait_indirect_dma semaphore(%run_scoped3A_146 : memref<!tpu.dma_semaphore, #tpu.memory_space<semaphore_mem>>) src(%arg9 : memref<128x64xf32, #tpu.memory_space<vmem>>) dst(%dma_wait3A_158 : memref<10240x64xf32, #tpu.memory_space<vmem_shared>>)
      tpu.yield
    }) : () -> ()
    %barrier3A_105 = arith.constant 0 : index
    tpu.barrier barrier_id(%barrier3A_105)
    %mul3A_106 = arith.constant 640 : i32
    %mul3A_107 = arith.muli %arg1, %mul3A_106 : i32
    %add3A_108 = arith.constant 0 : i32
    %add3A_109 = arith.addi %mul3A_107, %add3A_108 : i32
    %mul3A_110 = arith.constant 640 : i32
    %mul3A_111 = arith.muli %arg1, %mul3A_110 : i32
    %add3A_112 = arith.constant 0 : i32
    %add3A_113 = arith.addi %mul3A_111, %add3A_112 : i32
    "tpu.region"() ({
      %run_scoped3A_146 = tpu.sem_alloc : memref<!tpu.dma_semaphore, #tpu.memory_space<semaphore_mem>>
      %dma_start3A_147 = arith.constant 0 : i32
      %dma_start3A_148 = tpu.memref_slice %arg5[%arg0, %add3A_113, %dma_start3A_147] : memref<2x10240x64xf32, #tpu.memory_space<hbm>> -> memref<1x128x64xf32, #tpu.memory_space<hbm>>
      %dma_start3A_149 = tpu.memref_squeeze %dma_start3A_148 : memref<1x128x64xf32, #tpu.memory_space<hbm>> -> memref<128x64xf32, #tpu.memory_space<hbm>>
      %dma_start3A_150 = arith.constant 0 : i32
      %dma_start3A_151 = tpu.memref_slice %arg11[%add3A_109, %dma_start3A_150] : memref<10240x64xf32, #tpu.memory_space<vmem_shared>> -> memref<128x64xf32, #tpu.memory_space<vmem_shared>>
      tpu.enqueue_dma source(%dma_start3A_151 : memref<128x64xf32, #tpu.memory_space<vmem_shared>>) target(%dma_start3A_149 : memref<128x64xf32, #tpu.memory_space<hbm>>) target_semaphore(%run_scoped3A_146 : memref<!tpu.dma_semaphore, #tpu.memory_space<semaphore_mem>>)
      %dma_wait3A_152 = arith.constant 0 : i32
      %dma_wait3A_153 = tpu.memref_slice %arg5[%arg0, %add3A_113, %dma_wait3A_152] : memref<2x10240x64xf32, #tpu.memory_space<hbm>> -> memref<1x128x64xf32, #tpu.memory_space<hbm>>
      %dma_wait3A_154 = tpu.memref_squeeze %dma_wait3A_153 : memref<1x128x64xf32, #tpu.memory_space<hbm>> -> memref<128x64xf32, #tpu.memory_space<hbm>>
      %dma_wait3A_155 = arith.constant 0 : i32
      %dma_wait3A_156 = tpu.memref_slice %arg11[%add3A_109, %dma_wait3A_155] : memref<10240x64xf32, #tpu.memory_space<vmem_shared>> -> memref<128x64xf32, #tpu.memory_space<vmem_shared>>
      tpu.wait_dma2 semaphore(%run_scoped3A_146 : memref<!tpu.dma_semaphore, #tpu.memory_space<semaphore_mem>>) src(%dma_wait3A_156 : memref<128x64xf32, #tpu.memory_space<vmem_shared>>) dst(%dma_wait3A_154 : memref<128x64xf32, #tpu.memory_space<hbm>>)
      tpu.yield
    }) : () -> ()
    %mul3A_114 = arith.constant 640 : i32
    %mul3A_115 = arith.muli %arg1, %mul3A_114 : i32
    %add3A_116 = arith.constant 128 : i32
    %add3A_117 = arith.addi %mul3A_115, %add3A_116 : i32
    %mul3A_118 = arith.constant 640 : i32
    %mul3A_119 = arith.muli %arg1, %mul3A_118 : i32
    %add3A_120 = arith.constant 128 : i32
    %add3A_121 = arith.addi %mul3A_119, %add3A_120 : i32
    "tpu.region"() ({
      %run_scoped3A_146 = tpu.sem_alloc : memref<!tpu.dma_semaphore, #tpu.memory_space<semaphore_mem>>
      %dma_start3A_147 = arith.constant 0 : i32
      %dma_start3A_148 = tpu.memref_slice %arg5[%arg0, %add3A_121, %dma_start3A_147] : memref<2x10240x64xf32, #tpu.memory_space<hbm>> -> memref<1x128x64xf32, #tpu.memory_space<hbm>>
      %dma_start3A_149 = tpu.memref_squeeze %dma_start3A_148 : memref<1x128x64xf32, #tpu.memory_space<hbm>> -> memref<128x64xf32, #tpu.memory_space<hbm>>
      %dma_start3A_150 = arith.constant 0 : i32
      %dma_start3A_151 = tpu.memref_slice %arg11[%add3A_117, %dma_start3A_150] : memref<10240x64xf32, #tpu.memory_space<vmem_shared>> -> memref<128x64xf32, #tpu.memory_space<vmem_shared>>
      tpu.enqueue_dma source(%dma_start3A_151 : memref<128x64xf32, #tpu.memory_space<vmem_shared>>) target(%dma_start3A_149 : memref<128x64xf32, #tpu.memory_space<hbm>>) target_semaphore(%run_scoped3A_146 : memref<!tpu.dma_semaphore, #tpu.memory_space<semaphore_mem>>)
      %dma_wait3A_152 = arith.constant 0 : i32
      %dma_wait3A_153 = tpu.memref_slice %arg5[%arg0, %add3A_121, %dma_wait3A_152] : memref<2x10240x64xf32, #tpu.memory_space<hbm>> -> memref<1x128x64xf32, #tpu.memory_space<hbm>>
      %dma_wait3A_154 = tpu.memref_squeeze %dma_wait3A_153 : memref<1x128x64xf32, #tpu.memory_space<hbm>> -> memref<128x64xf32, #tpu.memory_space<hbm>>
      %dma_wait3A_155 = arith.constant 0 : i32
      %dma_wait3A_156 = tpu.memref_slice %arg11[%add3A_117, %dma_wait3A_155] : memref<10240x64xf32, #tpu.memory_space<vmem_shared>> -> memref<128x64xf32, #tpu.memory_space<vmem_shared>>
      tpu.wait_dma2 semaphore(%run_scoped3A_146 : memref<!tpu.dma_semaphore, #tpu.memory_space<semaphore_mem>>) src(%dma_wait3A_156 : memref<128x64xf32, #tpu.memory_space<vmem_shared>>) dst(%dma_wait3A_154 : memref<128x64xf32, #tpu.memory_space<hbm>>)
      tpu.yield
    }) : () -> ()
    %mul3A_122 = arith.constant 640 : i32
    %mul3A_123 = arith.muli %arg1, %mul3A_122 : i32
    %add3A_124 = arith.constant 256 : i32
    %add3A_125 = arith.addi %mul3A_123, %add3A_124 : i32
    %mul3A_126 = arith.constant 640 : i32
    %mul3A_127 = arith.muli %arg1, %mul3A_126 : i32
    %add3A_128 = arith.constant 256 : i32
    %add3A_129 = arith.addi %mul3A_127, %add3A_128 : i32
    "tpu.region"() ({
      %run_scoped3A_146 = tpu.sem_alloc : memref<!tpu.dma_semaphore, #tpu.memory_space<semaphore_mem>>
      %dma_start3A_147 = arith.constant 0 : i32
      %dma_start3A_148 = tpu.memref_slice %arg5[%arg0, %add3A_129, %dma_start3A_147] : memref<2x10240x64xf32, #tpu.memory_space<hbm>> -> memref<1x128x64xf32, #tpu.memory_space<hbm>>
      %dma_start3A_149 = tpu.memref_squeeze %dma_start3A_148 : memref<1x128x64xf32, #tpu.memory_space<hbm>> -> memref<128x64xf32, #tpu.memory_space<hbm>>
      %dma_start3A_150 = arith.constant 0 : i32
      %dma_start3A_151 = tpu.memref_slice %arg11[%add3A_125, %dma_start3A_150] : memref<10240x64xf32, #tpu.memory_space<vmem_shared>> -> memref<128x64xf32, #tpu.memory_space<vmem_shared>>
      tpu.enqueue_dma source(%dma_start3A_151 : memref<128x64xf32, #tpu.memory_space<vmem_shared>>) target(%dma_start3A_149 : memref<128x64xf32, #tpu.memory_space<hbm>>) target_semaphore(%run_scoped3A_146 : memref<!tpu.dma_semaphore, #tpu.memory_space<semaphore_mem>>)
      %dma_wait3A_152 = arith.constant 0 : i32
      %dma_wait3A_153 = tpu.memref_slice %arg5[%arg0, %add3A_129, %dma_wait3A_152] : memref<2x10240x64xf32, #tpu.memory_space<hbm>> -> memref<1x128x64xf32, #tpu.memory_space<hbm>>
      %dma_wait3A_154 = tpu.memref_squeeze %dma_wait3A_153 : memref<1x128x64xf32, #tpu.memory_space<hbm>> -> memref<128x64xf32, #tpu.memory_space<hbm>>
      %dma_wait3A_155 = arith.constant 0 : i32
      %dma_wait3A_156 = tpu.memref_slice %arg11[%add3A_125, %dma_wait3A_155] : memref<10240x64xf32, #tpu.memory_space<vmem_shared>> -> memref<128x64xf32, #tpu.memory_space<vmem_shared>>
      tpu.wait_dma2 semaphore(%run_scoped3A_146 : memref<!tpu.dma_semaphore, #tpu.memory_space<semaphore_mem>>) src(%dma_wait3A_156 : memref<128x64xf32, #tpu.memory_space<vmem_shared>>) dst(%dma_wait3A_154 : memref<128x64xf32, #tpu.memory_space<hbm>>)
      tpu.yield
    }) : () -> ()
    %mul3A_130 = arith.constant 640 : i32
    %mul3A_131 = arith.muli %arg1, %mul3A_130 : i32
    %add3A_132 = arith.constant 384 : i32
    %add3A_133 = arith.addi %mul3A_131, %add3A_132 : i32
    %mul3A_134 = arith.constant 640 : i32
    %mul3A_135 = arith.muli %arg1, %mul3A_134 : i32
    %add3A_136 = arith.constant 384 : i32
    %add3A_137 = arith.addi %mul3A_135, %add3A_136 : i32
    "tpu.region"() ({
      %run_scoped3A_146 = tpu.sem_alloc : memref<!tpu.dma_semaphore, #tpu.memory_space<semaphore_mem>>
      %dma_start3A_147 = arith.constant 0 : i32
      %dma_start3A_148 = tpu.memref_slice %arg5[%arg0, %add3A_137, %dma_start3A_147] : memref<2x10240x64xf32, #tpu.memory_space<hbm>> -> memref<1x128x64xf32, #tpu.memory_space<hbm>>
      %dma_start3A_149 = tpu.memref_squeeze %dma_start3A_148 : memref<1x128x64xf32, #tpu.memory_space<hbm>> -> memref<128x64xf32, #tpu.memory_space<hbm>>
      %dma_start3A_150 = arith.constant 0 : i32
      %dma_start3A_151 = tpu.memref_slice %arg11[%add3A_133, %dma_start3A_150] : memref<10240x64xf32, #tpu.memory_space<vmem_shared>> -> memref<128x64xf32, #tpu.memory_space<vmem_shared>>
      tpu.enqueue_dma source(%dma_start3A_151 : memref<128x64xf32, #tpu.memory_space<vmem_shared>>) target(%dma_start3A_149 : memref<128x64xf32, #tpu.memory_space<hbm>>) target_semaphore(%run_scoped3A_146 : memref<!tpu.dma_semaphore, #tpu.memory_space<semaphore_mem>>)
      %dma_wait3A_152 = arith.constant 0 : i32
      %dma_wait3A_153 = tpu.memref_slice %arg5[%arg0, %add3A_137, %dma_wait3A_152] : memref<2x10240x64xf32, #tpu.memory_space<hbm>> -> memref<1x128x64xf32, #tpu.memory_space<hbm>>
      %dma_wait3A_154 = tpu.memref_squeeze %dma_wait3A_153 : memref<1x128x64xf32, #tpu.memory_space<hbm>> -> memref<128x64xf32, #tpu.memory_space<hbm>>
      %dma_wait3A_155 = arith.constant 0 : i32
      %dma_wait3A_156 = tpu.memref_slice %arg11[%add3A_133, %dma_wait3A_155] : memref<10240x64xf32, #tpu.memory_space<vmem_shared>> -> memref<128x64xf32, #tpu.memory_space<vmem_shared>>
      tpu.wait_dma2 semaphore(%run_scoped3A_146 : memref<!tpu.dma_semaphore, #tpu.memory_space<semaphore_mem>>) src(%dma_wait3A_156 : memref<128x64xf32, #tpu.memory_space<vmem_shared>>) dst(%dma_wait3A_154 : memref<128x64xf32, #tpu.memory_space<hbm>>)
      tpu.yield
    }) : () -> ()
    %mul3A_138 = arith.constant 640 : i32
    %mul3A_139 = arith.muli %arg1, %mul3A_138 : i32
    %add3A_140 = arith.constant 512 : i32
    %add3A_141 = arith.addi %mul3A_139, %add3A_140 : i32
    %mul3A_142 = arith.constant 640 : i32
    %mul3A_143 = arith.muli %arg1, %mul3A_142 : i32
    %add3A_144 = arith.constant 512 : i32
    %add3A_145 = arith.addi %mul3A_143, %add3A_144 : i32
    "tpu.region"() ({
      %run_scoped3A_146 = tpu.sem_alloc : memref<!tpu.dma_semaphore, #tpu.memory_space<semaphore_mem>>
      %dma_start3A_147 = arith.constant 0 : i32
      %dma_start3A_148 = tpu.memref_slice %arg5[%arg0, %add3A_145, %dma_start3A_147] : memref<2x10240x64xf32, #tpu.memory_space<hbm>> -> memref<1x128x64xf32, #tpu.memory_space<hbm>>
      %dma_start3A_149 = tpu.memref_squeeze %dma_start3A_148 : memref<1x128x64xf32, #tpu.memory_space<hbm>> -> memref<128x64xf32, #tpu.memory_space<hbm>>
      %dma_start3A_150 = arith.constant 0 : i32
      %dma_start3A_151 = tpu.memref_slice %arg11[%add3A_141, %dma_start3A_150] : memref<10240x64xf32, #tpu.memory_space<vmem_shared>> -> memref<128x64xf32, #tpu.memory_space<vmem_shared>>
      tpu.enqueue_dma source(%dma_start3A_151 : memref<128x64xf32, #tpu.memory_space<vmem_shared>>) target(%dma_start3A_149 : memref<128x64xf32, #tpu.memory_space<hbm>>) target_semaphore(%run_scoped3A_146 : memref<!tpu.dma_semaphore, #tpu.memory_space<semaphore_mem>>)
      %dma_wait3A_152 = arith.constant 0 : i32
      %dma_wait3A_153 = tpu.memref_slice %arg5[%arg0, %add3A_145, %dma_wait3A_152] : memref<2x10240x64xf32, #tpu.memory_space<hbm>> -> memref<1x128x64xf32, #tpu.memory_space<hbm>>
      %dma_wait3A_154 = tpu.memref_squeeze %dma_wait3A_153 : memref<1x128x64xf32, #tpu.memory_space<hbm>> -> memref<128x64xf32, #tpu.memory_space<hbm>>
      %dma_wait3A_155 = arith.constant 0 : i32
      %dma_wait3A_156 = tpu.memref_slice %arg11[%add3A_141, %dma_wait3A_155] : memref<10240x64xf32, #tpu.memory_space<vmem_shared>> -> memref<128x64xf32, #tpu.memory_space<vmem_shared>>
      tpu.wait_dma2 semaphore(%run_scoped3A_146 : memref<!tpu.dma_semaphore, #tpu.memory_space<semaphore_mem>>) src(%dma_wait3A_156 : memref<128x64xf32, #tpu.memory_space<vmem_shared>>) dst(%dma_wait3A_154 : memref<128x64xf32, #tpu.memory_space<hbm>>)
      tpu.yield
    }) : () -> ()
    return
  }
}

#map = affine_map<(d0, d1) -> (0, 0)>
#map1 = affine_map<(d0, d1) -> (0, 0, 0)>
module attributes {stable_mosaic.version = 14 : i64} {
  func.func @deg_kernel(%arg0: i32, %arg1: i32, %arg2: memref<2560x128xi32, #tpu.memory_space<hbm>>, %arg3: memref<2x10240x32xf32, #tpu.memory_space<hbm>>, %arg4: memref<80x128xi32, #tpu.memory_space<vmem>>, %arg5: memref<128x32xf32, #tpu.memory_space<vmem>>, %arg6: memref<10240x32xf32, #tpu.memory_space<vmem_shared>>) attributes {dimension_semantics = [#tpu.dimension_semantics<core_parallel>, #tpu.dimension_semantics<subcore_parallel>], iteration_bounds = array<i64: 2, 16>, scalar_prefetch = 0 : i64, scratch_operands = 3 : i64, tpu.core_type = #tpu.core_type<sc_vector_subcore>, window_params = [{transform_indices = #map}, {transform_indices = #map1}]} {
    %mul3A = arith.constant 16 : i32
    %mul3A_0 = arith.muli %arg0, %mul3A : i32
    %add3A = arith.addi %mul3A_0, %arg1 : i32
    %broadcast_in_dim3A = arith.constant 0.000000e+00 : f32
    %broadcast_in_dim3A_1 = vector.broadcast %broadcast_in_dim3A : f32 to vector<16xf32>
    %scan3A = arith.constant 0 : i32
    %scan3A_2 = arith.constant 0 : i32
    %scan3A_3 = arith.constant 128 : i32
    %scan3A_4 = arith.addi %scan3A_2, %scan3A_3 : i32
    %scan3A_5 = arith.constant 1 : i32
    scf.for %scan3A_84 = %scan3A_2 to %scan3A_4 step %scan3A_5  : i32 {
      %scan3A_85 = arith.constant 0 : i32
      %scan3A_86 = arith.constant 2 : i32
      %scan3A_87 = arith.addi %scan3A_85, %scan3A_86 : i32
      %scan3A_88 = arith.constant 1 : i32
      scf.for %scan3A_90 = %scan3A_85 to %scan3A_87 step %scan3A_88  : i32 {
        %mul3A_91 = arith.constant 16 : i32
        %mul3A_92 = arith.muli %scan3A_90, %mul3A_91 : i32
        %swap3A = arith.index_cast %scan3A_84 : i32 to index
        %swap3A_93 = arith.index_cast %mul3A_92 : i32 to index
        %swap3A_94 = tpu.vector_load %arg5[%swap3A, %swap3A_93] {strides = array<i32>} : memref<128x32xf32, #tpu.memory_space<vmem>>, vector<1x16xf32>,
        %swap3A_95 = vector.shape_cast %swap3A_94 : vector<1x16xf32> to vector<16xf32>
        %swap3A_96 = vector.shape_cast %broadcast_in_dim3A_1 : vector<16xf32> to vector<1x16xf32>
        tpu.vector_store %arg5[%swap3A, %swap3A_93], %swap3A_96 {strides = array<i32>} : memref<128x32xf32, #tpu.memory_space<vmem>>, vector<1x16xf32>,
      }
      %scan3A_89 = arith.constant 2 : i32
    }
    %scan3A_6 = arith.constant 128 : i32
    %mul3A_7 = arith.constant 640 : i32
    %mul3A_8 = arith.muli %arg1, %mul3A_7 : i32
    %add3A_9 = arith.constant 0 : i32
    %add3A_10 = arith.addi %mul3A_8, %add3A_9 : i32
    "tpu.region"() ({
      %run_scoped3A = tpu.sem_alloc : memref<!tpu.dma_semaphore, #tpu.memory_space<semaphore_mem>>
      %dma_start3A = arith.constant 0 : i32
      %dma_start3A_84 = tpu.memref_slice %arg6[%add3A_10, %dma_start3A] : memref<10240x32xf32, #tpu.memory_space<vmem_shared>> -> memref<128x32xf32, #tpu.memory_space<vmem_shared>>
      %dma_start3A_85 = arith.constant 0 : i32
      %dma_start3A_86 = tpu.memref_slice %arg6[%add3A_10, %dma_start3A_85] : memref<10240x32xf32, #tpu.memory_space<vmem_shared>> -> memref<128x32xf32, #tpu.memory_space<vmem_shared>>
      tpu.enqueue_dma source(%arg5 : memref<128x32xf32, #tpu.memory_space<vmem>>) target(%dma_start3A_86 : memref<128x32xf32, #tpu.memory_space<vmem_shared>>) target_semaphore(%run_scoped3A : memref<!tpu.dma_semaphore, #tpu.memory_space<semaphore_mem>>)
      %dma_wait3A = arith.constant 0 : i32
      %dma_wait3A_87 = tpu.memref_slice %arg6[%add3A_10, %dma_wait3A] : memref<10240x32xf32, #tpu.memory_space<vmem_shared>> -> memref<128x32xf32, #tpu.memory_space<vmem_shared>>
      %dma_wait3A_88 = arith.constant 0 : i32
      %dma_wait3A_89 = tpu.memref_slice %arg6[%add3A_10, %dma_wait3A_88] : memref<10240x32xf32, #tpu.memory_space<vmem_shared>> -> memref<128x32xf32, #tpu.memory_space<vmem_shared>>
      tpu.wait_dma2 semaphore(%run_scoped3A : memref<!tpu.dma_semaphore, #tpu.memory_space<semaphore_mem>>) src(%arg5 : memref<128x32xf32, #tpu.memory_space<vmem>>) dst(%dma_wait3A_89 : memref<128x32xf32, #tpu.memory_space<vmem_shared>>)
      tpu.yield
    }) : () -> ()
    %mul3A_11 = arith.constant 640 : i32
    %mul3A_12 = arith.muli %arg1, %mul3A_11 : i32
    %add3A_13 = arith.constant 128 : i32
    %add3A_14 = arith.addi %mul3A_12, %add3A_13 : i32
    "tpu.region"() ({
      %run_scoped3A = tpu.sem_alloc : memref<!tpu.dma_semaphore, #tpu.memory_space<semaphore_mem>>
      %dma_start3A = arith.constant 0 : i32
      %dma_start3A_84 = tpu.memref_slice %arg6[%add3A_14, %dma_start3A] : memref<10240x32xf32, #tpu.memory_space<vmem_shared>> -> memref<128x32xf32, #tpu.memory_space<vmem_shared>>
      %dma_start3A_85 = arith.constant 0 : i32
      %dma_start3A_86 = tpu.memref_slice %arg6[%add3A_14, %dma_start3A_85] : memref<10240x32xf32, #tpu.memory_space<vmem_shared>> -> memref<128x32xf32, #tpu.memory_space<vmem_shared>>
      tpu.enqueue_dma source(%arg5 : memref<128x32xf32, #tpu.memory_space<vmem>>) target(%dma_start3A_86 : memref<128x32xf32, #tpu.memory_space<vmem_shared>>) target_semaphore(%run_scoped3A : memref<!tpu.dma_semaphore, #tpu.memory_space<semaphore_mem>>)
      %dma_wait3A = arith.constant 0 : i32
      %dma_wait3A_87 = tpu.memref_slice %arg6[%add3A_14, %dma_wait3A] : memref<10240x32xf32, #tpu.memory_space<vmem_shared>> -> memref<128x32xf32, #tpu.memory_space<vmem_shared>>
      %dma_wait3A_88 = arith.constant 0 : i32
      %dma_wait3A_89 = tpu.memref_slice %arg6[%add3A_14, %dma_wait3A_88] : memref<10240x32xf32, #tpu.memory_space<vmem_shared>> -> memref<128x32xf32, #tpu.memory_space<vmem_shared>>
      tpu.wait_dma2 semaphore(%run_scoped3A : memref<!tpu.dma_semaphore, #tpu.memory_space<semaphore_mem>>) src(%arg5 : memref<128x32xf32, #tpu.memory_space<vmem>>) dst(%dma_wait3A_89 : memref<128x32xf32, #tpu.memory_space<vmem_shared>>)
      tpu.yield
    }) : () -> ()
    %mul3A_15 = arith.constant 640 : i32
    %mul3A_16 = arith.muli %arg1, %mul3A_15 : i32
    %add3A_17 = arith.constant 256 : i32
    %add3A_18 = arith.addi %mul3A_16, %add3A_17 : i32
    "tpu.region"() ({
      %run_scoped3A = tpu.sem_alloc : memref<!tpu.dma_semaphore, #tpu.memory_space<semaphore_mem>>
      %dma_start3A = arith.constant 0 : i32
      %dma_start3A_84 = tpu.memref_slice %arg6[%add3A_18, %dma_start3A] : memref<10240x32xf32, #tpu.memory_space<vmem_shared>> -> memref<128x32xf32, #tpu.memory_space<vmem_shared>>
      %dma_start3A_85 = arith.constant 0 : i32
      %dma_start3A_86 = tpu.memref_slice %arg6[%add3A_18, %dma_start3A_85] : memref<10240x32xf32, #tpu.memory_space<vmem_shared>> -> memref<128x32xf32, #tpu.memory_space<vmem_shared>>
      tpu.enqueue_dma source(%arg5 : memref<128x32xf32, #tpu.memory_space<vmem>>) target(%dma_start3A_86 : memref<128x32xf32, #tpu.memory_space<vmem_shared>>) target_semaphore(%run_scoped3A : memref<!tpu.dma_semaphore, #tpu.memory_space<semaphore_mem>>)
      %dma_wait3A = arith.constant 0 : i32
      %dma_wait3A_87 = tpu.memref_slice %arg6[%add3A_18, %dma_wait3A] : memref<10240x32xf32, #tpu.memory_space<vmem_shared>> -> memref<128x32xf32, #tpu.memory_space<vmem_shared>>
      %dma_wait3A_88 = arith.constant 0 : i32
      %dma_wait3A_89 = tpu.memref_slice %arg6[%add3A_18, %dma_wait3A_88] : memref<10240x32xf32, #tpu.memory_space<vmem_shared>> -> memref<128x32xf32, #tpu.memory_space<vmem_shared>>
      tpu.wait_dma2 semaphore(%run_scoped3A : memref<!tpu.dma_semaphore, #tpu.memory_space<semaphore_mem>>) src(%arg5 : memref<128x32xf32, #tpu.memory_space<vmem>>) dst(%dma_wait3A_89 : memref<128x32xf32, #tpu.memory_space<vmem_shared>>)
      tpu.yield
    }) : () -> ()
    %mul3A_19 = arith.constant 640 : i32
    %mul3A_20 = arith.muli %arg1, %mul3A_19 : i32
    %add3A_21 = arith.constant 384 : i32
    %add3A_22 = arith.addi %mul3A_20, %add3A_21 : i32
    "tpu.region"() ({
      %run_scoped3A = tpu.sem_alloc : memref<!tpu.dma_semaphore, #tpu.memory_space<semaphore_mem>>
      %dma_start3A = arith.constant 0 : i32
      %dma_start3A_84 = tpu.memref_slice %arg6[%add3A_22, %dma_start3A] : memref<10240x32xf32, #tpu.memory_space<vmem_shared>> -> memref<128x32xf32, #tpu.memory_space<vmem_shared>>
      %dma_start3A_85 = arith.constant 0 : i32
      %dma_start3A_86 = tpu.memref_slice %arg6[%add3A_22, %dma_start3A_85] : memref<10240x32xf32, #tpu.memory_space<vmem_shared>> -> memref<128x32xf32, #tpu.memory_space<vmem_shared>>
      tpu.enqueue_dma source(%arg5 : memref<128x32xf32, #tpu.memory_space<vmem>>) target(%dma_start3A_86 : memref<128x32xf32, #tpu.memory_space<vmem_shared>>) target_semaphore(%run_scoped3A : memref<!tpu.dma_semaphore, #tpu.memory_space<semaphore_mem>>)
      %dma_wait3A = arith.constant 0 : i32
      %dma_wait3A_87 = tpu.memref_slice %arg6[%add3A_22, %dma_wait3A] : memref<10240x32xf32, #tpu.memory_space<vmem_shared>> -> memref<128x32xf32, #tpu.memory_space<vmem_shared>>
      %dma_wait3A_88 = arith.constant 0 : i32
      %dma_wait3A_89 = tpu.memref_slice %arg6[%add3A_22, %dma_wait3A_88] : memref<10240x32xf32, #tpu.memory_space<vmem_shared>> -> memref<128x32xf32, #tpu.memory_space<vmem_shared>>
      tpu.wait_dma2 semaphore(%run_scoped3A : memref<!tpu.dma_semaphore, #tpu.memory_space<semaphore_mem>>) src(%arg5 : memref<128x32xf32, #tpu.memory_space<vmem>>) dst(%dma_wait3A_89 : memref<128x32xf32, #tpu.memory_space<vmem_shared>>)
      tpu.yield
    }) : () -> ()
    %mul3A_23 = arith.constant 640 : i32
    %mul3A_24 = arith.muli %arg1, %mul3A_23 : i32
    %add3A_25 = arith.constant 512 : i32
    %add3A_26 = arith.addi %mul3A_24, %add3A_25 : i32
    "tpu.region"() ({
      %run_scoped3A = tpu.sem_alloc : memref<!tpu.dma_semaphore, #tpu.memory_space<semaphore_mem>>
      %dma_start3A = arith.constant 0 : i32
      %dma_start3A_84 = tpu.memref_slice %arg6[%add3A_26, %dma_start3A] : memref<10240x32xf32, #tpu.memory_space<vmem_shared>> -> memref<128x32xf32, #tpu.memory_space<vmem_shared>>
      %dma_start3A_85 = arith.constant 0 : i32
      %dma_start3A_86 = tpu.memref_slice %arg6[%add3A_26, %dma_start3A_85] : memref<10240x32xf32, #tpu.memory_space<vmem_shared>> -> memref<128x32xf32, #tpu.memory_space<vmem_shared>>
      tpu.enqueue_dma source(%arg5 : memref<128x32xf32, #tpu.memory_space<vmem>>) target(%dma_start3A_86 : memref<128x32xf32, #tpu.memory_space<vmem_shared>>) target_semaphore(%run_scoped3A : memref<!tpu.dma_semaphore, #tpu.memory_space<semaphore_mem>>)
      %dma_wait3A = arith.constant 0 : i32
      %dma_wait3A_87 = tpu.memref_slice %arg6[%add3A_26, %dma_wait3A] : memref<10240x32xf32, #tpu.memory_space<vmem_shared>> -> memref<128x32xf32, #tpu.memory_space<vmem_shared>>
      %dma_wait3A_88 = arith.constant 0 : i32
      %dma_wait3A_89 = tpu.memref_slice %arg6[%add3A_26, %dma_wait3A_88] : memref<10240x32xf32, #tpu.memory_space<vmem_shared>> -> memref<128x32xf32, #tpu.memory_space<vmem_shared>>
      tpu.wait_dma2 semaphore(%run_scoped3A : memref<!tpu.dma_semaphore, #tpu.memory_space<semaphore_mem>>) src(%arg5 : memref<128x32xf32, #tpu.memory_space<vmem>>) dst(%dma_wait3A_89 : memref<128x32xf32, #tpu.memory_space<vmem_shared>>)
      tpu.yield
    }) : () -> ()
    %broadcast_in_dim3A_27 = arith.constant 1.000000e+00 : f32
    %broadcast_in_dim3A_28 = vector.broadcast %broadcast_in_dim3A_27 : f32 to vector<16xf32>
    %scan3A_29 = arith.constant 0 : i32
    %scan3A_30 = arith.constant 0 : i32
    %scan3A_31 = arith.constant 128 : i32
    %scan3A_32 = arith.addi %scan3A_30, %scan3A_31 : i32
    %scan3A_33 = arith.constant 1 : i32
    scf.for %scan3A_84 = %scan3A_30 to %scan3A_32 step %scan3A_33  : i32 {
      %scan3A_85 = arith.constant 0 : i32
      %scan3A_86 = arith.constant 2 : i32
      %scan3A_87 = arith.addi %scan3A_85, %scan3A_86 : i32
      %scan3A_88 = arith.constant 1 : i32
      scf.for %scan3A_90 = %scan3A_85 to %scan3A_87 step %scan3A_88  : i32 {
        %mul3A_91 = arith.constant 16 : i32
        %mul3A_92 = arith.muli %scan3A_90, %mul3A_91 : i32
        %swap3A = arith.index_cast %scan3A_84 : i32 to index
        %swap3A_93 = arith.index_cast %mul3A_92 : i32 to index
        %swap3A_94 = tpu.vector_load %arg5[%swap3A, %swap3A_93] {strides = array<i32>} : memref<128x32xf32, #tpu.memory_space<vmem>>, vector<1x16xf32>,
        %swap3A_95 = vector.shape_cast %swap3A_94 : vector<1x16xf32> to vector<16xf32>
        %swap3A_96 = vector.shape_cast %broadcast_in_dim3A_28 : vector<16xf32> to vector<1x16xf32>
        tpu.vector_store %arg5[%swap3A, %swap3A_93], %swap3A_96 {strides = array<i32>} : memref<128x32xf32, #tpu.memory_space<vmem>>, vector<1x16xf32>,
      }
      %scan3A_89 = arith.constant 2 : i32
    }
    %scan3A_34 = arith.constant 128 : i32
    %mul3A_35 = arith.constant 80 : i32
    %mul3A_36 = arith.muli %add3A, %mul3A_35 : i32
    "tpu.region"() ({
      %run_scoped3A = tpu.sem_alloc : memref<!tpu.dma_semaphore, #tpu.memory_space<semaphore_mem>>
      %dma_start3A = arith.constant 0 : i32
      %dma_start3A_84 = tpu.memref_slice %arg2[%mul3A_36, %dma_start3A] : memref<2560x128xi32, #tpu.memory_space<hbm>> -> memref<80x128xi32, #tpu.memory_space<hbm>>
      %dma_start3A_85 = arith.constant 0 : i32
      %dma_start3A_86 = tpu.memref_slice %arg2[%mul3A_36, %dma_start3A_85] : memref<2560x128xi32, #tpu.memory_space<hbm>> -> memref<80x128xi32, #tpu.memory_space<hbm>>
      tpu.enqueue_dma source(%dma_start3A_86 : memref<80x128xi32, #tpu.memory_space<hbm>>) target(%arg4 : memref<80x128xi32, #tpu.memory_space<vmem>>) target_semaphore(%run_scoped3A : memref<!tpu.dma_semaphore, #tpu.memory_space<semaphore_mem>>)
      %dma_wait3A = arith.constant 0 : i32
      %dma_wait3A_87 = tpu.memref_slice %arg2[%mul3A_36, %dma_wait3A] : memref<2560x128xi32, #tpu.memory_space<hbm>> -> memref<80x128xi32, #tpu.memory_space<hbm>>
      %dma_wait3A_88 = arith.constant 0 : i32
      %dma_wait3A_89 = tpu.memref_slice %arg2[%mul3A_36, %dma_wait3A_88] : memref<2560x128xi32, #tpu.memory_space<hbm>> -> memref<80x128xi32, #tpu.memory_space<hbm>>
      tpu.wait_dma2 semaphore(%run_scoped3A : memref<!tpu.dma_semaphore, #tpu.memory_space<semaphore_mem>>) src(%dma_wait3A_89 : memref<80x128xi32, #tpu.memory_space<hbm>>) dst(%arg4 : memref<80x128xi32, #tpu.memory_space<vmem>>)
      tpu.yield
    }) : () -> ()
    %barrier3A = arith.constant 0 : index
    tpu.barrier barrier_id(%barrier3A)
    %scan3A_37 = arith.constant 0 : i32
    %scan3A_38 = arith.constant 0 : i32
    %scan3A_39 = arith.constant 80 : i32
    %scan3A_40 = arith.addi %scan3A_38, %scan3A_39 : i32
    %scan3A_41 = arith.constant 1 : i32
    scf.for %scan3A_84 = %scan3A_38 to %scan3A_40 step %scan3A_41  : i32 {
      "tpu.region"() ({
        %run_scoped3A = tpu.sem_alloc : memref<!tpu.dma_semaphore, #tpu.memory_space<semaphore_mem>>
        %dma_start3A = arith.constant 0 : i32
        %dma_start3A_85 = tpu.memref_slice %arg4[%scan3A_84, %dma_start3A] : memref<80x128xi32, #tpu.memory_space<vmem>> -> memref<1x128xi32, #tpu.memory_space<vmem>>
        %dma_start3A_86 = tpu.memref_squeeze %dma_start3A_85 : memref<1x128xi32, #tpu.memory_space<vmem>> -> memref<128xi32, #tpu.memory_space<vmem>>
        %dma_start3A_87 = arith.constant 0 : i32
        %dma_start3A_88 = arith.constant 0 : i32
        %dma_start3A_89 = tpu.memref_slice %arg6[%dma_start3A_87, %dma_start3A_88] : memref<10240x32xf32, #tpu.memory_space<vmem_shared>> -> memref<10240x32xf32, #tpu.memory_space<vmem_shared>>
        tpu.enqueue_indirect_dma source(%arg5 : memref<128x32xf32, #tpu.memory_space<vmem>>) target(%dma_start3A_89 : memref<10240x32xf32, #tpu.memory_space<vmem_shared>>) offsets(%dma_start3A_86 : memref<128xi32, #tpu.memory_space<vmem>>) semaphore(%run_scoped3A : memref<!tpu.dma_semaphore, #tpu.memory_space<semaphore_mem>>) {add = true}
        %dma_wait3A = arith.constant 0 : i32
        %dma_wait3A_90 = tpu.memref_slice %arg4[%scan3A_84, %dma_wait3A] : memref<80x128xi32, #tpu.memory_space<vmem>> -> memref<1x128xi32, #tpu.memory_space<vmem>>
        %dma_wait3A_91 = tpu.memref_squeeze %dma_wait3A_90 : memref<1x128xi32, #tpu.memory_space<vmem>> -> memref<128xi32, #tpu.memory_space<vmem>>
        %dma_wait3A_92 = arith.constant 0 : i32
        %dma_wait3A_93 = arith.constant 0 : i32
        %dma_wait3A_94 = tpu.memref_slice %arg6[%dma_wait3A_92, %dma_wait3A_93] : memref<10240x32xf32, #tpu.memory_space<vmem_shared>> -> memref<10240x32xf32, #tpu.memory_space<vmem_shared>>
        tpu.wait_indirect_dma semaphore(%run_scoped3A : memref<!tpu.dma_semaphore, #tpu.memory_space<semaphore_mem>>) src(%arg5 : memref<128x32xf32, #tpu.memory_space<vmem>>) dst(%dma_wait3A_94 : memref<10240x32xf32, #tpu.memory_space<vmem_shared>>)
        tpu.yield
      }) : () -> ()
    }
    %scan3A_42 = arith.constant 80 : i32
    %barrier3A_43 = arith.constant 0 : index
    tpu.barrier barrier_id(%barrier3A_43)
    %mul3A_44 = arith.constant 640 : i32
    %mul3A_45 = arith.muli %arg1, %mul3A_44 : i32
    %add3A_46 = arith.constant 0 : i32
    %add3A_47 = arith.addi %mul3A_45, %add3A_46 : i32
    %mul3A_48 = arith.constant 640 : i32
    %mul3A_49 = arith.muli %arg1, %mul3A_48 : i32
    %add3A_50 = arith.constant 0 : i32
    %add3A_51 = arith.addi %mul3A_49, %add3A_50 : i32
    "tpu.region"() ({
      %run_scoped3A = tpu.sem_alloc : memref<!tpu.dma_semaphore, #tpu.memory_space<semaphore_mem>>
      %dma_start3A = arith.constant 0 : i32
      %dma_start3A_84 = tpu.memref_slice %arg3[%arg0, %add3A_51, %dma_start3A] : memref<2x10240x32xf32, #tpu.memory_space<hbm>> -> memref<1x128x32xf32, #tpu.memory_space<hbm>>
      %dma_start3A_85 = tpu.memref_squeeze %dma_start3A_84 : memref<1x128x32xf32, #tpu.memory_space<hbm>> -> memref<128x32xf32, #tpu.memory_space<hbm>>
      %dma_start3A_86 = arith.constant 0 : i32
      %dma_start3A_87 = tpu.memref_slice %arg6[%add3A_47, %dma_start3A_86] : memref<10240x32xf32, #tpu.memory_space<vmem_shared>> -> memref<128x32xf32, #tpu.memory_space<vmem_shared>>
      tpu.enqueue_dma source(%dma_start3A_87 : memref<128x32xf32, #tpu.memory_space<vmem_shared>>) target(%dma_start3A_85 : memref<128x32xf32, #tpu.memory_space<hbm>>) target_semaphore(%run_scoped3A : memref<!tpu.dma_semaphore, #tpu.memory_space<semaphore_mem>>)
      %dma_wait3A = arith.constant 0 : i32
      %dma_wait3A_88 = tpu.memref_slice %arg3[%arg0, %add3A_51, %dma_wait3A] : memref<2x10240x32xf32, #tpu.memory_space<hbm>> -> memref<1x128x32xf32, #tpu.memory_space<hbm>>
      %dma_wait3A_89 = tpu.memref_squeeze %dma_wait3A_88 : memref<1x128x32xf32, #tpu.memory_space<hbm>> -> memref<128x32xf32, #tpu.memory_space<hbm>>
      %dma_wait3A_90 = arith.constant 0 : i32
      %dma_wait3A_91 = tpu.memref_slice %arg6[%add3A_47, %dma_wait3A_90] : memref<10240x32xf32, #tpu.memory_space<vmem_shared>> -> memref<128x32xf32, #tpu.memory_space<vmem_shared>>
      tpu.wait_dma2 semaphore(%run_scoped3A : memref<!tpu.dma_semaphore, #tpu.memory_space<semaphore_mem>>) src(%dma_wait3A_91 : memref<128x32xf32, #tpu.memory_space<vmem_shared>>) dst(%dma_wait3A_89 : memref<128x32xf32, #tpu.memory_space<hbm>>)
      tpu.yield
    }) : () -> ()
    %mul3A_52 = arith.constant 640 : i32
    %mul3A_53 = arith.muli %arg1, %mul3A_52 : i32
    %add3A_54 = arith.constant 128 : i32
    %add3A_55 = arith.addi %mul3A_53, %add3A_54 : i32
    %mul3A_56 = arith.constant 640 : i32
    %mul3A_57 = arith.muli %arg1, %mul3A_56 : i32
    %add3A_58 = arith.constant 128 : i32
    %add3A_59 = arith.addi %mul3A_57, %add3A_58 : i32
    "tpu.region"() ({
      %run_scoped3A = tpu.sem_alloc : memref<!tpu.dma_semaphore, #tpu.memory_space<semaphore_mem>>
      %dma_start3A = arith.constant 0 : i32
      %dma_start3A_84 = tpu.memref_slice %arg3[%arg0, %add3A_59, %dma_start3A] : memref<2x10240x32xf32, #tpu.memory_space<hbm>> -> memref<1x128x32xf32, #tpu.memory_space<hbm>>
      %dma_start3A_85 = tpu.memref_squeeze %dma_start3A_84 : memref<1x128x32xf32, #tpu.memory_space<hbm>> -> memref<128x32xf32, #tpu.memory_space<hbm>>
      %dma_start3A_86 = arith.constant 0 : i32
      %dma_start3A_87 = tpu.memref_slice %arg6[%add3A_55, %dma_start3A_86] : memref<10240x32xf32, #tpu.memory_space<vmem_shared>> -> memref<128x32xf32, #tpu.memory_space<vmem_shared>>
      tpu.enqueue_dma source(%dma_start3A_87 : memref<128x32xf32, #tpu.memory_space<vmem_shared>>) target(%dma_start3A_85 : memref<128x32xf32, #tpu.memory_space<hbm>>) target_semaphore(%run_scoped3A : memref<!tpu.dma_semaphore, #tpu.memory_space<semaphore_mem>>)
      %dma_wait3A = arith.constant 0 : i32
      %dma_wait3A_88 = tpu.memref_slice %arg3[%arg0, %add3A_59, %dma_wait3A] : memref<2x10240x32xf32, #tpu.memory_space<hbm>> -> memref<1x128x32xf32, #tpu.memory_space<hbm>>
      %dma_wait3A_89 = tpu.memref_squeeze %dma_wait3A_88 : memref<1x128x32xf32, #tpu.memory_space<hbm>> -> memref<128x32xf32, #tpu.memory_space<hbm>>
      %dma_wait3A_90 = arith.constant 0 : i32
      %dma_wait3A_91 = tpu.memref_slice %arg6[%add3A_55, %dma_wait3A_90] : memref<10240x32xf32, #tpu.memory_space<vmem_shared>> -> memref<128x32xf32, #tpu.memory_space<vmem_shared>>
      tpu.wait_dma2 semaphore(%run_scoped3A : memref<!tpu.dma_semaphore, #tpu.memory_space<semaphore_mem>>) src(%dma_wait3A_91 : memref<128x32xf32, #tpu.memory_space<vmem_shared>>) dst(%dma_wait3A_89 : memref<128x32xf32, #tpu.memory_space<hbm>>)
      tpu.yield
    }) : () -> ()
    %mul3A_60 = arith.constant 640 : i32
    %mul3A_61 = arith.muli %arg1, %mul3A_60 : i32
    %add3A_62 = arith.constant 256 : i32
    %add3A_63 = arith.addi %mul3A_61, %add3A_62 : i32
    %mul3A_64 = arith.constant 640 : i32
    %mul3A_65 = arith.muli %arg1, %mul3A_64 : i32
    %add3A_66 = arith.constant 256 : i32
    %add3A_67 = arith.addi %mul3A_65, %add3A_66 : i32
    "tpu.region"() ({
      %run_scoped3A = tpu.sem_alloc : memref<!tpu.dma_semaphore, #tpu.memory_space<semaphore_mem>>
      %dma_start3A = arith.constant 0 : i32
      %dma_start3A_84 = tpu.memref_slice %arg3[%arg0, %add3A_67, %dma_start3A] : memref<2x10240x32xf32, #tpu.memory_space<hbm>> -> memref<1x128x32xf32, #tpu.memory_space<hbm>>
      %dma_start3A_85 = tpu.memref_squeeze %dma_start3A_84 : memref<1x128x32xf32, #tpu.memory_space<hbm>> -> memref<128x32xf32, #tpu.memory_space<hbm>>
      %dma_start3A_86 = arith.constant 0 : i32
      %dma_start3A_87 = tpu.memref_slice %arg6[%add3A_63, %dma_start3A_86] : memref<10240x32xf32, #tpu.memory_space<vmem_shared>> -> memref<128x32xf32, #tpu.memory_space<vmem_shared>>
      tpu.enqueue_dma source(%dma_start3A_87 : memref<128x32xf32, #tpu.memory_space<vmem_shared>>) target(%dma_start3A_85 : memref<128x32xf32, #tpu.memory_space<hbm>>) target_semaphore(%run_scoped3A : memref<!tpu.dma_semaphore, #tpu.memory_space<semaphore_mem>>)
      %dma_wait3A = arith.constant 0 : i32
      %dma_wait3A_88 = tpu.memref_slice %arg3[%arg0, %add3A_67, %dma_wait3A] : memref<2x10240x32xf32, #tpu.memory_space<hbm>> -> memref<1x128x32xf32, #tpu.memory_space<hbm>>
      %dma_wait3A_89 = tpu.memref_squeeze %dma_wait3A_88 : memref<1x128x32xf32, #tpu.memory_space<hbm>> -> memref<128x32xf32, #tpu.memory_space<hbm>>
      %dma_wait3A_90 = arith.constant 0 : i32
      %dma_wait3A_91 = tpu.memref_slice %arg6[%add3A_63, %dma_wait3A_90] : memref<10240x32xf32, #tpu.memory_space<vmem_shared>> -> memref<128x32xf32, #tpu.memory_space<vmem_shared>>
      tpu.wait_dma2 semaphore(%run_scoped3A : memref<!tpu.dma_semaphore, #tpu.memory_space<semaphore_mem>>) src(%dma_wait3A_91 : memref<128x32xf32, #tpu.memory_space<vmem_shared>>) dst(%dma_wait3A_89 : memref<128x32xf32, #tpu.memory_space<hbm>>)
      tpu.yield
    }) : () -> ()
    %mul3A_68 = arith.constant 640 : i32
    %mul3A_69 = arith.muli %arg1, %mul3A_68 : i32
    %add3A_70 = arith.constant 384 : i32
    %add3A_71 = arith.addi %mul3A_69, %add3A_70 : i32
    %mul3A_72 = arith.constant 640 : i32
    %mul3A_73 = arith.muli %arg1, %mul3A_72 : i32
    %add3A_74 = arith.constant 384 : i32
    %add3A_75 = arith.addi %mul3A_73, %add3A_74 : i32
    "tpu.region"() ({
      %run_scoped3A = tpu.sem_alloc : memref<!tpu.dma_semaphore, #tpu.memory_space<semaphore_mem>>
      %dma_start3A = arith.constant 0 : i32
      %dma_start3A_84 = tpu.memref_slice %arg3[%arg0, %add3A_75, %dma_start3A] : memref<2x10240x32xf32, #tpu.memory_space<hbm>> -> memref<1x128x32xf32, #tpu.memory_space<hbm>>
      %dma_start3A_85 = tpu.memref_squeeze %dma_start3A_84 : memref<1x128x32xf32, #tpu.memory_space<hbm>> -> memref<128x32xf32, #tpu.memory_space<hbm>>
      %dma_start3A_86 = arith.constant 0 : i32
      %dma_start3A_87 = tpu.memref_slice %arg6[%add3A_71, %dma_start3A_86] : memref<10240x32xf32, #tpu.memory_space<vmem_shared>> -> memref<128x32xf32, #tpu.memory_space<vmem_shared>>
      tpu.enqueue_dma source(%dma_start3A_87 : memref<128x32xf32, #tpu.memory_space<vmem_shared>>) target(%dma_start3A_85 : memref<128x32xf32, #tpu.memory_space<hbm>>) target_semaphore(%run_scoped3A : memref<!tpu.dma_semaphore, #tpu.memory_space<semaphore_mem>>)
      %dma_wait3A = arith.constant 0 : i32
      %dma_wait3A_88 = tpu.memref_slice %arg3[%arg0, %add3A_75, %dma_wait3A] : memref<2x10240x32xf32, #tpu.memory_space<hbm>> -> memref<1x128x32xf32, #tpu.memory_space<hbm>>
      %dma_wait3A_89 = tpu.memref_squeeze %dma_wait3A_88 : memref<1x128x32xf32, #tpu.memory_space<hbm>> -> memref<128x32xf32, #tpu.memory_space<hbm>>
      %dma_wait3A_90 = arith.constant 0 : i32
      %dma_wait3A_91 = tpu.memref_slice %arg6[%add3A_71, %dma_wait3A_90] : memref<10240x32xf32, #tpu.memory_space<vmem_shared>> -> memref<128x32xf32, #tpu.memory_space<vmem_shared>>
      tpu.wait_dma2 semaphore(%run_scoped3A : memref<!tpu.dma_semaphore, #tpu.memory_space<semaphore_mem>>) src(%dma_wait3A_91 : memref<128x32xf32, #tpu.memory_space<vmem_shared>>) dst(%dma_wait3A_89 : memref<128x32xf32, #tpu.memory_space<hbm>>)
      tpu.yield
    }) : () -> ()
    %mul3A_76 = arith.constant 640 : i32
    %mul3A_77 = arith.muli %arg1, %mul3A_76 : i32
    %add3A_78 = arith.constant 512 : i32
    %add3A_79 = arith.addi %mul3A_77, %add3A_78 : i32
    %mul3A_80 = arith.constant 640 : i32
    %mul3A_81 = arith.muli %arg1, %mul3A_80 : i32
    %add3A_82 = arith.constant 512 : i32
    %add3A_83 = arith.addi %mul3A_81, %add3A_82 : i32
    "tpu.region"() ({
      %run_scoped3A = tpu.sem_alloc : memref<!tpu.dma_semaphore, #tpu.memory_space<semaphore_mem>>
      %dma_start3A = arith.constant 0 : i32
      %dma_start3A_84 = tpu.memref_slice %arg3[%arg0, %add3A_83, %dma_start3A] : memref<2x10240x32xf32, #tpu.memory_space<hbm>> -> memref<1x128x32xf32, #tpu.memory_space<hbm>>
      %dma_start3A_85 = tpu.memref_squeeze %dma_start3A_84 : memref<1x128x32xf32, #tpu.memory_space<hbm>> -> memref<128x32xf32, #tpu.memory_space<hbm>>
      %dma_start3A_86 = arith.constant 0 : i32
      %dma_start3A_87 = tpu.memref_slice %arg6[%add3A_79, %dma_start3A_86] : memref<10240x32xf32, #tpu.memory_space<vmem_shared>> -> memref<128x32xf32, #tpu.memory_space<vmem_shared>>
      tpu.enqueue_dma source(%dma_start3A_87 : memref<128x32xf32, #tpu.memory_space<vmem_shared>>) target(%dma_start3A_85 : memref<128x32xf32, #tpu.memory_space<hbm>>) target_semaphore(%run_scoped3A : memref<!tpu.dma_semaphore, #tpu.memory_space<semaphore_mem>>)
      %dma_wait3A = arith.constant 0 : i32
      %dma_wait3A_88 = tpu.memref_slice %arg3[%arg0, %add3A_83, %dma_wait3A] : memref<2x10240x32xf32, #tpu.memory_space<hbm>> -> memref<1x128x32xf32, #tpu.memory_space<hbm>>
      %dma_wait3A_89 = tpu.memref_squeeze %dma_wait3A_88 : memref<1x128x32xf32, #tpu.memory_space<hbm>> -> memref<128x32xf32, #tpu.memory_space<hbm>>
      %dma_wait3A_90 = arith.constant 0 : i32
      %dma_wait3A_91 = tpu.memref_slice %arg6[%add3A_79, %dma_wait3A_90] : memref<10240x32xf32, #tpu.memory_space<vmem_shared>> -> memref<128x32xf32, #tpu.memory_space<vmem_shared>>
      tpu.wait_dma2 semaphore(%run_scoped3A : memref<!tpu.dma_semaphore, #tpu.memory_space<semaphore_mem>>) src(%dma_wait3A_91 : memref<128x32xf32, #tpu.memory_space<vmem_shared>>) dst(%dma_wait3A_89 : memref<128x32xf32, #tpu.memory_space<hbm>>)
      tpu.yield
    }) : () -> ()
    return
  }
}

#map = affine_map<(d0, d1) -> (0, 0, 0)>
#map1 = affine_map<(d0, d1) -> (0, 0)>
module attributes {stable_mosaic.version = 14 : i64} {
  func.func @scatter_kernel(%arg0: i32, %arg1: i32, %arg2: memref<2x10240x64xf32, #tpu.memory_space<hbm>>, %arg3: memref<2560x128xi32, #tpu.memory_space<hbm>>, %arg4: memref<2560x128xi32, #tpu.memory_space<hbm>>, %arg5: memref<2x10240x64xf32, #tpu.memory_space<hbm>>, %arg6: memref<80x128xi32, #tpu.memory_space<vmem>>, %arg7: memref<80x128xi32, #tpu.memory_space<vmem>>, %arg8: memref<128x64xf32, #tpu.memory_space<vmem>>, %arg9: memref<128x64xf32, #tpu.memory_space<vmem>>, %arg10: memref<10240x64xf32, #tpu.memory_space<vmem_shared>>, %arg11: memref<10240x64xf32, #tpu.memory_space<vmem_shared>>, %arg12: memref<!tpu.dma_semaphore, #tpu.memory_space<semaphore_mem>>, %arg13: memref<!tpu.dma_semaphore, #tpu.memory_space<semaphore_mem>>, %arg14: memref<!tpu.dma_semaphore, #tpu.memory_space<semaphore_mem>>, %arg15: memref<!tpu.dma_semaphore, #tpu.memory_space<semaphore_mem>>) attributes {dimension_semantics = [#tpu.dimension_semantics<core_parallel>, #tpu.dimension_semantics<subcore_parallel>], iteration_bounds = array<i64: 2, 16>, scalar_prefetch = 0 : i64, scratch_operands = 10 : i64, tpu.core_type = #tpu.core_type<sc_vector_subcore>, window_params = [{transform_indices = #map}, {transform_indices = #map1}, {transform_indices = #map1}, {transform_indices = #map}]} {
    %mul3A = arith.constant 640 : i32
    %mul3A_0 = arith.muli %arg1, %mul3A : i32
    %mul3A_1 = arith.constant 640 : i32
    %mul3A_2 = arith.muli %arg1, %mul3A_1 : i32
    "tpu.region"() ({
      %run_scoped3A_146 = tpu.sem_alloc : memref<!tpu.dma_semaphore, #tpu.memory_space<semaphore_mem>>
      %dma_start3A_147 = arith.constant 0 : i32
      %dma_start3A_148 = tpu.memref_slice %arg10[%mul3A_2, %dma_start3A_147] : memref<10240x64xf32, #tpu.memory_space<vmem_shared>> -> memref<640x64xf32, #tpu.memory_space<vmem_shared>>
      %dma_start3A_149 = arith.constant 0 : i32
      %dma_start3A_150 = tpu.memref_slice %arg2[%arg0, %mul3A_0, %dma_start3A_149] : memref<2x10240x64xf32, #tpu.memory_space<hbm>> -> memref<1x640x64xf32, #tpu.memory_space<hbm>>
      %dma_start3A_151 = tpu.memref_squeeze %dma_start3A_150 : memref<1x640x64xf32, #tpu.memory_space<hbm>> -> memref<640x64xf32, #tpu.memory_space<hbm>>
      tpu.enqueue_dma source(%dma_start3A_151 : memref<640x64xf32, #tpu.memory_space<hbm>>) target(%dma_start3A_148 : memref<640x64xf32, #tpu.memory_space<vmem_shared>>) target_semaphore(%run_scoped3A_146 : memref<!tpu.dma_semaphore, #tpu.memory_space<semaphore_mem>>)
      %dma_wait3A_152 = arith.constant 0 : i32
      %dma_wait3A_153 = tpu.memref_slice %arg10[%mul3A_2, %dma_wait3A_152] : memref<10240x64xf32, #tpu.memory_space<vmem_shared>> -> memref<640x64xf32, #tpu.memory_space<vmem_shared>>
      %dma_wait3A_154 = arith.constant 0 : i32
      %dma_wait3A_155 = tpu.memref_slice %arg2[%arg0, %mul3A_0, %dma_wait3A_154] : memref<2x10240x64xf32, #tpu.memory_space<hbm>> -> memref<1x640x64xf32, #tpu.memory_space<hbm>>
      %dma_wait3A_156 = tpu.memref_squeeze %dma_wait3A_155 : memref<1x640x64xf32, #tpu.memory_space<hbm>> -> memref<640x64xf32, #tpu.memory_space<hbm>>
      tpu.wait_dma2 semaphore(%run_scoped3A_146 : memref<!tpu.dma_semaphore, #tpu.memory_space<semaphore_mem>>) src(%dma_wait3A_156 : memref<640x64xf32, #tpu.memory_space<hbm>>) dst(%dma_wait3A_153 : memref<640x64xf32, #tpu.memory_space<vmem_shared>>)
      tpu.yield
    }) : () -> ()
    %broadcast_in_dim3A = arith.constant 0.000000e+00 : f32
    %broadcast_in_dim3A_3 = vector.broadcast %broadcast_in_dim3A : f32 to vector<16xf32>
    %scan3A = arith.constant 0 : i32
    %scan3A_4 = arith.constant 0 : i32
    %scan3A_5 = arith.constant 128 : i32
    %scan3A_6 = arith.addi %scan3A_4, %scan3A_5 : i32
    %scan3A_7 = arith.constant 1 : i32
    scf.for %scan3A_146 = %scan3A_4 to %scan3A_6 step %scan3A_7  : i32 {
      %scan3A_147 = arith.constant 0 : i32
      %scan3A_148 = arith.constant 4 : i32
      %scan3A_149 = arith.addi %scan3A_147, %scan3A_148 : i32
      %scan3A_150 = arith.constant 1 : i32
      scf.for %scan3A_152 = %scan3A_147 to %scan3A_149 step %scan3A_150  : i32 {
        %mul3A_153 = arith.constant 16 : i32
        %mul3A_154 = arith.muli %scan3A_152, %mul3A_153 : i32
        %swap3A = arith.index_cast %scan3A_146 : i32 to index
        %swap3A_155 = arith.index_cast %mul3A_154 : i32 to index
        %swap3A_156 = tpu.vector_load %arg8[%swap3A, %swap3A_155] {strides = array<i32>} : memref<128x64xf32, #tpu.memory_space<vmem>>, vector<1x16xf32>,
        %swap3A_157 = vector.shape_cast %swap3A_156 : vector<1x16xf32> to vector<16xf32>
        %swap3A_158 = vector.shape_cast %broadcast_in_dim3A_3 : vector<16xf32> to vector<1x16xf32>
        tpu.vector_store %arg8[%swap3A, %swap3A_155], %swap3A_158 {strides = array<i32>} : memref<128x64xf32, #tpu.memory_space<vmem>>, vector<1x16xf32>,
      }
      %scan3A_151 = arith.constant 4 : i32
    }
    %scan3A_8 = arith.constant 128 : i32
    %mul3A_9 = arith.constant 640 : i32
    %mul3A_10 = arith.muli %arg1, %mul3A_9 : i32
    %add3A = arith.constant 0 : i32
    %add3A_11 = arith.addi %mul3A_10, %add3A : i32
    "tpu.region"() ({
      %run_scoped3A_146 = tpu.sem_alloc : memref<!tpu.dma_semaphore, #tpu.memory_space<semaphore_mem>>
      %dma_start3A_147 = arith.constant 0 : i32
      %dma_start3A_148 = tpu.memref_slice %arg11[%add3A_11, %dma_start3A_147] : memref<10240x64xf32, #tpu.memory_space<vmem_shared>> -> memref<128x64xf32, #tpu.memory_space<vmem_shared>>
      %dma_start3A_149 = arith.constant 0 : i32
      %dma_start3A_150 = tpu.memref_slice %arg11[%add3A_11, %dma_start3A_149] : memref<10240x64xf32, #tpu.memory_space<vmem_shared>> -> memref<128x64xf32, #tpu.memory_space<vmem_shared>>
      tpu.enqueue_dma source(%arg8 : memref<128x64xf32, #tpu.memory_space<vmem>>) target(%dma_start3A_150 : memref<128x64xf32, #tpu.memory_space<vmem_shared>>) target_semaphore(%run_scoped3A_146 : memref<!tpu.dma_semaphore, #tpu.memory_space<semaphore_mem>>)
      %dma_wait3A_151 = arith.constant 0 : i32
      %dma_wait3A_152 = tpu.memref_slice %arg11[%add3A_11, %dma_wait3A_151] : memref<10240x64xf32, #tpu.memory_space<vmem_shared>> -> memref<128x64xf32, #tpu.memory_space<vmem_shared>>
      %dma_wait3A_153 = arith.constant 0 : i32
      %dma_wait3A_154 = tpu.memref_slice %arg11[%add3A_11, %dma_wait3A_153] : memref<10240x64xf32, #tpu.memory_space<vmem_shared>> -> memref<128x64xf32, #tpu.memory_space<vmem_shared>>
      tpu.wait_dma2 semaphore(%run_scoped3A_146 : memref<!tpu.dma_semaphore, #tpu.memory_space<semaphore_mem>>) src(%arg8 : memref<128x64xf32, #tpu.memory_space<vmem>>) dst(%dma_wait3A_154 : memref<128x64xf32, #tpu.memory_space<vmem_shared>>)
      tpu.yield
    }) : () -> ()
    %mul3A_12 = arith.constant 640 : i32
    %mul3A_13 = arith.muli %arg1, %mul3A_12 : i32
    %add3A_14 = arith.constant 128 : i32
    %add3A_15 = arith.addi %mul3A_13, %add3A_14 : i32
    "tpu.region"() ({
      %run_scoped3A_146 = tpu.sem_alloc : memref<!tpu.dma_semaphore, #tpu.memory_space<semaphore_mem>>
      %dma_start3A_147 = arith.constant 0 : i32
      %dma_start3A_148 = tpu.memref_slice %arg11[%add3A_15, %dma_start3A_147] : memref<10240x64xf32, #tpu.memory_space<vmem_shared>> -> memref<128x64xf32, #tpu.memory_space<vmem_shared>>
      %dma_start3A_149 = arith.constant 0 : i32
      %dma_start3A_150 = tpu.memref_slice %arg11[%add3A_15, %dma_start3A_149] : memref<10240x64xf32, #tpu.memory_space<vmem_shared>> -> memref<128x64xf32, #tpu.memory_space<vmem_shared>>
      tpu.enqueue_dma source(%arg8 : memref<128x64xf32, #tpu.memory_space<vmem>>) target(%dma_start3A_150 : memref<128x64xf32, #tpu.memory_space<vmem_shared>>) target_semaphore(%run_scoped3A_146 : memref<!tpu.dma_semaphore, #tpu.memory_space<semaphore_mem>>)
      %dma_wait3A_151 = arith.constant 0 : i32
      %dma_wait3A_152 = tpu.memref_slice %arg11[%add3A_15, %dma_wait3A_151] : memref<10240x64xf32, #tpu.memory_space<vmem_shared>> -> memref<128x64xf32, #tpu.memory_space<vmem_shared>>
      %dma_wait3A_153 = arith.constant 0 : i32
      %dma_wait3A_154 = tpu.memref_slice %arg11[%add3A_15, %dma_wait3A_153] : memref<10240x64xf32, #tpu.memory_space<vmem_shared>> -> memref<128x64xf32, #tpu.memory_space<vmem_shared>>
      tpu.wait_dma2 semaphore(%run_scoped3A_146 : memref<!tpu.dma_semaphore, #tpu.memory_space<semaphore_mem>>) src(%arg8 : memref<128x64xf32, #tpu.memory_space<vmem>>) dst(%dma_wait3A_154 : memref<128x64xf32, #tpu.memory_space<vmem_shared>>)
      tpu.yield
    }) : () -> ()
    %mul3A_16 = arith.constant 640 : i32
    %mul3A_17 = arith.muli %arg1, %mul3A_16 : i32
    %add3A_18 = arith.constant 256 : i32
    %add3A_19 = arith.addi %mul3A_17, %add3A_18 : i32
    "tpu.region"() ({
      %run_scoped3A_146 = tpu.sem_alloc : memref<!tpu.dma_semaphore, #tpu.memory_space<semaphore_mem>>
      %dma_start3A_147 = arith.constant 0 : i32
      %dma_start3A_148 = tpu.memref_slice %arg11[%add3A_19, %dma_start3A_147] : memref<10240x64xf32, #tpu.memory_space<vmem_shared>> -> memref<128x64xf32, #tpu.memory_space<vmem_shared>>
      %dma_start3A_149 = arith.constant 0 : i32
      %dma_start3A_150 = tpu.memref_slice %arg11[%add3A_19, %dma_start3A_149] : memref<10240x64xf32, #tpu.memory_space<vmem_shared>> -> memref<128x64xf32, #tpu.memory_space<vmem_shared>>
      tpu.enqueue_dma source(%arg8 : memref<128x64xf32, #tpu.memory_space<vmem>>) target(%dma_start3A_150 : memref<128x64xf32, #tpu.memory_space<vmem_shared>>) target_semaphore(%run_scoped3A_146 : memref<!tpu.dma_semaphore, #tpu.memory_space<semaphore_mem>>)
      %dma_wait3A_151 = arith.constant 0 : i32
      %dma_wait3A_152 = tpu.memref_slice %arg11[%add3A_19, %dma_wait3A_151] : memref<10240x64xf32, #tpu.memory_space<vmem_shared>> -> memref<128x64xf32, #tpu.memory_space<vmem_shared>>
      %dma_wait3A_153 = arith.constant 0 : i32
      %dma_wait3A_154 = tpu.memref_slice %arg11[%add3A_19, %dma_wait3A_153] : memref<10240x64xf32, #tpu.memory_space<vmem_shared>> -> memref<128x64xf32, #tpu.memory_space<vmem_shared>>
      tpu.wait_dma2 semaphore(%run_scoped3A_146 : memref<!tpu.dma_semaphore, #tpu.memory_space<semaphore_mem>>) src(%arg8 : memref<128x64xf32, #tpu.memory_space<vmem>>) dst(%dma_wait3A_154 : memref<128x64xf32, #tpu.memory_space<vmem_shared>>)
      tpu.yield
    }) : () -> ()
    %mul3A_20 = arith.constant 640 : i32
    %mul3A_21 = arith.muli %arg1, %mul3A_20 : i32
    %add3A_22 = arith.constant 384 : i32
    %add3A_23 = arith.addi %mul3A_21, %add3A_22 : i32
    "tpu.region"() ({
      %run_scoped3A_146 = tpu.sem_alloc : memref<!tpu.dma_semaphore, #tpu.memory_space<semaphore_mem>>
      %dma_start3A_147 = arith.constant 0 : i32
      %dma_start3A_148 = tpu.memref_slice %arg11[%add3A_23, %dma_start3A_147] : memref<10240x64xf32, #tpu.memory_space<vmem_shared>> -> memref<128x64xf32, #tpu.memory_space<vmem_shared>>
      %dma_start3A_149 = arith.constant 0 : i32
      %dma_start3A_150 = tpu.memref_slice %arg11[%add3A_23, %dma_start3A_149] : memref<10240x64xf32, #tpu.memory_space<vmem_shared>> -> memref<128x64xf32, #tpu.memory_space<vmem_shared>>
      tpu.enqueue_dma source(%arg8 : memref<128x64xf32, #tpu.memory_space<vmem>>) target(%dma_start3A_150 : memref<128x64xf32, #tpu.memory_space<vmem_shared>>) target_semaphore(%run_scoped3A_146 : memref<!tpu.dma_semaphore, #tpu.memory_space<semaphore_mem>>)
      %dma_wait3A_151 = arith.constant 0 : i32
      %dma_wait3A_152 = tpu.memref_slice %arg11[%add3A_23, %dma_wait3A_151] : memref<10240x64xf32, #tpu.memory_space<vmem_shared>> -> memref<128x64xf32, #tpu.memory_space<vmem_shared>>
      %dma_wait3A_153 = arith.constant 0 : i32
      %dma_wait3A_154 = tpu.memref_slice %arg11[%add3A_23, %dma_wait3A_153] : memref<10240x64xf32, #tpu.memory_space<vmem_shared>> -> memref<128x64xf32, #tpu.memory_space<vmem_shared>>
      tpu.wait_dma2 semaphore(%run_scoped3A_146 : memref<!tpu.dma_semaphore, #tpu.memory_space<semaphore_mem>>) src(%arg8 : memref<128x64xf32, #tpu.memory_space<vmem>>) dst(%dma_wait3A_154 : memref<128x64xf32, #tpu.memory_space<vmem_shared>>)
      tpu.yield
    }) : () -> ()
    %mul3A_24 = arith.constant 640 : i32
    %mul3A_25 = arith.muli %arg1, %mul3A_24 : i32
    %add3A_26 = arith.constant 512 : i32
    %add3A_27 = arith.addi %mul3A_25, %add3A_26 : i32
    "tpu.region"() ({
      %run_scoped3A_146 = tpu.sem_alloc : memref<!tpu.dma_semaphore, #tpu.memory_space<semaphore_mem>>
      %dma_start3A_147 = arith.constant 0 : i32
      %dma_start3A_148 = tpu.memref_slice %arg11[%add3A_27, %dma_start3A_147] : memref<10240x64xf32, #tpu.memory_space<vmem_shared>> -> memref<128x64xf32, #tpu.memory_space<vmem_shared>>
      %dma_start3A_149 = arith.constant 0 : i32
      %dma_start3A_150 = tpu.memref_slice %arg11[%add3A_27, %dma_start3A_149] : memref<10240x64xf32, #tpu.memory_space<vmem_shared>> -> memref<128x64xf32, #tpu.memory_space<vmem_shared>>
      tpu.enqueue_dma source(%arg8 : memref<128x64xf32, #tpu.memory_space<vmem>>) target(%dma_start3A_150 : memref<128x64xf32, #tpu.memory_space<vmem_shared>>) target_semaphore(%run_scoped3A_146 : memref<!tpu.dma_semaphore, #tpu.memory_space<semaphore_mem>>)
      %dma_wait3A_151 = arith.constant 0 : i32
      %dma_wait3A_152 = tpu.memref_slice %arg11[%add3A_27, %dma_wait3A_151] : memref<10240x64xf32, #tpu.memory_space<vmem_shared>> -> memref<128x64xf32, #tpu.memory_space<vmem_shared>>
      %dma_wait3A_153 = arith.constant 0 : i32
      %dma_wait3A_154 = tpu.memref_slice %arg11[%add3A_27, %dma_wait3A_153] : memref<10240x64xf32, #tpu.memory_space<vmem_shared>> -> memref<128x64xf32, #tpu.memory_space<vmem_shared>>
      tpu.wait_dma2 semaphore(%run_scoped3A_146 : memref<!tpu.dma_semaphore, #tpu.memory_space<semaphore_mem>>) src(%arg8 : memref<128x64xf32, #tpu.memory_space<vmem>>) dst(%dma_wait3A_154 : memref<128x64xf32, #tpu.memory_space<vmem_shared>>)
      tpu.yield
    }) : () -> ()
    %barrier3A = arith.constant 0 : index
    tpu.barrier barrier_id(%barrier3A)
    %mul3A_28 = arith.constant 160 : i32
    %mul3A_29 = arith.muli %arg1, %mul3A_28 : i32
    %add3A_30 = arith.constant 0 : i32
    %add3A_31 = arith.addi %mul3A_29, %add3A_30 : i32
    "tpu.region"() ({
      %run_scoped3A_146 = tpu.sem_alloc : memref<!tpu.dma_semaphore, #tpu.memory_space<semaphore_mem>>
      %dma_start3A_147 = arith.constant 0 : i32
      %dma_start3A_148 = tpu.memref_slice %arg3[%add3A_31, %dma_start3A_147] : memref<2560x128xi32, #tpu.memory_space<hbm>> -> memref<80x128xi32, #tpu.memory_space<hbm>>
      %dma_start3A_149 = arith.constant 0 : i32
      %dma_start3A_150 = tpu.memref_slice %arg3[%add3A_31, %dma_start3A_149] : memref<2560x128xi32, #tpu.memory_space<hbm>> -> memref<80x128xi32, #tpu.memory_space<hbm>>
      tpu.enqueue_dma source(%dma_start3A_150 : memref<80x128xi32, #tpu.memory_space<hbm>>) target(%arg6 : memref<80x128xi32, #tpu.memory_space<vmem>>) target_semaphore(%run_scoped3A_146 : memref<!tpu.dma_semaphore, #tpu.memory_space<semaphore_mem>>)
      %dma_wait3A_151 = arith.constant 0 : i32
      %dma_wait3A_152 = tpu.memref_slice %arg3[%add3A_31, %dma_wait3A_151] : memref<2560x128xi32, #tpu.memory_space<hbm>> -> memref<80x128xi32, #tpu.memory_space<hbm>>
      %dma_wait3A_153 = arith.constant 0 : i32
      %dma_wait3A_154 = tpu.memref_slice %arg3[%add3A_31, %dma_wait3A_153] : memref<2560x128xi32, #tpu.memory_space<hbm>> -> memref<80x128xi32, #tpu.memory_space<hbm>>
      tpu.wait_dma2 semaphore(%run_scoped3A_146 : memref<!tpu.dma_semaphore, #tpu.memory_space<semaphore_mem>>) src(%dma_wait3A_154 : memref<80x128xi32, #tpu.memory_space<hbm>>) dst(%arg6 : memref<80x128xi32, #tpu.memory_space<vmem>>)
      tpu.yield
    }) : () -> ()
    "tpu.region"() ({
      %run_scoped3A_146 = tpu.sem_alloc : memref<!tpu.dma_semaphore, #tpu.memory_space<semaphore_mem>>
      %dma_start3A_147 = arith.constant 0 : i32
      %dma_start3A_148 = tpu.memref_slice %arg4[%add3A_31, %dma_start3A_147] : memref<2560x128xi32, #tpu.memory_space<hbm>> -> memref<80x128xi32, #tpu.memory_space<hbm>>
      %dma_start3A_149 = arith.constant 0 : i32
      %dma_start3A_150 = tpu.memref_slice %arg4[%add3A_31, %dma_start3A_149] : memref<2560x128xi32, #tpu.memory_space<hbm>> -> memref<80x128xi32, #tpu.memory_space<hbm>>
      tpu.enqueue_dma source(%dma_start3A_150 : memref<80x128xi32, #tpu.memory_space<hbm>>) target(%arg7 : memref<80x128xi32, #tpu.memory_space<vmem>>) target_semaphore(%run_scoped3A_146 : memref<!tpu.dma_semaphore, #tpu.memory_space<semaphore_mem>>)
      %dma_wait3A_151 = arith.constant 0 : i32
      %dma_wait3A_152 = tpu.memref_slice %arg4[%add3A_31, %dma_wait3A_151] : memref<2560x128xi32, #tpu.memory_space<hbm>> -> memref<80x128xi32, #tpu.memory_space<hbm>>
      %dma_wait3A_153 = arith.constant 0 : i32
      %dma_wait3A_154 = tpu.memref_slice %arg4[%add3A_31, %dma_wait3A_153] : memref<2560x128xi32, #tpu.memory_space<hbm>> -> memref<80x128xi32, #tpu.memory_space<hbm>>
      tpu.wait_dma2 semaphore(%run_scoped3A_146 : memref<!tpu.dma_semaphore, #tpu.memory_space<semaphore_mem>>) src(%dma_wait3A_154 : memref<80x128xi32, #tpu.memory_space<hbm>>) dst(%arg7 : memref<80x128xi32, #tpu.memory_space<vmem>>)
      tpu.yield
    }) : () -> ()
    %dma_start3A = arith.constant 0 : i32
    %dma_start3A_32 = arith.constant 0 : i32
    %dma_start3A_33 = tpu.memref_slice %arg6[%dma_start3A, %dma_start3A_32] : memref<80x128xi32, #tpu.memory_space<vmem>> -> memref<1x128xi32, #tpu.memory_space<vmem>>
    %dma_start3A_34 = tpu.memref_squeeze %dma_start3A_33 : memref<1x128xi32, #tpu.memory_space<vmem>> -> memref<128xi32, #tpu.memory_space<vmem>>
    %dma_start3A_35 = arith.constant 0 : i32
    %dma_start3A_36 = arith.constant 0 : i32
    %dma_start3A_37 = tpu.memref_slice %arg10[%dma_start3A_35, %dma_start3A_36] : memref<10240x64xf32, #tpu.memory_space<vmem_shared>> -> memref<10240x64xf32, #tpu.memory_space<vmem_shared>>
    tpu.enqueue_indirect_dma source(%dma_start3A_37 : memref<10240x64xf32, #tpu.memory_space<vmem_shared>>) target(%arg8 : memref<128x64xf32, #tpu.memory_space<vmem>>) offsets(%dma_start3A_34 : memref<128xi32, #tpu.memory_space<vmem>>) semaphore(%arg12 : memref<!tpu.dma_semaphore, #tpu.memory_space<semaphore_mem>>)
    %dma_start3A_38 = arith.constant 1 : i32
    %dma_start3A_39 = arith.constant 0 : i32
    %dma_start3A_40 = tpu.memref_slice %arg6[%dma_start3A_38, %dma_start3A_39] : memref<80x128xi32, #tpu.memory_space<vmem>> -> memref<1x128xi32, #tpu.memory_space<vmem>>
    %dma_start3A_41 = tpu.memref_squeeze %dma_start3A_40 : memref<1x128xi32, #tpu.memory_space<vmem>> -> memref<128xi32, #tpu.memory_space<vmem>>
    %dma_start3A_42 = arith.constant 0 : i32
    %dma_start3A_43 = arith.constant 0 : i32
    %dma_start3A_44 = tpu.memref_slice %arg10[%dma_start3A_42, %dma_start3A_43] : memref<10240x64xf32, #tpu.memory_space<vmem_shared>> -> memref<10240x64xf32, #tpu.memory_space<vmem_shared>>
    tpu.enqueue_indirect_dma source(%dma_start3A_44 : memref<10240x64xf32, #tpu.memory_space<vmem_shared>>) target(%arg9 : memref<128x64xf32, #tpu.memory_space<vmem>>) offsets(%dma_start3A_41 : memref<128xi32, #tpu.memory_space<vmem>>) semaphore(%arg13 : memref<!tpu.dma_semaphore, #tpu.memory_space<semaphore_mem>>)
    %scan3A_45 = arith.constant 0 : i32
    %scan3A_46 = arith.constant 0 : i32
    %scan3A_47 = arith.constant 39 : i32
    %scan3A_48 = arith.addi %scan3A_46, %scan3A_47 : i32
    %scan3A_49 = arith.constant 1 : i32
    scf.for %scan3A_146 = %scan3A_46 to %scan3A_48 step %scan3A_49  : i32 {
      %mul3A_147 = arith.constant 2 : i32
      %mul3A_148 = arith.muli %mul3A_147, %scan3A_146 : i32
      %dma_wait3A_149 = arith.constant 0 : i32
      %dma_wait3A_150 = tpu.memref_slice %arg6[%mul3A_148, %dma_wait3A_149] : memref<80x128xi32, #tpu.memory_space<vmem>> -> memref<1x128xi32, #tpu.memory_space<vmem>>
      %dma_wait3A_151 = tpu.memref_squeeze %dma_wait3A_150 : memref<1x128xi32, #tpu.memory_space<vmem>> -> memref<128xi32, #tpu.memory_space<vmem>>
      %dma_wait3A_152 = arith.constant 0 : i32
      %dma_wait3A_153 = arith.constant 0 : i32
      %dma_wait3A_154 = tpu.memref_slice %arg10[%dma_wait3A_152, %dma_wait3A_153] : memref<10240x64xf32, #tpu.memory_space<vmem_shared>> -> memref<10240x64xf32, #tpu.memory_space<vmem_shared>>
      tpu.wait_indirect_dma semaphore(%arg12 : memref<!tpu.dma_semaphore, #tpu.memory_space<semaphore_mem>>) src(%dma_wait3A_154 : memref<10240x64xf32, #tpu.memory_space<vmem_shared>>) dst(%arg8 : memref<128x64xf32, #tpu.memory_space<vmem>>)
      "tpu.region"() ({
        %run_scoped3A_181 = tpu.sem_alloc : memref<!tpu.dma_semaphore, #tpu.memory_space<semaphore_mem>>
        %dma_start3A_182 = arith.constant 0 : i32
        %dma_start3A_183 = tpu.memref_slice %arg7[%mul3A_148, %dma_start3A_182] : memref<80x128xi32, #tpu.memory_space<vmem>> -> memref<1x128xi32, #tpu.memory_space<vmem>>
        %dma_start3A_184 = tpu.memref_squeeze %dma_start3A_183 : memref<1x128xi32, #tpu.memory_space<vmem>> -> memref<128xi32, #tpu.memory_space<vmem>>
        %dma_start3A_185 = arith.constant 0 : i32
        %dma_start3A_186 = arith.constant 0 : i32
        %dma_start3A_187 = tpu.memref_slice %arg11[%dma_start3A_185, %dma_start3A_186] : memref<10240x64xf32, #tpu.memory_space<vmem_shared>> -> memref<10240x64xf32, #tpu.memory_space<vmem_shared>>
        tpu.enqueue_indirect_dma source(%arg8 : memref<128x64xf32, #tpu.memory_space<vmem>>) target(%dma_start3A_187 : memref<10240x64xf32, #tpu.memory_space<vmem_shared>>) offsets(%dma_start3A_184 : memref<128xi32, #tpu.memory_space<vmem>>) semaphore(%run_scoped3A_181 : memref<!tpu.dma_semaphore, #tpu.memory_space<semaphore_mem>>) {add = true}
        %dma_wait3A_188 = arith.constant 0 : i32
        %dma_wait3A_189 = tpu.memref_slice %arg7[%mul3A_148, %dma_wait3A_188] : memref<80x128xi32, #tpu.memory_space<vmem>> -> memref<1x128xi32, #tpu.memory_space<vmem>>
        %dma_wait3A_190 = tpu.memref_squeeze %dma_wait3A_189 : memref<1x128xi32, #tpu.memory_space<vmem>> -> memref<128xi32, #tpu.memory_space<vmem>>
        %dma_wait3A_191 = arith.constant 0 : i32
        %dma_wait3A_192 = arith.constant 0 : i32
        %dma_wait3A_193 = tpu.memref_slice %arg11[%dma_wait3A_191, %dma_wait3A_192] : memref<10240x64xf32, #tpu.memory_space<vmem_shared>> -> memref<10240x64xf32, #tpu.memory_space<vmem_shared>>
        tpu.wait_indirect_dma semaphore(%run_scoped3A_181 : memref<!tpu.dma_semaphore, #tpu.memory_space<semaphore_mem>>) src(%arg8 : memref<128x64xf32, #tpu.memory_space<vmem>>) dst(%dma_wait3A_193 : memref<10240x64xf32, #tpu.memory_space<vmem_shared>>)
        tpu.yield
      }) : () -> ()
      %add3A_155 = arith.constant 2 : i32
      %add3A_156 = arith.addi %mul3A_148, %add3A_155 : i32
      %dma_start3A_157 = arith.constant 0 : i32
      %dma_start3A_158 = tpu.memref_slice %arg6[%add3A_156, %dma_start3A_157] : memref<80x128xi32, #tpu.memory_space<vmem>> -> memref<1x128xi32, #tpu.memory_space<vmem>>
      %dma_start3A_159 = tpu.memref_squeeze %dma_start3A_158 : memref<1x128xi32, #tpu.memory_space<vmem>> -> memref<128xi32, #tpu.memory_space<vmem>>
      %dma_start3A_160 = arith.constant 0 : i32
      %dma_start3A_161 = arith.constant 0 : i32
      %dma_start3A_162 = tpu.memref_slice %arg10[%dma_start3A_160, %dma_start3A_161] : memref<10240x64xf32, #tpu.memory_space<vmem_shared>> -> memref<10240x64xf32, #tpu.memory_space<vmem_shared>>
      tpu.enqueue_indirect_dma source(%dma_start3A_162 : memref<10240x64xf32, #tpu.memory_space<vmem_shared>>) target(%arg8 : memref<128x64xf32, #tpu.memory_space<vmem>>) offsets(%dma_start3A_159 : memref<128xi32, #tpu.memory_space<vmem>>) semaphore(%arg12 : memref<!tpu.dma_semaphore, #tpu.memory_space<semaphore_mem>>)
      %add3A_163 = arith.constant 1 : i32
      %add3A_164 = arith.addi %mul3A_148, %add3A_163 : i32
      %dma_wait3A_165 = arith.constant 0 : i32
      %dma_wait3A_166 = tpu.memref_slice %arg6[%add3A_164, %dma_wait3A_165] : memref<80x128xi32, #tpu.memory_space<vmem>> -> memref<1x128xi32, #tpu.memory_space<vmem>>
      %dma_wait3A_167 = tpu.memref_squeeze %dma_wait3A_166 : memref<1x128xi32, #tpu.memory_space<vmem>> -> memref<128xi32, #tpu.memory_space<vmem>>
      %dma_wait3A_168 = arith.constant 0 : i32
      %dma_wait3A_169 = arith.constant 0 : i32
      %dma_wait3A_170 = tpu.memref_slice %arg10[%dma_wait3A_168, %dma_wait3A_169] : memref<10240x64xf32, #tpu.memory_space<vmem_shared>> -> memref<10240x64xf32, #tpu.memory_space<vmem_shared>>
      tpu.wait_indirect_dma semaphore(%arg13 : memref<!tpu.dma_semaphore, #tpu.memory_space<semaphore_mem>>) src(%dma_wait3A_170 : memref<10240x64xf32, #tpu.memory_space<vmem_shared>>) dst(%arg9 : memref<128x64xf32, #tpu.memory_space<vmem>>)
      %add3A_171 = arith.constant 1 : i32
      %add3A_172 = arith.addi %mul3A_148, %add3A_171 : i32
      "tpu.region"() ({
        %run_scoped3A_181 = tpu.sem_alloc : memref<!tpu.dma_semaphore, #tpu.memory_space<semaphore_mem>>
        %dma_start3A_182 = arith.constant 0 : i32
        %dma_start3A_183 = tpu.memref_slice %arg7[%add3A_172, %dma_start3A_182] : memref<80x128xi32, #tpu.memory_space<vmem>> -> memref<1x128xi32, #tpu.memory_space<vmem>>
        %dma_start3A_184 = tpu.memref_squeeze %dma_start3A_183 : memref<1x128xi32, #tpu.memory_space<vmem>> -> memref<128xi32, #tpu.memory_space<vmem>>
        %dma_start3A_185 = arith.constant 0 : i32
        %dma_start3A_186 = arith.constant 0 : i32
        %dma_start3A_187 = tpu.memref_slice %arg11[%dma_start3A_185, %dma_start3A_186] : memref<10240x64xf32, #tpu.memory_space<vmem_shared>> -> memref<10240x64xf32, #tpu.memory_space<vmem_shared>>
        tpu.enqueue_indirect_dma source(%arg9 : memref<128x64xf32, #tpu.memory_space<vmem>>) target(%dma_start3A_187 : memref<10240x64xf32, #tpu.memory_space<vmem_shared>>) offsets(%dma_start3A_184 : memref<128xi32, #tpu.memory_space<vmem>>) semaphore(%run_scoped3A_181 : memref<!tpu.dma_semaphore, #tpu.memory_space<semaphore_mem>>) {add = true}
        %dma_wait3A_188 = arith.constant 0 : i32
        %dma_wait3A_189 = tpu.memref_slice %arg7[%add3A_172, %dma_wait3A_188] : memref<80x128xi32, #tpu.memory_space<vmem>> -> memref<1x128xi32, #tpu.memory_space<vmem>>
        %dma_wait3A_190 = tpu.memref_squeeze %dma_wait3A_189 : memref<1x128xi32, #tpu.memory_space<vmem>> -> memref<128xi32, #tpu.memory_space<vmem>>
        %dma_wait3A_191 = arith.constant 0 : i32
        %dma_wait3A_192 = arith.constant 0 : i32
        %dma_wait3A_193 = tpu.memref_slice %arg11[%dma_wait3A_191, %dma_wait3A_192] : memref<10240x64xf32, #tpu.memory_space<vmem_shared>> -> memref<10240x64xf32, #tpu.memory_space<vmem_shared>>
        tpu.wait_indirect_dma semaphore(%run_scoped3A_181 : memref<!tpu.dma_semaphore, #tpu.memory_space<semaphore_mem>>) src(%arg9 : memref<128x64xf32, #tpu.memory_space<vmem>>) dst(%dma_wait3A_193 : memref<10240x64xf32, #tpu.memory_space<vmem_shared>>)
        tpu.yield
      }) : () -> ()
      %add3A_173 = arith.constant 3 : i32
      %add3A_174 = arith.addi %mul3A_148, %add3A_173 : i32
      %dma_start3A_175 = arith.constant 0 : i32
      %dma_start3A_176 = tpu.memref_slice %arg6[%add3A_174, %dma_start3A_175] : memref<80x128xi32, #tpu.memory_space<vmem>> -> memref<1x128xi32, #tpu.memory_space<vmem>>
      %dma_start3A_177 = tpu.memref_squeeze %dma_start3A_176 : memref<1x128xi32, #tpu.memory_space<vmem>> -> memref<128xi32, #tpu.memory_space<vmem>>
      %dma_start3A_178 = arith.constant 0 : i32
      %dma_start3A_179 = arith.constant 0 : i32
      %dma_start3A_180 = tpu.memref_slice %arg10[%dma_start3A_178, %dma_start3A_179] : memref<10240x64xf32, #tpu.memory_space<vmem_shared>> -> memref<10240x64xf32, #tpu.memory_space<vmem_shared>>
      tpu.enqueue_indirect_dma source(%dma_start3A_180 : memref<10240x64xf32, #tpu.memory_space<vmem_shared>>) target(%arg9 : memref<128x64xf32, #tpu.memory_space<vmem>>) offsets(%dma_start3A_177 : memref<128xi32, #tpu.memory_space<vmem>>) semaphore(%arg13 : memref<!tpu.dma_semaphore, #tpu.memory_space<semaphore_mem>>)
    }
    %scan3A_50 = arith.constant 39 : i32
    %dma_wait3A = arith.constant 78 : i32
    %dma_wait3A_51 = arith.constant 0 : i32
    %dma_wait3A_52 = tpu.memref_slice %arg6[%dma_wait3A, %dma_wait3A_51] : memref<80x128xi32, #tpu.memory_space<vmem>> -> memref<1x128xi32, #tpu.memory_space<vmem>>
    %dma_wait3A_53 = tpu.memref_squeeze %dma_wait3A_52 : memref<1x128xi32, #tpu.memory_space<vmem>> -> memref<128xi32, #tpu.memory_space<vmem>>
    %dma_wait3A_54 = arith.constant 0 : i32
    %dma_wait3A_55 = arith.constant 0 : i32
    %dma_wait3A_56 = tpu.memref_slice %arg10[%dma_wait3A_54, %dma_wait3A_55] : memref<10240x64xf32, #tpu.memory_space<vmem_shared>> -> memref<10240x64xf32, #tpu.memory_space<vmem_shared>>
    tpu.wait_indirect_dma semaphore(%arg12 : memref<!tpu.dma_semaphore, #tpu.memory_space<semaphore_mem>>) src(%dma_wait3A_56 : memref<10240x64xf32, #tpu.memory_space<vmem_shared>>) dst(%arg8 : memref<128x64xf32, #tpu.memory_space<vmem>>)
    %run_scoped3A = arith.constant 78 : i32
    "tpu.region"() ({
      %run_scoped3A_146 = tpu.sem_alloc : memref<!tpu.dma_semaphore, #tpu.memory_space<semaphore_mem>>
      %dma_start3A_147 = arith.constant 0 : i32
      %dma_start3A_148 = tpu.memref_slice %arg7[%run_scoped3A, %dma_start3A_147] : memref<80x128xi32, #tpu.memory_space<vmem>> -> memref<1x128xi32, #tpu.memory_space<vmem>>
      %dma_start3A_149 = tpu.memref_squeeze %dma_start3A_148 : memref<1x128xi32, #tpu.memory_space<vmem>> -> memref<128xi32, #tpu.memory_space<vmem>>
      %dma_start3A_150 = arith.constant 0 : i32
      %dma_start3A_151 = arith.constant 0 : i32
      %dma_start3A_152 = tpu.memref_slice %arg11[%dma_start3A_150, %dma_start3A_151] : memref<10240x64xf32, #tpu.memory_space<vmem_shared>> -> memref<10240x64xf32, #tpu.memory_space<vmem_shared>>
      tpu.enqueue_indirect_dma source(%arg8 : memref<128x64xf32, #tpu.memory_space<vmem>>) target(%dma_start3A_152 : memref<10240x64xf32, #tpu.memory_space<vmem_shared>>) offsets(%dma_start3A_149 : memref<128xi32, #tpu.memory_space<vmem>>) semaphore(%run_scoped3A_146 : memref<!tpu.dma_semaphore, #tpu.memory_space<semaphore_mem>>) {add = true}
      %dma_wait3A_153 = arith.constant 0 : i32
      %dma_wait3A_154 = tpu.memref_slice %arg7[%run_scoped3A, %dma_wait3A_153] : memref<80x128xi32, #tpu.memory_space<vmem>> -> memref<1x128xi32, #tpu.memory_space<vmem>>
      %dma_wait3A_155 = tpu.memref_squeeze %dma_wait3A_154 : memref<1x128xi32, #tpu.memory_space<vmem>> -> memref<128xi32, #tpu.memory_space<vmem>>
      %dma_wait3A_156 = arith.constant 0 : i32
      %dma_wait3A_157 = arith.constant 0 : i32
      %dma_wait3A_158 = tpu.memref_slice %arg11[%dma_wait3A_156, %dma_wait3A_157] : memref<10240x64xf32, #tpu.memory_space<vmem_shared>> -> memref<10240x64xf32, #tpu.memory_space<vmem_shared>>
      tpu.wait_indirect_dma semaphore(%run_scoped3A_146 : memref<!tpu.dma_semaphore, #tpu.memory_space<semaphore_mem>>) src(%arg8 : memref<128x64xf32, #tpu.memory_space<vmem>>) dst(%dma_wait3A_158 : memref<10240x64xf32, #tpu.memory_space<vmem_shared>>)
      tpu.yield
    }) : () -> ()
    %dma_wait3A_57 = arith.constant 79 : i32
    %dma_wait3A_58 = arith.constant 0 : i32
    %dma_wait3A_59 = tpu.memref_slice %arg6[%dma_wait3A_57, %dma_wait3A_58] : memref<80x128xi32, #tpu.memory_space<vmem>> -> memref<1x128xi32, #tpu.memory_space<vmem>>
    %dma_wait3A_60 = tpu.memref_squeeze %dma_wait3A_59 : memref<1x128xi32, #tpu.memory_space<vmem>> -> memref<128xi32, #tpu.memory_space<vmem>>
    %dma_wait3A_61 = arith.constant 0 : i32
    %dma_wait3A_62 = arith.constant 0 : i32
    %dma_wait3A_63 = tpu.memref_slice %arg10[%dma_wait3A_61, %dma_wait3A_62] : memref<10240x64xf32, #tpu.memory_space<vmem_shared>> -> memref<10240x64xf32, #tpu.memory_space<vmem_shared>>
    tpu.wait_indirect_dma semaphore(%arg13 : memref<!tpu.dma_semaphore, #tpu.memory_space<semaphore_mem>>) src(%dma_wait3A_63 : memref<10240x64xf32, #tpu.memory_space<vmem_shared>>) dst(%arg9 : memref<128x64xf32, #tpu.memory_space<vmem>>)
    %run_scoped3A_64 = arith.constant 79 : i32
    "tpu.region"() ({
      %run_scoped3A_146 = tpu.sem_alloc : memref<!tpu.dma_semaphore, #tpu.memory_space<semaphore_mem>>
      %dma_start3A_147 = arith.constant 0 : i32
      %dma_start3A_148 = tpu.memref_slice %arg7[%run_scoped3A_64, %dma_start3A_147] : memref<80x128xi32, #tpu.memory_space<vmem>> -> memref<1x128xi32, #tpu.memory_space<vmem>>
      %dma_start3A_149 = tpu.memref_squeeze %dma_start3A_148 : memref<1x128xi32, #tpu.memory_space<vmem>> -> memref<128xi32, #tpu.memory_space<vmem>>
      %dma_start3A_150 = arith.constant 0 : i32
      %dma_start3A_151 = arith.constant 0 : i32
      %dma_start3A_152 = tpu.memref_slice %arg11[%dma_start3A_150, %dma_start3A_151] : memref<10240x64xf32, #tpu.memory_space<vmem_shared>> -> memref<10240x64xf32, #tpu.memory_space<vmem_shared>>
      tpu.enqueue_indirect_dma source(%arg9 : memref<128x64xf32, #tpu.memory_space<vmem>>) target(%dma_start3A_152 : memref<10240x64xf32, #tpu.memory_space<vmem_shared>>) offsets(%dma_start3A_149 : memref<128xi32, #tpu.memory_space<vmem>>) semaphore(%run_scoped3A_146 : memref<!tpu.dma_semaphore, #tpu.memory_space<semaphore_mem>>) {add = true}
      %dma_wait3A_153 = arith.constant 0 : i32
      %dma_wait3A_154 = tpu.memref_slice %arg7[%run_scoped3A_64, %dma_wait3A_153] : memref<80x128xi32, #tpu.memory_space<vmem>> -> memref<1x128xi32, #tpu.memory_space<vmem>>
      %dma_wait3A_155 = tpu.memref_squeeze %dma_wait3A_154 : memref<1x128xi32, #tpu.memory_space<vmem>> -> memref<128xi32, #tpu.memory_space<vmem>>
      %dma_wait3A_156 = arith.constant 0 : i32
      %dma_wait3A_157 = arith.constant 0 : i32
      %dma_wait3A_158 = tpu.memref_slice %arg11[%dma_wait3A_156, %dma_wait3A_157] : memref<10240x64xf32, #tpu.memory_space<vmem_shared>> -> memref<10240x64xf32, #tpu.memory_space<vmem_shared>>
      tpu.wait_indirect_dma semaphore(%run_scoped3A_146 : memref<!tpu.dma_semaphore, #tpu.memory_space<semaphore_mem>>) src(%arg9 : memref<128x64xf32, #tpu.memory_space<vmem>>) dst(%dma_wait3A_158 : memref<10240x64xf32, #tpu.memory_space<vmem_shared>>)
      tpu.yield
    }) : () -> ()
    %mul3A_65 = arith.constant 160 : i32
    %mul3A_66 = arith.muli %arg1, %mul3A_65 : i32
    %add3A_67 = arith.constant 80 : i32
    %add3A_68 = arith.addi %mul3A_66, %add3A_67 : i32
    "tpu.region"() ({
      %run_scoped3A_146 = tpu.sem_alloc : memref<!tpu.dma_semaphore, #tpu.memory_space<semaphore_mem>>
      %dma_start3A_147 = arith.constant 0 : i32
      %dma_start3A_148 = tpu.memref_slice %arg3[%add3A_68, %dma_start3A_147] : memref<2560x128xi32, #tpu.memory_space<hbm>> -> memref<80x128xi32, #tpu.memory_space<hbm>>
      %dma_start3A_149 = arith.constant 0 : i32
      %dma_start3A_150 = tpu.memref_slice %arg3[%add3A_68, %dma_start3A_149] : memref<2560x128xi32, #tpu.memory_space<hbm>> -> memref<80x128xi32, #tpu.memory_space<hbm>>
      tpu.enqueue_dma source(%dma_start3A_150 : memref<80x128xi32, #tpu.memory_space<hbm>>) target(%arg6 : memref<80x128xi32, #tpu.memory_space<vmem>>) target_semaphore(%run_scoped3A_146 : memref<!tpu.dma_semaphore, #tpu.memory_space<semaphore_mem>>)
      %dma_wait3A_151 = arith.constant 0 : i32
      %dma_wait3A_152 = tpu.memref_slice %arg3[%add3A_68, %dma_wait3A_151] : memref<2560x128xi32, #tpu.memory_space<hbm>> -> memref<80x128xi32, #tpu.memory_space<hbm>>
      %dma_wait3A_153 = arith.constant 0 : i32
      %dma_wait3A_154 = tpu.memref_slice %arg3[%add3A_68, %dma_wait3A_153] : memref<2560x128xi32, #tpu.memory_space<hbm>> -> memref<80x128xi32, #tpu.memory_space<hbm>>
      tpu.wait_dma2 semaphore(%run_scoped3A_146 : memref<!tpu.dma_semaphore, #tpu.memory_space<semaphore_mem>>) src(%dma_wait3A_154 : memref<80x128xi32, #tpu.memory_space<hbm>>) dst(%arg6 : memref<80x128xi32, #tpu.memory_space<vmem>>)
      tpu.yield
    }) : () -> ()
    "tpu.region"() ({
      %run_scoped3A_146 = tpu.sem_alloc : memref<!tpu.dma_semaphore, #tpu.memory_space<semaphore_mem>>
      %dma_start3A_147 = arith.constant 0 : i32
      %dma_start3A_148 = tpu.memref_slice %arg4[%add3A_68, %dma_start3A_147] : memref<2560x128xi32, #tpu.memory_space<hbm>> -> memref<80x128xi32, #tpu.memory_space<hbm>>
      %dma_start3A_149 = arith.constant 0 : i32
      %dma_start3A_150 = tpu.memref_slice %arg4[%add3A_68, %dma_start3A_149] : memref<2560x128xi32, #tpu.memory_space<hbm>> -> memref<80x128xi32, #tpu.memory_space<hbm>>
      tpu.enqueue_dma source(%dma_start3A_150 : memref<80x128xi32, #tpu.memory_space<hbm>>) target(%arg7 : memref<80x128xi32, #tpu.memory_space<vmem>>) target_semaphore(%run_scoped3A_146 : memref<!tpu.dma_semaphore, #tpu.memory_space<semaphore_mem>>)
      %dma_wait3A_151 = arith.constant 0 : i32
      %dma_wait3A_152 = tpu.memref_slice %arg4[%add3A_68, %dma_wait3A_151] : memref<2560x128xi32, #tpu.memory_space<hbm>> -> memref<80x128xi32, #tpu.memory_space<hbm>>
      %dma_wait3A_153 = arith.constant 0 : i32
      %dma_wait3A_154 = tpu.memref_slice %arg4[%add3A_68, %dma_wait3A_153] : memref<2560x128xi32, #tpu.memory_space<hbm>> -> memref<80x128xi32, #tpu.memory_space<hbm>>
      tpu.wait_dma2 semaphore(%run_scoped3A_146 : memref<!tpu.dma_semaphore, #tpu.memory_space<semaphore_mem>>) src(%dma_wait3A_154 : memref<80x128xi32, #tpu.memory_space<hbm>>) dst(%arg7 : memref<80x128xi32, #tpu.memory_space<vmem>>)
      tpu.yield
    }) : () -> ()
    %dma_start3A_69 = arith.constant 0 : i32
    %dma_start3A_70 = arith.constant 0 : i32
    %dma_start3A_71 = tpu.memref_slice %arg6[%dma_start3A_69, %dma_start3A_70] : memref<80x128xi32, #tpu.memory_space<vmem>> -> memref<1x128xi32, #tpu.memory_space<vmem>>
    %dma_start3A_72 = tpu.memref_squeeze %dma_start3A_71 : memref<1x128xi32, #tpu.memory_space<vmem>> -> memref<128xi32, #tpu.memory_space<vmem>>
    %dma_start3A_73 = arith.constant 0 : i32
    %dma_start3A_74 = arith.constant 0 : i32
    %dma_start3A_75 = tpu.memref_slice %arg10[%dma_start3A_73, %dma_start3A_74] : memref<10240x64xf32, #tpu.memory_space<vmem_shared>> -> memref<10240x64xf32, #tpu.memory_space<vmem_shared>>
    tpu.enqueue_indirect_dma source(%dma_start3A_75 : memref<10240x64xf32, #tpu.memory_space<vmem_shared>>) target(%arg8 : memref<128x64xf32, #tpu.memory_space<vmem>>) offsets(%dma_start3A_72 : memref<128xi32, #tpu.memory_space<vmem>>) semaphore(%arg12 : memref<!tpu.dma_semaphore, #tpu.memory_space<semaphore_mem>>)
    %dma_start3A_76 = arith.constant 1 : i32
    %dma_start3A_77 = arith.constant 0 : i32
    %dma_start3A_78 = tpu.memref_slice %arg6[%dma_start3A_76, %dma_start3A_77] : memref<80x128xi32, #tpu.memory_space<vmem>> -> memref<1x128xi32, #tpu.memory_space<vmem>>
    %dma_start3A_79 = tpu.memref_squeeze %dma_start3A_78 : memref<1x128xi32, #tpu.memory_space<vmem>> -> memref<128xi32, #tpu.memory_space<vmem>>
    %dma_start3A_80 = arith.constant 0 : i32
    %dma_start3A_81 = arith.constant 0 : i32
    %dma_start3A_82 = tpu.memref_slice %arg10[%dma_start3A_80, %dma_start3A_81] : memref<10240x64xf32, #tpu.memory_space<vmem_shared>> -> memref<10240x64xf32, #tpu.memory_space<vmem_shared>>
    tpu.enqueue_indirect_dma source(%dma_start3A_82 : memref<10240x64xf32, #tpu.memory_space<vmem_shared>>) target(%arg9 : memref<128x64xf32, #tpu.memory_space<vmem>>) offsets(%dma_start3A_79 : memref<128xi32, #tpu.memory_space<vmem>>) semaphore(%arg13 : memref<!tpu.dma_semaphore, #tpu.memory_space<semaphore_mem>>)
    %scan3A_83 = arith.constant 0 : i32
    %scan3A_84 = arith.constant 0 : i32
    %scan3A_85 = arith.constant 39 : i32
    %scan3A_86 = arith.addi %scan3A_84, %scan3A_85 : i32
    %scan3A_87 = arith.constant 1 : i32
    scf.for %scan3A_146 = %scan3A_84 to %scan3A_86 step %scan3A_87  : i32 {
      %mul3A_147 = arith.constant 2 : i32
      %mul3A_148 = arith.muli %mul3A_147, %scan3A_146 : i32
      %dma_wait3A_149 = arith.constant 0 : i32
      %dma_wait3A_150 = tpu.memref_slice %arg6[%mul3A_148, %dma_wait3A_149] : memref<80x128xi32, #tpu.memory_space<vmem>> -> memref<1x128xi32, #tpu.memory_space<vmem>>
      %dma_wait3A_151 = tpu.memref_squeeze %dma_wait3A_150 : memref<1x128xi32, #tpu.memory_space<vmem>> -> memref<128xi32, #tpu.memory_space<vmem>>
      %dma_wait3A_152 = arith.constant 0 : i32
      %dma_wait3A_153 = arith.constant 0 : i32
      %dma_wait3A_154 = tpu.memref_slice %arg10[%dma_wait3A_152, %dma_wait3A_153] : memref<10240x64xf32, #tpu.memory_space<vmem_shared>> -> memref<10240x64xf32, #tpu.memory_space<vmem_shared>>
      tpu.wait_indirect_dma semaphore(%arg12 : memref<!tpu.dma_semaphore, #tpu.memory_space<semaphore_mem>>) src(%dma_wait3A_154 : memref<10240x64xf32, #tpu.memory_space<vmem_shared>>) dst(%arg8 : memref<128x64xf32, #tpu.memory_space<vmem>>)
      "tpu.region"() ({
        %run_scoped3A_181 = tpu.sem_alloc : memref<!tpu.dma_semaphore, #tpu.memory_space<semaphore_mem>>
        %dma_start3A_182 = arith.constant 0 : i32
        %dma_start3A_183 = tpu.memref_slice %arg7[%mul3A_148, %dma_start3A_182] : memref<80x128xi32, #tpu.memory_space<vmem>> -> memref<1x128xi32, #tpu.memory_space<vmem>>
        %dma_start3A_184 = tpu.memref_squeeze %dma_start3A_183 : memref<1x128xi32, #tpu.memory_space<vmem>> -> memref<128xi32, #tpu.memory_space<vmem>>
        %dma_start3A_185 = arith.constant 0 : i32
        %dma_start3A_186 = arith.constant 0 : i32
        %dma_start3A_187 = tpu.memref_slice %arg11[%dma_start3A_185, %dma_start3A_186] : memref<10240x64xf32, #tpu.memory_space<vmem_shared>> -> memref<10240x64xf32, #tpu.memory_space<vmem_shared>>
        tpu.enqueue_indirect_dma source(%arg8 : memref<128x64xf32, #tpu.memory_space<vmem>>) target(%dma_start3A_187 : memref<10240x64xf32, #tpu.memory_space<vmem_shared>>) offsets(%dma_start3A_184 : memref<128xi32, #tpu.memory_space<vmem>>) semaphore(%run_scoped3A_181 : memref<!tpu.dma_semaphore, #tpu.memory_space<semaphore_mem>>) {add = true}
        %dma_wait3A_188 = arith.constant 0 : i32
        %dma_wait3A_189 = tpu.memref_slice %arg7[%mul3A_148, %dma_wait3A_188] : memref<80x128xi32, #tpu.memory_space<vmem>> -> memref<1x128xi32, #tpu.memory_space<vmem>>
        %dma_wait3A_190 = tpu.memref_squeeze %dma_wait3A_189 : memref<1x128xi32, #tpu.memory_space<vmem>> -> memref<128xi32, #tpu.memory_space<vmem>>
        %dma_wait3A_191 = arith.constant 0 : i32
        %dma_wait3A_192 = arith.constant 0 : i32
        %dma_wait3A_193 = tpu.memref_slice %arg11[%dma_wait3A_191, %dma_wait3A_192] : memref<10240x64xf32, #tpu.memory_space<vmem_shared>> -> memref<10240x64xf32, #tpu.memory_space<vmem_shared>>
        tpu.wait_indirect_dma semaphore(%run_scoped3A_181 : memref<!tpu.dma_semaphore, #tpu.memory_space<semaphore_mem>>) src(%arg8 : memref<128x64xf32, #tpu.memory_space<vmem>>) dst(%dma_wait3A_193 : memref<10240x64xf32, #tpu.memory_space<vmem_shared>>)
        tpu.yield
      }) : () -> ()
      %add3A_155 = arith.constant 2 : i32
      %add3A_156 = arith.addi %mul3A_148, %add3A_155 : i32
      %dma_start3A_157 = arith.constant 0 : i32
      %dma_start3A_158 = tpu.memref_slice %arg6[%add3A_156, %dma_start3A_157] : memref<80x128xi32, #tpu.memory_space<vmem>> -> memref<1x128xi32, #tpu.memory_space<vmem>>
      %dma_start3A_159 = tpu.memref_squeeze %dma_start3A_158 : memref<1x128xi32, #tpu.memory_space<vmem>> -> memref<128xi32, #tpu.memory_space<vmem>>
      %dma_start3A_160 = arith.constant 0 : i32
      %dma_start3A_161 = arith.constant 0 : i32
      %dma_start3A_162 = tpu.memref_slice %arg10[%dma_start3A_160, %dma_start3A_161] : memref<10240x64xf32, #tpu.memory_space<vmem_shared>> -> memref<10240x64xf32, #tpu.memory_space<vmem_shared>>
      tpu.enqueue_indirect_dma source(%dma_start3A_162 : memref<10240x64xf32, #tpu.memory_space<vmem_shared>>) target(%arg8 : memref<128x64xf32, #tpu.memory_space<vmem>>) offsets(%dma_start3A_159 : memref<128xi32, #tpu.memory_space<vmem>>) semaphore(%arg12 : memref<!tpu.dma_semaphore, #tpu.memory_space<semaphore_mem>>)
      %add3A_163 = arith.constant 1 : i32
      %add3A_164 = arith.addi %mul3A_148, %add3A_163 : i32
      %dma_wait3A_165 = arith.constant 0 : i32
      %dma_wait3A_166 = tpu.memref_slice %arg6[%add3A_164, %dma_wait3A_165] : memref<80x128xi32, #tpu.memory_space<vmem>> -> memref<1x128xi32, #tpu.memory_space<vmem>>
      %dma_wait3A_167 = tpu.memref_squeeze %dma_wait3A_166 : memref<1x128xi32, #tpu.memory_space<vmem>> -> memref<128xi32, #tpu.memory_space<vmem>>
      %dma_wait3A_168 = arith.constant 0 : i32
      %dma_wait3A_169 = arith.constant 0 : i32
      %dma_wait3A_170 = tpu.memref_slice %arg10[%dma_wait3A_168, %dma_wait3A_169] : memref<10240x64xf32, #tpu.memory_space<vmem_shared>> -> memref<10240x64xf32, #tpu.memory_space<vmem_shared>>
      tpu.wait_indirect_dma semaphore(%arg13 : memref<!tpu.dma_semaphore, #tpu.memory_space<semaphore_mem>>) src(%dma_wait3A_170 : memref<10240x64xf32, #tpu.memory_space<vmem_shared>>) dst(%arg9 : memref<128x64xf32, #tpu.memory_space<vmem>>)
      %add3A_171 = arith.constant 1 : i32
      %add3A_172 = arith.addi %mul3A_148, %add3A_171 : i32
      "tpu.region"() ({
        %run_scoped3A_181 = tpu.sem_alloc : memref<!tpu.dma_semaphore, #tpu.memory_space<semaphore_mem>>
        %dma_start3A_182 = arith.constant 0 : i32
        %dma_start3A_183 = tpu.memref_slice %arg7[%add3A_172, %dma_start3A_182] : memref<80x128xi32, #tpu.memory_space<vmem>> -> memref<1x128xi32, #tpu.memory_space<vmem>>
        %dma_start3A_184 = tpu.memref_squeeze %dma_start3A_183 : memref<1x128xi32, #tpu.memory_space<vmem>> -> memref<128xi32, #tpu.memory_space<vmem>>
        %dma_start3A_185 = arith.constant 0 : i32
        %dma_start3A_186 = arith.constant 0 : i32
        %dma_start3A_187 = tpu.memref_slice %arg11[%dma_start3A_185, %dma_start3A_186] : memref<10240x64xf32, #tpu.memory_space<vmem_shared>> -> memref<10240x64xf32, #tpu.memory_space<vmem_shared>>
        tpu.enqueue_indirect_dma source(%arg9 : memref<128x64xf32, #tpu.memory_space<vmem>>) target(%dma_start3A_187 : memref<10240x64xf32, #tpu.memory_space<vmem_shared>>) offsets(%dma_start3A_184 : memref<128xi32, #tpu.memory_space<vmem>>) semaphore(%run_scoped3A_181 : memref<!tpu.dma_semaphore, #tpu.memory_space<semaphore_mem>>) {add = true}
        %dma_wait3A_188 = arith.constant 0 : i32
        %dma_wait3A_189 = tpu.memref_slice %arg7[%add3A_172, %dma_wait3A_188] : memref<80x128xi32, #tpu.memory_space<vmem>> -> memref<1x128xi32, #tpu.memory_space<vmem>>
        %dma_wait3A_190 = tpu.memref_squeeze %dma_wait3A_189 : memref<1x128xi32, #tpu.memory_space<vmem>> -> memref<128xi32, #tpu.memory_space<vmem>>
        %dma_wait3A_191 = arith.constant 0 : i32
        %dma_wait3A_192 = arith.constant 0 : i32
        %dma_wait3A_193 = tpu.memref_slice %arg11[%dma_wait3A_191, %dma_wait3A_192] : memref<10240x64xf32, #tpu.memory_space<vmem_shared>> -> memref<10240x64xf32, #tpu.memory_space<vmem_shared>>
        tpu.wait_indirect_dma semaphore(%run_scoped3A_181 : memref<!tpu.dma_semaphore, #tpu.memory_space<semaphore_mem>>) src(%arg9 : memref<128x64xf32, #tpu.memory_space<vmem>>) dst(%dma_wait3A_193 : memref<10240x64xf32, #tpu.memory_space<vmem_shared>>)
        tpu.yield
      }) : () -> ()
      %add3A_173 = arith.constant 3 : i32
      %add3A_174 = arith.addi %mul3A_148, %add3A_173 : i32
      %dma_start3A_175 = arith.constant 0 : i32
      %dma_start3A_176 = tpu.memref_slice %arg6[%add3A_174, %dma_start3A_175] : memref<80x128xi32, #tpu.memory_space<vmem>> -> memref<1x128xi32, #tpu.memory_space<vmem>>
      %dma_start3A_177 = tpu.memref_squeeze %dma_start3A_176 : memref<1x128xi32, #tpu.memory_space<vmem>> -> memref<128xi32, #tpu.memory_space<vmem>>
      %dma_start3A_178 = arith.constant 0 : i32
      %dma_start3A_179 = arith.constant 0 : i32
      %dma_start3A_180 = tpu.memref_slice %arg10[%dma_start3A_178, %dma_start3A_179] : memref<10240x64xf32, #tpu.memory_space<vmem_shared>> -> memref<10240x64xf32, #tpu.memory_space<vmem_shared>>
      tpu.enqueue_indirect_dma source(%dma_start3A_180 : memref<10240x64xf32, #tpu.memory_space<vmem_shared>>) target(%arg9 : memref<128x64xf32, #tpu.memory_space<vmem>>) offsets(%dma_start3A_177 : memref<128xi32, #tpu.memory_space<vmem>>) semaphore(%arg13 : memref<!tpu.dma_semaphore, #tpu.memory_space<semaphore_mem>>)
    }
    %scan3A_88 = arith.constant 39 : i32
    %dma_wait3A_89 = arith.constant 78 : i32
    %dma_wait3A_90 = arith.constant 0 : i32
    %dma_wait3A_91 = tpu.memref_slice %arg6[%dma_wait3A_89, %dma_wait3A_90] : memref<80x128xi32, #tpu.memory_space<vmem>> -> memref<1x128xi32, #tpu.memory_space<vmem>>
    %dma_wait3A_92 = tpu.memref_squeeze %dma_wait3A_91 : memref<1x128xi32, #tpu.memory_space<vmem>> -> memref<128xi32, #tpu.memory_space<vmem>>
    %dma_wait3A_93 = arith.constant 0 : i32
    %dma_wait3A_94 = arith.constant 0 : i32
    %dma_wait3A_95 = tpu.memref_slice %arg10[%dma_wait3A_93, %dma_wait3A_94] : memref<10240x64xf32, #tpu.memory_space<vmem_shared>> -> memref<10240x64xf32, #tpu.memory_space<vmem_shared>>
    tpu.wait_indirect_dma semaphore(%arg12 : memref<!tpu.dma_semaphore, #tpu.memory_space<semaphore_mem>>) src(%dma_wait3A_95 : memref<10240x64xf32, #tpu.memory_space<vmem_shared>>) dst(%arg8 : memref<128x64xf32, #tpu.memory_space<vmem>>)
    %run_scoped3A_96 = arith.constant 78 : i32
    "tpu.region"() ({
      %run_scoped3A_146 = tpu.sem_alloc : memref<!tpu.dma_semaphore, #tpu.memory_space<semaphore_mem>>
      %dma_start3A_147 = arith.constant 0 : i32
      %dma_start3A_148 = tpu.memref_slice %arg7[%run_scoped3A_96, %dma_start3A_147] : memref<80x128xi32, #tpu.memory_space<vmem>> -> memref<1x128xi32, #tpu.memory_space<vmem>>
      %dma_start3A_149 = tpu.memref_squeeze %dma_start3A_148 : memref<1x128xi32, #tpu.memory_space<vmem>> -> memref<128xi32, #tpu.memory_space<vmem>>
      %dma_start3A_150 = arith.constant 0 : i32
      %dma_start3A_151 = arith.constant 0 : i32
      %dma_start3A_152 = tpu.memref_slice %arg11[%dma_start3A_150, %dma_start3A_151] : memref<10240x64xf32, #tpu.memory_space<vmem_shared>> -> memref<10240x64xf32, #tpu.memory_space<vmem_shared>>
      tpu.enqueue_indirect_dma source(%arg8 : memref<128x64xf32, #tpu.memory_space<vmem>>) target(%dma_start3A_152 : memref<10240x64xf32, #tpu.memory_space<vmem_shared>>) offsets(%dma_start3A_149 : memref<128xi32, #tpu.memory_space<vmem>>) semaphore(%run_scoped3A_146 : memref<!tpu.dma_semaphore, #tpu.memory_space<semaphore_mem>>) {add = true}
      %dma_wait3A_153 = arith.constant 0 : i32
      %dma_wait3A_154 = tpu.memref_slice %arg7[%run_scoped3A_96, %dma_wait3A_153] : memref<80x128xi32, #tpu.memory_space<vmem>> -> memref<1x128xi32, #tpu.memory_space<vmem>>
      %dma_wait3A_155 = tpu.memref_squeeze %dma_wait3A_154 : memref<1x128xi32, #tpu.memory_space<vmem>> -> memref<128xi32, #tpu.memory_space<vmem>>
      %dma_wait3A_156 = arith.constant 0 : i32
      %dma_wait3A_157 = arith.constant 0 : i32
      %dma_wait3A_158 = tpu.memref_slice %arg11[%dma_wait3A_156, %dma_wait3A_157] : memref<10240x64xf32, #tpu.memory_space<vmem_shared>> -> memref<10240x64xf32, #tpu.memory_space<vmem_shared>>
      tpu.wait_indirect_dma semaphore(%run_scoped3A_146 : memref<!tpu.dma_semaphore, #tpu.memory_space<semaphore_mem>>) src(%arg8 : memref<128x64xf32, #tpu.memory_space<vmem>>) dst(%dma_wait3A_158 : memref<10240x64xf32, #tpu.memory_space<vmem_shared>>)
      tpu.yield
    }) : () -> ()
    %dma_wait3A_97 = arith.constant 79 : i32
    %dma_wait3A_98 = arith.constant 0 : i32
    %dma_wait3A_99 = tpu.memref_slice %arg6[%dma_wait3A_97, %dma_wait3A_98] : memref<80x128xi32, #tpu.memory_space<vmem>> -> memref<1x128xi32, #tpu.memory_space<vmem>>
    %dma_wait3A_100 = tpu.memref_squeeze %dma_wait3A_99 : memref<1x128xi32, #tpu.memory_space<vmem>> -> memref<128xi32, #tpu.memory_space<vmem>>
    %dma_wait3A_101 = arith.constant 0 : i32
    %dma_wait3A_102 = arith.constant 0 : i32
    %dma_wait3A_103 = tpu.memref_slice %arg10[%dma_wait3A_101, %dma_wait3A_102] : memref<10240x64xf32, #tpu.memory_space<vmem_shared>> -> memref<10240x64xf32, #tpu.memory_space<vmem_shared>>
    tpu.wait_indirect_dma semaphore(%arg13 : memref<!tpu.dma_semaphore, #tpu.memory_space<semaphore_mem>>) src(%dma_wait3A_103 : memref<10240x64xf32, #tpu.memory_space<vmem_shared>>) dst(%arg9 : memref<128x64xf32, #tpu.memory_space<vmem>>)
    %run_scoped3A_104 = arith.constant 79 : i32
    "tpu.region"() ({
      %run_scoped3A_146 = tpu.sem_alloc : memref<!tpu.dma_semaphore, #tpu.memory_space<semaphore_mem>>
      %dma_start3A_147 = arith.constant 0 : i32
      %dma_start3A_148 = tpu.memref_slice %arg7[%run_scoped3A_104, %dma_start3A_147] : memref<80x128xi32, #tpu.memory_space<vmem>> -> memref<1x128xi32, #tpu.memory_space<vmem>>
      %dma_start3A_149 = tpu.memref_squeeze %dma_start3A_148 : memref<1x128xi32, #tpu.memory_space<vmem>> -> memref<128xi32, #tpu.memory_space<vmem>>
      %dma_start3A_150 = arith.constant 0 : i32
      %dma_start3A_151 = arith.constant 0 : i32
      %dma_start3A_152 = tpu.memref_slice %arg11[%dma_start3A_150, %dma_start3A_151] : memref<10240x64xf32, #tpu.memory_space<vmem_shared>> -> memref<10240x64xf32, #tpu.memory_space<vmem_shared>>
      tpu.enqueue_indirect_dma source(%arg9 : memref<128x64xf32, #tpu.memory_space<vmem>>) target(%dma_start3A_152 : memref<10240x64xf32, #tpu.memory_space<vmem_shared>>) offsets(%dma_start3A_149 : memref<128xi32, #tpu.memory_space<vmem>>) semaphore(%run_scoped3A_146 : memref<!tpu.dma_semaphore, #tpu.memory_space<semaphore_mem>>) {add = true}
      %dma_wait3A_153 = arith.constant 0 : i32
      %dma_wait3A_154 = tpu.memref_slice %arg7[%run_scoped3A_104, %dma_wait3A_153] : memref<80x128xi32, #tpu.memory_space<vmem>> -> memref<1x128xi32, #tpu.memory_space<vmem>>
      %dma_wait3A_155 = tpu.memref_squeeze %dma_wait3A_154 : memref<1x128xi32, #tpu.memory_space<vmem>> -> memref<128xi32, #tpu.memory_space<vmem>>
      %dma_wait3A_156 = arith.constant 0 : i32
      %dma_wait3A_157 = arith.constant 0 : i32
      %dma_wait3A_158 = tpu.memref_slice %arg11[%dma_wait3A_156, %dma_wait3A_157] : memref<10240x64xf32, #tpu.memory_space<vmem_shared>> -> memref<10240x64xf32, #tpu.memory_space<vmem_shared>>
      tpu.wait_indirect_dma semaphore(%run_scoped3A_146 : memref<!tpu.dma_semaphore, #tpu.memory_space<semaphore_mem>>) src(%arg9 : memref<128x64xf32, #tpu.memory_space<vmem>>) dst(%dma_wait3A_158 : memref<10240x64xf32, #tpu.memory_space<vmem_shared>>)
      tpu.yield
    }) : () -> ()
    %barrier3A_105 = arith.constant 0 : index
    tpu.barrier barrier_id(%barrier3A_105)
    %mul3A_106 = arith.constant 640 : i32
    %mul3A_107 = arith.muli %arg1, %mul3A_106 : i32
    %add3A_108 = arith.constant 0 : i32
    %add3A_109 = arith.addi %mul3A_107, %add3A_108 : i32
    %mul3A_110 = arith.constant 640 : i32
    %mul3A_111 = arith.muli %arg1, %mul3A_110 : i32
    %add3A_112 = arith.constant 0 : i32
    %add3A_113 = arith.addi %mul3A_111, %add3A_112 : i32
    "tpu.region"() ({
      %run_scoped3A_146 = tpu.sem_alloc : memref<!tpu.dma_semaphore, #tpu.memory_space<semaphore_mem>>
      %dma_start3A_147 = arith.constant 0 : i32
      %dma_start3A_148 = tpu.memref_slice %arg5[%arg0, %add3A_113, %dma_start3A_147] : memref<2x10240x64xf32, #tpu.memory_space<hbm>> -> memref<1x128x64xf32, #tpu.memory_space<hbm>>
      %dma_start3A_149 = tpu.memref_squeeze %dma_start3A_148 : memref<1x128x64xf32, #tpu.memory_space<hbm>> -> memref<128x64xf32, #tpu.memory_space<hbm>>
      %dma_start3A_150 = arith.constant 0 : i32
      %dma_start3A_151 = tpu.memref_slice %arg11[%add3A_109, %dma_start3A_150] : memref<10240x64xf32, #tpu.memory_space<vmem_shared>> -> memref<128x64xf32, #tpu.memory_space<vmem_shared>>
      tpu.enqueue_dma source(%dma_start3A_151 : memref<128x64xf32, #tpu.memory_space<vmem_shared>>) target(%dma_start3A_149 : memref<128x64xf32, #tpu.memory_space<hbm>>) target_semaphore(%run_scoped3A_146 : memref<!tpu.dma_semaphore, #tpu.memory_space<semaphore_mem>>)
      %dma_wait3A_152 = arith.constant 0 : i32
      %dma_wait3A_153 = tpu.memref_slice %arg5[%arg0, %add3A_113, %dma_wait3A_152] : memref<2x10240x64xf32, #tpu.memory_space<hbm>> -> memref<1x128x64xf32, #tpu.memory_space<hbm>>
      %dma_wait3A_154 = tpu.memref_squeeze %dma_wait3A_153 : memref<1x128x64xf32, #tpu.memory_space<hbm>> -> memref<128x64xf32, #tpu.memory_space<hbm>>
      %dma_wait3A_155 = arith.constant 0 : i32
      %dma_wait3A_156 = tpu.memref_slice %arg11[%add3A_109, %dma_wait3A_155] : memref<10240x64xf32, #tpu.memory_space<vmem_shared>> -> memref<128x64xf32, #tpu.memory_space<vmem_shared>>
      tpu.wait_dma2 semaphore(%run_scoped3A_146 : memref<!tpu.dma_semaphore, #tpu.memory_space<semaphore_mem>>) src(%dma_wait3A_156 : memref<128x64xf32, #tpu.memory_space<vmem_shared>>) dst(%dma_wait3A_154 : memref<128x64xf32, #tpu.memory_space<hbm>>)
      tpu.yield
    }) : () -> ()
    %mul3A_114 = arith.constant 640 : i32
    %mul3A_115 = arith.muli %arg1, %mul3A_114 : i32
    %add3A_116 = arith.constant 128 : i32
    %add3A_117 = arith.addi %mul3A_115, %add3A_116 : i32
    %mul3A_118 = arith.constant 640 : i32
    %mul3A_119 = arith.muli %arg1, %mul3A_118 : i32
    %add3A_120 = arith.constant 128 : i32
    %add3A_121 = arith.addi %mul3A_119, %add3A_120 : i32
    "tpu.region"() ({
      %run_scoped3A_146 = tpu.sem_alloc : memref<!tpu.dma_semaphore, #tpu.memory_space<semaphore_mem>>
      %dma_start3A_147 = arith.constant 0 : i32
      %dma_start3A_148 = tpu.memref_slice %arg5[%arg0, %add3A_121, %dma_start3A_147] : memref<2x10240x64xf32, #tpu.memory_space<hbm>> -> memref<1x128x64xf32, #tpu.memory_space<hbm>>
      %dma_start3A_149 = tpu.memref_squeeze %dma_start3A_148 : memref<1x128x64xf32, #tpu.memory_space<hbm>> -> memref<128x64xf32, #tpu.memory_space<hbm>>
      %dma_start3A_150 = arith.constant 0 : i32
      %dma_start3A_151 = tpu.memref_slice %arg11[%add3A_117, %dma_start3A_150] : memref<10240x64xf32, #tpu.memory_space<vmem_shared>> -> memref<128x64xf32, #tpu.memory_space<vmem_shared>>
      tpu.enqueue_dma source(%dma_start3A_151 : memref<128x64xf32, #tpu.memory_space<vmem_shared>>) target(%dma_start3A_149 : memref<128x64xf32, #tpu.memory_space<hbm>>) target_semaphore(%run_scoped3A_146 : memref<!tpu.dma_semaphore, #tpu.memory_space<semaphore_mem>>)
      %dma_wait3A_152 = arith.constant 0 : i32
      %dma_wait3A_153 = tpu.memref_slice %arg5[%arg0, %add3A_121, %dma_wait3A_152] : memref<2x10240x64xf32, #tpu.memory_space<hbm>> -> memref<1x128x64xf32, #tpu.memory_space<hbm>>
      %dma_wait3A_154 = tpu.memref_squeeze %dma_wait3A_153 : memref<1x128x64xf32, #tpu.memory_space<hbm>> -> memref<128x64xf32, #tpu.memory_space<hbm>>
      %dma_wait3A_155 = arith.constant 0 : i32
      %dma_wait3A_156 = tpu.memref_slice %arg11[%add3A_117, %dma_wait3A_155] : memref<10240x64xf32, #tpu.memory_space<vmem_shared>> -> memref<128x64xf32, #tpu.memory_space<vmem_shared>>
      tpu.wait_dma2 semaphore(%run_scoped3A_146 : memref<!tpu.dma_semaphore, #tpu.memory_space<semaphore_mem>>) src(%dma_wait3A_156 : memref<128x64xf32, #tpu.memory_space<vmem_shared>>) dst(%dma_wait3A_154 : memref<128x64xf32, #tpu.memory_space<hbm>>)
      tpu.yield
    }) : () -> ()
    %mul3A_122 = arith.constant 640 : i32
    %mul3A_123 = arith.muli %arg1, %mul3A_122 : i32
    %add3A_124 = arith.constant 256 : i32
    %add3A_125 = arith.addi %mul3A_123, %add3A_124 : i32
    %mul3A_126 = arith.constant 640 : i32
    %mul3A_127 = arith.muli %arg1, %mul3A_126 : i32
    %add3A_128 = arith.constant 256 : i32
    %add3A_129 = arith.addi %mul3A_127, %add3A_128 : i32
    "tpu.region"() ({
      %run_scoped3A_146 = tpu.sem_alloc : memref<!tpu.dma_semaphore, #tpu.memory_space<semaphore_mem>>
      %dma_start3A_147 = arith.constant 0 : i32
      %dma_start3A_148 = tpu.memref_slice %arg5[%arg0, %add3A_129, %dma_start3A_147] : memref<2x10240x64xf32, #tpu.memory_space<hbm>> -> memref<1x128x64xf32, #tpu.memory_space<hbm>>
      %dma_start3A_149 = tpu.memref_squeeze %dma_start3A_148 : memref<1x128x64xf32, #tpu.memory_space<hbm>> -> memref<128x64xf32, #tpu.memory_space<hbm>>
      %dma_start3A_150 = arith.constant 0 : i32
      %dma_start3A_151 = tpu.memref_slice %arg11[%add3A_125, %dma_start3A_150] : memref<10240x64xf32, #tpu.memory_space<vmem_shared>> -> memref<128x64xf32, #tpu.memory_space<vmem_shared>>
      tpu.enqueue_dma source(%dma_start3A_151 : memref<128x64xf32, #tpu.memory_space<vmem_shared>>) target(%dma_start3A_149 : memref<128x64xf32, #tpu.memory_space<hbm>>) target_semaphore(%run_scoped3A_146 : memref<!tpu.dma_semaphore, #tpu.memory_space<semaphore_mem>>)
      %dma_wait3A_152 = arith.constant 0 : i32
      %dma_wait3A_153 = tpu.memref_slice %arg5[%arg0, %add3A_129, %dma_wait3A_152] : memref<2x10240x64xf32, #tpu.memory_space<hbm>> -> memref<1x128x64xf32, #tpu.memory_space<hbm>>
      %dma_wait3A_154 = tpu.memref_squeeze %dma_wait3A_153 : memref<1x128x64xf32, #tpu.memory_space<hbm>> -> memref<128x64xf32, #tpu.memory_space<hbm>>
      %dma_wait3A_155 = arith.constant 0 : i32
      %dma_wait3A_156 = tpu.memref_slice %arg11[%add3A_125, %dma_wait3A_155] : memref<10240x64xf32, #tpu.memory_space<vmem_shared>> -> memref<128x64xf32, #tpu.memory_space<vmem_shared>>
      tpu.wait_dma2 semaphore(%run_scoped3A_146 : memref<!tpu.dma_semaphore, #tpu.memory_space<semaphore_mem>>) src(%dma_wait3A_156 : memref<128x64xf32, #tpu.memory_space<vmem_shared>>) dst(%dma_wait3A_154 : memref<128x64xf32, #tpu.memory_space<hbm>>)
      tpu.yield
    }) : () -> ()
    %mul3A_130 = arith.constant 640 : i32
    %mul3A_131 = arith.muli %arg1, %mul3A_130 : i32
    %add3A_132 = arith.constant 384 : i32
    %add3A_133 = arith.addi %mul3A_131, %add3A_132 : i32
    %mul3A_134 = arith.constant 640 : i32
    %mul3A_135 = arith.muli %arg1, %mul3A_134 : i32
    %add3A_136 = arith.constant 384 : i32
    %add3A_137 = arith.addi %mul3A_135, %add3A_136 : i32
    "tpu.region"() ({
      %run_scoped3A_146 = tpu.sem_alloc : memref<!tpu.dma_semaphore, #tpu.memory_space<semaphore_mem>>
      %dma_start3A_147 = arith.constant 0 : i32
      %dma_start3A_148 = tpu.memref_slice %arg5[%arg0, %add3A_137, %dma_start3A_147] : memref<2x10240x64xf32, #tpu.memory_space<hbm>> -> memref<1x128x64xf32, #tpu.memory_space<hbm>>
      %dma_start3A_149 = tpu.memref_squeeze %dma_start3A_148 : memref<1x128x64xf32, #tpu.memory_space<hbm>> -> memref<128x64xf32, #tpu.memory_space<hbm>>
      %dma_start3A_150 = arith.constant 0 : i32
      %dma_start3A_151 = tpu.memref_slice %arg11[%add3A_133, %dma_start3A_150] : memref<10240x64xf32, #tpu.memory_space<vmem_shared>> -> memref<128x64xf32, #tpu.memory_space<vmem_shared>>
      tpu.enqueue_dma source(%dma_start3A_151 : memref<128x64xf32, #tpu.memory_space<vmem_shared>>) target(%dma_start3A_149 : memref<128x64xf32, #tpu.memory_space<hbm>>) target_semaphore(%run_scoped3A_146 : memref<!tpu.dma_semaphore, #tpu.memory_space<semaphore_mem>>)
      %dma_wait3A_152 = arith.constant 0 : i32
      %dma_wait3A_153 = tpu.memref_slice %arg5[%arg0, %add3A_137, %dma_wait3A_152] : memref<2x10240x64xf32, #tpu.memory_space<hbm>> -> memref<1x128x64xf32, #tpu.memory_space<hbm>>
      %dma_wait3A_154 = tpu.memref_squeeze %dma_wait3A_153 : memref<1x128x64xf32, #tpu.memory_space<hbm>> -> memref<128x64xf32, #tpu.memory_space<hbm>>
      %dma_wait3A_155 = arith.constant 0 : i32
      %dma_wait3A_156 = tpu.memref_slice %arg11[%add3A_133, %dma_wait3A_155] : memref<10240x64xf32, #tpu.memory_space<vmem_shared>> -> memref<128x64xf32, #tpu.memory_space<vmem_shared>>
      tpu.wait_dma2 semaphore(%run_scoped3A_146 : memref<!tpu.dma_semaphore, #tpu.memory_space<semaphore_mem>>) src(%dma_wait3A_156 : memref<128x64xf32, #tpu.memory_space<vmem_shared>>) dst(%dma_wait3A_154 : memref<128x64xf32, #tpu.memory_space<hbm>>)
      tpu.yield
    }) : () -> ()
    %mul3A_138 = arith.constant 640 : i32
    %mul3A_139 = arith.muli %arg1, %mul3A_138 : i32
    %add3A_140 = arith.constant 512 : i32
    %add3A_141 = arith.addi %mul3A_139, %add3A_140 : i32
    %mul3A_142 = arith.constant 640 : i32
    %mul3A_143 = arith.muli %arg1, %mul3A_142 : i32
    %add3A_144 = arith.constant 512 : i32
    %add3A_145 = arith.addi %mul3A_143, %add3A_144 : i32
    "tpu.region"() ({
      %run_scoped3A_146 = tpu.sem_alloc : memref<!tpu.dma_semaphore, #tpu.memory_space<semaphore_mem>>
      %dma_start3A_147 = arith.constant 0 : i32
      %dma_start3A_148 = tpu.memref_slice %arg5[%arg0, %add3A_145, %dma_start3A_147] : memref<2x10240x64xf32, #tpu.memory_space<hbm>> -> memref<1x128x64xf32, #tpu.memory_space<hbm>>
      %dma_start3A_149 = tpu.memref_squeeze %dma_start3A_148 : memref<1x128x64xf32, #tpu.memory_space<hbm>> -> memref<128x64xf32, #tpu.memory_space<hbm>>
      %dma_start3A_150 = arith.constant 0 : i32
      %dma_start3A_151 = tpu.memref_slice %arg11[%add3A_141, %dma_start3A_150] : memref<10240x64xf32, #tpu.memory_space<vmem_shared>> -> memref<128x64xf32, #tpu.memory_space<vmem_shared>>
      tpu.enqueue_dma source(%dma_start3A_151 : memref<128x64xf32, #tpu.memory_space<vmem_shared>>) target(%dma_start3A_149 : memref<128x64xf32, #tpu.memory_space<hbm>>) target_semaphore(%run_scoped3A_146 : memref<!tpu.dma_semaphore, #tpu.memory_space<semaphore_mem>>)
      %dma_wait3A_152 = arith.constant 0 : i32
      %dma_wait3A_153 = tpu.memref_slice %arg5[%arg0, %add3A_145, %dma_wait3A_152] : memref<2x10240x64xf32, #tpu.memory_space<hbm>> -> memref<1x128x64xf32, #tpu.memory_space<hbm>>
      %dma_wait3A_154 = tpu.memref_squeeze %dma_wait3A_153 : memref<1x128x64xf32, #tpu.memory_space<hbm>> -> memref<128x64xf32, #tpu.memory_space<hbm>>
      %dma_wait3A_155 = arith.constant 0 : i32
      %dma_wait3A_156 = tpu.memref_slice %arg11[%add3A_141, %dma_wait3A_155] : memref<10240x64xf32, #tpu.memory_space<vmem_shared>> -> memref<128x64xf32, #tpu.memory_space<vmem_shared>>
      tpu.wait_dma2 semaphore(%run_scoped3A_146 : memref<!tpu.dma_semaphore, #tpu.memory_space<semaphore_mem>>) src(%dma_wait3A_156 : memref<128x64xf32, #tpu.memory_space<vmem_shared>>) dst(%dma_wait3A_154 : memref<128x64xf32, #tpu.memory_space<hbm>>)
      tpu.yield
    }) : () -> ()
    return
  }
}

#map = affine_map<(d0, d1) -> (0, 0, 0)>
#map1 = affine_map<(d0, d1) -> (0, 0)>
module attributes {stable_mosaic.version = 14 : i64} {
  func.func @scatter_kernel(%arg0: i32, %arg1: i32, %arg2: memref<2x10240x64xf32, #tpu.memory_space<hbm>>, %arg3: memref<2560x128xi32, #tpu.memory_space<hbm>>, %arg4: memref<2560x128xi32, #tpu.memory_space<hbm>>, %arg5: memref<2x10240x64xf32, #tpu.memory_space<hbm>>, %arg6: memref<80x128xi32, #tpu.memory_space<vmem>>, %arg7: memref<80x128xi32, #tpu.memory_space<vmem>>, %arg8: memref<128x64xf32, #tpu.memory_space<vmem>>, %arg9: memref<128x64xf32, #tpu.memory_space<vmem>>, %arg10: memref<10240x64xf32, #tpu.memory_space<vmem_shared>>, %arg11: memref<10240x64xf32, #tpu.memory_space<vmem_shared>>, %arg12: memref<!tpu.dma_semaphore, #tpu.memory_space<semaphore_mem>>, %arg13: memref<!tpu.dma_semaphore, #tpu.memory_space<semaphore_mem>>, %arg14: memref<!tpu.dma_semaphore, #tpu.memory_space<semaphore_mem>>, %arg15: memref<!tpu.dma_semaphore, #tpu.memory_space<semaphore_mem>>) attributes {dimension_semantics = [#tpu.dimension_semantics<core_parallel>, #tpu.dimension_semantics<subcore_parallel>], iteration_bounds = array<i64: 2, 16>, scalar_prefetch = 0 : i64, scratch_operands = 10 : i64, tpu.core_type = #tpu.core_type<sc_vector_subcore>, window_params = [{transform_indices = #map}, {transform_indices = #map1}, {transform_indices = #map1}, {transform_indices = #map}]} {
    %mul3A = arith.constant 640 : i32
    %mul3A_0 = arith.muli %arg1, %mul3A : i32
    %mul3A_1 = arith.constant 640 : i32
    %mul3A_2 = arith.muli %arg1, %mul3A_1 : i32
    "tpu.region"() ({
      %run_scoped3A_146 = tpu.sem_alloc : memref<!tpu.dma_semaphore, #tpu.memory_space<semaphore_mem>>
      %dma_start3A_147 = arith.constant 0 : i32
      %dma_start3A_148 = tpu.memref_slice %arg10[%mul3A_2, %dma_start3A_147] : memref<10240x64xf32, #tpu.memory_space<vmem_shared>> -> memref<640x64xf32, #tpu.memory_space<vmem_shared>>
      %dma_start3A_149 = arith.constant 0 : i32
      %dma_start3A_150 = tpu.memref_slice %arg2[%arg0, %mul3A_0, %dma_start3A_149] : memref<2x10240x64xf32, #tpu.memory_space<hbm>> -> memref<1x640x64xf32, #tpu.memory_space<hbm>>
      %dma_start3A_151 = tpu.memref_squeeze %dma_start3A_150 : memref<1x640x64xf32, #tpu.memory_space<hbm>> -> memref<640x64xf32, #tpu.memory_space<hbm>>
      tpu.enqueue_dma source(%dma_start3A_151 : memref<640x64xf32, #tpu.memory_space<hbm>>) target(%dma_start3A_148 : memref<640x64xf32, #tpu.memory_space<vmem_shared>>) target_semaphore(%run_scoped3A_146 : memref<!tpu.dma_semaphore, #tpu.memory_space<semaphore_mem>>)
      %dma_wait3A_152 = arith.constant 0 : i32
      %dma_wait3A_153 = tpu.memref_slice %arg10[%mul3A_2, %dma_wait3A_152] : memref<10240x64xf32, #tpu.memory_space<vmem_shared>> -> memref<640x64xf32, #tpu.memory_space<vmem_shared>>
      %dma_wait3A_154 = arith.constant 0 : i32
      %dma_wait3A_155 = tpu.memref_slice %arg2[%arg0, %mul3A_0, %dma_wait3A_154] : memref<2x10240x64xf32, #tpu.memory_space<hbm>> -> memref<1x640x64xf32, #tpu.memory_space<hbm>>
      %dma_wait3A_156 = tpu.memref_squeeze %dma_wait3A_155 : memref<1x640x64xf32, #tpu.memory_space<hbm>> -> memref<640x64xf32, #tpu.memory_space<hbm>>
      tpu.wait_dma2 semaphore(%run_scoped3A_146 : memref<!tpu.dma_semaphore, #tpu.memory_space<semaphore_mem>>) src(%dma_wait3A_156 : memref<640x64xf32, #tpu.memory_space<hbm>>) dst(%dma_wait3A_153 : memref<640x64xf32, #tpu.memory_space<vmem_shared>>)
      tpu.yield
    }) : () -> ()
    %broadcast_in_dim3A = arith.constant 0.000000e+00 : f32
    %broadcast_in_dim3A_3 = vector.broadcast %broadcast_in_dim3A : f32 to vector<16xf32>
    %scan3A = arith.constant 0 : i32
    %scan3A_4 = arith.constant 0 : i32
    %scan3A_5 = arith.constant 128 : i32
    %scan3A_6 = arith.addi %scan3A_4, %scan3A_5 : i32
    %scan3A_7 = arith.constant 1 : i32
    scf.for %scan3A_146 = %scan3A_4 to %scan3A_6 step %scan3A_7  : i32 {
      %scan3A_147 = arith.constant 0 : i32
      %scan3A_148 = arith.constant 4 : i32
      %scan3A_149 = arith.addi %scan3A_147, %scan3A_148 : i32
      %scan3A_150 = arith.constant 1 : i32
      scf.for %scan3A_152 = %scan3A_147 to %scan3A_149 step %scan3A_150  : i32 {
        %mul3A_153 = arith.constant 16 : i32
        %mul3A_154 = arith.muli %scan3A_152, %mul3A_153 : i32
        %swap3A = arith.index_cast %scan3A_146 : i32 to index
        %swap3A_155 = arith.index_cast %mul3A_154 : i32 to index
        %swap3A_156 = tpu.vector_load %arg8[%swap3A, %swap3A_155] {strides = array<i32>} : memref<128x64xf32, #tpu.memory_space<vmem>>, vector<1x16xf32>,
        %swap3A_157 = vector.shape_cast %swap3A_156 : vector<1x16xf32> to vector<16xf32>
        %swap3A_158 = vector.shape_cast %broadcast_in_dim3A_3 : vector<16xf32> to vector<1x16xf32>
        tpu.vector_store %arg8[%swap3A, %swap3A_155], %swap3A_158 {strides = array<i32>} : memref<128x64xf32, #tpu.memory_space<vmem>>, vector<1x16xf32>,
      }
      %scan3A_151 = arith.constant 4 : i32
    }
    %scan3A_8 = arith.constant 128 : i32
    %mul3A_9 = arith.constant 640 : i32
    %mul3A_10 = arith.muli %arg1, %mul3A_9 : i32
    %add3A = arith.constant 0 : i32
    %add3A_11 = arith.addi %mul3A_10, %add3A : i32
    "tpu.region"() ({
      %run_scoped3A_146 = tpu.sem_alloc : memref<!tpu.dma_semaphore, #tpu.memory_space<semaphore_mem>>
      %dma_start3A_147 = arith.constant 0 : i32
      %dma_start3A_148 = tpu.memref_slice %arg11[%add3A_11, %dma_start3A_147] : memref<10240x64xf32, #tpu.memory_space<vmem_shared>> -> memref<128x64xf32, #tpu.memory_space<vmem_shared>>
      %dma_start3A_149 = arith.constant 0 : i32
      %dma_start3A_150 = tpu.memref_slice %arg11[%add3A_11, %dma_start3A_149] : memref<10240x64xf32, #tpu.memory_space<vmem_shared>> -> memref<128x64xf32, #tpu.memory_space<vmem_shared>>
      tpu.enqueue_dma source(%arg8 : memref<128x64xf32, #tpu.memory_space<vmem>>) target(%dma_start3A_150 : memref<128x64xf32, #tpu.memory_space<vmem_shared>>) target_semaphore(%run_scoped3A_146 : memref<!tpu.dma_semaphore, #tpu.memory_space<semaphore_mem>>)
      %dma_wait3A_151 = arith.constant 0 : i32
      %dma_wait3A_152 = tpu.memref_slice %arg11[%add3A_11, %dma_wait3A_151] : memref<10240x64xf32, #tpu.memory_space<vmem_shared>> -> memref<128x64xf32, #tpu.memory_space<vmem_shared>>
      %dma_wait3A_153 = arith.constant 0 : i32
      %dma_wait3A_154 = tpu.memref_slice %arg11[%add3A_11, %dma_wait3A_153] : memref<10240x64xf32, #tpu.memory_space<vmem_shared>> -> memref<128x64xf32, #tpu.memory_space<vmem_shared>>
      tpu.wait_dma2 semaphore(%run_scoped3A_146 : memref<!tpu.dma_semaphore, #tpu.memory_space<semaphore_mem>>) src(%arg8 : memref<128x64xf32, #tpu.memory_space<vmem>>) dst(%dma_wait3A_154 : memref<128x64xf32, #tpu.memory_space<vmem_shared>>)
      tpu.yield
    }) : () -> ()
    %mul3A_12 = arith.constant 640 : i32
    %mul3A_13 = arith.muli %arg1, %mul3A_12 : i32
    %add3A_14 = arith.constant 128 : i32
    %add3A_15 = arith.addi %mul3A_13, %add3A_14 : i32
    "tpu.region"() ({
      %run_scoped3A_146 = tpu.sem_alloc : memref<!tpu.dma_semaphore, #tpu.memory_space<semaphore_mem>>
      %dma_start3A_147 = arith.constant 0 : i32
      %dma_start3A_148 = tpu.memref_slice %arg11[%add3A_15, %dma_start3A_147] : memref<10240x64xf32, #tpu.memory_space<vmem_shared>> -> memref<128x64xf32, #tpu.memory_space<vmem_shared>>
      %dma_start3A_149 = arith.constant 0 : i32
      %dma_start3A_150 = tpu.memref_slice %arg11[%add3A_15, %dma_start3A_149] : memref<10240x64xf32, #tpu.memory_space<vmem_shared>> -> memref<128x64xf32, #tpu.memory_space<vmem_shared>>
      tpu.enqueue_dma source(%arg8 : memref<128x64xf32, #tpu.memory_space<vmem>>) target(%dma_start3A_150 : memref<128x64xf32, #tpu.memory_space<vmem_shared>>) target_semaphore(%run_scoped3A_146 : memref<!tpu.dma_semaphore, #tpu.memory_space<semaphore_mem>>)
      %dma_wait3A_151 = arith.constant 0 : i32
      %dma_wait3A_152 = tpu.memref_slice %arg11[%add3A_15, %dma_wait3A_151] : memref<10240x64xf32, #tpu.memory_space<vmem_shared>> -> memref<128x64xf32, #tpu.memory_space<vmem_shared>>
      %dma_wait3A_153 = arith.constant 0 : i32
      %dma_wait3A_154 = tpu.memref_slice %arg11[%add3A_15, %dma_wait3A_153] : memref<10240x64xf32, #tpu.memory_space<vmem_shared>> -> memref<128x64xf32, #tpu.memory_space<vmem_shared>>
      tpu.wait_dma2 semaphore(%run_scoped3A_146 : memref<!tpu.dma_semaphore, #tpu.memory_space<semaphore_mem>>) src(%arg8 : memref<128x64xf32, #tpu.memory_space<vmem>>) dst(%dma_wait3A_154 : memref<128x64xf32, #tpu.memory_space<vmem_shared>>)
      tpu.yield
    }) : () -> ()
    %mul3A_16 = arith.constant 640 : i32
    %mul3A_17 = arith.muli %arg1, %mul3A_16 : i32
    %add3A_18 = arith.constant 256 : i32
    %add3A_19 = arith.addi %mul3A_17, %add3A_18 : i32
    "tpu.region"() ({
      %run_scoped3A_146 = tpu.sem_alloc : memref<!tpu.dma_semaphore, #tpu.memory_space<semaphore_mem>>
      %dma_start3A_147 = arith.constant 0 : i32
      %dma_start3A_148 = tpu.memref_slice %arg11[%add3A_19, %dma_start3A_147] : memref<10240x64xf32, #tpu.memory_space<vmem_shared>> -> memref<128x64xf32, #tpu.memory_space<vmem_shared>>
      %dma_start3A_149 = arith.constant 0 : i32
      %dma_start3A_150 = tpu.memref_slice %arg11[%add3A_19, %dma_start3A_149] : memref<10240x64xf32, #tpu.memory_space<vmem_shared>> -> memref<128x64xf32, #tpu.memory_space<vmem_shared>>
      tpu.enqueue_dma source(%arg8 : memref<128x64xf32, #tpu.memory_space<vmem>>) target(%dma_start3A_150 : memref<128x64xf32, #tpu.memory_space<vmem_shared>>) target_semaphore(%run_scoped3A_146 : memref<!tpu.dma_semaphore, #tpu.memory_space<semaphore_mem>>)
      %dma_wait3A_151 = arith.constant 0 : i32
      %dma_wait3A_152 = tpu.memref_slice %arg11[%add3A_19, %dma_wait3A_151] : memref<10240x64xf32, #tpu.memory_space<vmem_shared>> -> memref<128x64xf32, #tpu.memory_space<vmem_shared>>
      %dma_wait3A_153 = arith.constant 0 : i32
      %dma_wait3A_154 = tpu.memref_slice %arg11[%add3A_19, %dma_wait3A_153] : memref<10240x64xf32, #tpu.memory_space<vmem_shared>> -> memref<128x64xf32, #tpu.memory_space<vmem_shared>>
      tpu.wait_dma2 semaphore(%run_scoped3A_146 : memref<!tpu.dma_semaphore, #tpu.memory_space<semaphore_mem>>) src(%arg8 : memref<128x64xf32, #tpu.memory_space<vmem>>) dst(%dma_wait3A_154 : memref<128x64xf32, #tpu.memory_space<vmem_shared>>)
      tpu.yield
    }) : () -> ()
    %mul3A_20 = arith.constant 640 : i32
    %mul3A_21 = arith.muli %arg1, %mul3A_20 : i32
    %add3A_22 = arith.constant 384 : i32
    %add3A_23 = arith.addi %mul3A_21, %add3A_22 : i32
    "tpu.region"() ({
      %run_scoped3A_146 = tpu.sem_alloc : memref<!tpu.dma_semaphore, #tpu.memory_space<semaphore_mem>>
      %dma_start3A_147 = arith.constant 0 : i32
      %dma_start3A_148 = tpu.memref_slice %arg11[%add3A_23, %dma_start3A_147] : memref<10240x64xf32, #tpu.memory_space<vmem_shared>> -> memref<128x64xf32, #tpu.memory_space<vmem_shared>>
      %dma_start3A_149 = arith.constant 0 : i32
      %dma_start3A_150 = tpu.memref_slice %arg11[%add3A_23, %dma_start3A_149] : memref<10240x64xf32, #tpu.memory_space<vmem_shared>> -> memref<128x64xf32, #tpu.memory_space<vmem_shared>>
      tpu.enqueue_dma source(%arg8 : memref<128x64xf32, #tpu.memory_space<vmem>>) target(%dma_start3A_150 : memref<128x64xf32, #tpu.memory_space<vmem_shared>>) target_semaphore(%run_scoped3A_146 : memref<!tpu.dma_semaphore, #tpu.memory_space<semaphore_mem>>)
      %dma_wait3A_151 = arith.constant 0 : i32
      %dma_wait3A_152 = tpu.memref_slice %arg11[%add3A_23, %dma_wait3A_151] : memref<10240x64xf32, #tpu.memory_space<vmem_shared>> -> memref<128x64xf32, #tpu.memory_space<vmem_shared>>
      %dma_wait3A_153 = arith.constant 0 : i32
      %dma_wait3A_154 = tpu.memref_slice %arg11[%add3A_23, %dma_wait3A_153] : memref<10240x64xf32, #tpu.memory_space<vmem_shared>> -> memref<128x64xf32, #tpu.memory_space<vmem_shared>>
      tpu.wait_dma2 semaphore(%run_scoped3A_146 : memref<!tpu.dma_semaphore, #tpu.memory_space<semaphore_mem>>) src(%arg8 : memref<128x64xf32, #tpu.memory_space<vmem>>) dst(%dma_wait3A_154 : memref<128x64xf32, #tpu.memory_space<vmem_shared>>)
      tpu.yield
    }) : () -> ()
    %mul3A_24 = arith.constant 640 : i32
    %mul3A_25 = arith.muli %arg1, %mul3A_24 : i32
    %add3A_26 = arith.constant 512 : i32
    %add3A_27 = arith.addi %mul3A_25, %add3A_26 : i32
    "tpu.region"() ({
      %run_scoped3A_146 = tpu.sem_alloc : memref<!tpu.dma_semaphore, #tpu.memory_space<semaphore_mem>>
      %dma_start3A_147 = arith.constant 0 : i32
      %dma_start3A_148 = tpu.memref_slice %arg11[%add3A_27, %dma_start3A_147] : memref<10240x64xf32, #tpu.memory_space<vmem_shared>> -> memref<128x64xf32, #tpu.memory_space<vmem_shared>>
      %dma_start3A_149 = arith.constant 0 : i32
      %dma_start3A_150 = tpu.memref_slice %arg11[%add3A_27, %dma_start3A_149] : memref<10240x64xf32, #tpu.memory_space<vmem_shared>> -> memref<128x64xf32, #tpu.memory_space<vmem_shared>>
      tpu.enqueue_dma source(%arg8 : memref<128x64xf32, #tpu.memory_space<vmem>>) target(%dma_start3A_150 : memref<128x64xf32, #tpu.memory_space<vmem_shared>>) target_semaphore(%run_scoped3A_146 : memref<!tpu.dma_semaphore, #tpu.memory_space<semaphore_mem>>)
      %dma_wait3A_151 = arith.constant 0 : i32
      %dma_wait3A_152 = tpu.memref_slice %arg11[%add3A_27, %dma_wait3A_151] : memref<10240x64xf32, #tpu.memory_space<vmem_shared>> -> memref<128x64xf32, #tpu.memory_space<vmem_shared>>
      %dma_wait3A_153 = arith.constant 0 : i32
      %dma_wait3A_154 = tpu.memref_slice %arg11[%add3A_27, %dma_wait3A_153] : memref<10240x64xf32, #tpu.memory_space<vmem_shared>> -> memref<128x64xf32, #tpu.memory_space<vmem_shared>>
      tpu.wait_dma2 semaphore(%run_scoped3A_146 : memref<!tpu.dma_semaphore, #tpu.memory_space<semaphore_mem>>) src(%arg8 : memref<128x64xf32, #tpu.memory_space<vmem>>) dst(%dma_wait3A_154 : memref<128x64xf32, #tpu.memory_space<vmem_shared>>)
      tpu.yield
    }) : () -> ()
    %barrier3A = arith.constant 0 : index
    tpu.barrier barrier_id(%barrier3A)
    %mul3A_28 = arith.constant 160 : i32
    %mul3A_29 = arith.muli %arg1, %mul3A_28 : i32
    %add3A_30 = arith.constant 0 : i32
    %add3A_31 = arith.addi %mul3A_29, %add3A_30 : i32
    "tpu.region"() ({
      %run_scoped3A_146 = tpu.sem_alloc : memref<!tpu.dma_semaphore, #tpu.memory_space<semaphore_mem>>
      %dma_start3A_147 = arith.constant 0 : i32
      %dma_start3A_148 = tpu.memref_slice %arg3[%add3A_31, %dma_start3A_147] : memref<2560x128xi32, #tpu.memory_space<hbm>> -> memref<80x128xi32, #tpu.memory_space<hbm>>
      %dma_start3A_149 = arith.constant 0 : i32
      %dma_start3A_150 = tpu.memref_slice %arg3[%add3A_31, %dma_start3A_149] : memref<2560x128xi32, #tpu.memory_space<hbm>> -> memref<80x128xi32, #tpu.memory_space<hbm>>
      tpu.enqueue_dma source(%dma_start3A_150 : memref<80x128xi32, #tpu.memory_space<hbm>>) target(%arg6 : memref<80x128xi32, #tpu.memory_space<vmem>>) target_semaphore(%run_scoped3A_146 : memref<!tpu.dma_semaphore, #tpu.memory_space<semaphore_mem>>)
      %dma_wait3A_151 = arith.constant 0 : i32
      %dma_wait3A_152 = tpu.memref_slice %arg3[%add3A_31, %dma_wait3A_151] : memref<2560x128xi32, #tpu.memory_space<hbm>> -> memref<80x128xi32, #tpu.memory_space<hbm>>
      %dma_wait3A_153 = arith.constant 0 : i32
      %dma_wait3A_154 = tpu.memref_slice %arg3[%add3A_31, %dma_wait3A_153] : memref<2560x128xi32, #tpu.memory_space<hbm>> -> memref<80x128xi32, #tpu.memory_space<hbm>>
      tpu.wait_dma2 semaphore(%run_scoped3A_146 : memref<!tpu.dma_semaphore, #tpu.memory_space<semaphore_mem>>) src(%dma_wait3A_154 : memref<80x128xi32, #tpu.memory_space<hbm>>) dst(%arg6 : memref<80x128xi32, #tpu.memory_space<vmem>>)
      tpu.yield
    }) : () -> ()
    "tpu.region"() ({
      %run_scoped3A_146 = tpu.sem_alloc : memref<!tpu.dma_semaphore, #tpu.memory_space<semaphore_mem>>
      %dma_start3A_147 = arith.constant 0 : i32
      %dma_start3A_148 = tpu.memref_slice %arg4[%add3A_31, %dma_start3A_147] : memref<2560x128xi32, #tpu.memory_space<hbm>> -> memref<80x128xi32, #tpu.memory_space<hbm>>
      %dma_start3A_149 = arith.constant 0 : i32
      %dma_start3A_150 = tpu.memref_slice %arg4[%add3A_31, %dma_start3A_149] : memref<2560x128xi32, #tpu.memory_space<hbm>> -> memref<80x128xi32, #tpu.memory_space<hbm>>
      tpu.enqueue_dma source(%dma_start3A_150 : memref<80x128xi32, #tpu.memory_space<hbm>>) target(%arg7 : memref<80x128xi32, #tpu.memory_space<vmem>>) target_semaphore(%run_scoped3A_146 : memref<!tpu.dma_semaphore, #tpu.memory_space<semaphore_mem>>)
      %dma_wait3A_151 = arith.constant 0 : i32
      %dma_wait3A_152 = tpu.memref_slice %arg4[%add3A_31, %dma_wait3A_151] : memref<2560x128xi32, #tpu.memory_space<hbm>> -> memref<80x128xi32, #tpu.memory_space<hbm>>
      %dma_wait3A_153 = arith.constant 0 : i32
      %dma_wait3A_154 = tpu.memref_slice %arg4[%add3A_31, %dma_wait3A_153] : memref<2560x128xi32, #tpu.memory_space<hbm>> -> memref<80x128xi32, #tpu.memory_space<hbm>>
      tpu.wait_dma2 semaphore(%run_scoped3A_146 : memref<!tpu.dma_semaphore, #tpu.memory_space<semaphore_mem>>) src(%dma_wait3A_154 : memref<80x128xi32, #tpu.memory_space<hbm>>) dst(%arg7 : memref<80x128xi32, #tpu.memory_space<vmem>>)
      tpu.yield
    }) : () -> ()
    %dma_start3A = arith.constant 0 : i32
    %dma_start3A_32 = arith.constant 0 : i32
    %dma_start3A_33 = tpu.memref_slice %arg6[%dma_start3A, %dma_start3A_32] : memref<80x128xi32, #tpu.memory_space<vmem>> -> memref<1x128xi32, #tpu.memory_space<vmem>>
    %dma_start3A_34 = tpu.memref_squeeze %dma_start3A_33 : memref<1x128xi32, #tpu.memory_space<vmem>> -> memref<128xi32, #tpu.memory_space<vmem>>
    %dma_start3A_35 = arith.constant 0 : i32
    %dma_start3A_36 = arith.constant 0 : i32
    %dma_start3A_37 = tpu.memref_slice %arg10[%dma_start3A_35, %dma_start3A_36] : memref<10240x64xf32, #tpu.memory_space<vmem_shared>> -> memref<10240x64xf32, #tpu.memory_space<vmem_shared>>
    tpu.enqueue_indirect_dma source(%dma_start3A_37 : memref<10240x64xf32, #tpu.memory_space<vmem_shared>>) target(%arg8 : memref<128x64xf32, #tpu.memory_space<vmem>>) offsets(%dma_start3A_34 : memref<128xi32, #tpu.memory_space<vmem>>) semaphore(%arg12 : memref<!tpu.dma_semaphore, #tpu.memory_space<semaphore_mem>>)
    %dma_start3A_38 = arith.constant 1 : i32
    %dma_start3A_39 = arith.constant 0 : i32
    %dma_start3A_40 = tpu.memref_slice %arg6[%dma_start3A_38, %dma_start3A_39] : memref<80x128xi32, #tpu.memory_space<vmem>> -> memref<1x128xi32, #tpu.memory_space<vmem>>
    %dma_start3A_41 = tpu.memref_squeeze %dma_start3A_40 : memref<1x128xi32, #tpu.memory_space<vmem>> -> memref<128xi32, #tpu.memory_space<vmem>>
    %dma_start3A_42 = arith.constant 0 : i32
    %dma_start3A_43 = arith.constant 0 : i32
    %dma_start3A_44 = tpu.memref_slice %arg10[%dma_start3A_42, %dma_start3A_43] : memref<10240x64xf32, #tpu.memory_space<vmem_shared>> -> memref<10240x64xf32, #tpu.memory_space<vmem_shared>>
    tpu.enqueue_indirect_dma source(%dma_start3A_44 : memref<10240x64xf32, #tpu.memory_space<vmem_shared>>) target(%arg9 : memref<128x64xf32, #tpu.memory_space<vmem>>) offsets(%dma_start3A_41 : memref<128xi32, #tpu.memory_space<vmem>>) semaphore(%arg13 : memref<!tpu.dma_semaphore, #tpu.memory_space<semaphore_mem>>)
    %scan3A_45 = arith.constant 0 : i32
    %scan3A_46 = arith.constant 0 : i32
    %scan3A_47 = arith.constant 39 : i32
    %scan3A_48 = arith.addi %scan3A_46, %scan3A_47 : i32
    %scan3A_49 = arith.constant 1 : i32
    scf.for %scan3A_146 = %scan3A_46 to %scan3A_48 step %scan3A_49  : i32 {
      %mul3A_147 = arith.constant 2 : i32
      %mul3A_148 = arith.muli %mul3A_147, %scan3A_146 : i32
      %dma_wait3A_149 = arith.constant 0 : i32
      %dma_wait3A_150 = tpu.memref_slice %arg6[%mul3A_148, %dma_wait3A_149] : memref<80x128xi32, #tpu.memory_space<vmem>> -> memref<1x128xi32, #tpu.memory_space<vmem>>
      %dma_wait3A_151 = tpu.memref_squeeze %dma_wait3A_150 : memref<1x128xi32, #tpu.memory_space<vmem>> -> memref<128xi32, #tpu.memory_space<vmem>>
      %dma_wait3A_152 = arith.constant 0 : i32
      %dma_wait3A_153 = arith.constant 0 : i32
      %dma_wait3A_154 = tpu.memref_slice %arg10[%dma_wait3A_152, %dma_wait3A_153] : memref<10240x64xf32, #tpu.memory_space<vmem_shared>> -> memref<10240x64xf32, #tpu.memory_space<vmem_shared>>
      tpu.wait_indirect_dma semaphore(%arg12 : memref<!tpu.dma_semaphore, #tpu.memory_space<semaphore_mem>>) src(%dma_wait3A_154 : memref<10240x64xf32, #tpu.memory_space<vmem_shared>>) dst(%arg8 : memref<128x64xf32, #tpu.memory_space<vmem>>)
      "tpu.region"() ({
        %run_scoped3A_181 = tpu.sem_alloc : memref<!tpu.dma_semaphore, #tpu.memory_space<semaphore_mem>>
        %dma_start3A_182 = arith.constant 0 : i32
        %dma_start3A_183 = tpu.memref_slice %arg7[%mul3A_148, %dma_start3A_182] : memref<80x128xi32, #tpu.memory_space<vmem>> -> memref<1x128xi32, #tpu.memory_space<vmem>>
        %dma_start3A_184 = tpu.memref_squeeze %dma_start3A_183 : memref<1x128xi32, #tpu.memory_space<vmem>> -> memref<128xi32, #tpu.memory_space<vmem>>
        %dma_start3A_185 = arith.constant 0 : i32
        %dma_start3A_186 = arith.constant 0 : i32
        %dma_start3A_187 = tpu.memref_slice %arg11[%dma_start3A_185, %dma_start3A_186] : memref<10240x64xf32, #tpu.memory_space<vmem_shared>> -> memref<10240x64xf32, #tpu.memory_space<vmem_shared>>
        tpu.enqueue_indirect_dma source(%arg8 : memref<128x64xf32, #tpu.memory_space<vmem>>) target(%dma_start3A_187 : memref<10240x64xf32, #tpu.memory_space<vmem_shared>>) offsets(%dma_start3A_184 : memref<128xi32, #tpu.memory_space<vmem>>) semaphore(%run_scoped3A_181 : memref<!tpu.dma_semaphore, #tpu.memory_space<semaphore_mem>>) {add = true}
        %dma_wait3A_188 = arith.constant 0 : i32
        %dma_wait3A_189 = tpu.memref_slice %arg7[%mul3A_148, %dma_wait3A_188] : memref<80x128xi32, #tpu.memory_space<vmem>> -> memref<1x128xi32, #tpu.memory_space<vmem>>
        %dma_wait3A_190 = tpu.memref_squeeze %dma_wait3A_189 : memref<1x128xi32, #tpu.memory_space<vmem>> -> memref<128xi32, #tpu.memory_space<vmem>>
        %dma_wait3A_191 = arith.constant 0 : i32
        %dma_wait3A_192 = arith.constant 0 : i32
        %dma_wait3A_193 = tpu.memref_slice %arg11[%dma_wait3A_191, %dma_wait3A_192] : memref<10240x64xf32, #tpu.memory_space<vmem_shared>> -> memref<10240x64xf32, #tpu.memory_space<vmem_shared>>
        tpu.wait_indirect_dma semaphore(%run_scoped3A_181 : memref<!tpu.dma_semaphore, #tpu.memory_space<semaphore_mem>>) src(%arg8 : memref<128x64xf32, #tpu.memory_space<vmem>>) dst(%dma_wait3A_193 : memref<10240x64xf32, #tpu.memory_space<vmem_shared>>)
        tpu.yield
      }) : () -> ()
      %add3A_155 = arith.constant 2 : i32
      %add3A_156 = arith.addi %mul3A_148, %add3A_155 : i32
      %dma_start3A_157 = arith.constant 0 : i32
      %dma_start3A_158 = tpu.memref_slice %arg6[%add3A_156, %dma_start3A_157] : memref<80x128xi32, #tpu.memory_space<vmem>> -> memref<1x128xi32, #tpu.memory_space<vmem>>
      %dma_start3A_159 = tpu.memref_squeeze %dma_start3A_158 : memref<1x128xi32, #tpu.memory_space<vmem>> -> memref<128xi32, #tpu.memory_space<vmem>>
      %dma_start3A_160 = arith.constant 0 : i32
      %dma_start3A_161 = arith.constant 0 : i32
      %dma_start3A_162 = tpu.memref_slice %arg10[%dma_start3A_160, %dma_start3A_161] : memref<10240x64xf32, #tpu.memory_space<vmem_shared>> -> memref<10240x64xf32, #tpu.memory_space<vmem_shared>>
      tpu.enqueue_indirect_dma source(%dma_start3A_162 : memref<10240x64xf32, #tpu.memory_space<vmem_shared>>) target(%arg8 : memref<128x64xf32, #tpu.memory_space<vmem>>) offsets(%dma_start3A_159 : memref<128xi32, #tpu.memory_space<vmem>>) semaphore(%arg12 : memref<!tpu.dma_semaphore, #tpu.memory_space<semaphore_mem>>)
      %add3A_163 = arith.constant 1 : i32
      %add3A_164 = arith.addi %mul3A_148, %add3A_163 : i32
      %dma_wait3A_165 = arith.constant 0 : i32
      %dma_wait3A_166 = tpu.memref_slice %arg6[%add3A_164, %dma_wait3A_165] : memref<80x128xi32, #tpu.memory_space<vmem>> -> memref<1x128xi32, #tpu.memory_space<vmem>>
      %dma_wait3A_167 = tpu.memref_squeeze %dma_wait3A_166 : memref<1x128xi32, #tpu.memory_space<vmem>> -> memref<128xi32, #tpu.memory_space<vmem>>
      %dma_wait3A_168 = arith.constant 0 : i32
      %dma_wait3A_169 = arith.constant 0 : i32
      %dma_wait3A_170 = tpu.memref_slice %arg10[%dma_wait3A_168, %dma_wait3A_169] : memref<10240x64xf32, #tpu.memory_space<vmem_shared>> -> memref<10240x64xf32, #tpu.memory_space<vmem_shared>>
      tpu.wait_indirect_dma semaphore(%arg13 : memref<!tpu.dma_semaphore, #tpu.memory_space<semaphore_mem>>) src(%dma_wait3A_170 : memref<10240x64xf32, #tpu.memory_space<vmem_shared>>) dst(%arg9 : memref<128x64xf32, #tpu.memory_space<vmem>>)
      %add3A_171 = arith.constant 1 : i32
      %add3A_172 = arith.addi %mul3A_148, %add3A_171 : i32
      "tpu.region"() ({
        %run_scoped3A_181 = tpu.sem_alloc : memref<!tpu.dma_semaphore, #tpu.memory_space<semaphore_mem>>
        %dma_start3A_182 = arith.constant 0 : i32
        %dma_start3A_183 = tpu.memref_slice %arg7[%add3A_172, %dma_start3A_182] : memref<80x128xi32, #tpu.memory_space<vmem>> -> memref<1x128xi32, #tpu.memory_space<vmem>>
        %dma_start3A_184 = tpu.memref_squeeze %dma_start3A_183 : memref<1x128xi32, #tpu.memory_space<vmem>> -> memref<128xi32, #tpu.memory_space<vmem>>
        %dma_start3A_185 = arith.constant 0 : i32
        %dma_start3A_186 = arith.constant 0 : i32
        %dma_start3A_187 = tpu.memref_slice %arg11[%dma_start3A_185, %dma_start3A_186] : memref<10240x64xf32, #tpu.memory_space<vmem_shared>> -> memref<10240x64xf32, #tpu.memory_space<vmem_shared>>
        tpu.enqueue_indirect_dma source(%arg9 : memref<128x64xf32, #tpu.memory_space<vmem>>) target(%dma_start3A_187 : memref<10240x64xf32, #tpu.memory_space<vmem_shared>>) offsets(%dma_start3A_184 : memref<128xi32, #tpu.memory_space<vmem>>) semaphore(%run_scoped3A_181 : memref<!tpu.dma_semaphore, #tpu.memory_space<semaphore_mem>>) {add = true}
        %dma_wait3A_188 = arith.constant 0 : i32
        %dma_wait3A_189 = tpu.memref_slice %arg7[%add3A_172, %dma_wait3A_188] : memref<80x128xi32, #tpu.memory_space<vmem>> -> memref<1x128xi32, #tpu.memory_space<vmem>>
        %dma_wait3A_190 = tpu.memref_squeeze %dma_wait3A_189 : memref<1x128xi32, #tpu.memory_space<vmem>> -> memref<128xi32, #tpu.memory_space<vmem>>
        %dma_wait3A_191 = arith.constant 0 : i32
        %dma_wait3A_192 = arith.constant 0 : i32
        %dma_wait3A_193 = tpu.memref_slice %arg11[%dma_wait3A_191, %dma_wait3A_192] : memref<10240x64xf32, #tpu.memory_space<vmem_shared>> -> memref<10240x64xf32, #tpu.memory_space<vmem_shared>>
        tpu.wait_indirect_dma semaphore(%run_scoped3A_181 : memref<!tpu.dma_semaphore, #tpu.memory_space<semaphore_mem>>) src(%arg9 : memref<128x64xf32, #tpu.memory_space<vmem>>) dst(%dma_wait3A_193 : memref<10240x64xf32, #tpu.memory_space<vmem_shared>>)
        tpu.yield
      }) : () -> ()
      %add3A_173 = arith.constant 3 : i32
      %add3A_174 = arith.addi %mul3A_148, %add3A_173 : i32
      %dma_start3A_175 = arith.constant 0 : i32
      %dma_start3A_176 = tpu.memref_slice %arg6[%add3A_174, %dma_start3A_175] : memref<80x128xi32, #tpu.memory_space<vmem>> -> memref<1x128xi32, #tpu.memory_space<vmem>>
      %dma_start3A_177 = tpu.memref_squeeze %dma_start3A_176 : memref<1x128xi32, #tpu.memory_space<vmem>> -> memref<128xi32, #tpu.memory_space<vmem>>
      %dma_start3A_178 = arith.constant 0 : i32
      %dma_start3A_179 = arith.constant 0 : i32
      %dma_start3A_180 = tpu.memref_slice %arg10[%dma_start3A_178, %dma_start3A_179] : memref<10240x64xf32, #tpu.memory_space<vmem_shared>> -> memref<10240x64xf32, #tpu.memory_space<vmem_shared>>
      tpu.enqueue_indirect_dma source(%dma_start3A_180 : memref<10240x64xf32, #tpu.memory_space<vmem_shared>>) target(%arg9 : memref<128x64xf32, #tpu.memory_space<vmem>>) offsets(%dma_start3A_177 : memref<128xi32, #tpu.memory_space<vmem>>) semaphore(%arg13 : memref<!tpu.dma_semaphore, #tpu.memory_space<semaphore_mem>>)
    }
    %scan3A_50 = arith.constant 39 : i32
    %dma_wait3A = arith.constant 78 : i32
    %dma_wait3A_51 = arith.constant 0 : i32
    %dma_wait3A_52 = tpu.memref_slice %arg6[%dma_wait3A, %dma_wait3A_51] : memref<80x128xi32, #tpu.memory_space<vmem>> -> memref<1x128xi32, #tpu.memory_space<vmem>>
    %dma_wait3A_53 = tpu.memref_squeeze %dma_wait3A_52 : memref<1x128xi32, #tpu.memory_space<vmem>> -> memref<128xi32, #tpu.memory_space<vmem>>
    %dma_wait3A_54 = arith.constant 0 : i32
    %dma_wait3A_55 = arith.constant 0 : i32
    %dma_wait3A_56 = tpu.memref_slice %arg10[%dma_wait3A_54, %dma_wait3A_55] : memref<10240x64xf32, #tpu.memory_space<vmem_shared>> -> memref<10240x64xf32, #tpu.memory_space<vmem_shared>>
    tpu.wait_indirect_dma semaphore(%arg12 : memref<!tpu.dma_semaphore, #tpu.memory_space<semaphore_mem>>) src(%dma_wait3A_56 : memref<10240x64xf32, #tpu.memory_space<vmem_shared>>) dst(%arg8 : memref<128x64xf32, #tpu.memory_space<vmem>>)
    %run_scoped3A = arith.constant 78 : i32
    "tpu.region"() ({
      %run_scoped3A_146 = tpu.sem_alloc : memref<!tpu.dma_semaphore, #tpu.memory_space<semaphore_mem>>
      %dma_start3A_147 = arith.constant 0 : i32
      %dma_start3A_148 = tpu.memref_slice %arg7[%run_scoped3A, %dma_start3A_147] : memref<80x128xi32, #tpu.memory_space<vmem>> -> memref<1x128xi32, #tpu.memory_space<vmem>>
      %dma_start3A_149 = tpu.memref_squeeze %dma_start3A_148 : memref<1x128xi32, #tpu.memory_space<vmem>> -> memref<128xi32, #tpu.memory_space<vmem>>
      %dma_start3A_150 = arith.constant 0 : i32
      %dma_start3A_151 = arith.constant 0 : i32
      %dma_start3A_152 = tpu.memref_slice %arg11[%dma_start3A_150, %dma_start3A_151] : memref<10240x64xf32, #tpu.memory_space<vmem_shared>> -> memref<10240x64xf32, #tpu.memory_space<vmem_shared>>
      tpu.enqueue_indirect_dma source(%arg8 : memref<128x64xf32, #tpu.memory_space<vmem>>) target(%dma_start3A_152 : memref<10240x64xf32, #tpu.memory_space<vmem_shared>>) offsets(%dma_start3A_149 : memref<128xi32, #tpu.memory_space<vmem>>) semaphore(%run_scoped3A_146 : memref<!tpu.dma_semaphore, #tpu.memory_space<semaphore_mem>>) {add = true}
      %dma_wait3A_153 = arith.constant 0 : i32
      %dma_wait3A_154 = tpu.memref_slice %arg7[%run_scoped3A, %dma_wait3A_153] : memref<80x128xi32, #tpu.memory_space<vmem>> -> memref<1x128xi32, #tpu.memory_space<vmem>>
      %dma_wait3A_155 = tpu.memref_squeeze %dma_wait3A_154 : memref<1x128xi32, #tpu.memory_space<vmem>> -> memref<128xi32, #tpu.memory_space<vmem>>
      %dma_wait3A_156 = arith.constant 0 : i32
      %dma_wait3A_157 = arith.constant 0 : i32
      %dma_wait3A_158 = tpu.memref_slice %arg11[%dma_wait3A_156, %dma_wait3A_157] : memref<10240x64xf32, #tpu.memory_space<vmem_shared>> -> memref<10240x64xf32, #tpu.memory_space<vmem_shared>>
      tpu.wait_indirect_dma semaphore(%run_scoped3A_146 : memref<!tpu.dma_semaphore, #tpu.memory_space<semaphore_mem>>) src(%arg8 : memref<128x64xf32, #tpu.memory_space<vmem>>) dst(%dma_wait3A_158 : memref<10240x64xf32, #tpu.memory_space<vmem_shared>>)
      tpu.yield
    }) : () -> ()
    %dma_wait3A_57 = arith.constant 79 : i32
    %dma_wait3A_58 = arith.constant 0 : i32
    %dma_wait3A_59 = tpu.memref_slice %arg6[%dma_wait3A_57, %dma_wait3A_58] : memref<80x128xi32, #tpu.memory_space<vmem>> -> memref<1x128xi32, #tpu.memory_space<vmem>>
    %dma_wait3A_60 = tpu.memref_squeeze %dma_wait3A_59 : memref<1x128xi32, #tpu.memory_space<vmem>> -> memref<128xi32, #tpu.memory_space<vmem>>
    %dma_wait3A_61 = arith.constant 0 : i32
    %dma_wait3A_62 = arith.constant 0 : i32
    %dma_wait3A_63 = tpu.memref_slice %arg10[%dma_wait3A_61, %dma_wait3A_62] : memref<10240x64xf32, #tpu.memory_space<vmem_shared>> -> memref<10240x64xf32, #tpu.memory_space<vmem_shared>>
    tpu.wait_indirect_dma semaphore(%arg13 : memref<!tpu.dma_semaphore, #tpu.memory_space<semaphore_mem>>) src(%dma_wait3A_63 : memref<10240x64xf32, #tpu.memory_space<vmem_shared>>) dst(%arg9 : memref<128x64xf32, #tpu.memory_space<vmem>>)
    %run_scoped3A_64 = arith.constant 79 : i32
    "tpu.region"() ({
      %run_scoped3A_146 = tpu.sem_alloc : memref<!tpu.dma_semaphore, #tpu.memory_space<semaphore_mem>>
      %dma_start3A_147 = arith.constant 0 : i32
      %dma_start3A_148 = tpu.memref_slice %arg7[%run_scoped3A_64, %dma_start3A_147] : memref<80x128xi32, #tpu.memory_space<vmem>> -> memref<1x128xi32, #tpu.memory_space<vmem>>
      %dma_start3A_149 = tpu.memref_squeeze %dma_start3A_148 : memref<1x128xi32, #tpu.memory_space<vmem>> -> memref<128xi32, #tpu.memory_space<vmem>>
      %dma_start3A_150 = arith.constant 0 : i32
      %dma_start3A_151 = arith.constant 0 : i32
      %dma_start3A_152 = tpu.memref_slice %arg11[%dma_start3A_150, %dma_start3A_151] : memref<10240x64xf32, #tpu.memory_space<vmem_shared>> -> memref<10240x64xf32, #tpu.memory_space<vmem_shared>>
      tpu.enqueue_indirect_dma source(%arg9 : memref<128x64xf32, #tpu.memory_space<vmem>>) target(%dma_start3A_152 : memref<10240x64xf32, #tpu.memory_space<vmem_shared>>) offsets(%dma_start3A_149 : memref<128xi32, #tpu.memory_space<vmem>>) semaphore(%run_scoped3A_146 : memref<!tpu.dma_semaphore, #tpu.memory_space<semaphore_mem>>) {add = true}
      %dma_wait3A_153 = arith.constant 0 : i32
      %dma_wait3A_154 = tpu.memref_slice %arg7[%run_scoped3A_64, %dma_wait3A_153] : memref<80x128xi32, #tpu.memory_space<vmem>> -> memref<1x128xi32, #tpu.memory_space<vmem>>
      %dma_wait3A_155 = tpu.memref_squeeze %dma_wait3A_154 : memref<1x128xi32, #tpu.memory_space<vmem>> -> memref<128xi32, #tpu.memory_space<vmem>>
      %dma_wait3A_156 = arith.constant 0 : i32
      %dma_wait3A_157 = arith.constant 0 : i32
      %dma_wait3A_158 = tpu.memref_slice %arg11[%dma_wait3A_156, %dma_wait3A_157] : memref<10240x64xf32, #tpu.memory_space<vmem_shared>> -> memref<10240x64xf32, #tpu.memory_space<vmem_shared>>
      tpu.wait_indirect_dma semaphore(%run_scoped3A_146 : memref<!tpu.dma_semaphore, #tpu.memory_space<semaphore_mem>>) src(%arg9 : memref<128x64xf32, #tpu.memory_space<vmem>>) dst(%dma_wait3A_158 : memref<10240x64xf32, #tpu.memory_space<vmem_shared>>)
      tpu.yield
    }) : () -> ()
    %mul3A_65 = arith.constant 160 : i32
    %mul3A_66 = arith.muli %arg1, %mul3A_65 : i32
    %add3A_67 = arith.constant 80 : i32
    %add3A_68 = arith.addi %mul3A_66, %add3A_67 : i32
    "tpu.region"() ({
      %run_scoped3A_146 = tpu.sem_alloc : memref<!tpu.dma_semaphore, #tpu.memory_space<semaphore_mem>>
      %dma_start3A_147 = arith.constant 0 : i32
      %dma_start3A_148 = tpu.memref_slice %arg3[%add3A_68, %dma_start3A_147] : memref<2560x128xi32, #tpu.memory_space<hbm>> -> memref<80x128xi32, #tpu.memory_space<hbm>>
      %dma_start3A_149 = arith.constant 0 : i32
      %dma_start3A_150 = tpu.memref_slice %arg3[%add3A_68, %dma_start3A_149] : memref<2560x128xi32, #tpu.memory_space<hbm>> -> memref<80x128xi32, #tpu.memory_space<hbm>>
      tpu.enqueue_dma source(%dma_start3A_150 : memref<80x128xi32, #tpu.memory_space<hbm>>) target(%arg6 : memref<80x128xi32, #tpu.memory_space<vmem>>) target_semaphore(%run_scoped3A_146 : memref<!tpu.dma_semaphore, #tpu.memory_space<semaphore_mem>>)
      %dma_wait3A_151 = arith.constant 0 : i32
      %dma_wait3A_152 = tpu.memref_slice %arg3[%add3A_68, %dma_wait3A_151] : memref<2560x128xi32, #tpu.memory_space<hbm>> -> memref<80x128xi32, #tpu.memory_space<hbm>>
      %dma_wait3A_153 = arith.constant 0 : i32
      %dma_wait3A_154 = tpu.memref_slice %arg3[%add3A_68, %dma_wait3A_153] : memref<2560x128xi32, #tpu.memory_space<hbm>> -> memref<80x128xi32, #tpu.memory_space<hbm>>
      tpu.wait_dma2 semaphore(%run_scoped3A_146 : memref<!tpu.dma_semaphore, #tpu.memory_space<semaphore_mem>>) src(%dma_wait3A_154 : memref<80x128xi32, #tpu.memory_space<hbm>>) dst(%arg6 : memref<80x128xi32, #tpu.memory_space<vmem>>)
      tpu.yield
    }) : () -> ()
    "tpu.region"() ({
      %run_scoped3A_146 = tpu.sem_alloc : memref<!tpu.dma_semaphore, #tpu.memory_space<semaphore_mem>>
      %dma_start3A_147 = arith.constant 0 : i32
      %dma_start3A_148 = tpu.memref_slice %arg4[%add3A_68, %dma_start3A_147] : memref<2560x128xi32, #tpu.memory_space<hbm>> -> memref<80x128xi32, #tpu.memory_space<hbm>>
      %dma_start3A_149 = arith.constant 0 : i32
      %dma_start3A_150 = tpu.memref_slice %arg4[%add3A_68, %dma_start3A_149] : memref<2560x128xi32, #tpu.memory_space<hbm>> -> memref<80x128xi32, #tpu.memory_space<hbm>>
      tpu.enqueue_dma source(%dma_start3A_150 : memref<80x128xi32, #tpu.memory_space<hbm>>) target(%arg7 : memref<80x128xi32, #tpu.memory_space<vmem>>) target_semaphore(%run_scoped3A_146 : memref<!tpu.dma_semaphore, #tpu.memory_space<semaphore_mem>>)
      %dma_wait3A_151 = arith.constant 0 : i32
      %dma_wait3A_152 = tpu.memref_slice %arg4[%add3A_68, %dma_wait3A_151] : memref<2560x128xi32, #tpu.memory_space<hbm>> -> memref<80x128xi32, #tpu.memory_space<hbm>>
      %dma_wait3A_153 = arith.constant 0 : i32
      %dma_wait3A_154 = tpu.memref_slice %arg4[%add3A_68, %dma_wait3A_153] : memref<2560x128xi32, #tpu.memory_space<hbm>> -> memref<80x128xi32, #tpu.memory_space<hbm>>
      tpu.wait_dma2 semaphore(%run_scoped3A_146 : memref<!tpu.dma_semaphore, #tpu.memory_space<semaphore_mem>>) src(%dma_wait3A_154 : memref<80x128xi32, #tpu.memory_space<hbm>>) dst(%arg7 : memref<80x128xi32, #tpu.memory_space<vmem>>)
      tpu.yield
    }) : () -> ()
    %dma_start3A_69 = arith.constant 0 : i32
    %dma_start3A_70 = arith.constant 0 : i32
    %dma_start3A_71 = tpu.memref_slice %arg6[%dma_start3A_69, %dma_start3A_70] : memref<80x128xi32, #tpu.memory_space<vmem>> -> memref<1x128xi32, #tpu.memory_space<vmem>>
    %dma_start3A_72 = tpu.memref_squeeze %dma_start3A_71 : memref<1x128xi32, #tpu.memory_space<vmem>> -> memref<128xi32, #tpu.memory_space<vmem>>
    %dma_start3A_73 = arith.constant 0 : i32
    %dma_start3A_74 = arith.constant 0 : i32
    %dma_start3A_75 = tpu.memref_slice %arg10[%dma_start3A_73, %dma_start3A_74] : memref<10240x64xf32, #tpu.memory_space<vmem_shared>> -> memref<10240x64xf32, #tpu.memory_space<vmem_shared>>
    tpu.enqueue_indirect_dma source(%dma_start3A_75 : memref<10240x64xf32, #tpu.memory_space<vmem_shared>>) target(%arg8 : memref<128x64xf32, #tpu.memory_space<vmem>>) offsets(%dma_start3A_72 : memref<128xi32, #tpu.memory_space<vmem>>) semaphore(%arg12 : memref<!tpu.dma_semaphore, #tpu.memory_space<semaphore_mem>>)
    %dma_start3A_76 = arith.constant 1 : i32
    %dma_start3A_77 = arith.constant 0 : i32
    %dma_start3A_78 = tpu.memref_slice %arg6[%dma_start3A_76, %dma_start3A_77] : memref<80x128xi32, #tpu.memory_space<vmem>> -> memref<1x128xi32, #tpu.memory_space<vmem>>
    %dma_start3A_79 = tpu.memref_squeeze %dma_start3A_78 : memref<1x128xi32, #tpu.memory_space<vmem>> -> memref<128xi32, #tpu.memory_space<vmem>>
    %dma_start3A_80 = arith.constant 0 : i32
    %dma_start3A_81 = arith.constant 0 : i32
    %dma_start3A_82 = tpu.memref_slice %arg10[%dma_start3A_80, %dma_start3A_81] : memref<10240x64xf32, #tpu.memory_space<vmem_shared>> -> memref<10240x64xf32, #tpu.memory_space<vmem_shared>>
    tpu.enqueue_indirect_dma source(%dma_start3A_82 : memref<10240x64xf32, #tpu.memory_space<vmem_shared>>) target(%arg9 : memref<128x64xf32, #tpu.memory_space<vmem>>) offsets(%dma_start3A_79 : memref<128xi32, #tpu.memory_space<vmem>>) semaphore(%arg13 : memref<!tpu.dma_semaphore, #tpu.memory_space<semaphore_mem>>)
    %scan3A_83 = arith.constant 0 : i32
    %scan3A_84 = arith.constant 0 : i32
    %scan3A_85 = arith.constant 39 : i32
    %scan3A_86 = arith.addi %scan3A_84, %scan3A_85 : i32
    %scan3A_87 = arith.constant 1 : i32
    scf.for %scan3A_146 = %scan3A_84 to %scan3A_86 step %scan3A_87  : i32 {
      %mul3A_147 = arith.constant 2 : i32
      %mul3A_148 = arith.muli %mul3A_147, %scan3A_146 : i32
      %dma_wait3A_149 = arith.constant 0 : i32
      %dma_wait3A_150 = tpu.memref_slice %arg6[%mul3A_148, %dma_wait3A_149] : memref<80x128xi32, #tpu.memory_space<vmem>> -> memref<1x128xi32, #tpu.memory_space<vmem>>
      %dma_wait3A_151 = tpu.memref_squeeze %dma_wait3A_150 : memref<1x128xi32, #tpu.memory_space<vmem>> -> memref<128xi32, #tpu.memory_space<vmem>>
      %dma_wait3A_152 = arith.constant 0 : i32
      %dma_wait3A_153 = arith.constant 0 : i32
      %dma_wait3A_154 = tpu.memref_slice %arg10[%dma_wait3A_152, %dma_wait3A_153] : memref<10240x64xf32, #tpu.memory_space<vmem_shared>> -> memref<10240x64xf32, #tpu.memory_space<vmem_shared>>
      tpu.wait_indirect_dma semaphore(%arg12 : memref<!tpu.dma_semaphore, #tpu.memory_space<semaphore_mem>>) src(%dma_wait3A_154 : memref<10240x64xf32, #tpu.memory_space<vmem_shared>>) dst(%arg8 : memref<128x64xf32, #tpu.memory_space<vmem>>)
      "tpu.region"() ({
        %run_scoped3A_181 = tpu.sem_alloc : memref<!tpu.dma_semaphore, #tpu.memory_space<semaphore_mem>>
        %dma_start3A_182 = arith.constant 0 : i32
        %dma_start3A_183 = tpu.memref_slice %arg7[%mul3A_148, %dma_start3A_182] : memref<80x128xi32, #tpu.memory_space<vmem>> -> memref<1x128xi32, #tpu.memory_space<vmem>>
        %dma_start3A_184 = tpu.memref_squeeze %dma_start3A_183 : memref<1x128xi32, #tpu.memory_space<vmem>> -> memref<128xi32, #tpu.memory_space<vmem>>
        %dma_start3A_185 = arith.constant 0 : i32
        %dma_start3A_186 = arith.constant 0 : i32
        %dma_start3A_187 = tpu.memref_slice %arg11[%dma_start3A_185, %dma_start3A_186] : memref<10240x64xf32, #tpu.memory_space<vmem_shared>> -> memref<10240x64xf32, #tpu.memory_space<vmem_shared>>
        tpu.enqueue_indirect_dma source(%arg8 : memref<128x64xf32, #tpu.memory_space<vmem>>) target(%dma_start3A_187 : memref<10240x64xf32, #tpu.memory_space<vmem_shared>>) offsets(%dma_start3A_184 : memref<128xi32, #tpu.memory_space<vmem>>) semaphore(%run_scoped3A_181 : memref<!tpu.dma_semaphore, #tpu.memory_space<semaphore_mem>>) {add = true}
        %dma_wait3A_188 = arith.constant 0 : i32
        %dma_wait3A_189 = tpu.memref_slice %arg7[%mul3A_148, %dma_wait3A_188] : memref<80x128xi32, #tpu.memory_space<vmem>> -> memref<1x128xi32, #tpu.memory_space<vmem>>
        %dma_wait3A_190 = tpu.memref_squeeze %dma_wait3A_189 : memref<1x128xi32, #tpu.memory_space<vmem>> -> memref<128xi32, #tpu.memory_space<vmem>>
        %dma_wait3A_191 = arith.constant 0 : i32
        %dma_wait3A_192 = arith.constant 0 : i32
        %dma_wait3A_193 = tpu.memref_slice %arg11[%dma_wait3A_191, %dma_wait3A_192] : memref<10240x64xf32, #tpu.memory_space<vmem_shared>> -> memref<10240x64xf32, #tpu.memory_space<vmem_shared>>
        tpu.wait_indirect_dma semaphore(%run_scoped3A_181 : memref<!tpu.dma_semaphore, #tpu.memory_space<semaphore_mem>>) src(%arg8 : memref<128x64xf32, #tpu.memory_space<vmem>>) dst(%dma_wait3A_193 : memref<10240x64xf32, #tpu.memory_space<vmem_shared>>)
        tpu.yield
      }) : () -> ()
      %add3A_155 = arith.constant 2 : i32
      %add3A_156 = arith.addi %mul3A_148, %add3A_155 : i32
      %dma_start3A_157 = arith.constant 0 : i32
      %dma_start3A_158 = tpu.memref_slice %arg6[%add3A_156, %dma_start3A_157] : memref<80x128xi32, #tpu.memory_space<vmem>> -> memref<1x128xi32, #tpu.memory_space<vmem>>
      %dma_start3A_159 = tpu.memref_squeeze %dma_start3A_158 : memref<1x128xi32, #tpu.memory_space<vmem>> -> memref<128xi32, #tpu.memory_space<vmem>>
      %dma_start3A_160 = arith.constant 0 : i32
      %dma_start3A_161 = arith.constant 0 : i32
      %dma_start3A_162 = tpu.memref_slice %arg10[%dma_start3A_160, %dma_start3A_161] : memref<10240x64xf32, #tpu.memory_space<vmem_shared>> -> memref<10240x64xf32, #tpu.memory_space<vmem_shared>>
      tpu.enqueue_indirect_dma source(%dma_start3A_162 : memref<10240x64xf32, #tpu.memory_space<vmem_shared>>) target(%arg8 : memref<128x64xf32, #tpu.memory_space<vmem>>) offsets(%dma_start3A_159 : memref<128xi32, #tpu.memory_space<vmem>>) semaphore(%arg12 : memref<!tpu.dma_semaphore, #tpu.memory_space<semaphore_mem>>)
      %add3A_163 = arith.constant 1 : i32
      %add3A_164 = arith.addi %mul3A_148, %add3A_163 : i32
      %dma_wait3A_165 = arith.constant 0 : i32
      %dma_wait3A_166 = tpu.memref_slice %arg6[%add3A_164, %dma_wait3A_165] : memref<80x128xi32, #tpu.memory_space<vmem>> -> memref<1x128xi32, #tpu.memory_space<vmem>>
      %dma_wait3A_167 = tpu.memref_squeeze %dma_wait3A_166 : memref<1x128xi32, #tpu.memory_space<vmem>> -> memref<128xi32, #tpu.memory_space<vmem>>
      %dma_wait3A_168 = arith.constant 0 : i32
      %dma_wait3A_169 = arith.constant 0 : i32
      %dma_wait3A_170 = tpu.memref_slice %arg10[%dma_wait3A_168, %dma_wait3A_169] : memref<10240x64xf32, #tpu.memory_space<vmem_shared>> -> memref<10240x64xf32, #tpu.memory_space<vmem_shared>>
      tpu.wait_indirect_dma semaphore(%arg13 : memref<!tpu.dma_semaphore, #tpu.memory_space<semaphore_mem>>) src(%dma_wait3A_170 : memref<10240x64xf32, #tpu.memory_space<vmem_shared>>) dst(%arg9 : memref<128x64xf32, #tpu.memory_space<vmem>>)
      %add3A_171 = arith.constant 1 : i32
      %add3A_172 = arith.addi %mul3A_148, %add3A_171 : i32
      "tpu.region"() ({
        %run_scoped3A_181 = tpu.sem_alloc : memref<!tpu.dma_semaphore, #tpu.memory_space<semaphore_mem>>
        %dma_start3A_182 = arith.constant 0 : i32
        %dma_start3A_183 = tpu.memref_slice %arg7[%add3A_172, %dma_start3A_182] : memref<80x128xi32, #tpu.memory_space<vmem>> -> memref<1x128xi32, #tpu.memory_space<vmem>>
        %dma_start3A_184 = tpu.memref_squeeze %dma_start3A_183 : memref<1x128xi32, #tpu.memory_space<vmem>> -> memref<128xi32, #tpu.memory_space<vmem>>
        %dma_start3A_185 = arith.constant 0 : i32
        %dma_start3A_186 = arith.constant 0 : i32
        %dma_start3A_187 = tpu.memref_slice %arg11[%dma_start3A_185, %dma_start3A_186] : memref<10240x64xf32, #tpu.memory_space<vmem_shared>> -> memref<10240x64xf32, #tpu.memory_space<vmem_shared>>
        tpu.enqueue_indirect_dma source(%arg9 : memref<128x64xf32, #tpu.memory_space<vmem>>) target(%dma_start3A_187 : memref<10240x64xf32, #tpu.memory_space<vmem_shared>>) offsets(%dma_start3A_184 : memref<128xi32, #tpu.memory_space<vmem>>) semaphore(%run_scoped3A_181 : memref<!tpu.dma_semaphore, #tpu.memory_space<semaphore_mem>>) {add = true}
        %dma_wait3A_188 = arith.constant 0 : i32
        %dma_wait3A_189 = tpu.memref_slice %arg7[%add3A_172, %dma_wait3A_188] : memref<80x128xi32, #tpu.memory_space<vmem>> -> memref<1x128xi32, #tpu.memory_space<vmem>>
        %dma_wait3A_190 = tpu.memref_squeeze %dma_wait3A_189 : memref<1x128xi32, #tpu.memory_space<vmem>> -> memref<128xi32, #tpu.memory_space<vmem>>
        %dma_wait3A_191 = arith.constant 0 : i32
        %dma_wait3A_192 = arith.constant 0 : i32
        %dma_wait3A_193 = tpu.memref_slice %arg11[%dma_wait3A_191, %dma_wait3A_192] : memref<10240x64xf32, #tpu.memory_space<vmem_shared>> -> memref<10240x64xf32, #tpu.memory_space<vmem_shared>>
        tpu.wait_indirect_dma semaphore(%run_scoped3A_181 : memref<!tpu.dma_semaphore, #tpu.memory_space<semaphore_mem>>) src(%arg9 : memref<128x64xf32, #tpu.memory_space<vmem>>) dst(%dma_wait3A_193 : memref<10240x64xf32, #tpu.memory_space<vmem_shared>>)
        tpu.yield
      }) : () -> ()
      %add3A_173 = arith.constant 3 : i32
      %add3A_174 = arith.addi %mul3A_148, %add3A_173 : i32
      %dma_start3A_175 = arith.constant 0 : i32
      %dma_start3A_176 = tpu.memref_slice %arg6[%add3A_174, %dma_start3A_175] : memref<80x128xi32, #tpu.memory_space<vmem>> -> memref<1x128xi32, #tpu.memory_space<vmem>>
      %dma_start3A_177 = tpu.memref_squeeze %dma_start3A_176 : memref<1x128xi32, #tpu.memory_space<vmem>> -> memref<128xi32, #tpu.memory_space<vmem>>
      %dma_start3A_178 = arith.constant 0 : i32
      %dma_start3A_179 = arith.constant 0 : i32
      %dma_start3A_180 = tpu.memref_slice %arg10[%dma_start3A_178, %dma_start3A_179] : memref<10240x64xf32, #tpu.memory_space<vmem_shared>> -> memref<10240x64xf32, #tpu.memory_space<vmem_shared>>
      tpu.enqueue_indirect_dma source(%dma_start3A_180 : memref<10240x64xf32, #tpu.memory_space<vmem_shared>>) target(%arg9 : memref<128x64xf32, #tpu.memory_space<vmem>>) offsets(%dma_start3A_177 : memref<128xi32, #tpu.memory_space<vmem>>) semaphore(%arg13 : memref<!tpu.dma_semaphore, #tpu.memory_space<semaphore_mem>>)
    }
    %scan3A_88 = arith.constant 39 : i32
    %dma_wait3A_89 = arith.constant 78 : i32
    %dma_wait3A_90 = arith.constant 0 : i32
    %dma_wait3A_91 = tpu.memref_slice %arg6[%dma_wait3A_89, %dma_wait3A_90] : memref<80x128xi32, #tpu.memory_space<vmem>> -> memref<1x128xi32, #tpu.memory_space<vmem>>
    %dma_wait3A_92 = tpu.memref_squeeze %dma_wait3A_91 : memref<1x128xi32, #tpu.memory_space<vmem>> -> memref<128xi32, #tpu.memory_space<vmem>>
    %dma_wait3A_93 = arith.constant 0 : i32
    %dma_wait3A_94 = arith.constant 0 : i32
    %dma_wait3A_95 = tpu.memref_slice %arg10[%dma_wait3A_93, %dma_wait3A_94] : memref<10240x64xf32, #tpu.memory_space<vmem_shared>> -> memref<10240x64xf32, #tpu.memory_space<vmem_shared>>
    tpu.wait_indirect_dma semaphore(%arg12 : memref<!tpu.dma_semaphore, #tpu.memory_space<semaphore_mem>>) src(%dma_wait3A_95 : memref<10240x64xf32, #tpu.memory_space<vmem_shared>>) dst(%arg8 : memref<128x64xf32, #tpu.memory_space<vmem>>)
    %run_scoped3A_96 = arith.constant 78 : i32
    "tpu.region"() ({
      %run_scoped3A_146 = tpu.sem_alloc : memref<!tpu.dma_semaphore, #tpu.memory_space<semaphore_mem>>
      %dma_start3A_147 = arith.constant 0 : i32
      %dma_start3A_148 = tpu.memref_slice %arg7[%run_scoped3A_96, %dma_start3A_147] : memref<80x128xi32, #tpu.memory_space<vmem>> -> memref<1x128xi32, #tpu.memory_space<vmem>>
      %dma_start3A_149 = tpu.memref_squeeze %dma_start3A_148 : memref<1x128xi32, #tpu.memory_space<vmem>> -> memref<128xi32, #tpu.memory_space<vmem>>
      %dma_start3A_150 = arith.constant 0 : i32
      %dma_start3A_151 = arith.constant 0 : i32
      %dma_start3A_152 = tpu.memref_slice %arg11[%dma_start3A_150, %dma_start3A_151] : memref<10240x64xf32, #tpu.memory_space<vmem_shared>> -> memref<10240x64xf32, #tpu.memory_space<vmem_shared>>
      tpu.enqueue_indirect_dma source(%arg8 : memref<128x64xf32, #tpu.memory_space<vmem>>) target(%dma_start3A_152 : memref<10240x64xf32, #tpu.memory_space<vmem_shared>>) offsets(%dma_start3A_149 : memref<128xi32, #tpu.memory_space<vmem>>) semaphore(%run_scoped3A_146 : memref<!tpu.dma_semaphore, #tpu.memory_space<semaphore_mem>>) {add = true}
      %dma_wait3A_153 = arith.constant 0 : i32
      %dma_wait3A_154 = tpu.memref_slice %arg7[%run_scoped3A_96, %dma_wait3A_153] : memref<80x128xi32, #tpu.memory_space<vmem>> -> memref<1x128xi32, #tpu.memory_space<vmem>>
      %dma_wait3A_155 = tpu.memref_squeeze %dma_wait3A_154 : memref<1x128xi32, #tpu.memory_space<vmem>> -> memref<128xi32, #tpu.memory_space<vmem>>
      %dma_wait3A_156 = arith.constant 0 : i32
      %dma_wait3A_157 = arith.constant 0 : i32
      %dma_wait3A_158 = tpu.memref_slice %arg11[%dma_wait3A_156, %dma_wait3A_157] : memref<10240x64xf32, #tpu.memory_space<vmem_shared>> -> memref<10240x64xf32, #tpu.memory_space<vmem_shared>>
      tpu.wait_indirect_dma semaphore(%run_scoped3A_146 : memref<!tpu.dma_semaphore, #tpu.memory_space<semaphore_mem>>) src(%arg8 : memref<128x64xf32, #tpu.memory_space<vmem>>) dst(%dma_wait3A_158 : memref<10240x64xf32, #tpu.memory_space<vmem_shared>>)
      tpu.yield
    }) : () -> ()
    %dma_wait3A_97 = arith.constant 79 : i32
    %dma_wait3A_98 = arith.constant 0 : i32
    %dma_wait3A_99 = tpu.memref_slice %arg6[%dma_wait3A_97, %dma_wait3A_98] : memref<80x128xi32, #tpu.memory_space<vmem>> -> memref<1x128xi32, #tpu.memory_space<vmem>>
    %dma_wait3A_100 = tpu.memref_squeeze %dma_wait3A_99 : memref<1x128xi32, #tpu.memory_space<vmem>> -> memref<128xi32, #tpu.memory_space<vmem>>
    %dma_wait3A_101 = arith.constant 0 : i32
    %dma_wait3A_102 = arith.constant 0 : i32
    %dma_wait3A_103 = tpu.memref_slice %arg10[%dma_wait3A_101, %dma_wait3A_102] : memref<10240x64xf32, #tpu.memory_space<vmem_shared>> -> memref<10240x64xf32, #tpu.memory_space<vmem_shared>>
    tpu.wait_indirect_dma semaphore(%arg13 : memref<!tpu.dma_semaphore, #tpu.memory_space<semaphore_mem>>) src(%dma_wait3A_103 : memref<10240x64xf32, #tpu.memory_space<vmem_shared>>) dst(%arg9 : memref<128x64xf32, #tpu.memory_space<vmem>>)
    %run_scoped3A_104 = arith.constant 79 : i32
    "tpu.region"() ({
      %run_scoped3A_146 = tpu.sem_alloc : memref<!tpu.dma_semaphore, #tpu.memory_space<semaphore_mem>>
      %dma_start3A_147 = arith.constant 0 : i32
      %dma_start3A_148 = tpu.memref_slice %arg7[%run_scoped3A_104, %dma_start3A_147] : memref<80x128xi32, #tpu.memory_space<vmem>> -> memref<1x128xi32, #tpu.memory_space<vmem>>
      %dma_start3A_149 = tpu.memref_squeeze %dma_start3A_148 : memref<1x128xi32, #tpu.memory_space<vmem>> -> memref<128xi32, #tpu.memory_space<vmem>>
      %dma_start3A_150 = arith.constant 0 : i32
      %dma_start3A_151 = arith.constant 0 : i32
      %dma_start3A_152 = tpu.memref_slice %arg11[%dma_start3A_150, %dma_start3A_151] : memref<10240x64xf32, #tpu.memory_space<vmem_shared>> -> memref<10240x64xf32, #tpu.memory_space<vmem_shared>>
      tpu.enqueue_indirect_dma source(%arg9 : memref<128x64xf32, #tpu.memory_space<vmem>>) target(%dma_start3A_152 : memref<10240x64xf32, #tpu.memory_space<vmem_shared>>) offsets(%dma_start3A_149 : memref<128xi32, #tpu.memory_space<vmem>>) semaphore(%run_scoped3A_146 : memref<!tpu.dma_semaphore, #tpu.memory_space<semaphore_mem>>) {add = true}
      %dma_wait3A_153 = arith.constant 0 : i32
      %dma_wait3A_154 = tpu.memref_slice %arg7[%run_scoped3A_104, %dma_wait3A_153] : memref<80x128xi32, #tpu.memory_space<vmem>> -> memref<1x128xi32, #tpu.memory_space<vmem>>
      %dma_wait3A_155 = tpu.memref_squeeze %dma_wait3A_154 : memref<1x128xi32, #tpu.memory_space<vmem>> -> memref<128xi32, #tpu.memory_space<vmem>>
      %dma_wait3A_156 = arith.constant 0 : i32
      %dma_wait3A_157 = arith.constant 0 : i32
      %dma_wait3A_158 = tpu.memref_slice %arg11[%dma_wait3A_156, %dma_wait3A_157] : memref<10240x64xf32, #tpu.memory_space<vmem_shared>> -> memref<10240x64xf32, #tpu.memory_space<vmem_shared>>
      tpu.wait_indirect_dma semaphore(%run_scoped3A_146 : memref<!tpu.dma_semaphore, #tpu.memory_space<semaphore_mem>>) src(%arg9 : memref<128x64xf32, #tpu.memory_space<vmem>>) dst(%dma_wait3A_158 : memref<10240x64xf32, #tpu.memory_space<vmem_shared>>)
      tpu.yield
    }) : () -> ()
    %barrier3A_105 = arith.constant 0 : index
    tpu.barrier barrier_id(%barrier3A_105)
    %mul3A_106 = arith.constant 640 : i32
    %mul3A_107 = arith.muli %arg1, %mul3A_106 : i32
    %add3A_108 = arith.constant 0 : i32
    %add3A_109 = arith.addi %mul3A_107, %add3A_108 : i32
    %mul3A_110 = arith.constant 640 : i32
    %mul3A_111 = arith.muli %arg1, %mul3A_110 : i32
    %add3A_112 = arith.constant 0 : i32
    %add3A_113 = arith.addi %mul3A_111, %add3A_112 : i32
    "tpu.region"() ({
      %run_scoped3A_146 = tpu.sem_alloc : memref<!tpu.dma_semaphore, #tpu.memory_space<semaphore_mem>>
      %dma_start3A_147 = arith.constant 0 : i32
      %dma_start3A_148 = tpu.memref_slice %arg5[%arg0, %add3A_113, %dma_start3A_147] : memref<2x10240x64xf32, #tpu.memory_space<hbm>> -> memref<1x128x64xf32, #tpu.memory_space<hbm>>
      %dma_start3A_149 = tpu.memref_squeeze %dma_start3A_148 : memref<1x128x64xf32, #tpu.memory_space<hbm>> -> memref<128x64xf32, #tpu.memory_space<hbm>>
      %dma_start3A_150 = arith.constant 0 : i32
      %dma_start3A_151 = tpu.memref_slice %arg11[%add3A_109, %dma_start3A_150] : memref<10240x64xf32, #tpu.memory_space<vmem_shared>> -> memref<128x64xf32, #tpu.memory_space<vmem_shared>>
      tpu.enqueue_dma source(%dma_start3A_151 : memref<128x64xf32, #tpu.memory_space<vmem_shared>>) target(%dma_start3A_149 : memref<128x64xf32, #tpu.memory_space<hbm>>) target_semaphore(%run_scoped3A_146 : memref<!tpu.dma_semaphore, #tpu.memory_space<semaphore_mem>>)
      %dma_wait3A_152 = arith.constant 0 : i32
      %dma_wait3A_153 = tpu.memref_slice %arg5[%arg0, %add3A_113, %dma_wait3A_152] : memref<2x10240x64xf32, #tpu.memory_space<hbm>> -> memref<1x128x64xf32, #tpu.memory_space<hbm>>
      %dma_wait3A_154 = tpu.memref_squeeze %dma_wait3A_153 : memref<1x128x64xf32, #tpu.memory_space<hbm>> -> memref<128x64xf32, #tpu.memory_space<hbm>>
      %dma_wait3A_155 = arith.constant 0 : i32
      %dma_wait3A_156 = tpu.memref_slice %arg11[%add3A_109, %dma_wait3A_155] : memref<10240x64xf32, #tpu.memory_space<vmem_shared>> -> memref<128x64xf32, #tpu.memory_space<vmem_shared>>
      tpu.wait_dma2 semaphore(%run_scoped3A_146 : memref<!tpu.dma_semaphore, #tpu.memory_space<semaphore_mem>>) src(%dma_wait3A_156 : memref<128x64xf32, #tpu.memory_space<vmem_shared>>) dst(%dma_wait3A_154 : memref<128x64xf32, #tpu.memory_space<hbm>>)
      tpu.yield
    }) : () -> ()
    %mul3A_114 = arith.constant 640 : i32
    %mul3A_115 = arith.muli %arg1, %mul3A_114 : i32
    %add3A_116 = arith.constant 128 : i32
    %add3A_117 = arith.addi %mul3A_115, %add3A_116 : i32
    %mul3A_118 = arith.constant 640 : i32
    %mul3A_119 = arith.muli %arg1, %mul3A_118 : i32
    %add3A_120 = arith.constant 128 : i32
    %add3A_121 = arith.addi %mul3A_119, %add3A_120 : i32
    "tpu.region"() ({
      %run_scoped3A_146 = tpu.sem_alloc : memref<!tpu.dma_semaphore, #tpu.memory_space<semaphore_mem>>
      %dma_start3A_147 = arith.constant 0 : i32
      %dma_start3A_148 = tpu.memref_slice %arg5[%arg0, %add3A_121, %dma_start3A_147] : memref<2x10240x64xf32, #tpu.memory_space<hbm>> -> memref<1x128x64xf32, #tpu.memory_space<hbm>>
      %dma_start3A_149 = tpu.memref_squeeze %dma_start3A_148 : memref<1x128x64xf32, #tpu.memory_space<hbm>> -> memref<128x64xf32, #tpu.memory_space<hbm>>
      %dma_start3A_150 = arith.constant 0 : i32
      %dma_start3A_151 = tpu.memref_slice %arg11[%add3A_117, %dma_start3A_150] : memref<10240x64xf32, #tpu.memory_space<vmem_shared>> -> memref<128x64xf32, #tpu.memory_space<vmem_shared>>
      tpu.enqueue_dma source(%dma_start3A_151 : memref<128x64xf32, #tpu.memory_space<vmem_shared>>) target(%dma_start3A_149 : memref<128x64xf32, #tpu.memory_space<hbm>>) target_semaphore(%run_scoped3A_146 : memref<!tpu.dma_semaphore, #tpu.memory_space<semaphore_mem>>)
      %dma_wait3A_152 = arith.constant 0 : i32
      %dma_wait3A_153 = tpu.memref_slice %arg5[%arg0, %add3A_121, %dma_wait3A_152] : memref<2x10240x64xf32, #tpu.memory_space<hbm>> -> memref<1x128x64xf32, #tpu.memory_space<hbm>>
      %dma_wait3A_154 = tpu.memref_squeeze %dma_wait3A_153 : memref<1x128x64xf32, #tpu.memory_space<hbm>> -> memref<128x64xf32, #tpu.memory_space<hbm>>
      %dma_wait3A_155 = arith.constant 0 : i32
      %dma_wait3A_156 = tpu.memref_slice %arg11[%add3A_117, %dma_wait3A_155] : memref<10240x64xf32, #tpu.memory_space<vmem_shared>> -> memref<128x64xf32, #tpu.memory_space<vmem_shared>>
      tpu.wait_dma2 semaphore(%run_scoped3A_146 : memref<!tpu.dma_semaphore, #tpu.memory_space<semaphore_mem>>) src(%dma_wait3A_156 : memref<128x64xf32, #tpu.memory_space<vmem_shared>>) dst(%dma_wait3A_154 : memref<128x64xf32, #tpu.memory_space<hbm>>)
      tpu.yield
    }) : () -> ()
    %mul3A_122 = arith.constant 640 : i32
    %mul3A_123 = arith.muli %arg1, %mul3A_122 : i32
    %add3A_124 = arith.constant 256 : i32
    %add3A_125 = arith.addi %mul3A_123, %add3A_124 : i32
    %mul3A_126 = arith.constant 640 : i32
    %mul3A_127 = arith.muli %arg1, %mul3A_126 : i32
    %add3A_128 = arith.constant 256 : i32
    %add3A_129 = arith.addi %mul3A_127, %add3A_128 : i32
    "tpu.region"() ({
      %run_scoped3A_146 = tpu.sem_alloc : memref<!tpu.dma_semaphore, #tpu.memory_space<semaphore_mem>>
      %dma_start3A_147 = arith.constant 0 : i32
      %dma_start3A_148 = tpu.memref_slice %arg5[%arg0, %add3A_129, %dma_start3A_147] : memref<2x10240x64xf32, #tpu.memory_space<hbm>> -> memref<1x128x64xf32, #tpu.memory_space<hbm>>
      %dma_start3A_149 = tpu.memref_squeeze %dma_start3A_148 : memref<1x128x64xf32, #tpu.memory_space<hbm>> -> memref<128x64xf32, #tpu.memory_space<hbm>>
      %dma_start3A_150 = arith.constant 0 : i32
      %dma_start3A_151 = tpu.memref_slice %arg11[%add3A_125, %dma_start3A_150] : memref<10240x64xf32, #tpu.memory_space<vmem_shared>> -> memref<128x64xf32, #tpu.memory_space<vmem_shared>>
      tpu.enqueue_dma source(%dma_start3A_151 : memref<128x64xf32, #tpu.memory_space<vmem_shared>>) target(%dma_start3A_149 : memref<128x64xf32, #tpu.memory_space<hbm>>) target_semaphore(%run_scoped3A_146 : memref<!tpu.dma_semaphore, #tpu.memory_space<semaphore_mem>>)
      %dma_wait3A_152 = arith.constant 0 : i32
      %dma_wait3A_153 = tpu.memref_slice %arg5[%arg0, %add3A_129, %dma_wait3A_152] : memref<2x10240x64xf32, #tpu.memory_space<hbm>> -> memref<1x128x64xf32, #tpu.memory_space<hbm>>
      %dma_wait3A_154 = tpu.memref_squeeze %dma_wait3A_153 : memref<1x128x64xf32, #tpu.memory_space<hbm>> -> memref<128x64xf32, #tpu.memory_space<hbm>>
      %dma_wait3A_155 = arith.constant 0 : i32
      %dma_wait3A_156 = tpu.memref_slice %arg11[%add3A_125, %dma_wait3A_155] : memref<10240x64xf32, #tpu.memory_space<vmem_shared>> -> memref<128x64xf32, #tpu.memory_space<vmem_shared>>
      tpu.wait_dma2 semaphore(%run_scoped3A_146 : memref<!tpu.dma_semaphore, #tpu.memory_space<semaphore_mem>>) src(%dma_wait3A_156 : memref<128x64xf32, #tpu.memory_space<vmem_shared>>) dst(%dma_wait3A_154 : memref<128x64xf32, #tpu.memory_space<hbm>>)
      tpu.yield
    }) : () -> ()
    %mul3A_130 = arith.constant 640 : i32
    %mul3A_131 = arith.muli %arg1, %mul3A_130 : i32
    %add3A_132 = arith.constant 384 : i32
    %add3A_133 = arith.addi %mul3A_131, %add3A_132 : i32
    %mul3A_134 = arith.constant 640 : i32
    %mul3A_135 = arith.muli %arg1, %mul3A_134 : i32
    %add3A_136 = arith.constant 384 : i32
    %add3A_137 = arith.addi %mul3A_135, %add3A_136 : i32
    "tpu.region"() ({
      %run_scoped3A_146 = tpu.sem_alloc : memref<!tpu.dma_semaphore, #tpu.memory_space<semaphore_mem>>
      %dma_start3A_147 = arith.constant 0 : i32
      %dma_start3A_148 = tpu.memref_slice %arg5[%arg0, %add3A_137, %dma_start3A_147] : memref<2x10240x64xf32, #tpu.memory_space<hbm>> -> memref<1x128x64xf32, #tpu.memory_space<hbm>>
      %dma_start3A_149 = tpu.memref_squeeze %dma_start3A_148 : memref<1x128x64xf32, #tpu.memory_space<hbm>> -> memref<128x64xf32, #tpu.memory_space<hbm>>
      %dma_start3A_150 = arith.constant 0 : i32
      %dma_start3A_151 = tpu.memref_slice %arg11[%add3A_133, %dma_start3A_150] : memref<10240x64xf32, #tpu.memory_space<vmem_shared>> -> memref<128x64xf32, #tpu.memory_space<vmem_shared>>
      tpu.enqueue_dma source(%dma_start3A_151 : memref<128x64xf32, #tpu.memory_space<vmem_shared>>) target(%dma_start3A_149 : memref<128x64xf32, #tpu.memory_space<hbm>>) target_semaphore(%run_scoped3A_146 : memref<!tpu.dma_semaphore, #tpu.memory_space<semaphore_mem>>)
      %dma_wait3A_152 = arith.constant 0 : i32
      %dma_wait3A_153 = tpu.memref_slice %arg5[%arg0, %add3A_137, %dma_wait3A_152] : memref<2x10240x64xf32, #tpu.memory_space<hbm>> -> memref<1x128x64xf32, #tpu.memory_space<hbm>>
      %dma_wait3A_154 = tpu.memref_squeeze %dma_wait3A_153 : memref<1x128x64xf32, #tpu.memory_space<hbm>> -> memref<128x64xf32, #tpu.memory_space<hbm>>
      %dma_wait3A_155 = arith.constant 0 : i32
      %dma_wait3A_156 = tpu.memref_slice %arg11[%add3A_133, %dma_wait3A_155] : memref<10240x64xf32, #tpu.memory_space<vmem_shared>> -> memref<128x64xf32, #tpu.memory_space<vmem_shared>>
      tpu.wait_dma2 semaphore(%run_scoped3A_146 : memref<!tpu.dma_semaphore, #tpu.memory_space<semaphore_mem>>) src(%dma_wait3A_156 : memref<128x64xf32, #tpu.memory_space<vmem_shared>>) dst(%dma_wait3A_154 : memref<128x64xf32, #tpu.memory_space<hbm>>)
      tpu.yield
    }) : () -> ()
    %mul3A_138 = arith.constant 640 : i32
    %mul3A_139 = arith.muli %arg1, %mul3A_138 : i32
    %add3A_140 = arith.constant 512 : i32
    %add3A_141 = arith.addi %mul3A_139, %add3A_140 : i32
    %mul3A_142 = arith.constant 640 : i32
    %mul3A_143 = arith.muli %arg1, %mul3A_142 : i32
    %add3A_144 = arith.constant 512 : i32
    %add3A_145 = arith.addi %mul3A_143, %add3A_144 : i32
    "tpu.region"() ({
      %run_scoped3A_146 = tpu.sem_alloc : memref<!tpu.dma_semaphore, #tpu.memory_space<semaphore_mem>>
      %dma_start3A_147 = arith.constant 0 : i32
      %dma_start3A_148 = tpu.memref_slice %arg5[%arg0, %add3A_145, %dma_start3A_147] : memref<2x10240x64xf32, #tpu.memory_space<hbm>> -> memref<1x128x64xf32, #tpu.memory_space<hbm>>
      %dma_start3A_149 = tpu.memref_squeeze %dma_start3A_148 : memref<1x128x64xf32, #tpu.memory_space<hbm>> -> memref<128x64xf32, #tpu.memory_space<hbm>>
      %dma_start3A_150 = arith.constant 0 : i32
      %dma_start3A_151 = tpu.memref_slice %arg11[%add3A_141, %dma_start3A_150] : memref<10240x64xf32, #tpu.memory_space<vmem_shared>> -> memref<128x64xf32, #tpu.memory_space<vmem_shared>>
      tpu.enqueue_dma source(%dma_start3A_151 : memref<128x64xf32, #tpu.memory_space<vmem_shared>>) target(%dma_start3A_149 : memref<128x64xf32, #tpu.memory_space<hbm>>) target_semaphore(%run_scoped3A_146 : memref<!tpu.dma_semaphore, #tpu.memory_space<semaphore_mem>>)
      %dma_wait3A_152 = arith.constant 0 : i32
      %dma_wait3A_153 = tpu.memref_slice %arg5[%arg0, %add3A_145, %dma_wait3A_152] : memref<2x10240x64xf32, #tpu.memory_space<hbm>> -> memref<1x128x64xf32, #tpu.memory_space<hbm>>
      %dma_wait3A_154 = tpu.memref_squeeze %dma_wait3A_153 : memref<1x128x64xf32, #tpu.memory_space<hbm>> -> memref<128x64xf32, #tpu.memory_space<hbm>>
      %dma_wait3A_155 = arith.constant 0 : i32
      %dma_wait3A_156 = tpu.memref_slice %arg11[%add3A_141, %dma_wait3A_155] : memref<10240x64xf32, #tpu.memory_space<vmem_shared>> -> memref<128x64xf32, #tpu.memory_space<vmem_shared>>
      tpu.wait_dma2 semaphore(%run_scoped3A_146 : memref<!tpu.dma_semaphore, #tpu.memory_space<semaphore_mem>>) src(%dma_wait3A_156 : memref<128x64xf32, #tpu.memory_space<vmem_shared>>) dst(%dma_wait3A_154 : memref<128x64xf32, #tpu.memory_space<hbm>>)
      tpu.yield
    }) : () -> ()
    return
  }
}

module attributes {stable_mosaic.version = 14 : i64} {
  func.func @body(%arg0: i32, %arg1: memref<1000x128xf32, #tpu.memory_space<vmem>>, %arg2: memref<128x128xf32, #tpu.memory_space<vmem>>, %arg3: memref<128x128xf32, #tpu.memory_space<vmem>>, %arg4: memref<1000x128xf32, #tpu.memory_space<vmem>>, %arg5: memref<1000x128xf32, #tpu.memory_space<vmem>>) attributes {dimension_semantics = [#tpu.dimension_semantics<arbitrary>], iteration_bounds = array<i64: 10>, scalar_prefetch = 0 : i64, scratch_operands = 0 : i64, tpu.core_type = #tpu.core_type<tc>, window_params = [{transform_indices = @transform_0, window_bounds = array<i64: 1000, 128>}, {pipeline_mode = #tpu.pipeline_mode<synchronous>, transform_indices = @transform_1, window_bounds = array<i64: 128, 128>}, {pipeline_mode = #tpu.pipeline_mode<synchronous>, transform_indices = @transform_2, window_bounds = array<i64: 128, 128>}, {transform_indices = @transform_3, window_bounds = array<i64: 1000, 128>}, {transform_indices = @transform_4, window_bounds = array<i64: 1000, 128>}]} {
    %get3A = arith.constant 0 : index
    %get3A_0 = arith.constant 0 : index
    %get3A_1 = vector.load %arg1[%get3A, %get3A_0] : memref<1000x128xf32, #tpu.memory_space<vmem>>, vector<1000x128xf32>
    %get3A_2 = arith.constant 0 : index
    %get3A_3 = arith.constant 0 : index
    %get3A_4 = vector.load %arg2[%get3A_2, %get3A_3] : memref<128x128xf32, #tpu.memory_space<vmem>>, vector<128x128xf32>
    %dot_general3A = arith.constant dense<0.000000e+00> : vector<1000x128xf32>
    %dot_general3A_5 = tpu.matmul %get3A_1, %get3A_4, %dot_general3A {dimension_numbers = #tpu.dot_dimension_numbers<[1], [0], [0], [1], [0, 0, 1, 1], [], []>, transpose_lhs_hint = false} : vector<1000x128xf32>, vector<128x128xf32>, vector<1000x128xf32> -> vector<1000x128xf32>
    %swap3A = arith.constant 0 : index
    %swap3A_6 = arith.constant 0 : index
    %swap3A_7 = vector.load %arg4[%swap3A, %swap3A_6] : memref<1000x128xf32, #tpu.memory_space<vmem>>, vector<1000x128xf32>
    tpu.vector_store %arg4[%swap3A, %swap3A_6], %dot_general3A_5 {strides = array<i32>} : memref<1000x128xf32, #tpu.memory_space<vmem>>, vector<1000x128xf32>,
    %get3A_8 = arith.constant 0 : index
    %get3A_9 = arith.constant 0 : index
    %get3A_10 = vector.load %arg3[%get3A_8, %get3A_9] : memref<128x128xf32, #tpu.memory_space<vmem>>, vector<128x128xf32>
    %dot_general3A_11 = arith.constant dense<0.000000e+00> : vector<1000x128xf32>
    %dot_general3A_12 = tpu.matmul %get3A_1, %get3A_10, %dot_general3A_11 {dimension_numbers = #tpu.dot_dimension_numbers<[1], [0], [0], [1], [0, 0, 1, 1], [], []>, transpose_lhs_hint = false} : vector<1000x128xf32>, vector<128x128xf32>, vector<1000x128xf32> -> vector<1000x128xf32>
    %swap3A_13 = arith.constant 0 : index
    %swap3A_14 = arith.constant 0 : index
    %swap3A_15 = vector.load %arg5[%swap3A_13, %swap3A_14] : memref<1000x128xf32, #tpu.memory_space<vmem>>, vector<1000x128xf32>
    tpu.vector_store %arg5[%swap3A_13, %swap3A_14], %dot_general3A_12 {strides = array<i32>} : memref<1000x128xf32, #tpu.memory_space<vmem>>, vector<1000x128xf32>,
    return
  }
  func.func @transform_0(%arg0: i32) -> (i32, i32) {
    %c0_i32 = arith.constant 0 : i32
    %c0_i32_0 = arith.constant 0 : i32
    return %arg0, %c0_i32 : i32, i32
  }
  func.func @transform_1(%arg0: i32) -> (i32, i32) {
    %c0_i32 = arith.constant 0 : i32
    %c0_i32_0 = arith.constant 0 : i32
    %c0_i32_1 = arith.constant 0 : i32
    return %c0_i32, %c0_i32_0 : i32, i32
  }
  func.func @transform_2(%arg0: i32) -> (i32, i32) {
    %c0_i32 = arith.constant 0 : i32
    %c0_i32_0 = arith.constant 0 : i32
    %c0_i32_1 = arith.constant 0 : i32
    return %c0_i32, %c0_i32_0 : i32, i32
  }
  func.func @transform_3(%arg0: i32) -> (i32, i32) {
    %c0_i32 = arith.constant 0 : i32
    %c0_i32_0 = arith.constant 0 : i32
    return %arg0, %c0_i32 : i32, i32
  }
  func.func @transform_4(%arg0: i32) -> (i32, i32) {
    %c0_i32 = arith.constant 0 : i32
    %c0_i32_0 = arith.constant 0 : i32
    return %arg0, %c0_i32 : i32, i32
  }
}

module attributes {stable_mosaic.version = 14 : i64} {
  func.func @body(%arg0: i32, %arg1: memref<1000x128xf32, #tpu.memory_space<vmem>>, %arg2: memref<1000x128xf32, #tpu.memory_space<vmem>>, %arg3: memref<2x1000x32xf32, #tpu.memory_space<vmem>>, %arg4: memref<1x128xf32, #tpu.memory_space<vmem>>, %arg5: memref<2x1000x64xf32, #tpu.memory_space<vmem>>, %arg6: memref<1000x128xf32, #tpu.memory_space<vmem>>, %arg7: memref<1000x1xf32, #tpu.memory_space<vmem>>) attributes {dimension_semantics = [#tpu.dimension_semantics<arbitrary>], iteration_bounds = array<i64: 10>, scalar_prefetch = 0 : i64, scratch_operands = 0 : i64, tpu.core_type = #tpu.core_type<tc>, window_params = [{transform_indices = @transform_0, window_bounds = array<i64: 1000, 128>}, {transform_indices = @transform_1, window_bounds = array<i64: 1000, 128>}, {transform_indices = @transform_2, window_bounds = array<i64: 2, 1000, 32>}, {pipeline_mode = #tpu.pipeline_mode<synchronous>, transform_indices = @transform_3, window_bounds = array<i64: 1, 128>}, {transform_indices = @transform_4, window_bounds = array<i64: 2, 1000, 64>}, {transform_indices = @transform_5, window_bounds = array<i64: 1000, 128>}, {transform_indices = @transform_6, window_bounds = array<i64: 1000, 1>}]} {
    %get3A = arith.constant 0 : index
    %get3A_0 = arith.constant 0 : index
    %get3A_1 = arith.constant 0 : index
    %get3A_2 = vector.load %arg3[%get3A, %get3A_0, %get3A_1] : memref<2x1000x32xf32, #tpu.memory_space<vmem>>, vector<1x1000x1xf32>
    %get3A_3 = vector.shape_cast %get3A_2 : vector<1x1000x1xf32> to vector<1000x1xf32>
    %get3A_4 = arith.constant 1 : index
    %get3A_5 = arith.constant 0 : index
    %get3A_6 = arith.constant 0 : index
    %get3A_7 = vector.load %arg3[%get3A_4, %get3A_5, %get3A_6] : memref<2x1000x32xf32, #tpu.memory_space<vmem>>, vector<1x1000x1xf32>
    %get3A_8 = vector.shape_cast %get3A_7 : vector<1x1000x1xf32> to vector<1000x1xf32>
    %add3A = arith.addf %get3A_3, %get3A_8 : vector<1000x1xf32>
    %add3A_9 = arith.constant 1.000000e+00 : f32
    %add3A_10 = vector.broadcast %add3A_9 : f32 to vector<1000x1xf32>
    %add3A_11 = arith.addf %add3A, %add3A_10 : vector<1000x1xf32>
    %rsqrt3A = math.rsqrt %add3A_11 : vector<1000x1xf32>
    %get3A_12 = arith.constant 0 : index
    %get3A_13 = arith.constant 0 : index
    %get3A_14 = vector.load %arg1[%get3A_12, %get3A_13] : memref<1000x128xf32, #tpu.memory_space<vmem>>, vector<1000x128xf32>
    %mul3A = vector.broadcast %rsqrt3A : vector<1000x1xf32> to vector<1000x128xf32>
    %mul3A_15 = arith.mulf %mul3A, %get3A_14 : vector<1000x128xf32>
    %slice3A = vector.extract_strided_slice %mul3A_15 {offsets = [0, 0], sizes = [1000, 64], strides = [1, 1]} : vector<1000x128xf32> to vector<1000x64xf32>
    %swap3A = arith.constant 0 : index
    %swap3A_16 = arith.constant 0 : index
    %swap3A_17 = arith.constant 0 : index
    %swap3A_18 = vector.load %arg5[%swap3A, %swap3A_16, %swap3A_17] : memref<2x1000x64xf32, #tpu.memory_space<vmem>>, vector<1x1000x64xf32>
    %swap3A_19 = vector.shape_cast %swap3A_18 : vector<1x1000x64xf32> to vector<1000x64xf32>
    %swap3A_20 = vector.shape_cast %slice3A : vector<1000x64xf32> to vector<1x1000x64xf32>
    tpu.vector_store %arg5[%swap3A, %swap3A_16, %swap3A_17], %swap3A_20 {strides = array<i32>} : memref<2x1000x64xf32, #tpu.memory_space<vmem>>, vector<1x1000x64xf32>,
    %slice3A_21 = vector.extract_strided_slice %mul3A_15 {offsets = [0, 64], sizes = [1000, 64], strides = [1, 1]} : vector<1000x128xf32> to vector<1000x64xf32>
    %swap3A_22 = arith.constant 1 : index
    %swap3A_23 = arith.constant 0 : index
    %swap3A_24 = arith.constant 0 : index
    %swap3A_25 = vector.load %arg5[%swap3A_22, %swap3A_23, %swap3A_24] : memref<2x1000x64xf32, #tpu.memory_space<vmem>>, vector<1x1000x64xf32>
    %swap3A_26 = vector.shape_cast %swap3A_25 : vector<1x1000x64xf32> to vector<1000x64xf32>
    %swap3A_27 = vector.shape_cast %slice3A_21 : vector<1000x64xf32> to vector<1x1000x64xf32>
    tpu.vector_store %arg5[%swap3A_22, %swap3A_23, %swap3A_24], %swap3A_27 {strides = array<i32>} : memref<2x1000x64xf32, #tpu.memory_space<vmem>>, vector<1x1000x64xf32>,
    %get3A_28 = arith.constant 0 : index
    %get3A_29 = arith.constant 0 : index
    %get3A_30 = vector.load %arg2[%get3A_28, %get3A_29] : memref<1000x128xf32, #tpu.memory_space<vmem>>, vector<1000x128xf32>
    %get3A_31 = arith.constant 0 : index
    %get3A_32 = arith.constant 0 : index
    %get3A_33 = vector.load %arg4[%get3A_31, %get3A_32] : memref<1x128xf32, #tpu.memory_space<vmem>>, vector<1x128xf32>
    %add3A_34 = vector.broadcast %get3A_33 : vector<1x128xf32> to vector<1000x128xf32>
    %add3A_35 = arith.addf %get3A_30, %add3A_34 : vector<1000x128xf32>
    %mul3A_36 = arith.mulf %rsqrt3A, %rsqrt3A : vector<1000x1xf32>
    %mul3A_37 = vector.broadcast %mul3A_36 : vector<1000x1xf32> to vector<1000x128xf32>
    %mul3A_38 = arith.mulf %mul3A_37, %get3A_14 : vector<1000x128xf32>
    %add3A_39 = arith.addf %add3A_35, %mul3A_38 : vector<1000x128xf32>
    %swap3A_40 = arith.constant 0 : index
    %swap3A_41 = arith.constant 0 : index
    %swap3A_42 = vector.load %arg6[%swap3A_40, %swap3A_41] : memref<1000x128xf32, #tpu.memory_space<vmem>>, vector<1000x128xf32>
    tpu.vector_store %arg6[%swap3A_40, %swap3A_41], %add3A_39 {strides = array<i32>} : memref<1000x128xf32, #tpu.memory_space<vmem>>, vector<1000x128xf32>,
    %swap3A_43 = arith.constant 0 : index
    %swap3A_44 = arith.constant 0 : index
    %swap3A_45 = vector.load %arg7[%swap3A_43, %swap3A_44] : memref<1000x1xf32, #tpu.memory_space<vmem>>, vector<1000x1xf32>
    tpu.vector_store %arg7[%swap3A_43, %swap3A_44], %rsqrt3A {strides = array<i32>} : memref<1000x1xf32, #tpu.memory_space<vmem>>, vector<1000x1xf32>,
    return
  }
  func.func @transform_0(%arg0: i32) -> (i32, i32) {
    %c0_i32 = arith.constant 0 : i32
    %c0_i32_0 = arith.constant 0 : i32
    return %arg0, %c0_i32 : i32, i32
  }
  func.func @transform_1(%arg0: i32) -> (i32, i32) {
    %c0_i32 = arith.constant 0 : i32
    %c0_i32_0 = arith.constant 0 : i32
    return %arg0, %c0_i32 : i32, i32
  }
  func.func @transform_2(%arg0: i32) -> (i32, i32, i32) {
    %c0_i32 = arith.constant 0 : i32
    %c0_i32_0 = arith.constant 0 : i32
    %c0_i32_1 = arith.constant 0 : i32
    return %c0_i32, %arg0, %c0_i32_0 : i32, i32, i32
  }
  func.func @transform_3(%arg0: i32) -> (i32, i32) {
    %c0_i32 = arith.constant 0 : i32
    %c0_i32_0 = arith.constant 0 : i32
    %c0_i32_1 = arith.constant 0 : i32
    return %c0_i32, %c0_i32_0 : i32, i32
  }
  func.func @transform_4(%arg0: i32) -> (i32, i32, i32) {
    %c0_i32 = arith.constant 0 : i32
    %c0_i32_0 = arith.constant 0 : i32
    %c0_i32_1 = arith.constant 0 : i32
    return %c0_i32, %arg0, %c0_i32_0 : i32, i32, i32
  }
  func.func @transform_5(%arg0: i32) -> (i32, i32) {
    %c0_i32 = arith.constant 0 : i32
    %c0_i32_0 = arith.constant 0 : i32
    return %arg0, %c0_i32 : i32, i32
  }
  func.func @transform_6(%arg0: i32) -> (i32, i32) {
    %c0_i32 = arith.constant 0 : i32
    %c0_i32_0 = arith.constant 0 : i32
    return %arg0, %c0_i32 : i32, i32
  }
}

module attributes {stable_mosaic.version = 14 : i64} {
  func.func @body(%arg0: i32, %arg1: memref<2x1000x64xf32, #tpu.memory_space<vmem>>, %arg2: memref<1000x128xf32, #tpu.memory_space<vmem>>, %arg3: memref<1000x1xf32, #tpu.memory_space<vmem>>, %arg4: memref<128x128xf32, #tpu.memory_space<vmem>>, %arg5: memref<128x128xf32, #tpu.memory_space<vmem>>, %arg6: memref<1x128xf32, #tpu.memory_space<vmem>>, %arg7: memref<2x1000x64xf32, #tpu.memory_space<vmem>>, %arg8: memref<1000x128xf32, #tpu.memory_space<vmem>>) attributes {dimension_semantics = [#tpu.dimension_semantics<arbitrary>], iteration_bounds = array<i64: 10>, scalar_prefetch = 0 : i64, scratch_operands = 0 : i64, tpu.core_type = #tpu.core_type<tc>, window_params = [{transform_indices = @transform_0, window_bounds = array<i64: 2, 1000, 64>}, {transform_indices = @transform_1, window_bounds = array<i64: 1000, 128>}, {transform_indices = @transform_2, window_bounds = array<i64: 1000, 1>}, {pipeline_mode = #tpu.pipeline_mode<synchronous>, transform_indices = @transform_3, window_bounds = array<i64: 128, 128>}, {pipeline_mode = #tpu.pipeline_mode<synchronous>, transform_indices = @transform_4, window_bounds = array<i64: 128, 128>}, {pipeline_mode = #tpu.pipeline_mode<synchronous>, transform_indices = @transform_5, window_bounds = array<i64: 1, 128>}, {transform_indices = @transform_6, window_bounds = array<i64: 2, 1000, 64>}, {transform_indices = @transform_7, window_bounds = array<i64: 1000, 128>}]} {
    %get3A = arith.constant 0 : index
    %get3A_0 = arith.constant 0 : index
    %get3A_1 = vector.load %arg3[%get3A, %get3A_0] : memref<1000x1xf32, #tpu.memory_space<vmem>>, vector<1000x1xf32>
    %get3A_2 = arith.constant 0 : index
    %get3A_3 = arith.constant 0 : index
    %get3A_4 = arith.constant 0 : index
    %get3A_5 = vector.load %arg1[%get3A_2, %get3A_3, %get3A_4] : memref<2x1000x64xf32, #tpu.memory_space<vmem>>, vector<1x1000x64xf32>
    %get3A_6 = vector.shape_cast %get3A_5 : vector<1x1000x64xf32> to vector<1000x64xf32>
    %get3A_7 = arith.constant 1 : index
    %get3A_8 = arith.constant 0 : index
    %get3A_9 = arith.constant 0 : index
    %get3A_10 = vector.load %arg1[%get3A_7, %get3A_8, %get3A_9] : memref<2x1000x64xf32, #tpu.memory_space<vmem>>, vector<1x1000x64xf32>
    %get3A_11 = vector.shape_cast %get3A_10 : vector<1x1000x64xf32> to vector<1000x64xf32>
    %concatenate3A = tpu.concatenate %get3A_6, %get3A_11 in 1 : vector<1000x64xf32>, vector<1000x64xf32> -> vector<1000x128xf32>
    %mul3A = vector.broadcast %get3A_1 : vector<1000x1xf32> to vector<1000x128xf32>
    %mul3A_12 = arith.mulf %mul3A, %concatenate3A : vector<1000x128xf32>
    %get3A_13 = arith.constant 0 : index
    %get3A_14 = arith.constant 0 : index
    %get3A_15 = vector.load %arg2[%get3A_13, %get3A_14] : memref<1000x128xf32, #tpu.memory_space<vmem>>, vector<1000x128xf32>
    %add3A = arith.addf %mul3A_12, %get3A_15 : vector<1000x128xf32>
    %max3A = arith.constant 0.000000e+00 : f32
    %max3A_16 = vector.broadcast %max3A : f32 to vector<1000x128xf32>
    %max3A_17 = arith.maximumf %add3A, %max3A_16 : vector<1000x128xf32>
    %get3A_18 = arith.constant 0 : index
    %get3A_19 = arith.constant 0 : index
    %get3A_20 = vector.load %arg4[%get3A_18, %get3A_19] : memref<128x128xf32, #tpu.memory_space<vmem>>, vector<128x128xf32>
    %dot_general3A = arith.constant dense<0.000000e+00> : vector<1000x128xf32>
    %dot_general3A_21 = tpu.matmul %max3A_17, %get3A_20, %dot_general3A {dimension_numbers = #tpu.dot_dimension_numbers<[1], [0], [0], [1], [0, 0, 1, 1], [], []>, transpose_lhs_hint = false} : vector<1000x128xf32>, vector<128x128xf32>, vector<1000x128xf32> -> vector<1000x128xf32>
    %mul3A_22 = vector.broadcast %get3A_1 : vector<1000x1xf32> to vector<1000x128xf32>
    %mul3A_23 = arith.mulf %mul3A_22, %dot_general3A_21 : vector<1000x128xf32>
    %slice3A = vector.extract_strided_slice %mul3A_23 {offsets = [0, 0], sizes = [1000, 64], strides = [1, 1]} : vector<1000x128xf32> to vector<1000x64xf32>
    %swap3A = arith.constant 0 : index
    %swap3A_24 = arith.constant 0 : index
    %swap3A_25 = arith.constant 0 : index
    %swap3A_26 = vector.load %arg7[%swap3A, %swap3A_24, %swap3A_25] : memref<2x1000x64xf32, #tpu.memory_space<vmem>>, vector<1x1000x64xf32>
    %swap3A_27 = vector.shape_cast %swap3A_26 : vector<1x1000x64xf32> to vector<1000x64xf32>
    %swap3A_28 = vector.shape_cast %slice3A : vector<1000x64xf32> to vector<1x1000x64xf32>
    tpu.vector_store %arg7[%swap3A, %swap3A_24, %swap3A_25], %swap3A_28 {strides = array<i32>} : memref<2x1000x64xf32, #tpu.memory_space<vmem>>, vector<1x1000x64xf32>,
    %slice3A_29 = vector.extract_strided_slice %mul3A_23 {offsets = [0, 64], sizes = [1000, 64], strides = [1, 1]} : vector<1000x128xf32> to vector<1000x64xf32>
    %swap3A_30 = arith.constant 1 : index
    %swap3A_31 = arith.constant 0 : index
    %swap3A_32 = arith.constant 0 : index
    %swap3A_33 = vector.load %arg7[%swap3A_30, %swap3A_31, %swap3A_32] : memref<2x1000x64xf32, #tpu.memory_space<vmem>>, vector<1x1000x64xf32>
    %swap3A_34 = vector.shape_cast %swap3A_33 : vector<1x1000x64xf32> to vector<1000x64xf32>
    %swap3A_35 = vector.shape_cast %slice3A_29 : vector<1000x64xf32> to vector<1x1000x64xf32>
    tpu.vector_store %arg7[%swap3A_30, %swap3A_31, %swap3A_32], %swap3A_35 {strides = array<i32>} : memref<2x1000x64xf32, #tpu.memory_space<vmem>>, vector<1x1000x64xf32>,
    %get3A_36 = arith.constant 0 : index
    %get3A_37 = arith.constant 0 : index
    %get3A_38 = vector.load %arg5[%get3A_36, %get3A_37] : memref<128x128xf32, #tpu.memory_space<vmem>>, vector<128x128xf32>
    %dot_general3A_39 = arith.constant dense<0.000000e+00> : vector<1000x128xf32>
    %dot_general3A_40 = tpu.matmul %max3A_17, %get3A_38, %dot_general3A_39 {dimension_numbers = #tpu.dot_dimension_numbers<[1], [0], [0], [1], [0, 0, 1, 1], [], []>, transpose_lhs_hint = false} : vector<1000x128xf32>, vector<128x128xf32>, vector<1000x128xf32> -> vector<1000x128xf32>
    %get3A_41 = arith.constant 0 : index
    %get3A_42 = arith.constant 0 : index
    %get3A_43 = vector.load %arg6[%get3A_41, %get3A_42] : memref<1x128xf32, #tpu.memory_space<vmem>>, vector<1x128xf32>
    %add3A_44 = vector.broadcast %get3A_43 : vector<1x128xf32> to vector<1000x128xf32>
    %add3A_45 = arith.addf %dot_general3A_40, %add3A_44 : vector<1000x128xf32>
    %mul3A_46 = arith.mulf %get3A_1, %get3A_1 : vector<1000x1xf32>
    %mul3A_47 = vector.broadcast %mul3A_46 : vector<1000x1xf32> to vector<1000x128xf32>
    %mul3A_48 = arith.mulf %mul3A_47, %dot_general3A_21 : vector<1000x128xf32>
    %add3A_49 = arith.addf %add3A_45, %mul3A_48 : vector<1000x128xf32>
    %swap3A_50 = arith.constant 0 : index
    %swap3A_51 = arith.constant 0 : index
    %swap3A_52 = vector.load %arg8[%swap3A_50, %swap3A_51] : memref<1000x128xf32, #tpu.memory_space<vmem>>, vector<1000x128xf32>
    tpu.vector_store %arg8[%swap3A_50, %swap3A_51], %add3A_49 {strides = array<i32>} : memref<1000x128xf32, #tpu.memory_space<vmem>>, vector<1000x128xf32>,
    return
  }
  func.func @transform_0(%arg0: i32) -> (i32, i32, i32) {
    %c0_i32 = arith.constant 0 : i32
    %c0_i32_0 = arith.constant 0 : i32
    %c0_i32_1 = arith.constant 0 : i32
    return %c0_i32, %arg0, %c0_i32_0 : i32, i32, i32
  }
  func.func @transform_1(%arg0: i32) -> (i32, i32) {
    %c0_i32 = arith.constant 0 : i32
    %c0_i32_0 = arith.constant 0 : i32
    return %arg0, %c0_i32 : i32, i32
  }
  func.func @transform_2(%arg0: i32) -> (i32, i32) {
    %c0_i32 = arith.constant 0 : i32
    %c0_i32_0 = arith.constant 0 : i32
    return %arg0, %c0_i32 : i32, i32
  }
  func.func @transform_3(%arg0: i32) -> (i32, i32) {
    %c0_i32 = arith.constant 0 : i32
    %c0_i32_0 = arith.constant 0 : i32
    %c0_i32_1 = arith.constant 0 : i32
    return %c0_i32, %c0_i32_0 : i32, i32
  }
  func.func @transform_4(%arg0: i32) -> (i32, i32) {
    %c0_i32 = arith.constant 0 : i32
    %c0_i32_0 = arith.constant 0 : i32
    %c0_i32_1 = arith.constant 0 : i32
    return %c0_i32, %c0_i32_0 : i32, i32
  }
  func.func @transform_5(%arg0: i32) -> (i32, i32) {
    %c0_i32 = arith.constant 0 : i32
    %c0_i32_0 = arith.constant 0 : i32
    %c0_i32_1 = arith.constant 0 : i32
    return %c0_i32, %c0_i32_0 : i32, i32
  }
  func.func @transform_6(%arg0: i32) -> (i32, i32, i32) {
    %c0_i32 = arith.constant 0 : i32
    %c0_i32_0 = arith.constant 0 : i32
    %c0_i32_1 = arith.constant 0 : i32
    return %c0_i32, %arg0, %c0_i32_0 : i32, i32, i32
  }
  func.func @transform_7(%arg0: i32) -> (i32, i32) {
    %c0_i32 = arith.constant 0 : i32
    %c0_i32_0 = arith.constant 0 : i32
    return %arg0, %c0_i32 : i32, i32
  }
}

module attributes {stable_mosaic.version = 14 : i64} {
  func.func @body(%arg0: i32, %arg1: memref<2x1000x64xf32, #tpu.memory_space<vmem>>, %arg2: memref<1000x128xf32, #tpu.memory_space<vmem>>, %arg3: memref<1000x1xf32, #tpu.memory_space<vmem>>, %arg4: memref<1000x128xf32, #tpu.memory_space<vmem>>) attributes {dimension_semantics = [#tpu.dimension_semantics<arbitrary>], iteration_bounds = array<i64: 10>, scalar_prefetch = 0 : i64, scratch_operands = 0 : i64, tpu.core_type = #tpu.core_type<tc>, window_params = [{transform_indices = @transform_0, window_bounds = array<i64: 2, 1000, 64>}, {transform_indices = @transform_1, window_bounds = array<i64: 1000, 128>}, {transform_indices = @transform_2, window_bounds = array<i64: 1000, 1>}, {transform_indices = @transform_3, window_bounds = array<i64: 1000, 128>}]} {
    %get3A = arith.constant 0 : index
    %get3A_0 = arith.constant 0 : index
    %get3A_1 = arith.constant 0 : index
    %get3A_2 = vector.load %arg1[%get3A, %get3A_0, %get3A_1] : memref<2x1000x64xf32, #tpu.memory_space<vmem>>, vector<1x1000x64xf32>
    %get3A_3 = vector.shape_cast %get3A_2 : vector<1x1000x64xf32> to vector<1000x64xf32>
    %get3A_4 = arith.constant 1 : index
    %get3A_5 = arith.constant 0 : index
    %get3A_6 = arith.constant 0 : index
    %get3A_7 = vector.load %arg1[%get3A_4, %get3A_5, %get3A_6] : memref<2x1000x64xf32, #tpu.memory_space<vmem>>, vector<1x1000x64xf32>
    %get3A_8 = vector.shape_cast %get3A_7 : vector<1x1000x64xf32> to vector<1000x64xf32>
    %concatenate3A = tpu.concatenate %get3A_3, %get3A_8 in 1 : vector<1000x64xf32>, vector<1000x64xf32> -> vector<1000x128xf32>
    %get3A_9 = arith.constant 0 : index
    %get3A_10 = arith.constant 0 : index
    %get3A_11 = vector.load %arg3[%get3A_9, %get3A_10] : memref<1000x1xf32, #tpu.memory_space<vmem>>, vector<1000x1xf32>
    %mul3A = vector.broadcast %get3A_11 : vector<1000x1xf32> to vector<1000x128xf32>
    %mul3A_12 = arith.mulf %mul3A, %concatenate3A : vector<1000x128xf32>
    %get3A_13 = arith.constant 0 : index
    %get3A_14 = arith.constant 0 : index
    %get3A_15 = vector.load %arg2[%get3A_13, %get3A_14] : memref<1000x128xf32, #tpu.memory_space<vmem>>, vector<1000x128xf32>
    %add3A = arith.addf %mul3A_12, %get3A_15 : vector<1000x128xf32>
    %swap3A = arith.constant 0 : index
    %swap3A_16 = arith.constant 0 : index
    %swap3A_17 = vector.load %arg4[%swap3A, %swap3A_16] : memref<1000x128xf32, #tpu.memory_space<vmem>>, vector<1000x128xf32>
    tpu.vector_store %arg4[%swap3A, %swap3A_16], %add3A {strides = array<i32>} : memref<1000x128xf32, #tpu.memory_space<vmem>>, vector<1000x128xf32>,
    return
  }
  func.func @transform_0(%arg0: i32) -> (i32, i32, i32) {
    %c0_i32 = arith.constant 0 : i32
    %c0_i32_0 = arith.constant 0 : i32
    %c0_i32_1 = arith.constant 0 : i32
    return %c0_i32, %arg0, %c0_i32_0 : i32, i32, i32
  }
  func.func @transform_1(%arg0: i32) -> (i32, i32) {
    %c0_i32 = arith.constant 0 : i32
    %c0_i32_0 = arith.constant 0 : i32
    return %arg0, %c0_i32 : i32, i32
  }
  func.func @transform_2(%arg0: i32) -> (i32, i32) {
    %c0_i32 = arith.constant 0 : i32
    %c0_i32_0 = arith.constant 0 : i32
    return %arg0, %c0_i32 : i32, i32
  }
  func.func @transform_3(%arg0: i32) -> (i32, i32) {
    %c0_i32 = arith.constant 0 : i32
    %c0_i32_0 = arith.constant 0 : i32
    return %arg0, %c0_i32 : i32, i32
  }
}

</mosaic_0001>

<sc_bundles>
// kernel: kernel.13.cloned.1.call-start
scs
__scs_entry_jumppad:
0x0: {  	(pc) =	sbr.rel $0x88, $3  }
0x1: {  	(tag) =	ssettag $0x0;
	lr =	simm.s32 $0x1  }
0x2: {  	[smem:$0x3F9B] =	sst lr;
	_ =	strace $0xD0000000  }
0x3: {  	_ = 	snop  }
0x4: {  	_ = 	snop  }
0x5: {  	_ = 	snop  }
0x6: {  	_ = 	snop  }
0x7: {  	_ = 	snop  }
__scs_overlays_trampoline_lowered:
0x8: {  	[smem:$0x3FAA] =	sst s0  }
0x9: {  	[smem:$0x3FAB] =	sst s1  }
0xa: {  	[smem:$0x3FAC] =	sst s2  }
0xb: {  	[smem:$0x3FAD] =	sst s3  }
0xc: {  	[smem:$0x3FAE] =	sst s4  }
0xd: {  	[smem:$0x3FAF] =	sst s5  }
0xe: {  	[smem:$0x3FB0] =	sst s6  }
0xf: {  	[smem:$0x3FB1] =	sst s7  }
0x10: {  	[smem:$0x3FB2] =	sst s8  }
0x11: {  	[smem:$0x3FB3] =	sst s9;
	s0 =	simm.s32 @!p0 $0x0  }
0x12: {  	s1 =	sld [smem:$0x3F99];
	s0 =	simm.s32 @p0 $0x1  }
0x13: {  	[smem:$0x3FB4] =	sst s0;
	s0 =	simm.s32 @!p1 $0x0  }
0x14: {  	s2 =	sld [smem:$0x3F98];
	s0 =	simm.s32 @p1 $0x1  }
0x15: {  	[smem:$0x3FB5] =	sst s0;
	s0 =	simm.s32 @!p2 $0x0  }
0x16: {  	s3 =	sld [smem:$0x3FDB];
	s0 =	simm.s32 @p2 $0x1  }
0x17: {  	s4 =	simm.s32 $0x1BF5;
	[smem:$0x3FB7] =	sst s0  }
0x18: {  	s0 =	sld [smem:$0x3F9A];
	_ =	swait.ge [sflag:s4], $0x0  }
0x19: {  	s7 =	sld [smem:$0x3F9B]  }
0x1a: {  	s8 =	sadd.s32 $0xFFFFE003, lr  }
0x1b: {  	s9 =	sadd.s32 $0xFFFFFEF7, lr;
	s5 =	simm.s32 $0xFFFFFFFF;
	p2 =	slt.u32 s8, $0xFFFFF086  }
0x1c: {  	p1 =	slt.u32 s9, $0xF7A;
	s5 =	simm.s32 @!p2 $0x0  }
0x1d: {  	s5 =	simm.s32 @p1 $0x1;
	p0 =	seq.s32 s7, s2  }
0x1e: {  	s7 =	smul.u32 @!p0 $0xF7A, s2;
	p2 =	seq.s32 @!p0 s5, $0x0  }
0x1f: {  	s9 =	smul.u32 $0xF7A, s1;
	s8 =	simm.s32 @!p0 $0x1BF5;
	p2 =	por !p2, p0  }
0x20: {  	[sflag:s8] =	ssyncset.s32 @!p0 $0xFFFFF086;
	s6 =	sadd.s32 @!p0 s3, s7;
	s7 =	simm.s32 @!p0 $0x108  }
0x21: {  	s3 =	sadd.s32 s3, s9;
	s6 =	sadd.s32 @!p0 $0x88, s6;
	s7 =	simm.s32 @p2 $0x1082  }
0x22: {  	[simem:s7], [sflag:s8] =	dma.local @!p0 [hbm:s6], $0xF7A  }
0x23: {  	s9 =	sor.u32 $0xD0000000, s2;
	s6 =	simm.s32 $0x108;
	_ =	swait.ge @!p0 [sflag:s8], $0x0  }
0x24: {  	s3 =	sadd.s32 $0x88, s3;
	s6 =	simm.s32 @!p1 $0x1082;
	[sflag:s4] =	ssyncset.s32 $0xFFFFF086  }
0x25: {  	[simem:s6], [sflag:s4] =	dma.local [hbm:s3], $0xF7A  }
0x26: {  	[smem:$0x3F9B] =	sst s1;
	(tag) =	ssettag s2;
	_ =	strace s9  }
0x27: {  	s1 =	sld [smem:$0x3FAB]  }
0x28: {  	s2 =	sld [smem:$0x3FAC]  }
0x29: {  	s4 =	sld [smem:$0x3FAE]  }
0x2a: {  	p0 =	seq.s32 s5, $0x0;
	s5 =	sld [smem:$0x3FAF]  }
0x2b: {  	s6 =	sld [smem:$0x3FB0]  }
0x2c: {  	s7 =	sld [smem:$0x3FB1]  }
0x2d: {  	s3 =	simm.s32 $0x108;
	s8 =	sld [smem:$0x3FB2]  }
0x2e: {  	s3 =	simm.s32 @!p0 $0x1082;
	s9 =	sld [smem:$0x3FB3]  }
0x2f: {  	lr =	sadd.s32 s0, s3;
	s0 =	sld [smem:$0x3FAA]  }
0x30: {  	s3 =	sld [smem:$0x3FAD]  }
0x31: {  	[smem:$0x3FB6] =	sst s10  }
0x32: {  	s10 =	sld [smem:$0x3FB4];
	_ =	sdelay $0x3  }
0x33: {  	p0 =	seq.s32 s10, $0x1;
	s10 =	sld [smem:$0x3FB6];
	_ =	sdelay $0x3  }
0x34: {  	[smem:$0x3FB6] =	sst s10  }
0x35: {  	s10 =	sld [smem:$0x3FB5];
	_ =	sdelay $0x3  }
0x36: {  	p1 =	seq.s32 s10, $0x1;
	s10 =	sld [smem:$0x3FB6];
	_ =	sdelay $0x3  }
0x37: {  	[smem:$0x3FB6] =	sst s10  }
0x38: {  	s10 =	sld [smem:$0x3FB7]  }
0x39: {  	_ = 	snop;
	(pc) =	sbr.ind lr, $3  }
0x3a: {  	_ = 	snop  }
0x3b: {  	_ = 	snop  }
0x3c: {  	p2 =	seq.s32 s10, $0x1;
	s10 =	sld [smem:$0x3FB6]  }
0x3d: {  	_ =	shalt  }
0x3e: {  	_ =	shalt  }
0x3f: {  	_ =	shalt  }
0x40: {  	_ =	shalt  }
0x41: {  	_ =	shalt  }
0x42: {  	_ =	shalt  }
0x43: {  	_ =	shalt  }
0x44: {  	_ =	shalt  }
0x45: {  	_ =	shalt  }
0x46: {  	_ =	shalt  }
0x47: {  	_ =	shalt  }
0x48: {  	_ =	shalt  }
0x49: {  	_ =	shalt  }
0x4a: {  	_ =	shalt  }
0x4b: {  	_ =	shalt  }
0x4c: {  	_ =	shalt  }
0x4d: {  	_ =	shalt  }
0x4e: {  	_ =	shalt  }
0x4f: {  	_ =	shalt  }
0x50: {  	_ =	shalt  }
0x51: {  	_ =	shalt  }
0x52: {  	_ =	shalt  }
0x53: {  	_ =	shalt  }
0x54: {  	_ =	shalt  }
0x55: {  	_ =	shalt  }
0x56: {  	_ =	shalt  }
0x57: {  	_ =	shalt  }
0x58: {  	_ =	shalt  }
0x59: {  	_ =	shalt  }
0x5a: {  	_ =	shalt  }
0x5b: {  	_ =	shalt  }
0x5c: {  	_ =	shalt  }
0x5d: {  	_ =	shalt  }
0x5e: {  	_ =	shalt  }
0x5f: {  	_ =	shalt  }
0x60: {  	_ =	shalt  }
0x61: {  	_ =	shalt  }
0x62: {  	_ =	shalt  }
0x63: {  	_ =	shalt  }
0x64: {  	_ =	shalt  }
0x65: {  	_ =	shalt  }
0x66: {  	_ =	shalt  }
0x67: {  	_ =	shalt  }
0x68: {  	_ =	shalt  }
0x69: {  	_ =	shalt  }
0x6a: {  	_ =	shalt  }
0x6b: {  	_ =	shalt  }
0x6c: {  	_ =	shalt  }
0x6d: {  	_ =	shalt  }
0x6e: {  	_ =	shalt  }
0x6f: {  	_ =	shalt  }
0x70: {  	_ =	shalt  }
0x71: {  	_ =	shalt  }
0x72: {  	_ =	shalt  }
0x73: {  	_ =	shalt  }
0x74: {  	_ =	shalt  }
0x75: {  	_ =	shalt  }
0x76: {  	_ =	shalt  }
0x77: {  	_ =	shalt  }
0x78: {  	_ =	shalt  }
0x79: {  	_ =	shalt  }
0x7a: {  	_ =	shalt  }
0x7b: {  	_ =	shalt  }
0x7c: {  	_ =	shalt  }
0x7d: {  	_ =	shalt  }
0x7e: {  	_ =	shalt  }
0x7f: {  	_ =	shalt  }
0x80: {  	_ =	shalt  }
0x81: {  	_ =	shalt  }
0x82: {  	_ =	shalt  }
0x83: {  	_ =	shalt  }
0x84: {  	_ =	shalt  }
0x85: {  	_ =	shalt  }
0x86: {  	_ =	shalt  }
0x87: {  	_ =	shalt  }
.Lfunc_end0:
.L_simem_size_0:
called_computation_lowered:
.L_overlay_start_0:
0x88: {  	s2 =	sld [smem:$0x3FD9]  }
0x89: {  	s3 =	sld [smem:$0x3FFE];
	_ =	sdelay $0x1  }
0x8a: {  	s1 =	srdreg.scid  }
0x8b: {  	s0 =	sand.u32 $0x1, s1  }
0x8c: {  	s17 =	sshll.u32 s0, $0xA;
	s2 =	sadd.s32 s3, s2  }
0x8d: {  	s2 =	sadd.s32 s2, s17  }
0x8e: {  	[smem:$0x3FC2] =	sst s2  }
0x8f: {  	_ = 	snop  }
0x90: {  	s2 =	sld [smem:$0x3FD0];
	(tm) =	ssettm $0x1  }
0x91: {  	s18 =	sld [smem:$0x3FFB];
	_ =	sdelay $0x3  }
0x92: {  	_ =	strace s18  }
0x93: {  	s3 =	sld [smem:$0x3FFC];
	_ =	sdelay $0x3  }
0x94: {  	_ =	strace s3  }
0x95: {  	s3 =	sld [smem:$0x3FFD];
	_ =	sdelay $0x3  }
0x96: {  	_ =	strace s3  }
0x97: {  	_ =	strace $0x8FFFFFFF  }
0x98: {  	s19 =	sld [smem:$0x3FDB];
	_ =	sdelay $0x1  }
0x99: {  	s4 =	simm.s32 $_scs_section_size  }
0x9a: {  	s5 =	simm.s32 $_size__tile_overlayer_lowered;
	s6 =	simm.s32 $_tile_overlayer_lowered  }
0x9b: {  	s22 =	simm.s32 $0x1BFF;
	s21 =	sshll.u32 s6, $0x1;
	s3 =	sadd.s32 s4, s19  }
0x9c: {  	s7 =	simm.s32 $0x0;
	s20 =	sshll.u32 s5, $0x1;
	s5 =	sadd.s32 s21, s3  }
0x9d: {  	[timem:s7], [sflag:s22] =	dma.local [hbm:s5], s20  }
0x9e: {  	_ =	swait.ge [sflag:s22], s20  }
0x9f: {  	s4 =	ssub.s32 $0x0, s20;
	[sflag:s22] =	ssyncset.done $0x0  }
0xa0: {  	[sflag:s22] =	ssyncadd.s32 s4;
	_ =	sdelay $0x1  }
0xa1: {  	s23 =	simm.s32 $0x1B8B  }
0xa2: {  	_ =	swait.ge [sflag:s23], $0x1  }
0xa3: {  	[sflag:s23] =	ssyncset.done $0x0  }
0xa4: {  	s25 =	simm.s32 $0x1B8E;
	s24 =	sld [smem:$0x3FFE];
	[sflag:s23] =	ssyncadd.s32 $0xFFFFFFFF  }
0xa5: {  	s26 =	simm.s32 $execute0_lowered;
	[smem:$0x3FD2] =	sst s25  }
0xa6: {  	s5 =	sshll.u32 s26, $0x1;
	_ =	strace $0x80000046;
	[dreg:$0x1] =	wrdreg $0xFFFFFFFF  }
0xa7: {  	s28 =	simm.s32 $_size_execute0_lowered;
	s3 =	sadd.s32 s3, s5;
	[dreg:$0x0] =	wrdreg $0x0  }
0xa8: {  	s5 =	sshll.u32 s28, $0x1;
	[dreg:$0x2] =	wrdreg s3  }
0xa9: {  	[dreg:$0x3] =	wrdreg s5  }
0xaa: {  	[dreg:$0x4] =	wrdreg $0xC0  }
0xab: {  	_ =	task [dreg:s7], $0x5FFFF  }
0xac: {  	[dreg:$0x1] =	wrdreg $0xFFFFFFFF  }
0xad: {  	[dreg:$0x0] =	wrdreg $0x60  }
0xae: {  	[dreg:$0x2] =	wrdreg s24  }
0xaf: {  	[dreg:$0x3] =	wrdreg s2  }
0xb0: {  	[dreg:$0x4] =	wrdreg $0x38000  }
0xb1: {  	[dreg:$0x5] =	wrdreg $0x9  }
0xb2: {  	_ =	task.clear_ibuf [dreg:s7], $0x6FFFF;
	_ =	strace $0x90000046  }
0xb3: {  	s29 =	simm.s32 $0x9;
	_ =	strace $0x80000048  }
0xb4: {  	_ =	swait.ge [sflag:s29], $0x1  }
0xb5: {  	[sflag:s29] =	ssyncadd.s32 $0xFFFFFFFF  }
0xb6: {  	_ =	strace $0x90000048  }
0xb7: {  	_ =	sfence  }
0xb8: {  	s30 =	sld [smem:$0x0];
	_ =	sdelay $0x2  }
0xb9: {  	s31 =	sshll.u32 s1, $0xD;
	s1 =	sshrl.u32 s1, $0x2  }
0xba: {  	s3 =	sand.u32 $0x4000, s31;
	s1 =	sadd.s32 s1, s30  }
0xbb: {  	s0 =	sor.u32 s3, s0;
	s1 =	sshll.u32 s1, $0x11  }
0xbc: {  	s0 =	sor.u32 s1, s0  }
0xbd: {  	s0 =	sadd.s32 $0x8F2B, s0  }
0xbe: {  	[sflag:s0] =	ssyncadd.remote.s32 $0x1  }
0xbf: {  	_ =	sfence.sel $0xFFFF  }
0xc0: {  	[dreg:$0x0] =	wrdreg $0xFFFFFFFF;
	(pc) =	sbr.abs _section_cstart, $3  }
0xc1: {  	[dreg:$0x1] =	wrdreg $0xFFFFFFFF  }
0xc2: {  	_ =	task.clear_ibuf [dreg:s7], $0x2FFFF;
	_ =	strace $0x9FFFFFFF  }
0xc3: {  	(tm) =	ssettm $0x7FFFFFFF  }
tec
execute0_lowered:
.L_overlay_start_1:
0x0: {  	(tag) =	ssettag $0x1  }
0x1: {  	s4 =	rddreg [dreg:$0x0]  }
0x2: {  	s14 =	rddreg [dreg:$0x1]  }
0x3: {  	s0 =	srdreg.scid;
	s2 =	rddreg [dreg:$0x2]  }
0x4: {  	s3 =	simm.s32 $0x0;
	s6 =	sand.u32 $0x1, s0;
	s0 =	stileid.u32  }
0x5: {  	[smem:$0x7FF] =	sst s3;
	s9 =	smul.u32 $0x5000, s0  }
0x6: {  	s1 =	sshll.u32 s6, $0x4;
	s7 =	ssub.s32 $0x2, s6;
	s16 =	smul.u32 $0x50000, s6  }
0x7: {  	s5 =	sor.u32 s0, s1;
	s1 =	rddreg [dreg:$0x3];
	_ =	strace $0x80000047  }
0x8: {  	s30 =	sshrl.u32 s7, $0x1;
	s5 =	smul.u32 $0x500, s5;
	s11 =	sadd.s32 $0x1000, s9  }
0x9: {  	s15 =	ssub.s32 s7, s30;
	s12 =	sadd.s32 $0x2000, s9;
	s13 =	sadd.s32 $0x3000, s9  }
0xa: {  	s17 =	sadd.s32 $0x4000, s9;
	s18 =	sadd.s32 s9, s16;
	s6 =	sadd.s32 s12, s2  }
0xb: {  	s7 =	sadd.s32 s13, s2;
	s8 =	sadd.s32 s17, s2;
	s31 =	sshrl.u32 s18, $0x3  }
0xc: {  	s12 =	sadd.s32 s16, s12;
	s13 =	sadd.s32 s16, s13;
	s15 =	smax.u32 s15, $0x1  }
0xd: {  	s18 =	simm.s32 $0x80;
	s10 =	sadd.s32 s5, s4;
	s4 =	sadd.s32 s9, s2  }
0xe: {  	s5 =	sadd.s32 s11, s2;
	s11 =	sadd.s32 s16, s11;
	s12 =	sshrl.u32 s12, $0x3  }
0xf: {  	s16 =	sadd.s32 s16, s17;
	s13 =	sshrl.u32 s13, $0x3;
	s17 =	simm.s32 $0x1  }
0x10: {  	s9 =	sadd.s32 $0x2A00, s10;
	s11 =	sshrl.u32 s11, $0x3;
	s10 =	sadd.s32 s14, s31  }
0x11: {  	s12 =	sadd.s32 s14, s12;
	s16 =	sshrl.u32 s16, $0x3;
	s13 =	sadd.s32 s14, s13  }
0x12: {  	v0 =	vimm.f32 $0.0e+00;
	v1 =	vimm.f32 $1.000000000e+00;
	s11 =	sadd.s32 s14, s11;
	s14 =	sadd.s32 s14, s16;
	s16 =	simm.s32 $0x2800  }
.LBB2_1:
0x13: {  	s19 =	simm.s32 $0x80;
	s20 =	simm.s32 $0x0  }
.LBB2_2:
0x14: {  	p0 =	sne.s32 s19, $0x3F80;
	[tilespmem:s20+$0x2800] =	vst v0;
	s21 =	smov.u32 s19;
	s19 =	sadd.s32 $0x80, s19  }
.Ltmp0:
0x15: {  	[tilespmem:s20+$0x2810] =	vst v0;
	(pc) =	sbr.rel @p0 .LBB2_2-.Ltmp0, $2  }
0x16: {  	_ =	sdelay $0x2  }
0x17: {  	s20 =	sshra.s32 s21, $0x2  }
0x18: {  	[tilespmem:s20+$0x2800] =	vst v0  }
0x19: {  	[tilespmem:s20+$0x2810] =	vst v0  }
0x1a: {  	[spmem:s4] =	stream.linear.scatter [tilespmem:s16], [sflag:$0x1], $0x1000, $0x38;
	[tilespmem:$0x8800] =	vst v63  }
0x1b: {  	_ =	swait.ge [sflag:s17], $0x1000  }
0x1c: {  	[sflag:s17] =	ssyncset.done $0x0  }
0x1d: {  	[sflag:s17] =	ssyncadd.s32 $0xFFFFF000  }
0x1e: {  	[spmem:s5] =	stream.linear.scatter [tilespmem:s16], [sflag:$0x1], $0x1000, $0x38;
	[tilespmem:$0x8800] =	vst v63  }
0x1f: {  	_ =	swait.ge [sflag:s17], $0x1000  }
0x20: {  	[sflag:s17] =	ssyncset.done $0x0  }
0x21: {  	[sflag:s17] =	ssyncadd.s32 $0xFFFFF000  }
0x22: {  	[spmem:s6] =	stream.linear.scatter [tilespmem:s16], [sflag:$0x1], $0x1000, $0x38;
	[tilespmem:$0x8800] =	vst v63  }
0x23: {  	_ =	swait.ge [sflag:s17], $0x1000  }
0x24: {  	[sflag:s17] =	ssyncset.done $0x0  }
0x25: {  	[sflag:s17] =	ssyncadd.s32 $0xFFFFF000  }
0x26: {  	[spmem:s7] =	stream.linear.scatter [tilespmem:s16], [sflag:$0x1], $0x1000, $0x38;
	[tilespmem:$0x8800] =	vst v63  }
0x27: {  	_ =	swait.ge [sflag:s17], $0x1000  }
0x28: {  	[sflag:s17] =	ssyncset.done $0x0  }
0x29: {  	[sflag:s17] =	ssyncadd.s32 $0xFFFFF000  }
0x2a: {  	[spmem:s8] =	stream.linear.scatter [tilespmem:s16], [sflag:$0x1], $0x1000, $0x38;
	[tilespmem:$0x8800] =	vst v63  }
0x2b: {  	_ =	swait.ge [sflag:s17], $0x1000  }
0x2c: {  	[sflag:s17] =	ssyncset.done $0x0  }
0x2d: {  	s19 =	simm.s32 $0x80;
	s20 =	simm.s32 $0x0;
	[sflag:s17] =	ssyncadd.s32 $0xFFFFF000  }
.LBB2_4:
0x2e: {  	p0 =	sne.s32 s19, $0x3F80;
	[tilespmem:s20+$0x2800] =	vst v1;
	s21 =	smov.u32 s19;
	s19 =	sadd.s32 $0x80, s19  }
.Ltmp1:
0x2f: {  	[tilespmem:s20+$0x2810] =	vst v1;
	(pc) =	sbr.rel @p0 .LBB2_4-.Ltmp1, $2  }
0x30: {  	_ =	sdelay $0x2  }
0x31: {  	s20 =	sshra.s32 s21, $0x2  }
0x32: {  	[tilespmem:s20+$0x2800] =	vst v1  }
0x33: {  	[tilespmem:s20+$0x2810] =	vst v1;
	s19 =	simm.s32 $0x0  }
0x34: {  	[tilespmem:s19], [sflag:$0x1] =	stream.linear.gather [hbm4b:s9+s19], $0x2800, $0x38;
	[tilespmem:$0x8800] =	vst v63  }
0x35: {  	_ =	swait.ge [sflag:s17], $0x2800  }
0x36: {  	[sflag:s17] =	ssyncset.done $0x0  }
0x37: {  	[sflag:s17] =	ssyncadd.s32 $0xFFFFD800  }
0x38: {  	s31 =	simm.s32 $0x0;
	[bflag:$0x0] =	sbarrier.arrive $0xFFFF  }
0x39: {  	[spmem:s2] =	stream.indirect.scatter.add.f32 [tilespmem:s16], [sflag:$0x1], $0x20, s31, s18, $0xb8;
	[tilespmem:$0x8800] =	vst v63  }
0x3a: {  	_ =	swait.ge [sflag:s17], $0x1000  }
0x3b: {  	s19 =	simm.s32 $0x200;
	[sflag:s17] =	ssyncset.done $0x0  }
.LBB2_6:
0x3c: {  	s20 =	sshra.s32 s19, $0x2;
	[sflag:s17] =	ssyncadd.s32 $0xFFFFF000;
	p0 =	sne.s32 s19, $0x9E00  }
0x3d: {  	[spmem:s2] =	stream.indirect.scatter.add.f32 [tilespmem:s16], [sflag:$0x1], $0x20, s20, s18, $0xb8;
	[tilespmem:$0x8800] =	vst v63  }
.Ltmp2:
0x3e: {  	_ = 	snop;
	(pc) =	sbr.rel @p0 .LBB2_6-.Ltmp2, $4  }
0x3f: {  	_ = 	snop  }
0x40: {  	s19 =	sadd.s32 $0x200, s19  }
0x41: {  	_ =	swait.ge [sflag:s17], $0x1000  }
0x42: {  	[sflag:s17] =	ssyncset.done $0x0  }
0x43: {  	[sflag:s17] =	ssyncadd.s32 $0xFFFFF000;
	s19 =	sshll.u32 s0, $0x6  }
0x44: {  	s20 =	sshrl.u32 s4, $0x3;
	[bflag:$0x0] =	sbarrier.arrive $0xFFFF;
	s19 =	sor.u32 $0x1C01, s19  }
0x45: {  	[hbm:s10], [sflag:s19] =	dma.local [spmem:s20], $0x200  }
0x46: {  	_ =	swait.ge [sflag:s17], $0x200  }
0x47: {  	[sflag:s17] =	ssyncset.done $0x0  }
0x48: {  	s28 =	sshrl.u32 s5, $0x3;
	[sflag:s17] =	ssyncadd.s32 $0xFFFFFE00  }
0x49: {  	[hbm:s11], [sflag:s19] =	dma.local [spmem:s28], $0x200  }
0x4a: {  	_ =	swait.ge [sflag:s17], $0x200  }
0x4b: {  	[sflag:s17] =	ssyncset.done $0x0  }
0x4c: {  	s29 =	sshrl.u32 s6, $0x3;
	[sflag:s17] =	ssyncadd.s32 $0xFFFFFE00  }
0x4d: {  	[hbm:s12], [sflag:s19] =	dma.local [spmem:s29], $0x200  }
0x4e: {  	_ =	swait.ge [sflag:s17], $0x200  }
0x4f: {  	[sflag:s17] =	ssyncset.done $0x0  }
0x50: {  	s30 =	sshrl.u32 s7, $0x3;
	[sflag:s17] =	ssyncadd.s32 $0xFFFFFE00  }
0x51: {  	[hbm:s13], [sflag:s19] =	dma.local [spmem:s30], $0x200  }
0x52: {  	s3 =	sadd.s32 $0x1, s3;
	_ =	swait.ge [sflag:s17], $0x200  }
0x53: {  	p0 =	sne.s32 s3, s15;
	[sflag:s17] =	ssyncset.done $0x0  }
.Ltmp3:
0x54: {  	s31 =	sshrl.u32 s8, $0x3;
	[sflag:s17] =	ssyncadd.s32 $0xFFFFFE00;
	(pc) =	sbr.rel @p0 .LBB2_1-.Ltmp3, $4  }
0x55: {  	[hbm:s14], [sflag:s19] =	dma.local [spmem:s31], $0x200  }
0x56: {  	_ =	swait.ge [sflag:s17], $0x200  }
0x57: {  	[sflag:s17] =	ssyncset.done $0x0  }
0x58: {  	[sflag:s17] =	ssyncadd.s32 $0xFFFFFE00  }
0x59: {  	_ =	sfence.sel $0x180000  }
0x5a: {  	[bflag:$0x0] =	sbarrier.arrive $0xFFFF  }
0x5b: {  	p0 =	sne.s32 s0, $0x0;
	_ =	strace $0x90000047  }
0x5c: {  	s0 =	sadd.s32 @!p0 $0x100000, s1;
	[bflag:$0x2] =	sbarrier.arrive $0xFFFF  }
0x5d: {  	[sflag:s0] =	ssyncadd.tile.s32 @!p0 $0x1;
	_ =	shalt  }
.Lfunc_end2:
_tile_overlayer_lowered:
.L_overlay_start_2:
0x5e: {  	(tag) =	ssettag $0x2  }
0x5f: {  	s0 =	rddreg [dreg:$0x0];
	s2 =	stileid.u32  }
0x60: {  	s1 =	rddreg [dreg:$0x1];
	p0 =	sne.s32 s2, $0x0  }
0x61: {  	s3 =	rddreg [dreg:$0x2];
	[bflag:$0x3] =	sbarrier.arrive $0xFFFF;
	s2 =	simm.s32 @!p0 $0x1C01  }
0x62: {  	[timem:s3], [sflag:s2] =	dma.local @!p0 [hbm:s0], s1  }
0x63: {  	s0 =	simm.s32 @!p0 $0x1  }
0x64: {  	_ =	swait.ge @!p0 [sflag:s0], s1  }
0x65: {  	s1 =	ssub.s32 @!p0 $0x0, s1;
	[sflag:s0] =	ssyncset.done @!p0 $0x0  }
0x66: {  	[sflag:s0] =	ssyncadd.s32 @!p0 s1  }
0x67: {  	[bflag:$0x3] =	sbarrier.arrive $0xFFFF  }
0x68: {  	_ =	shalt  }

// kernel: kernel.16.cloned.1.call-start
scs
__scs_entry_jumppad:
0x0: {  	(pc) =	sbr.rel $0x88, $3  }
0x1: {  	(tag) =	ssettag $0x0;
	lr =	simm.s32 $0x1  }
0x2: {  	[smem:$0x3F9B] =	sst lr;
	_ =	strace $0xD0000000  }
0x3: {  	_ = 	snop  }
0x4: {  	_ = 	snop  }
0x5: {  	_ = 	snop  }
0x6: {  	_ = 	snop  }
0x7: {  	_ = 	snop  }
__scs_overlays_trampoline_lowered:
0x8: {  	[smem:$0x3FAA] =	sst s0  }
0x9: {  	[smem:$0x3FAB] =	sst s1  }
0xa: {  	[smem:$0x3FAC] =	sst s2  }
0xb: {  	[smem:$0x3FAD] =	sst s3  }
0xc: {  	[smem:$0x3FAE] =	sst s4  }
0xd: {  	[smem:$0x3FAF] =	sst s5  }
0xe: {  	[smem:$0x3FB0] =	sst s6  }
0xf: {  	[smem:$0x3FB1] =	sst s7  }
0x10: {  	[smem:$0x3FB2] =	sst s8  }
0x11: {  	[smem:$0x3FB3] =	sst s9;
	s0 =	simm.s32 @!p0 $0x0  }
0x12: {  	s1 =	sld [smem:$0x3F99];
	s0 =	simm.s32 @p0 $0x1  }
0x13: {  	[smem:$0x3FB4] =	sst s0;
	s0 =	simm.s32 @!p1 $0x0  }
0x14: {  	s2 =	sld [smem:$0x3F98];
	s0 =	simm.s32 @p1 $0x1  }
0x15: {  	[smem:$0x3FB5] =	sst s0;
	s0 =	simm.s32 @!p2 $0x0  }
0x16: {  	s3 =	sld [smem:$0x3FDB];
	s0 =	simm.s32 @p2 $0x1  }
0x17: {  	s4 =	simm.s32 $0x1BF5;
	[smem:$0x3FB7] =	sst s0  }
0x18: {  	s0 =	sld [smem:$0x3F9A];
	_ =	swait.ge [sflag:s4], $0x0  }
0x19: {  	s7 =	sld [smem:$0x3F9B]  }
0x1a: {  	s8 =	sadd.s32 $0xFFFFE003, lr  }
0x1b: {  	s9 =	sadd.s32 $0xFFFFFEF7, lr;
	s5 =	simm.s32 $0xFFFFFFFF;
	p2 =	slt.u32 s8, $0xFFFFF086  }
0x1c: {  	p1 =	slt.u32 s9, $0xF7A;
	s5 =	simm.s32 @!p2 $0x0  }
0x1d: {  	s5 =	simm.s32 @p1 $0x1;
	p0 =	seq.s32 s7, s2  }
0x1e: {  	s7 =	smul.u32 @!p0 $0xF7A, s2;
	p2 =	seq.s32 @!p0 s5, $0x0  }
0x1f: {  	s9 =	smul.u32 $0xF7A, s1;
	s8 =	simm.s32 @!p0 $0x1BF5;
	p2 =	por !p2, p0  }
0x20: {  	[sflag:s8] =	ssyncset.s32 @!p0 $0xFFFFF086;
	s6 =	sadd.s32 @!p0 s3, s7;
	s7 =	simm.s32 @!p0 $0x108  }
0x21: {  	s3 =	sadd.s32 s3, s9;
	s6 =	sadd.s32 @!p0 $0x88, s6;
	s7 =	simm.s32 @p2 $0x1082  }
0x22: {  	[simem:s7], [sflag:s8] =	dma.local @!p0 [hbm:s6], $0xF7A  }
0x23: {  	s9 =	sor.u32 $0xD0000000, s2;
	s6 =	simm.s32 $0x108;
	_ =	swait.ge @!p0 [sflag:s8], $0x0  }
0x24: {  	s3 =	sadd.s32 $0x88, s3;
	s6 =	simm.s32 @!p1 $0x1082;
	[sflag:s4] =	ssyncset.s32 $0xFFFFF086  }
0x25: {  	[simem:s6], [sflag:s4] =	dma.local [hbm:s3], $0xF7A  }
0x26: {  	[smem:$0x3F9B] =	sst s1;
	(tag) =	ssettag s2;
	_ =	strace s9  }
0x27: {  	s1 =	sld [smem:$0x3FAB]  }
0x28: {  	s2 =	sld [smem:$0x3FAC]  }
0x29: {  	s4 =	sld [smem:$0x3FAE]  }
0x2a: {  	p0 =	seq.s32 s5, $0x0;
	s5 =	sld [smem:$0x3FAF]  }
0x2b: {  	s6 =	sld [smem:$0x3FB0]  }
0x2c: {  	s7 =	sld [smem:$0x3FB1]  }
0x2d: {  	s3 =	simm.s32 $0x108;
	s8 =	sld [smem:$0x3FB2]  }
0x2e: {  	s3 =	simm.s32 @!p0 $0x1082;
	s9 =	sld [smem:$0x3FB3]  }
0x2f: {  	lr =	sadd.s32 s0, s3;
	s0 =	sld [smem:$0x3FAA]  }
0x30: {  	s3 =	sld [smem:$0x3FAD]  }
0x31: {  	[smem:$0x3FB6] =	sst s10  }
0x32: {  	s10 =	sld [smem:$0x3FB4];
	_ =	sdelay $0x3  }
0x33: {  	p0 =	seq.s32 s10, $0x1;
	s10 =	sld [smem:$0x3FB6];
	_ =	sdelay $0x3  }
0x34: {  	[smem:$0x3FB6] =	sst s10  }
0x35: {  	s10 =	sld [smem:$0x3FB5];
	_ =	sdelay $0x3  }
0x36: {  	p1 =	seq.s32 s10, $0x1;
	s10 =	sld [smem:$0x3FB6];
	_ =	sdelay $0x3  }
0x37: {  	[smem:$0x3FB6] =	sst s10  }
0x38: {  	s10 =	sld [smem:$0x3FB7]  }
0x39: {  	_ = 	snop;
	(pc) =	sbr.ind lr, $3  }
0x3a: {  	_ = 	snop  }
0x3b: {  	_ = 	snop  }
0x3c: {  	p2 =	seq.s32 s10, $0x1;
	s10 =	sld [smem:$0x3FB6]  }
0x3d: {  	_ =	shalt  }
0x3e: {  	_ =	shalt  }
0x3f: {  	_ =	shalt  }
0x40: {  	_ =	shalt  }
0x41: {  	_ =	shalt  }
0x42: {  	_ =	shalt  }
0x43: {  	_ =	shalt  }
0x44: {  	_ =	shalt  }
0x45: {  	_ =	shalt  }
0x46: {  	_ =	shalt  }
0x47: {  	_ =	shalt  }
0x48: {  	_ =	shalt  }
0x49: {  	_ =	shalt  }
0x4a: {  	_ =	shalt  }
0x4b: {  	_ =	shalt  }
0x4c: {  	_ =	shalt  }
0x4d: {  	_ =	shalt  }
0x4e: {  	_ =	shalt  }
0x4f: {  	_ =	shalt  }
0x50: {  	_ =	shalt  }
0x51: {  	_ =	shalt  }
0x52: {  	_ =	shalt  }
0x53: {  	_ =	shalt  }
0x54: {  	_ =	shalt  }
0x55: {  	_ =	shalt  }
0x56: {  	_ =	shalt  }
0x57: {  	_ =	shalt  }
0x58: {  	_ =	shalt  }
0x59: {  	_ =	shalt  }
0x5a: {  	_ =	shalt  }
0x5b: {  	_ =	shalt  }
0x5c: {  	_ =	shalt  }
0x5d: {  	_ =	shalt  }
0x5e: {  	_ =	shalt  }
0x5f: {  	_ =	shalt  }
0x60: {  	_ =	shalt  }
0x61: {  	_ =	shalt  }
0x62: {  	_ =	shalt  }
0x63: {  	_ =	shalt  }
0x64: {  	_ =	shalt  }
0x65: {  	_ =	shalt  }
0x66: {  	_ =	shalt  }
0x67: {  	_ =	shalt  }
0x68: {  	_ =	shalt  }
0x69: {  	_ =	shalt  }
0x6a: {  	_ =	shalt  }
0x6b: {  	_ =	shalt  }
0x6c: {  	_ =	shalt  }
0x6d: {  	_ =	shalt  }
0x6e: {  	_ =	shalt  }
0x6f: {  	_ =	shalt  }
0x70: {  	_ =	shalt  }
0x71: {  	_ =	shalt  }
0x72: {  	_ =	shalt  }
0x73: {  	_ =	shalt  }
0x74: {  	_ =	shalt  }
0x75: {  	_ =	shalt  }
0x76: {  	_ =	shalt  }
0x77: {  	_ =	shalt  }
0x78: {  	_ =	shalt  }
0x79: {  	_ =	shalt  }
0x7a: {  	_ =	shalt  }
0x7b: {  	_ =	shalt  }
0x7c: {  	_ =	shalt  }
0x7d: {  	_ =	shalt  }
0x7e: {  	_ =	shalt  }
0x7f: {  	_ =	shalt  }
0x80: {  	_ =	shalt  }
0x81: {  	_ =	shalt  }
0x82: {  	_ =	shalt  }
0x83: {  	_ =	shalt  }
0x84: {  	_ =	shalt  }
0x85: {  	_ =	shalt  }
0x86: {  	_ =	shalt  }
0x87: {  	_ =	shalt  }
.Lfunc_end0:
.L_simem_size_0:
called_computation.1_lowered:
.L_overlay_start_0:
0x88: {  	s2 =	sld [smem:$0x3FD9]  }
0x89: {  	s3 =	sld [smem:$0x3FFE];
	_ =	sdelay $0x1  }
0x8a: {  	s1 =	srdreg.scid  }
0x8b: {  	s0 =	sand.u32 $0x1, s1  }
0x8c: {  	s16 =	sshll.u32 s0, $0xA;
	s2 =	sadd.s32 s3, s2  }
0x8d: {  	s2 =	sadd.s32 s2, s16  }
0x8e: {  	[smem:$0x3FC2] =	sst s2  }
0x8f: {  	_ = 	snop  }
0x90: {  	(tm) =	ssettm $0x1  }
0x91: {  	s17 =	sld [smem:$0x3FFB];
	_ =	sdelay $0x3  }
0x92: {  	_ =	strace s17  }
0x93: {  	s2 =	sld [smem:$0x3FFC];
	_ =	sdelay $0x3  }
0x94: {  	_ =	strace s2  }
0x95: {  	s2 =	sld [smem:$0x3FFD];
	_ =	sdelay $0x3  }
0x96: {  	_ =	strace s2  }
0x97: {  	_ =	strace $0x8FFFFFFF  }
0x98: {  	s18 =	sld [smem:$0x3FDB];
	_ =	sdelay $0x1  }
0x99: {  	s19 =	simm.s32 $_scs_section_size  }
0x9a: {  	s4 =	simm.s32 $_size__tile_overlayer_lowered;
	s5 =	simm.s32 $_tile_overlayer_lowered  }
0x9b: {  	s22 =	simm.s32 $0x1BFF;
	s21 =	sshll.u32 s5, $0x1;
	s2 =	sadd.s32 s19, s18  }
0x9c: {  	s6 =	simm.s32 $0x0;
	s20 =	sshll.u32 s4, $0x1;
	s4 =	sadd.s32 s21, s2  }
0x9d: {  	[timem:s6], [sflag:s22] =	dma.local [hbm:s4], s20  }
0x9e: {  	_ =	swait.ge [sflag:s22], s20  }
0x9f: {  	s3 =	ssub.s32 $0x0, s20;
	[sflag:s22] =	ssyncset.done $0x0  }
0xa0: {  	[sflag:s22] =	ssyncadd.s32 s3;
	_ =	sdelay $0x1  }
0xa1: {  	s23 =	simm.s32 $0x1B8B  }
0xa2: {  	_ =	swait.ge [sflag:s23], $0x1  }
0xa3: {  	[sflag:s23] =	ssyncset.done $0x0  }
0xa4: {  	s25 =	simm.s32 $0x1B8E;
	s24 =	sld [smem:$0x3FFE];
	[sflag:s23] =	ssyncadd.s32 $0xFFFFFFFF  }
0xa5: {  	s26 =	simm.s32 $execute0_lowered;
	[smem:$0x3FD2] =	sst s25  }
0xa6: {  	s4 =	sshll.u32 s26, $0x1;
	_ =	strace $0x80000049;
	[dreg:$0x1] =	wrdreg $0xFFFFFFFF  }
0xa7: {  	s28 =	simm.s32 $_size_execute0_lowered;
	s2 =	sadd.s32 s2, s4;
	[dreg:$0x0] =	wrdreg $0x0  }
0xa8: {  	s4 =	sshll.u32 s28, $0x1;
	[dreg:$0x2] =	wrdreg s2  }
0xa9: {  	[dreg:$0x3] =	wrdreg s4  }
0xaa: {  	[dreg:$0x4] =	wrdreg $0xC0  }
0xab: {  	_ =	task [dreg:s6], $0x5FFFF  }
0xac: {  	[dreg:$0x1] =	wrdreg $0xFFFFFFFF  }
0xad: {  	[dreg:$0x0] =	wrdreg $0x60  }
0xae: {  	[dreg:$0x2] =	wrdreg s24  }
0xaf: {  	[dreg:$0x3] =	wrdreg $0x90000  }
0xb0: {  	[dreg:$0x4] =	wrdreg $0x130000  }
0xb1: {  	[dreg:$0x5] =	wrdreg $0x9  }
0xb2: {  	_ =	task.clear_ibuf [dreg:s6], $0x6FFFF;
	_ =	strace $0x90000049  }
0xb3: {  	s29 =	simm.s32 $0x9;
	_ =	strace $0x8000004B  }
0xb4: {  	_ =	swait.ge [sflag:s29], $0x1  }
0xb5: {  	[sflag:s29] =	ssyncadd.s32 $0xFFFFFFFF  }
0xb6: {  	_ =	strace $0x9000004B  }
0xb7: {  	_ =	sfence  }
0xb8: {  	s30 =	sld [smem:$0x0];
	_ =	sdelay $0x2  }
0xb9: {  	s31 =	sshll.u32 s1, $0xD;
	s1 =	sshrl.u32 s1, $0x2  }
0xba: {  	s3 =	sand.u32 $0x4000, s31;
	s1 =	sadd.s32 s1, s30  }
0xbb: {  	s0 =	sor.u32 s3, s0;
	s1 =	sshll.u32 s1, $0x11  }
0xbc: {  	s0 =	sor.u32 s1, s0  }
0xbd: {  	s0 =	sadd.s32 $0x8F2B, s0  }
0xbe: {  	[sflag:s0] =	ssyncadd.remote.s32 $0x1  }
0xbf: {  	_ =	sfence.sel $0xFFFF  }
0xc0: {  	[dreg:$0x0] =	wrdreg $0xFFFFFFFF;
	(pc) =	sbr.abs _section_cstart, $3  }
0xc1: {  	[dreg:$0x1] =	wrdreg $0xFFFFFFFF  }
0xc2: {  	_ =	task.clear_ibuf [dreg:s6], $0x2FFFF;
	_ =	strace $0x9FFFFFFF  }
0xc3: {  	(tm) =	ssettm $0x7FFFFFFF  }
tec
execute0_lowered:
.L_overlay_start_1:
0x0: {  	(tag) =	ssettag $0x1  }
0x1: {  	s0 =	rddreg [dreg:$0x0];
	s1 =	srdreg.scid  }
0x2: {  	s10 =	stileid.u32;
	s2 =	rddreg [dreg:$0x1]  }
0x3: {  	s3 =	rddreg [dreg:$0x2];
	s4 =	simm.s32 $0x0;
	s23 =	simm.s32 $0x3  }
0x4: {  	s24 =	simm.s32 $0x5000;
	s25 =	simm.s32 $0x2800;
	s28 =	simm.s32 $0x7000  }
0x5: {  	s29 =	simm.s32 $0x1;
	s30 =	simm.s32 $0x2;
	s31 =	simm.s32 $0x4F00  }
0x6: {  	s1 =	sand.u32 $0x1, s1;
	s5 =	smul.u32 $0xA000, s10;
	[smem:$0x7FF] =	sst s4  }
0x7: {  	s14 =	sadd.s32 $0xCA00, s0;
	s15 =	sadd.s32 $0x2A00, s0;
	s11 =	smul.u32 $0x5000, s10  }
0x8: {  	s26 =	sshll.u32 s10, $0x6;
	s18 =	smul.u32 $0xA0000, s1;
	s1 =	ssub.s32 $0x2, s1  }
0x9: {  	s13 =	smul.u32 $0xA00, s10;
	_ =	strace $0x8000004A;
	s7 =	sshrl.u32 s1, $0x1  }
0xa: {  	s22 =	sadd.s32 s5, s2;
	s17 =	sadd.s32 $0x2000, s5;
	s19 =	sadd.s32 $0x4000, s5  }
0xb: {  	s20 =	sadd.s32 $0x6000, s5;
	s21 =	sshrl.u32 s11, $0x3;
	s12 =	sadd.s32 s14, s13  }
0xc: {  	s13 =	sadd.s32 s15, s13;
	s6 =	sadd.s32 s5, s18;
	s1 =	ssub.s32 s1, s7  }
0xd: {  	s7 =	sadd.s32 s5, s3;
	s8 =	sadd.s32 s17, s3;
	s9 =	sadd.s32 s19, s3  }
0xe: {  	s10 =	sadd.s32 s20, s3;
	s5 =	sadd.s32 $0x8000, s5;
	[dreg:$0x5] =	wrdreg s12  }
0xf: {  	s21 =	sadd.s32 $0x500, s21;
	s17 =	sadd.s32 s18, s17;
	s19 =	sadd.s32 s18, s19  }
0x10: {  	s20 =	sadd.s32 s18, s20;
	s22 =	sshrl.u32 s22, $0x3;
	s16 =	sshrl.u32 s6, $0x3  }
0x11: {  	s11 =	sadd.s32 s5, s3;
	s14 =	sadd.s32 s14, s21;
	s15 =	sadd.s32 s15, s21  }
0x12: {  	s17 =	sshrl.u32 s17, $0x3;
	s19 =	sshrl.u32 s19, $0x3;
	s20 =	sshrl.u32 s20, $0x3  }
0x13: {  	s5 =	sadd.s32 s18, s5;
	s21 =	smax.u32 s1, $0x1;
	s1 =	simm.s32 $0x4F80  }
0x14: {  	s6 =	sadd.s32 s16, s0;
	s0 =	sadd.s32 $0x3EA00, s0;
	s5 =	sshrl.u32 s5, $0x3  }
0x15: {  	s6 =	sadd.s32 $0x16A00, s6;
	s16 =	sadd.s32 s0, s16;
	s17 =	sadd.s32 s0, s17  }
0x16: {  	s18 =	sadd.s32 s0, s19;
	s19 =	sadd.s32 s0, s20;
	s20 =	sadd.s32 s0, s5  }
0x17: {  	v0 =	vimm.f32 $0.0e+00;
	[dreg:$0x4] =	wrdreg s6;
	s6 =	sor.u32 $0x1C03, s26;
	s26 =	simm.s32 $0x80  }
.LBB2_1:
0x18: {  	s0 =	rddreg [dreg:$0x4]  }
0x19: {  	[spmem:s22], [sflag:s6] =	dma.local [hbm:s0], $0x1400  }
0x1a: {  	_ =	swait.ge [sflag:s23], $0x1400  }
0x1b: {  	[sflag:s23] =	ssyncset.done $0x0  }
0x1c: {  	s5 =	simm.s32 $0x100;
	s0 =	simm.s32 $0x0;
	[sflag:s23] =	ssyncadd.s32 $0xFFFFEC00  }
.LBB2_2:
0x1d: {  	p0 =	sne.s32 s5, $0x7F00;
	[tilespmem:s0+$0x5030] =	vst v0;
	s12 =	smov.u32 s5;
	s5 =	sadd.s32 $0x100, s5  }
.Ltmp0:
0x1e: {  	[tilespmem:s0+$0x5020] =	vst v0;
	(pc) =	sbr.rel @p0 .LBB2_2-.Ltmp0, $3  }
0x1f: {  	[tilespmem:s0+$0x5000] =	vst v0  }
0x20: {  	[tilespmem:s0+$0x5010] =	vst v0;
	_ =	sdelay $0x1  }
0x21: {  	s0 =	sshra.s32 s12, $0x2  }
0x22: {  	[tilespmem:s0+$0x5030] =	vst v0  }
0x23: {  	[tilespmem:s0+$0x5020] =	vst v0  }
0x24: {  	[tilespmem:s0+$0x5000] =	vst v0  }
0x25: {  	[tilespmem:s0+$0x5010] =	vst v0  }
0x26: {  	[spmem:s7] =	stream.linear.scatter [tilespmem:s24], [sflag:$0x3], $0x2000, $0x38;
	[tilespmem:$0x1D000] =	vst v63  }
0x27: {  	_ =	swait.ge [sflag:s23], $0x2000  }
0x28: {  	[sflag:s23] =	ssyncset.done $0x0  }
0x29: {  	[sflag:s23] =	ssyncadd.s32 $0xFFFFE000  }
0x2a: {  	[spmem:s8] =	stream.linear.scatter [tilespmem:s24], [sflag:$0x3], $0x2000, $0x38;
	[tilespmem:$0x1D000] =	vst v63  }
0x2b: {  	_ =	swait.ge [sflag:s23], $0x2000  }
0x2c: {  	[sflag:s23] =	ssyncset.done $0x0  }
0x2d: {  	[sflag:s23] =	ssyncadd.s32 $0xFFFFE000  }
0x2e: {  	[spmem:s9] =	stream.linear.scatter [tilespmem:s24], [sflag:$0x3], $0x2000, $0x38;
	[tilespmem:$0x1D000] =	vst v63  }
0x2f: {  	_ =	swait.ge [sflag:s23], $0x2000  }
0x30: {  	[sflag:s23] =	ssyncset.done $0x0  }
0x31: {  	[sflag:s23] =	ssyncadd.s32 $0xFFFFE000  }
0x32: {  	[spmem:s10] =	stream.linear.scatter [tilespmem:s24], [sflag:$0x3], $0x2000, $0x38;
	[tilespmem:$0x1D000] =	vst v63  }
0x33: {  	_ =	swait.ge [sflag:s23], $0x2000  }
0x34: {  	[sflag:s23] =	ssyncset.done $0x0  }
0x35: {  	[sflag:s23] =	ssyncadd.s32 $0xFFFFE000  }
0x36: {  	[spmem:s11] =	stream.linear.scatter [tilespmem:s24], [sflag:$0x3], $0x2000, $0x38;
	[tilespmem:$0x1D000] =	vst v63  }
0x37: {  	_ =	swait.ge [sflag:s23], $0x2000  }
0x38: {  	[sflag:s23] =	ssyncset.done $0x0  }
0x39: {  	[sflag:s23] =	ssyncadd.s32 $0xFFFFE000  }
0x3a: {  	[bflag:$0x0] =	sbarrier.arrive $0xFFFF  }
0x3b: {  	s12 =	simm.s32 $0x0;
	s5 =	rddreg [dreg:$0x5]  }
0x3c: {  	[tilespmem:s12], [sflag:$0x3] =	stream.linear.gather [hbm4b:s5+s12], $0x2800, $0x38;
	[tilespmem:$0x1D000] =	vst v63  }
0x3d: {  	_ =	swait.ge [sflag:s23], $0x2800  }
0x3e: {  	[sflag:s23] =	ssyncset.done $0x0  }
0x3f: {  	[sflag:s23] =	ssyncadd.s32 $0xFFFFD800  }
0x40: {  	[tilespmem:s25], [sflag:$0x3] =	stream.linear.gather [hbm4b:s13+s12], $0x2800, $0x38;
	[tilespmem:$0x1D000] =	vst v63  }
0x41: {  	_ =	swait.ge [sflag:s23], $0x2800  }
0x42: {  	[sflag:s23] =	ssyncset.done $0x0  }
0x43: {  	[sflag:s23] =	ssyncadd.s32 $0xFFFFD800  }
0x44: {  	[tilespmem:s24], [sflag:$0x1] =	stream.indirect.gather [spmem:s2], $0x40, s12, s26, $0xb8;
	[tilespmem:$0x1D000] =	vst v63  }
0x45: {  	_ = 	snop  }
0x46: {  	[tilespmem:s28], [sflag:$0x2] =	stream.indirect.gather [spmem:s2], $0x40, s26, s26, $0xb8;
	[tilespmem:$0x1D000] =	vst v63  }
0x47: {  	_ =	swait.ge [sflag:s29], $0x2000  }
0x48: {  	[sflag:s29] =	ssyncset.done $0x0  }
0x49: {  	s12 =	simm.s32 $0x2800;
	[sflag:s29] =	ssyncadd.s32 $0xFFFFE000  }
0x4a: {  	[spmem:s3] =	stream.indirect.scatter.add.f32 [tilespmem:s24], [sflag:$0x3], $0x40, s12, s26, $0xb8;
	[tilespmem:$0x1D000] =	vst v63  }
0x4b: {  	_ =	swait.ge [sflag:s23], $0x2000  }
0x4c: {  	[sflag:s23] =	ssyncset.done $0x0  }
0x4d: {  	s5 =	simm.s32 $0x100;
	[sflag:s23] =	ssyncadd.s32 $0xFFFFE000  }
0x4e: {  	[tilespmem:s24], [sflag:$0x1] =	stream.indirect.gather [spmem:s2], $0x40, s5, s26, $0xb8;
	[tilespmem:$0x1D000] =	vst v63  }
0x4f: {  	_ =	swait.ge [sflag:s30], $0x2000  }
0x50: {  	[sflag:s30] =	ssyncset.done $0x0  }
0x51: {  	s12 =	simm.s32 $0x2880;
	[sflag:s30] =	ssyncadd.s32 $0xFFFFE000  }
0x52: {  	[spmem:s3] =	stream.indirect.scatter.add.f32 [tilespmem:s28], [sflag:$0x3], $0x40, s12, s26, $0xb8;
	[tilespmem:$0x1D000] =	vst v63  }
0x53: {  	_ =	swait.ge [sflag:s23], $0x2000  }
0x54: {  	[sflag:s23] =	ssyncset.done $0x0  }
0x55: {  	s0 =	simm.s32 $0x400;
	s5 =	simm.s32 $0x180;
	[sflag:s23] =	ssyncadd.s32 $0xFFFFE000  }
.LBB2_4:
0x56: {  	[tilespmem:s28], [sflag:$0x2] =	stream.indirect.gather [spmem:s2], $0x40, s5, s26, $0xb8;
	[tilespmem:$0x1D000] =	vst v63  }
0x57: {  	s5 =	smov.u32 s0  }
0x58: {  	p0 =	sne.s32 s0, $0x9800;
	s0 =	sadd.s32 $0x400, s0;
	_ =	swait.ge [sflag:s29], $0x2000  }
0x59: {  	s5 =	sshra.s32 s5, $0x2;
	[sflag:s29] =	ssyncset.done $0x0  }
0x5a: {  	s12 =	sadd.s32 $0x2800, s5;
	[sflag:s29] =	ssyncadd.s32 $0xFFFFE000  }
0x5b: {  	[spmem:s3] =	stream.indirect.scatter.add.f32 [tilespmem:s24], [sflag:$0x3], $0x40, s12, s26, $0xb8;
	[tilespmem:$0x1D000] =	vst v63  }
0x5c: {  	_ =	swait.ge [sflag:s23], $0x2000  }
0x5d: {  	[sflag:s23] =	ssyncset.done $0x0  }
0x5e: {  	s12 =	sadd.s32 $0x100, s5;
	[sflag:s23] =	ssyncadd.s32 $0xFFFFE000  }
0x5f: {  	[tilespmem:s24], [sflag:$0x1] =	stream.indirect.gather [spmem:s2], $0x40, s12, s26, $0xb8;
	[tilespmem:$0x1D000] =	vst v63  }
0x60: {  	_ =	swait.ge [sflag:s30], $0x2000  }
0x61: {  	[sflag:s30] =	ssyncset.done $0x0  }
.Ltmp1:
0x62: {  	s12 =	sadd.s32 $0x2880, s5;
	[sflag:s30] =	ssyncadd.s32 $0xFFFFE000;
	(pc) =	sbr.rel @p0 .LBB2_4-.Ltmp1, $4  }
0x63: {  	[spmem:s3] =	stream.indirect.scatter.add.f32 [tilespmem:s28], [sflag:$0x3], $0x40, s12, s26, $0xb8;
	[tilespmem:$0x1D000] =	vst v63  }
0x64: {  	_ =	swait.ge [sflag:s23], $0x2000  }
0x65: {  	[sflag:s23] =	ssyncset.done $0x0  }
0x66: {  	s5 =	sadd.s32 $0x180, s5;
	[sflag:s23] =	ssyncadd.s32 $0xFFFFE000  }
0x67: {  	[tilespmem:s28], [sflag:$0x2] =	stream.indirect.gather [spmem:s2], $0x40, s5, s26, $0xb8;
	[tilespmem:$0x1D000] =	vst v63  }
0x68: {  	_ =	swait.ge [sflag:s29], $0x2000  }
0x69: {  	[sflag:s29] =	ssyncset.done $0x0  }
0x6a: {  	[sflag:s29] =	ssyncadd.s32 $0xFFFFE000  }
0x6b: {  	[spmem:s3] =	stream.indirect.scatter.add.f32 [tilespmem:s24], [sflag:$0x3], $0x40, s31, s26, $0xb8;
	[tilespmem:$0x1D000] =	vst v63  }
0x6c: {  	_ =	swait.ge [sflag:s23], $0x2000  }
0x6d: {  	[sflag:s23] =	ssyncset.done $0x0  }
0x6e: {  	[sflag:s23] =	ssyncadd.s32 $0xFFFFE000  }
0x6f: {  	_ =	swait.ge [sflag:s30], $0x2000  }
0x70: {  	[sflag:s30] =	ssyncset.done $0x0  }
0x71: {  	[sflag:s30] =	ssyncadd.s32 $0xFFFFE000  }
0x72: {  	[spmem:s3] =	stream.indirect.scatter.add.f32 [tilespmem:s28], [sflag:$0x3], $0x40, s1, s26, $0xb8;
	[tilespmem:$0x1D000] =	vst v63  }
0x73: {  	_ =	swait.ge [sflag:s23], $0x2000  }
0x74: {  	[sflag:s23] =	ssyncset.done $0x0  }
0x75: {  	s0 =	simm.s32 $0x0;
	[sflag:s23] =	ssyncadd.s32 $0xFFFFE000  }
0x76: {  	[tilespmem:s0], [sflag:$0x3] =	stream.linear.gather [hbm4b:s14+s0], $0x2800, $0x38;
	[tilespmem:$0x1D000] =	vst v63  }
0x77: {  	_ =	swait.ge [sflag:s23], $0x2800  }
0x78: {  	[sflag:s23] =	ssyncset.done $0x0  }
0x79: {  	[sflag:s23] =	ssyncadd.s32 $0xFFFFD800  }
0x7a: {  	[tilespmem:s25], [sflag:$0x3] =	stream.linear.gather [hbm4b:s15+s0], $0x2800, $0x38;
	[tilespmem:$0x1D000] =	vst v63  }
0x7b: {  	_ =	swait.ge [sflag:s23], $0x2800  }
0x7c: {  	[sflag:s23] =	ssyncset.done $0x0  }
0x7d: {  	[sflag:s23] =	ssyncadd.s32 $0xFFFFD800  }
0x7e: {  	[tilespmem:s24], [sflag:$0x1] =	stream.indirect.gather [spmem:s2], $0x40, s0, s26, $0xb8;
	[tilespmem:$0x1D000] =	vst v63  }
0x7f: {  	_ = 	snop  }
0x80: {  	[tilespmem:s28], [sflag:$0x2] =	stream.indirect.gather [spmem:s2], $0x40, s26, s26, $0xb8;
	[tilespmem:$0x1D000] =	vst v63  }
0x81: {  	_ =	swait.ge [sflag:s29], $0x2000  }
0x82: {  	[sflag:s29] =	ssyncset.done $0x0  }
0x83: {  	s12 =	simm.s32 $0x2800;
	[sflag:s29] =	ssyncadd.s32 $0xFFFFE000  }
0x84: {  	[spmem:s3] =	stream.indirect.scatter.add.f32 [tilespmem:s24], [sflag:$0x3], $0x40, s12, s26, $0xb8;
	[tilespmem:$0x1D000] =	vst v63  }
0x85: {  	_ =	swait.ge [sflag:s23], $0x2000  }
0x86: {  	[sflag:s23] =	ssyncset.done $0x0  }
0x87: {  	s5 =	simm.s32 $0x100;
	[sflag:s23] =	ssyncadd.s32 $0xFFFFE000  }
0x88: {  	[tilespmem:s24], [sflag:$0x1] =	stream.indirect.gather [spmem:s2], $0x40, s5, s26, $0xb8;
	[tilespmem:$0x1D000] =	vst v63  }
0x89: {  	_ =	swait.ge [sflag:s30], $0x2000  }
0x8a: {  	[sflag:s30] =	ssyncset.done $0x0  }
0x8b: {  	s12 =	simm.s32 $0x2880;
	[sflag:s30] =	ssyncadd.s32 $0xFFFFE000  }
0x8c: {  	[spmem:s3] =	stream.indirect.scatter.add.f32 [tilespmem:s28], [sflag:$0x3], $0x40, s12, s26, $0xb8;
	[tilespmem:$0x1D000] =	vst v63  }
0x8d: {  	_ =	swait.ge [sflag:s23], $0x2000  }
0x8e: {  	[sflag:s23] =	ssyncset.done $0x0  }
0x8f: {  	s0 =	simm.s32 $0x400;
	s5 =	simm.s32 $0x180;
	[sflag:s23] =	ssyncadd.s32 $0xFFFFE000  }
.LBB2_6:
0x90: {  	[tilespmem:s28], [sflag:$0x2] =	stream.indirect.gather [spmem:s2], $0x40, s5, s26, $0xb8;
	[tilespmem:$0x1D000] =	vst v63  }
0x91: {  	s5 =	smov.u32 s0  }
0x92: {  	p0 =	sne.s32 s0, $0x9800;
	s0 =	sadd.s32 $0x400, s0;
	_ =	swait.ge [sflag:s29], $0x2000  }
0x93: {  	s5 =	sshra.s32 s5, $0x2;
	[sflag:s29] =	ssyncset.done $0x0  }
0x94: {  	s12 =	sadd.s32 $0x2800, s5;
	[sflag:s29] =	ssyncadd.s32 $0xFFFFE000  }
0x95: {  	[spmem:s3] =	stream.indirect.scatter.add.f32 [tilespmem:s24], [sflag:$0x3], $0x40, s12, s26, $0xb8;
	[tilespmem:$0x1D000] =	vst v63  }
0x96: {  	_ =	swait.ge [sflag:s23], $0x2000  }
0x97: {  	[sflag:s23] =	ssyncset.done $0x0  }
0x98: {  	s12 =	sadd.s32 $0x100, s5;
	[sflag:s23] =	ssyncadd.s32 $0xFFFFE000  }
0x99: {  	[tilespmem:s24], [sflag:$0x1] =	stream.indirect.gather [spmem:s2], $0x40, s12, s26, $0xb8;
	[tilespmem:$0x1D000] =	vst v63  }
0x9a: {  	_ =	swait.ge [sflag:s30], $0x2000  }
0x9b: {  	[sflag:s30] =	ssyncset.done $0x0  }
.Ltmp2:
0x9c: {  	s12 =	sadd.s32 $0x2880, s5;
	[sflag:s30] =	ssyncadd.s32 $0xFFFFE000;
	(pc) =	sbr.rel @p0 .LBB2_6-.Ltmp2, $4  }
0x9d: {  	[spmem:s3] =	stream.indirect.scatter.add.f32 [tilespmem:s28], [sflag:$0x3], $0x40, s12, s26, $0xb8;
	[tilespmem:$0x1D000] =	vst v63  }
0x9e: {  	_ =	swait.ge [sflag:s23], $0x2000  }
0x9f: {  	[sflag:s23] =	ssyncset.done $0x0  }
0xa0: {  	s5 =	sadd.s32 $0x180, s5;
	[sflag:s23] =	ssyncadd.s32 $0xFFFFE000  }
0xa1: {  	[tilespmem:s28], [sflag:$0x2] =	stream.indirect.gather [spmem:s2], $0x40, s5, s26, $0xb8;
	[tilespmem:$0x1D000] =	vst v63  }
0xa2: {  	_ =	swait.ge [sflag:s29], $0x2000  }
0xa3: {  	[sflag:s29] =	ssyncset.done $0x0  }
0xa4: {  	[sflag:s29] =	ssyncadd.s32 $0xFFFFE000  }
0xa5: {  	[spmem:s3] =	stream.indirect.scatter.add.f32 [tilespmem:s24], [sflag:$0x3], $0x40, s31, s26, $0xb8;
	[tilespmem:$0x1D000] =	vst v63  }
0xa6: {  	_ =	swait.ge [sflag:s23], $0x2000  }
0xa7: {  	[sflag:s23] =	ssyncset.done $0x0  }
0xa8: {  	[sflag:s23] =	ssyncadd.s32 $0xFFFFE000  }
0xa9: {  	_ =	swait.ge [sflag:s30], $0x2000  }
0xaa: {  	[sflag:s30] =	ssyncset.done $0x0  }
0xab: {  	[sflag:s30] =	ssyncadd.s32 $0xFFFFE000  }
0xac: {  	[spmem:s3] =	stream.indirect.scatter.add.f32 [tilespmem:s28], [sflag:$0x3], $0x40, s1, s26, $0xb8;
	[tilespmem:$0x1D000] =	vst v63  }
0xad: {  	_ =	swait.ge [sflag:s23], $0x2000  }
0xae: {  	[sflag:s23] =	ssyncset.done $0x0  }
0xaf: {  	[sflag:s23] =	ssyncadd.s32 $0xFFFFE000  }
0xb0: {  	s0 =	sshrl.u32 s7, $0x3;
	[bflag:$0x0] =	sbarrier.arrive $0xFFFF  }
0xb1: {  	[hbm:s16], [sflag:s6] =	dma.local [spmem:s0], $0x400  }
0xb2: {  	_ =	swait.ge [sflag:s23], $0x400  }
0xb3: {  	[sflag:s23] =	ssyncset.done $0x0  }
0xb4: {  	s5 =	sshrl.u32 s8, $0x3;
	[sflag:s23] =	ssyncadd.s32 $0xFFFFFC00  }
0xb5: {  	[hbm:s17], [sflag:s6] =	dma.local [spmem:s5], $0x400  }
0xb6: {  	_ =	swait.ge [sflag:s23], $0x400  }
0xb7: {  	[sflag:s23] =	ssyncset.done $0x0  }
0xb8: {  	s12 =	sshrl.u32 s9, $0x3;
	[sflag:s23] =	ssyncadd.s32 $0xFFFFFC00  }
0xb9: {  	[hbm:s18], [sflag:s6] =	dma.local [spmem:s12], $0x400  }
0xba: {  	_ =	swait.ge [sflag:s23], $0x400  }
0xbb: {  	[sflag:s23] =	ssyncset.done $0x0  }
0xbc: {  	s5 =	sshrl.u32 s10, $0x3;
	[sflag:s23] =	ssyncadd.s32 $0xFFFFFC00  }
0xbd: {  	[hbm:s19], [sflag:s6] =	dma.local [spmem:s5], $0x400  }
0xbe: {  	s4 =	sadd.s32 $0x1, s4;
	_ =	swait.ge [sflag:s23], $0x400  }
0xbf: {  	p0 =	sne.s32 s4, s21;
	[sflag:s23] =	ssyncset.done $0x0  }
.Ltmp3:
0xc0: {  	s12 =	sshrl.u32 s11, $0x3;
	[sflag:s23] =	ssyncadd.s32 $0xFFFFFC00;
	(pc) =	sbr.rel @p0 .LBB2_1-.Ltmp3, $4  }
0xc1: {  	[hbm:s20], [sflag:s6] =	dma.local [spmem:s12], $0x400  }
0xc2: {  	_ =	swait.ge [sflag:s23], $0x400  }
0xc3: {  	[sflag:s23] =	ssyncset.done $0x0  }
0xc4: {  	[sflag:s23] =	ssyncadd.s32 $0xFFFFFC00  }
0xc5: {  	_ =	sfence.sel $0x180000  }
0xc6: {  	[bflag:$0x0] =	sbarrier.arrive $0xFFFF  }
0xc7: {  	_ =	strace $0x9000004A  }
0xc8: {  	s0 =	stileid.u32;
	[bflag:$0x2] =	sbarrier.arrive $0xFFFF  }
0xc9: {  	p0 =	sne.s32 s0, $0x0;
	s0 =	rddreg [dreg:$0x3]  }
0xca: {  	s0 =	sadd.s32 @!p0 $0x100000, s0  }
0xcb: {  	[sflag:s0] =	ssyncadd.tile.s32 @!p0 $0x1;
	_ =	shalt  }
.Lfunc_end2:
_tile_overlayer_lowered:
.L_overlay_start_2:
0xcc: {  	(tag) =	ssettag $0x2  }
0xcd: {  	s0 =	rddreg [dreg:$0x0];
	s2 =	stileid.u32  }
0xce: {  	s1 =	rddreg [dreg:$0x1];
	p0 =	sne.s32 s2, $0x0  }
0xcf: {  	s3 =	rddreg [dreg:$0x2];
	[bflag:$0x3] =	sbarrier.arrive $0xFFFF;
	s2 =	simm.s32 @!p0 $0x1C03  }
0xd0: {  	[timem:s3], [sflag:s2] =	dma.local @!p0 [hbm:s0], s1  }
0xd1: {  	s0 =	simm.s32 @!p0 $0x3  }
0xd2: {  	_ =	swait.ge @!p0 [sflag:s0], s1  }
0xd3: {  	s1 =	ssub.s32 @!p0 $0x0, s1;
	[sflag:s0] =	ssyncset.done @!p0 $0x0  }
0xd4: {  	[sflag:s0] =	ssyncadd.s32 @!p0 s1  }
0xd5: {  	[bflag:$0x3] =	sbarrier.arrive $0xFFFF  }
0xd6: {  	_ =	shalt  }

// kernel: kernel.19.cloned.1.call-start
scs
__scs_entry_jumppad:
0x0: {  	(pc) =	sbr.rel $0x88, $3  }
0x1: {  	(tag) =	ssettag $0x0;
	lr =	simm.s32 $0x1  }
0x2: {  	[smem:$0x3F9B] =	sst lr;
	_ =	strace $0xD0000000  }
0x3: {  	_ = 	snop  }
0x4: {  	_ = 	snop  }
0x5: {  	_ = 	snop  }
0x6: {  	_ = 	snop  }
0x7: {  	_ = 	snop  }
__scs_overlays_trampoline_lowered:
0x8: {  	[smem:$0x3FAA] =	sst s0  }
0x9: {  	[smem:$0x3FAB] =	sst s1  }
0xa: {  	[smem:$0x3FAC] =	sst s2  }
0xb: {  	[smem:$0x3FAD] =	sst s3  }
0xc: {  	[smem:$0x3FAE] =	sst s4  }
0xd: {  	[smem:$0x3FAF] =	sst s5  }
0xe: {  	[smem:$0x3FB0] =	sst s6  }
0xf: {  	[smem:$0x3FB1] =	sst s7  }
0x10: {  	[smem:$0x3FB2] =	sst s8  }
0x11: {  	[smem:$0x3FB3] =	sst s9;
	s0 =	simm.s32 @!p0 $0x0  }
0x12: {  	s1 =	sld [smem:$0x3F99];
	s0 =	simm.s32 @p0 $0x1  }
0x13: {  	[smem:$0x3FB4] =	sst s0;
	s0 =	simm.s32 @!p1 $0x0  }
0x14: {  	s2 =	sld [smem:$0x3F98];
	s0 =	simm.s32 @p1 $0x1  }
0x15: {  	[smem:$0x3FB5] =	sst s0;
	s0 =	simm.s32 @!p2 $0x0  }
0x16: {  	s3 =	sld [smem:$0x3FDB];
	s0 =	simm.s32 @p2 $0x1  }
0x17: {  	s4 =	simm.s32 $0x1BF5;
	[smem:$0x3FB7] =	sst s0  }
0x18: {  	s0 =	sld [smem:$0x3F9A];
	_ =	swait.ge [sflag:s4], $0x0  }
0x19: {  	s7 =	sld [smem:$0x3F9B]  }
0x1a: {  	s8 =	sadd.s32 $0xFFFFE003, lr  }
0x1b: {  	s9 =	sadd.s32 $0xFFFFFEF7, lr;
	s5 =	simm.s32 $0xFFFFFFFF;
	p2 =	slt.u32 s8, $0xFFFFF086  }
0x1c: {  	p1 =	slt.u32 s9, $0xF7A;
	s5 =	simm.s32 @!p2 $0x0  }
0x1d: {  	s5 =	simm.s32 @p1 $0x1;
	p0 =	seq.s32 s7, s2  }
0x1e: {  	s7 =	smul.u32 @!p0 $0xF7A, s2;
	p2 =	seq.s32 @!p0 s5, $0x0  }
0x1f: {  	s9 =	smul.u32 $0xF7A, s1;
	s8 =	simm.s32 @!p0 $0x1BF5;
	p2 =	por !p2, p0  }
0x20: {  	[sflag:s8] =	ssyncset.s32 @!p0 $0xFFFFF086;
	s6 =	sadd.s32 @!p0 s3, s7;
	s7 =	simm.s32 @!p0 $0x108  }
0x21: {  	s3 =	sadd.s32 s3, s9;
	s6 =	sadd.s32 @!p0 $0x88, s6;
	s7 =	simm.s32 @p2 $0x1082  }
0x22: {  	[simem:s7], [sflag:s8] =	dma.local @!p0 [hbm:s6], $0xF7A  }
0x23: {  	s9 =	sor.u32 $0xD0000000, s2;
	s6 =	simm.s32 $0x108;
	_ =	swait.ge @!p0 [sflag:s8], $0x0  }
0x24: {  	s3 =	sadd.s32 $0x88, s3;
	s6 =	simm.s32 @!p1 $0x1082;
	[sflag:s4] =	ssyncset.s32 $0xFFFFF086  }
0x25: {  	[simem:s6], [sflag:s4] =	dma.local [hbm:s3], $0xF7A  }
0x26: {  	[smem:$0x3F9B] =	sst s1;
	(tag) =	ssettag s2;
	_ =	strace s9  }
0x27: {  	s1 =	sld [smem:$0x3FAB]  }
0x28: {  	s2 =	sld [smem:$0x3FAC]  }
0x29: {  	s4 =	sld [smem:$0x3FAE]  }
0x2a: {  	p0 =	seq.s32 s5, $0x0;
	s5 =	sld [smem:$0x3FAF]  }
0x2b: {  	s6 =	sld [smem:$0x3FB0]  }
0x2c: {  	s7 =	sld [smem:$0x3FB1]  }
0x2d: {  	s3 =	simm.s32 $0x108;
	s8 =	sld [smem:$0x3FB2]  }
0x2e: {  	s3 =	simm.s32 @!p0 $0x1082;
	s9 =	sld [smem:$0x3FB3]  }
0x2f: {  	lr =	sadd.s32 s0, s3;
	s0 =	sld [smem:$0x3FAA]  }
0x30: {  	s3 =	sld [smem:$0x3FAD]  }
0x31: {  	[smem:$0x3FB6] =	sst s10  }
0x32: {  	s10 =	sld [smem:$0x3FB4];
	_ =	sdelay $0x3  }
0x33: {  	p0 =	seq.s32 s10, $0x1;
	s10 =	sld [smem:$0x3FB6];
	_ =	sdelay $0x3  }
0x34: {  	[smem:$0x3FB6] =	sst s10  }
0x35: {  	s10 =	sld [smem:$0x3FB5];
	_ =	sdelay $0x3  }
0x36: {  	p1 =	seq.s32 s10, $0x1;
	s10 =	sld [smem:$0x3FB6];
	_ =	sdelay $0x3  }
0x37: {  	[smem:$0x3FB6] =	sst s10  }
0x38: {  	s10 =	sld [smem:$0x3FB7]  }
0x39: {  	_ = 	snop;
	(pc) =	sbr.ind lr, $3  }
0x3a: {  	_ = 	snop  }
0x3b: {  	_ = 	snop  }
0x3c: {  	p2 =	seq.s32 s10, $0x1;
	s10 =	sld [smem:$0x3FB6]  }
0x3d: {  	_ =	shalt  }
0x3e: {  	_ =	shalt  }
0x3f: {  	_ =	shalt  }
0x40: {  	_ =	shalt  }
0x41: {  	_ =	shalt  }
0x42: {  	_ =	shalt  }
0x43: {  	_ =	shalt  }
0x44: {  	_ =	shalt  }
0x45: {  	_ =	shalt  }
0x46: {  	_ =	shalt  }
0x47: {  	_ =	shalt  }
0x48: {  	_ =	shalt  }
0x49: {  	_ =	shalt  }
0x4a: {  	_ =	shalt  }
0x4b: {  	_ =	shalt  }
0x4c: {  	_ =	shalt  }
0x4d: {  	_ =	shalt  }
0x4e: {  	_ =	shalt  }
0x4f: {  	_ =	shalt  }
0x50: {  	_ =	shalt  }
0x51: {  	_ =	shalt  }
0x52: {  	_ =	shalt  }
0x53: {  	_ =	shalt  }
0x54: {  	_ =	shalt  }
0x55: {  	_ =	shalt  }
0x56: {  	_ =	shalt  }
0x57: {  	_ =	shalt  }
0x58: {  	_ =	shalt  }
0x59: {  	_ =	shalt  }
0x5a: {  	_ =	shalt  }
0x5b: {  	_ =	shalt  }
0x5c: {  	_ =	shalt  }
0x5d: {  	_ =	shalt  }
0x5e: {  	_ =	shalt  }
0x5f: {  	_ =	shalt  }
0x60: {  	_ =	shalt  }
0x61: {  	_ =	shalt  }
0x62: {  	_ =	shalt  }
0x63: {  	_ =	shalt  }
0x64: {  	_ =	shalt  }
0x65: {  	_ =	shalt  }
0x66: {  	_ =	shalt  }
0x67: {  	_ =	shalt  }
0x68: {  	_ =	shalt  }
0x69: {  	_ =	shalt  }
0x6a: {  	_ =	shalt  }
0x6b: {  	_ =	shalt  }
0x6c: {  	_ =	shalt  }
0x6d: {  	_ =	shalt  }
0x6e: {  	_ =	shalt  }
0x6f: {  	_ =	shalt  }
0x70: {  	_ =	shalt  }
0x71: {  	_ =	shalt  }
0x72: {  	_ =	shalt  }
0x73: {  	_ =	shalt  }
0x74: {  	_ =	shalt  }
0x75: {  	_ =	shalt  }
0x76: {  	_ =	shalt  }
0x77: {  	_ =	shalt  }
0x78: {  	_ =	shalt  }
0x79: {  	_ =	shalt  }
0x7a: {  	_ =	shalt  }
0x7b: {  	_ =	shalt  }
0x7c: {  	_ =	shalt  }
0x7d: {  	_ =	shalt  }
0x7e: {  	_ =	shalt  }
0x7f: {  	_ =	shalt  }
0x80: {  	_ =	shalt  }
0x81: {  	_ =	shalt  }
0x82: {  	_ =	shalt  }
0x83: {  	_ =	shalt  }
0x84: {  	_ =	shalt  }
0x85: {  	_ =	shalt  }
0x86: {  	_ =	shalt  }
0x87: {  	_ =	shalt  }
.Lfunc_end0:
.L_simem_size_0:
called_computation.2_lowered:
.L_overlay_start_0:
0x88: {  	s2 =	sld [smem:$0x3FD9]  }
0x89: {  	s3 =	sld [smem:$0x3FFE];
	_ =	sdelay $0x1  }
0x8a: {  	s1 =	srdreg.scid  }
0x8b: {  	s0 =	sand.u32 $0x1, s1  }
0x8c: {  	s16 =	sshll.u32 s0, $0xA;
	s2 =	sadd.s32 s3, s2  }
0x8d: {  	s2 =	sadd.s32 s2, s16  }
0x8e: {  	[smem:$0x3FC2] =	sst s2  }
0x8f: {  	_ = 	snop  }
0x90: {  	(tm) =	ssettm $0x1  }
0x91: {  	s17 =	sld [smem:$0x3FFB];
	_ =	sdelay $0x3  }
0x92: {  	_ =	strace s17  }
0x93: {  	s2 =	sld [smem:$0x3FFC];
	_ =	sdelay $0x3  }
0x94: {  	_ =	strace s2  }
0x95: {  	s2 =	sld [smem:$0x3FFD];
	_ =	sdelay $0x3  }
0x96: {  	_ =	strace s2  }
0x97: {  	_ =	strace $0x8FFFFFFF  }
0x98: {  	s18 =	sld [smem:$0x3FDB];
	_ =	sdelay $0x1  }
0x99: {  	s19 =	simm.s32 $_scs_section_size  }
0x9a: {  	s4 =	simm.s32 $_size__tile_overlayer_lowered;
	s5 =	simm.s32 $_tile_overlayer_lowered  }
0x9b: {  	s22 =	simm.s32 $0x1BFF;
	s21 =	sshll.u32 s5, $0x1;
	s2 =	sadd.s32 s19, s18  }
0x9c: {  	s6 =	simm.s32 $0x0;
	s20 =	sshll.u32 s4, $0x1;
	s4 =	sadd.s32 s21, s2  }
0x9d: {  	[timem:s6], [sflag:s22] =	dma.local [hbm:s4], s20  }
0x9e: {  	_ =	swait.ge [sflag:s22], s20  }
0x9f: {  	s3 =	ssub.s32 $0x0, s20;
	[sflag:s22] =	ssyncset.done $0x0  }
0xa0: {  	[sflag:s22] =	ssyncadd.s32 s3;
	_ =	sdelay $0x1  }
0xa1: {  	s23 =	simm.s32 $0x1B8B  }
0xa2: {  	_ =	swait.ge [sflag:s23], $0x1  }
0xa3: {  	[sflag:s23] =	ssyncset.done $0x0  }
0xa4: {  	s25 =	simm.s32 $0x1B8E;
	s24 =	sld [smem:$0x3FFE];
	[sflag:s23] =	ssyncadd.s32 $0xFFFFFFFF  }
0xa5: {  	s26 =	simm.s32 $execute0_lowered;
	[smem:$0x3FD2] =	sst s25  }
0xa6: {  	s4 =	sshll.u32 s26, $0x1;
	_ =	strace $0x8000004C;
	[dreg:$0x1] =	wrdreg $0xFFFFFFFF  }
0xa7: {  	s28 =	simm.s32 $_size_execute0_lowered;
	s2 =	sadd.s32 s2, s4;
	[dreg:$0x0] =	wrdreg $0x0  }
0xa8: {  	s4 =	sshll.u32 s28, $0x1;
	[dreg:$0x2] =	wrdreg s2  }
0xa9: {  	[dreg:$0x3] =	wrdreg s4  }
0xaa: {  	[dreg:$0x4] =	wrdreg $0xC0  }
0xab: {  	_ =	task [dreg:s6], $0x5FFFF  }
0xac: {  	[dreg:$0x1] =	wrdreg $0xFFFFFFFF  }
0xad: {  	[dreg:$0x0] =	wrdreg $0x60  }
0xae: {  	[dreg:$0x2] =	wrdreg s24  }
0xaf: {  	[dreg:$0x3] =	wrdreg $0x90000  }
0xb0: {  	[dreg:$0x4] =	wrdreg $0x130000  }
0xb1: {  	[dreg:$0x5] =	wrdreg $0x9  }
0xb2: {  	_ =	task.clear_ibuf [dreg:s6], $0x6FFFF;
	_ =	strace $0x9000004C  }
0xb3: {  	s29 =	simm.s32 $0x9;
	_ =	strace $0x8000004E  }
0xb4: {  	_ =	swait.ge [sflag:s29], $0x1  }
0xb5: {  	[sflag:s29] =	ssyncadd.s32 $0xFFFFFFFF  }
0xb6: {  	_ =	strace $0x9000004E  }
0xb7: {  	_ =	sfence  }
0xb8: {  	s30 =	sld [smem:$0x0];
	_ =	sdelay $0x2  }
0xb9: {  	s31 =	sshll.u32 s1, $0xD;
	s1 =	sshrl.u32 s1, $0x2  }
0xba: {  	s3 =	sand.u32 $0x4000, s31;
	s1 =	sadd.s32 s1, s30  }
0xbb: {  	s0 =	sor.u32 s3, s0;
	s1 =	sshll.u32 s1, $0x11  }
0xbc: {  	s0 =	sor.u32 s1, s0  }
0xbd: {  	s0 =	sadd.s32 $0x8F2B, s0  }
0xbe: {  	[sflag:s0] =	ssyncadd.remote.s32 $0x1  }
0xbf: {  	_ =	sfence.sel $0xFFFF  }
0xc0: {  	[dreg:$0x0] =	wrdreg $0xFFFFFFFF;
	(pc) =	sbr.abs _section_cstart, $3  }
0xc1: {  	[dreg:$0x1] =	wrdreg $0xFFFFFFFF  }
0xc2: {  	_ =	task.clear_ibuf [dreg:s6], $0x2FFFF;
	_ =	strace $0x9FFFFFFF  }
0xc3: {  	(tm) =	ssettm $0x7FFFFFFF  }
tec
execute0_lowered:
.L_overlay_start_1:
0x0: {  	(tag) =	ssettag $0x1  }
0x1: {  	s0 =	rddreg [dreg:$0x0];
	s1 =	srdreg.scid  }
0x2: {  	s10 =	stileid.u32;
	s2 =	rddreg [dreg:$0x1]  }
0x3: {  	s3 =	rddreg [dreg:$0x2];
	s4 =	simm.s32 $0x0;
	s23 =	simm.s32 $0x3  }
0x4: {  	s24 =	simm.s32 $0x5000;
	s25 =	simm.s32 $0x2800;
	s28 =	simm.s32 $0x7000  }
0x5: {  	s29 =	simm.s32 $0x1;
	s30 =	simm.s32 $0x2;
	s31 =	simm.s32 $0x4F00  }
0x6: {  	s1 =	sand.u32 $0x1, s1;
	s5 =	smul.u32 $0xA000, s10;
	[smem:$0x7FF] =	sst s4  }
0x7: {  	s14 =	sadd.s32 $0xCA00, s0;
	s15 =	sadd.s32 $0x2A00, s0;
	s11 =	smul.u32 $0x5000, s10  }
0x8: {  	s26 =	sshll.u32 s10, $0x6;
	s18 =	smul.u32 $0xA0000, s1;
	s1 =	ssub.s32 $0x2, s1  }
0x9: {  	s13 =	smul.u32 $0xA00, s10;
	_ =	strace $0x8000004D;
	s7 =	sshrl.u32 s1, $0x1  }
0xa: {  	s22 =	sadd.s32 s5, s2;
	s17 =	sadd.s32 $0x2000, s5;
	s19 =	sadd.s32 $0x4000, s5  }
0xb: {  	s20 =	sadd.s32 $0x6000, s5;
	s21 =	sshrl.u32 s11, $0x3;
	s12 =	sadd.s32 s14, s13  }
0xc: {  	s13 =	sadd.s32 s15, s13;
	s6 =	sadd.s32 s5, s18;
	s1 =	ssub.s32 s1, s7  }
0xd: {  	s7 =	sadd.s32 s5, s3;
	s8 =	sadd.s32 s17, s3;
	s9 =	sadd.s32 s19, s3  }
0xe: {  	s10 =	sadd.s32 s20, s3;
	s5 =	sadd.s32 $0x8000, s5;
	[dreg:$0x5] =	wrdreg s12  }
0xf: {  	s21 =	sadd.s32 $0x500, s21;
	s17 =	sadd.s32 s18, s17;
	s19 =	sadd.s32 s18, s19  }
0x10: {  	s20 =	sadd.s32 s18, s20;
	s22 =	sshrl.u32 s22, $0x3;
	s16 =	sshrl.u32 s6, $0x3  }
0x11: {  	s11 =	sadd.s32 s5, s3;
	s14 =	sadd.s32 s14, s21;
	s15 =	sadd.s32 s15, s21  }
0x12: {  	s17 =	sshrl.u32 s17, $0x3;
	s19 =	sshrl.u32 s19, $0x3;
	s20 =	sshrl.u32 s20, $0x3  }
0x13: {  	s5 =	sadd.s32 s18, s5;
	s21 =	smax.u32 s1, $0x1;
	s1 =	simm.s32 $0x4F80  }
0x14: {  	s6 =	sadd.s32 s16, s0;
	s0 =	sadd.s32 $0x16A00, s0;
	s5 =	sshrl.u32 s5, $0x3  }
0x15: {  	s6 =	sadd.s32 $0x66A00, s6;
	s16 =	sadd.s32 s0, s16;
	s17 =	sadd.s32 s0, s17  }
0x16: {  	s18 =	sadd.s32 s0, s19;
	s19 =	sadd.s32 s0, s20;
	s20 =	sadd.s32 s0, s5  }
0x17: {  	v0 =	vimm.f32 $0.0e+00;
	[dreg:$0x4] =	wrdreg s6;
	s6 =	sor.u32 $0x1C03, s26;
	s26 =	simm.s32 $0x80  }
.LBB2_1:
0x18: {  	s0 =	rddreg [dreg:$0x4]  }
0x19: {  	[spmem:s22], [sflag:s6] =	dma.local [hbm:s0], $0x1400  }
0x1a: {  	_ =	swait.ge [sflag:s23], $0x1400  }
0x1b: {  	[sflag:s23] =	ssyncset.done $0x0  }
0x1c: {  	s5 =	simm.s32 $0x100;
	s0 =	simm.s32 $0x0;
	[sflag:s23] =	ssyncadd.s32 $0xFFFFEC00  }
.LBB2_2:
0x1d: {  	p0 =	sne.s32 s5, $0x7F00;
	[tilespmem:s0+$0x5030] =	vst v0;
	s12 =	smov.u32 s5;
	s5 =	sadd.s32 $0x100, s5  }
.Ltmp0:
0x1e: {  	[tilespmem:s0+$0x5020] =	vst v0;
	(pc) =	sbr.rel @p0 .LBB2_2-.Ltmp0, $3  }
0x1f: {  	[tilespmem:s0+$0x5000] =	vst v0  }
0x20: {  	[tilespmem:s0+$0x5010] =	vst v0;
	_ =	sdelay $0x1  }
0x21: {  	s0 =	sshra.s32 s12, $0x2  }
0x22: {  	[tilespmem:s0+$0x5030] =	vst v0  }
0x23: {  	[tilespmem:s0+$0x5020] =	vst v0  }
0x24: {  	[tilespmem:s0+$0x5000] =	vst v0  }
0x25: {  	[tilespmem:s0+$0x5010] =	vst v0  }
0x26: {  	[spmem:s7] =	stream.linear.scatter [tilespmem:s24], [sflag:$0x3], $0x2000, $0x38;
	[tilespmem:$0x1D000] =	vst v63  }
0x27: {  	_ =	swait.ge [sflag:s23], $0x2000  }
0x28: {  	[sflag:s23] =	ssyncset.done $0x0  }
0x29: {  	[sflag:s23] =	ssyncadd.s32 $0xFFFFE000  }
0x2a: {  	[spmem:s8] =	stream.linear.scatter [tilespmem:s24], [sflag:$0x3], $0x2000, $0x38;
	[tilespmem:$0x1D000] =	vst v63  }
0x2b: {  	_ =	swait.ge [sflag:s23], $0x2000  }
0x2c: {  	[sflag:s23] =	ssyncset.done $0x0  }
0x2d: {  	[sflag:s23] =	ssyncadd.s32 $0xFFFFE000  }
0x2e: {  	[spmem:s9] =	stream.linear.scatter [tilespmem:s24], [sflag:$0x3], $0x2000, $0x38;
	[tilespmem:$0x1D000] =	vst v63  }
0x2f: {  	_ =	swait.ge [sflag:s23], $0x2000  }
0x30: {  	[sflag:s23] =	ssyncset.done $0x0  }
0x31: {  	[sflag:s23] =	ssyncadd.s32 $0xFFFFE000  }
0x32: {  	[spmem:s10] =	stream.linear.scatter [tilespmem:s24], [sflag:$0x3], $0x2000, $0x38;
	[tilespmem:$0x1D000] =	vst v63  }
0x33: {  	_ =	swait.ge [sflag:s23], $0x2000  }
0x34: {  	[sflag:s23] =	ssyncset.done $0x0  }
0x35: {  	[sflag:s23] =	ssyncadd.s32 $0xFFFFE000  }
0x36: {  	[spmem:s11] =	stream.linear.scatter [tilespmem:s24], [sflag:$0x3], $0x2000, $0x38;
	[tilespmem:$0x1D000] =	vst v63  }
0x37: {  	_ =	swait.ge [sflag:s23], $0x2000  }
0x38: {  	[sflag:s23] =	ssyncset.done $0x0  }
0x39: {  	[sflag:s23] =	ssyncadd.s32 $0xFFFFE000  }
0x3a: {  	[bflag:$0x0] =	sbarrier.arrive $0xFFFF  }
0x3b: {  	s12 =	simm.s32 $0x0;
	s5 =	rddreg [dreg:$0x5]  }
0x3c: {  	[tilespmem:s12], [sflag:$0x3] =	stream.linear.gather [hbm4b:s5+s12], $0x2800, $0x38;
	[tilespmem:$0x1D000] =	vst v63  }
0x3d: {  	_ =	swait.ge [sflag:s23], $0x2800  }
0x3e: {  	[sflag:s23] =	ssyncset.done $0x0  }
0x3f: {  	[sflag:s23] =	ssyncadd.s32 $0xFFFFD800  }
0x40: {  	[tilespmem:s25], [sflag:$0x3] =	stream.linear.gather [hbm4b:s13+s12], $0x2800, $0x38;
	[tilespmem:$0x1D000] =	vst v63  }
0x41: {  	_ =	swait.ge [sflag:s23], $0x2800  }
0x42: {  	[sflag:s23] =	ssyncset.done $0x0  }
0x43: {  	[sflag:s23] =	ssyncadd.s32 $0xFFFFD800  }
0x44: {  	[tilespmem:s24], [sflag:$0x1] =	stream.indirect.gather [spmem:s2], $0x40, s12, s26, $0xb8;
	[tilespmem:$0x1D000] =	vst v63  }
0x45: {  	_ = 	snop  }
0x46: {  	[tilespmem:s28], [sflag:$0x2] =	stream.indirect.gather [spmem:s2], $0x40, s26, s26, $0xb8;
	[tilespmem:$0x1D000] =	vst v63  }
0x47: {  	_ =	swait.ge [sflag:s29], $0x2000  }
0x48: {  	[sflag:s29] =	ssyncset.done $0x0  }
0x49: {  	s12 =	simm.s32 $0x2800;
	[sflag:s29] =	ssyncadd.s32 $0xFFFFE000  }
0x4a: {  	[spmem:s3] =	stream.indirect.scatter.add.f32 [tilespmem:s24], [sflag:$0x3], $0x40, s12, s26, $0xb8;
	[tilespmem:$0x1D000] =	vst v63  }
0x4b: {  	_ =	swait.ge [sflag:s23], $0x2000  }
0x4c: {  	[sflag:s23] =	ssyncset.done $0x0  }
0x4d: {  	s5 =	simm.s32 $0x100;
	[sflag:s23] =	ssyncadd.s32 $0xFFFFE000  }
0x4e: {  	[tilespmem:s24], [sflag:$0x1] =	stream.indirect.gather [spmem:s2], $0x40, s5, s26, $0xb8;
	[tilespmem:$0x1D000] =	vst v63  }
0x4f: {  	_ =	swait.ge [sflag:s30], $0x2000  }
0x50: {  	[sflag:s30] =	ssyncset.done $0x0  }
0x51: {  	s12 =	simm.s32 $0x2880;
	[sflag:s30] =	ssyncadd.s32 $0xFFFFE000  }
0x52: {  	[spmem:s3] =	stream.indirect.scatter.add.f32 [tilespmem:s28], [sflag:$0x3], $0x40, s12, s26, $0xb8;
	[tilespmem:$0x1D000] =	vst v63  }
0x53: {  	_ =	swait.ge [sflag:s23], $0x2000  }
0x54: {  	[sflag:s23] =	ssyncset.done $0x0  }
0x55: {  	s0 =	simm.s32 $0x400;
	s5 =	simm.s32 $0x180;
	[sflag:s23] =	ssyncadd.s32 $0xFFFFE000  }
.LBB2_4:
0x56: {  	[tilespmem:s28], [sflag:$0x2] =	stream.indirect.gather [spmem:s2], $0x40, s5, s26, $0xb8;
	[tilespmem:$0x1D000] =	vst v63  }
0x57: {  	s5 =	smov.u32 s0  }
0x58: {  	p0 =	sne.s32 s0, $0x9800;
	s0 =	sadd.s32 $0x400, s0;
	_ =	swait.ge [sflag:s29], $0x2000  }
0x59: {  	s5 =	sshra.s32 s5, $0x2;
	[sflag:s29] =	ssyncset.done $0x0  }
0x5a: {  	s12 =	sadd.s32 $0x2800, s5;
	[sflag:s29] =	ssyncadd.s32 $0xFFFFE000  }
0x5b: {  	[spmem:s3] =	stream.indirect.scatter.add.f32 [tilespmem:s24], [sflag:$0x3], $0x40, s12, s26, $0xb8;
	[tilespmem:$0x1D000] =	vst v63  }
0x5c: {  	_ =	swait.ge [sflag:s23], $0x2000  }
0x5d: {  	[sflag:s23] =	ssyncset.done $0x0  }
0x5e: {  	s12 =	sadd.s32 $0x100, s5;
	[sflag:s23] =	ssyncadd.s32 $0xFFFFE000  }
0x5f: {  	[tilespmem:s24], [sflag:$0x1] =	stream.indirect.gather [spmem:s2], $0x40, s12, s26, $0xb8;
	[tilespmem:$0x1D000] =	vst v63  }
0x60: {  	_ =	swait.ge [sflag:s30], $0x2000  }
0x61: {  	[sflag:s30] =	ssyncset.done $0x0  }
.Ltmp1:
0x62: {  	s12 =	sadd.s32 $0x2880, s5;
	[sflag:s30] =	ssyncadd.s32 $0xFFFFE000;
	(pc) =	sbr.rel @p0 .LBB2_4-.Ltmp1, $4  }
0x63: {  	[spmem:s3] =	stream.indirect.scatter.add.f32 [tilespmem:s28], [sflag:$0x3], $0x40, s12, s26, $0xb8;
	[tilespmem:$0x1D000] =	vst v63  }
0x64: {  	_ =	swait.ge [sflag:s23], $0x2000  }
0x65: {  	[sflag:s23] =	ssyncset.done $0x0  }
0x66: {  	s5 =	sadd.s32 $0x180, s5;
	[sflag:s23] =	ssyncadd.s32 $0xFFFFE000  }
0x67: {  	[tilespmem:s28], [sflag:$0x2] =	stream.indirect.gather [spmem:s2], $0x40, s5, s26, $0xb8;
	[tilespmem:$0x1D000] =	vst v63  }
0x68: {  	_ =	swait.ge [sflag:s29], $0x2000  }
0x69: {  	[sflag:s29] =	ssyncset.done $0x0  }
0x6a: {  	[sflag:s29] =	ssyncadd.s32 $0xFFFFE000  }
0x6b: {  	[spmem:s3] =	stream.indirect.scatter.add.f32 [tilespmem:s24], [sflag:$0x3], $0x40, s31, s26, $0xb8;
	[tilespmem:$0x1D000] =	vst v63  }
0x6c: {  	_ =	swait.ge [sflag:s23], $0x2000  }
0x6d: {  	[sflag:s23] =	ssyncset.done $0x0  }
0x6e: {  	[sflag:s23] =	ssyncadd.s32 $0xFFFFE000  }
0x6f: {  	_ =	swait.ge [sflag:s30], $0x2000  }
0x70: {  	[sflag:s30] =	ssyncset.done $0x0  }
0x71: {  	[sflag:s30] =	ssyncadd.s32 $0xFFFFE000  }
0x72: {  	[spmem:s3] =	stream.indirect.scatter.add.f32 [tilespmem:s28], [sflag:$0x3], $0x40, s1, s26, $0xb8;
	[tilespmem:$0x1D000] =	vst v63  }
0x73: {  	_ =	swait.ge [sflag:s23], $0x2000  }
0x74: {  	[sflag:s23] =	ssyncset.done $0x0  }
0x75: {  	s0 =	simm.s32 $0x0;
	[sflag:s23] =	ssyncadd.s32 $0xFFFFE000  }
0x76: {  	[tilespmem:s0], [sflag:$0x3] =	stream.linear.gather [hbm4b:s14+s0], $0x2800, $0x38;
	[tilespmem:$0x1D000] =	vst v63  }
0x77: {  	_ =	swait.ge [sflag:s23], $0x2800  }
0x78: {  	[sflag:s23] =	ssyncset.done $0x0  }
0x79: {  	[sflag:s23] =	ssyncadd.s32 $0xFFFFD800  }
0x7a: {  	[tilespmem:s25], [sflag:$0x3] =	stream.linear.gather [hbm4b:s15+s0], $0x2800, $0x38;
	[tilespmem:$0x1D000] =	vst v63  }
0x7b: {  	_ =	swait.ge [sflag:s23], $0x2800  }
0x7c: {  	[sflag:s23] =	ssyncset.done $0x0  }
0x7d: {  	[sflag:s23] =	ssyncadd.s32 $0xFFFFD800  }
0x7e: {  	[tilespmem:s24], [sflag:$0x1] =	stream.indirect.gather [spmem:s2], $0x40, s0, s26, $0xb8;
	[tilespmem:$0x1D000] =	vst v63  }
0x7f: {  	_ = 	snop  }
0x80: {  	[tilespmem:s28], [sflag:$0x2] =	stream.indirect.gather [spmem:s2], $0x40, s26, s26, $0xb8;
	[tilespmem:$0x1D000] =	vst v63  }
0x81: {  	_ =	swait.ge [sflag:s29], $0x2000  }
0x82: {  	[sflag:s29] =	ssyncset.done $0x0  }
0x83: {  	s12 =	simm.s32 $0x2800;
	[sflag:s29] =	ssyncadd.s32 $0xFFFFE000  }
0x84: {  	[spmem:s3] =	stream.indirect.scatter.add.f32 [tilespmem:s24], [sflag:$0x3], $0x40, s12, s26, $0xb8;
	[tilespmem:$0x1D000] =	vst v63  }
0x85: {  	_ =	swait.ge [sflag:s23], $0x2000  }
0x86: {  	[sflag:s23] =	ssyncset.done $0x0  }
0x87: {  	s5 =	simm.s32 $0x100;
	[sflag:s23] =	ssyncadd.s32 $0xFFFFE000  }
0x88: {  	[tilespmem:s24], [sflag:$0x1] =	stream.indirect.gather [spmem:s2], $0x40, s5, s26, $0xb8;
	[tilespmem:$0x1D000] =	vst v63  }
0x89: {  	_ =	swait.ge [sflag:s30], $0x2000  }
0x8a: {  	[sflag:s30] =	ssyncset.done $0x0  }
0x8b: {  	s12 =	simm.s32 $0x2880;
	[sflag:s30] =	ssyncadd.s32 $0xFFFFE000  }
0x8c: {  	[spmem:s3] =	stream.indirect.scatter.add.f32 [tilespmem:s28], [sflag:$0x3], $0x40, s12, s26, $0xb8;
	[tilespmem:$0x1D000] =	vst v63  }
0x8d: {  	_ =	swait.ge [sflag:s23], $0x2000  }
0x8e: {  	[sflag:s23] =	ssyncset.done $0x0  }
0x8f: {  	s0 =	simm.s32 $0x400;
	s5 =	simm.s32 $0x180;
	[sflag:s23] =	ssyncadd.s32 $0xFFFFE000  }
.LBB2_6:
0x90: {  	[tilespmem:s28], [sflag:$0x2] =	stream.indirect.gather [spmem:s2], $0x40, s5, s26, $0xb8;
	[tilespmem:$0x1D000] =	vst v63  }
0x91: {  	s5 =	smov.u32 s0  }
0x92: {  	p0 =	sne.s32 s0, $0x9800;
	s0 =	sadd.s32 $0x400, s0;
	_ =	swait.ge [sflag:s29], $0x2000  }
0x93: {  	s5 =	sshra.s32 s5, $0x2;
	[sflag:s29] =	ssyncset.done $0x0  }
0x94: {  	s12 =	sadd.s32 $0x2800, s5;
	[sflag:s29] =	ssyncadd.s32 $0xFFFFE000  }
0x95: {  	[spmem:s3] =	stream.indirect.scatter.add.f32 [tilespmem:s24], [sflag:$0x3], $0x40, s12, s26, $0xb8;
	[tilespmem:$0x1D000] =	vst v63  }
0x96: {  	_ =	swait.ge [sflag:s23], $0x2000  }
0x97: {  	[sflag:s23] =	ssyncset.done $0x0  }
0x98: {  	s12 =	sadd.s32 $0x100, s5;
	[sflag:s23] =	ssyncadd.s32 $0xFFFFE000  }
0x99: {  	[tilespmem:s24], [sflag:$0x1] =	stream.indirect.gather [spmem:s2], $0x40, s12, s26, $0xb8;
	[tilespmem:$0x1D000] =	vst v63  }
0x9a: {  	_ =	swait.ge [sflag:s30], $0x2000  }
0x9b: {  	[sflag:s30] =	ssyncset.done $0x0  }
.Ltmp2:
0x9c: {  	s12 =	sadd.s32 $0x2880, s5;
	[sflag:s30] =	ssyncadd.s32 $0xFFFFE000;
	(pc) =	sbr.rel @p0 .LBB2_6-.Ltmp2, $4  }
0x9d: {  	[spmem:s3] =	stream.indirect.scatter.add.f32 [tilespmem:s28], [sflag:$0x3], $0x40, s12, s26, $0xb8;
	[tilespmem:$0x1D000] =	vst v63  }
0x9e: {  	_ =	swait.ge [sflag:s23], $0x2000  }
0x9f: {  	[sflag:s23] =	ssyncset.done $0x0  }
0xa0: {  	s5 =	sadd.s32 $0x180, s5;
	[sflag:s23] =	ssyncadd.s32 $0xFFFFE000  }
0xa1: {  	[tilespmem:s28], [sflag:$0x2] =	stream.indirect.gather [spmem:s2], $0x40, s5, s26, $0xb8;
	[tilespmem:$0x1D000] =	vst v63  }
0xa2: {  	_ =	swait.ge [sflag:s29], $0x2000  }
0xa3: {  	[sflag:s29] =	ssyncset.done $0x0  }
0xa4: {  	[sflag:s29] =	ssyncadd.s32 $0xFFFFE000  }
0xa5: {  	[spmem:s3] =	stream.indirect.scatter.add.f32 [tilespmem:s24], [sflag:$0x3], $0x40, s31, s26, $0xb8;
	[tilespmem:$0x1D000] =	vst v63  }
0xa6: {  	_ =	swait.ge [sflag:s23], $0x2000  }
0xa7: {  	[sflag:s23] =	ssyncset.done $0x0  }
0xa8: {  	[sflag:s23] =	ssyncadd.s32 $0xFFFFE000  }
0xa9: {  	_ =	swait.ge [sflag:s30], $0x2000  }
0xaa: {  	[sflag:s30] =	ssyncset.done $0x0  }
0xab: {  	[sflag:s30] =	ssyncadd.s32 $0xFFFFE000  }
0xac: {  	[spmem:s3] =	stream.indirect.scatter.add.f32 [tilespmem:s28], [sflag:$0x3], $0x40, s1, s26, $0xb8;
	[tilespmem:$0x1D000] =	vst v63  }
0xad: {  	_ =	swait.ge [sflag:s23], $0x2000  }
0xae: {  	[sflag:s23] =	ssyncset.done $0x0  }
0xaf: {  	[sflag:s23] =	ssyncadd.s32 $0xFFFFE000  }
0xb0: {  	s0 =	sshrl.u32 s7, $0x3;
	[bflag:$0x0] =	sbarrier.arrive $0xFFFF  }
0xb1: {  	[hbm:s16], [sflag:s6] =	dma.local [spmem:s0], $0x400  }
0xb2: {  	_ =	swait.ge [sflag:s23], $0x400  }
0xb3: {  	[sflag:s23] =	ssyncset.done $0x0  }
0xb4: {  	s5 =	sshrl.u32 s8, $0x3;
	[sflag:s23] =	ssyncadd.s32 $0xFFFFFC00  }
0xb5: {  	[hbm:s17], [sflag:s6] =	dma.local [spmem:s5], $0x400  }
0xb6: {  	_ =	swait.ge [sflag:s23], $0x400  }
0xb7: {  	[sflag:s23] =	ssyncset.done $0x0  }
0xb8: {  	s12 =	sshrl.u32 s9, $0x3;
	[sflag:s23] =	ssyncadd.s32 $0xFFFFFC00  }
0xb9: {  	[hbm:s18], [sflag:s6] =	dma.local [spmem:s12], $0x400  }
0xba: {  	_ =	swait.ge [sflag:s23], $0x400  }
0xbb: {  	[sflag:s23] =	ssyncset.done $0x0  }
0xbc: {  	s5 =	sshrl.u32 s10, $0x3;
	[sflag:s23] =	ssyncadd.s32 $0xFFFFFC00  }
0xbd: {  	[hbm:s19], [sflag:s6] =	dma.local [spmem:s5], $0x400  }
0xbe: {  	s4 =	sadd.s32 $0x1, s4;
	_ =	swait.ge [sflag:s23], $0x400  }
0xbf: {  	p0 =	sne.s32 s4, s21;
	[sflag:s23] =	ssyncset.done $0x0  }
.Ltmp3:
0xc0: {  	s12 =	sshrl.u32 s11, $0x3;
	[sflag:s23] =	ssyncadd.s32 $0xFFFFFC00;
	(pc) =	sbr.rel @p0 .LBB2_1-.Ltmp3, $4  }
0xc1: {  	[hbm:s20], [sflag:s6] =	dma.local [spmem:s12], $0x400  }
0xc2: {  	_ =	swait.ge [sflag:s23], $0x400  }
0xc3: {  	[sflag:s23] =	ssyncset.done $0x0  }
0xc4: {  	[sflag:s23] =	ssyncadd.s32 $0xFFFFFC00  }
0xc5: {  	_ =	sfence.sel $0x180000  }
0xc6: {  	[bflag:$0x0] =	sbarrier.arrive $0xFFFF  }
0xc7: {  	_ =	strace $0x9000004D  }
0xc8: {  	s0 =	stileid.u32;
	[bflag:$0x2] =	sbarrier.arrive $0xFFFF  }
0xc9: {  	p0 =	sne.s32 s0, $0x0;
	s0 =	rddreg [dreg:$0x3]  }
0xca: {  	s0 =	sadd.s32 @!p0 $0x100000, s0  }
0xcb: {  	[sflag:s0] =	ssyncadd.tile.s32 @!p0 $0x1;
	_ =	shalt  }
.Lfunc_end2:
_tile_overlayer_lowered:
.L_overlay_start_2:
0xcc: {  	(tag) =	ssettag $0x2  }
0xcd: {  	s0 =	rddreg [dreg:$0x0];
	s2 =	stileid.u32  }
0xce: {  	s1 =	rddreg [dreg:$0x1];
	p0 =	sne.s32 s2, $0x0  }
0xcf: {  	s3 =	rddreg [dreg:$0x2];
	[bflag:$0x3] =	sbarrier.arrive $0xFFFF;
	s2 =	simm.s32 @!p0 $0x1C03  }
0xd0: {  	[timem:s3], [sflag:s2] =	dma.local @!p0 [hbm:s0], s1  }
0xd1: {  	s0 =	simm.s32 @!p0 $0x3  }
0xd2: {  	_ =	swait.ge @!p0 [sflag:s0], s1  }
0xd3: {  	s1 =	ssub.s32 @!p0 $0x0, s1;
	[sflag:s0] =	ssyncset.done @!p0 $0x0  }
0xd4: {  	[sflag:s0] =	ssyncadd.s32 @!p0 s1  }
0xd5: {  	[bflag:$0x3] =	sbarrier.arrive $0xFFFF  }
0xd6: {  	_ =	shalt  }

// kernel: kernel.22.cloned.1.call-start
scs
__scs_entry_jumppad:
0x0: {  	(pc) =	sbr.rel $0x88, $3  }
0x1: {  	(tag) =	ssettag $0x0;
	lr =	simm.s32 $0x1  }
0x2: {  	[smem:$0x3F9B] =	sst lr;
	_ =	strace $0xD0000000  }
0x3: {  	_ = 	snop  }
0x4: {  	_ = 	snop  }
0x5: {  	_ = 	snop  }
0x6: {  	_ = 	snop  }
0x7: {  	_ = 	snop  }
__scs_overlays_trampoline_lowered:
0x8: {  	[smem:$0x3FAA] =	sst s0  }
0x9: {  	[smem:$0x3FAB] =	sst s1  }
0xa: {  	[smem:$0x3FAC] =	sst s2  }
0xb: {  	[smem:$0x3FAD] =	sst s3  }
0xc: {  	[smem:$0x3FAE] =	sst s4  }
0xd: {  	[smem:$0x3FAF] =	sst s5  }
0xe: {  	[smem:$0x3FB0] =	sst s6  }
0xf: {  	[smem:$0x3FB1] =	sst s7  }
0x10: {  	[smem:$0x3FB2] =	sst s8  }
0x11: {  	[smem:$0x3FB3] =	sst s9;
	s0 =	simm.s32 @!p0 $0x0  }
0x12: {  	s1 =	sld [smem:$0x3F99];
	s0 =	simm.s32 @p0 $0x1  }
0x13: {  	[smem:$0x3FB4] =	sst s0;
	s0 =	simm.s32 @!p1 $0x0  }
0x14: {  	s2 =	sld [smem:$0x3F98];
	s0 =	simm.s32 @p1 $0x1  }
0x15: {  	[smem:$0x3FB5] =	sst s0;
	s0 =	simm.s32 @!p2 $0x0  }
0x16: {  	s3 =	sld [smem:$0x3FDB];
	s0 =	simm.s32 @p2 $0x1  }
0x17: {  	s4 =	simm.s32 $0x1BF5;
	[smem:$0x3FB7] =	sst s0  }
0x18: {  	s0 =	sld [smem:$0x3F9A];
	_ =	swait.ge [sflag:s4], $0x0  }
0x19: {  	s7 =	sld [smem:$0x3F9B]  }
0x1a: {  	s8 =	sadd.s32 $0xFFFFE003, lr  }
0x1b: {  	s9 =	sadd.s32 $0xFFFFFEF7, lr;
	s5 =	simm.s32 $0xFFFFFFFF;
	p2 =	slt.u32 s8, $0xFFFFF086  }
0x1c: {  	p1 =	slt.u32 s9, $0xF7A;
	s5 =	simm.s32 @!p2 $0x0  }
0x1d: {  	s5 =	simm.s32 @p1 $0x1;
	p0 =	seq.s32 s7, s2  }
0x1e: {  	s7 =	smul.u32 @!p0 $0xF7A, s2;
	p2 =	seq.s32 @!p0 s5, $0x0  }
0x1f: {  	s9 =	smul.u32 $0xF7A, s1;
	s8 =	simm.s32 @!p0 $0x1BF5;
	p2 =	por !p2, p0  }
0x20: {  	[sflag:s8] =	ssyncset.s32 @!p0 $0xFFFFF086;
	s6 =	sadd.s32 @!p0 s3, s7;
	s7 =	simm.s32 @!p0 $0x108  }
0x21: {  	s3 =	sadd.s32 s3, s9;
	s6 =	sadd.s32 @!p0 $0x88, s6;
	s7 =	simm.s32 @p2 $0x1082  }
0x22: {  	[simem:s7], [sflag:s8] =	dma.local @!p0 [hbm:s6], $0xF7A  }
0x23: {  	s9 =	sor.u32 $0xD0000000, s2;
	s6 =	simm.s32 $0x108;
	_ =	swait.ge @!p0 [sflag:s8], $0x0  }
0x24: {  	s3 =	sadd.s32 $0x88, s3;
	s6 =	simm.s32 @!p1 $0x1082;
	[sflag:s4] =	ssyncset.s32 $0xFFFFF086  }
0x25: {  	[simem:s6], [sflag:s4] =	dma.local [hbm:s3], $0xF7A  }
0x26: {  	[smem:$0x3F9B] =	sst s1;
	(tag) =	ssettag s2;
	_ =	strace s9  }
0x27: {  	s1 =	sld [smem:$0x3FAB]  }
0x28: {  	s2 =	sld [smem:$0x3FAC]  }
0x29: {  	s4 =	sld [smem:$0x3FAE]  }
0x2a: {  	p0 =	seq.s32 s5, $0x0;
	s5 =	sld [smem:$0x3FAF]  }
0x2b: {  	s6 =	sld [smem:$0x3FB0]  }
0x2c: {  	s7 =	sld [smem:$0x3FB1]  }
0x2d: {  	s3 =	simm.s32 $0x108;
	s8 =	sld [smem:$0x3FB2]  }
0x2e: {  	s3 =	simm.s32 @!p0 $0x1082;
	s9 =	sld [smem:$0x3FB3]  }
0x2f: {  	lr =	sadd.s32 s0, s3;
	s0 =	sld [smem:$0x3FAA]  }
0x30: {  	s3 =	sld [smem:$0x3FAD]  }
0x31: {  	[smem:$0x3FB6] =	sst s10  }
0x32: {  	s10 =	sld [smem:$0x3FB4];
	_ =	sdelay $0x3  }
0x33: {  	p0 =	seq.s32 s10, $0x1;
	s10 =	sld [smem:$0x3FB6];
	_ =	sdelay $0x3  }
0x34: {  	[smem:$0x3FB6] =	sst s10  }
0x35: {  	s10 =	sld [smem:$0x3FB5];
	_ =	sdelay $0x3  }
0x36: {  	p1 =	seq.s32 s10, $0x1;
	s10 =	sld [smem:$0x3FB6];
	_ =	sdelay $0x3  }
0x37: {  	[smem:$0x3FB6] =	sst s10  }
0x38: {  	s10 =	sld [smem:$0x3FB7]  }
0x39: {  	_ = 	snop;
	(pc) =	sbr.ind lr, $3  }
0x3a: {  	_ = 	snop  }
0x3b: {  	_ = 	snop  }
0x3c: {  	p2 =	seq.s32 s10, $0x1;
	s10 =	sld [smem:$0x3FB6]  }
0x3d: {  	_ =	shalt  }
0x3e: {  	_ =	shalt  }
0x3f: {  	_ =	shalt  }
0x40: {  	_ =	shalt  }
0x41: {  	_ =	shalt  }
0x42: {  	_ =	shalt  }
0x43: {  	_ =	shalt  }
0x44: {  	_ =	shalt  }
0x45: {  	_ =	shalt  }
0x46: {  	_ =	shalt  }
0x47: {  	_ =	shalt  }
0x48: {  	_ =	shalt  }
0x49: {  	_ =	shalt  }
0x4a: {  	_ =	shalt  }
0x4b: {  	_ =	shalt  }
0x4c: {  	_ =	shalt  }
0x4d: {  	_ =	shalt  }
0x4e: {  	_ =	shalt  }
0x4f: {  	_ =	shalt  }
0x50: {  	_ =	shalt  }
0x51: {  	_ =	shalt  }
0x52: {  	_ =	shalt  }
0x53: {  	_ =	shalt  }
0x54: {  	_ =	shalt  }
0x55: {  	_ =	shalt  }
0x56: {  	_ =	shalt  }
0x57: {  	_ =	shalt  }
0x58: {  	_ =	shalt  }
0x59: {  	_ =	shalt  }
0x5a: {  	_ =	shalt  }
0x5b: {  	_ =	shalt  }
0x5c: {  	_ =	shalt  }
0x5d: {  	_ =	shalt  }
0x5e: {  	_ =	shalt  }
0x5f: {  	_ =	shalt  }
0x60: {  	_ =	shalt  }
0x61: {  	_ =	shalt  }
0x62: {  	_ =	shalt  }
0x63: {  	_ =	shalt  }
0x64: {  	_ =	shalt  }
0x65: {  	_ =	shalt  }
0x66: {  	_ =	shalt  }
0x67: {  	_ =	shalt  }
0x68: {  	_ =	shalt  }
0x69: {  	_ =	shalt  }
0x6a: {  	_ =	shalt  }
0x6b: {  	_ =	shalt  }
0x6c: {  	_ =	shalt  }
0x6d: {  	_ =	shalt  }
0x6e: {  	_ =	shalt  }
0x6f: {  	_ =	shalt  }
0x70: {  	_ =	shalt  }
0x71: {  	_ =	shalt  }
0x72: {  	_ =	shalt  }
0x73: {  	_ =	shalt  }
0x74: {  	_ =	shalt  }
0x75: {  	_ =	shalt  }
0x76: {  	_ =	shalt  }
0x77: {  	_ =	shalt  }
0x78: {  	_ =	shalt  }
0x79: {  	_ =	shalt  }
0x7a: {  	_ =	shalt  }
0x7b: {  	_ =	shalt  }
0x7c: {  	_ =	shalt  }
0x7d: {  	_ =	shalt  }
0x7e: {  	_ =	shalt  }
0x7f: {  	_ =	shalt  }
0x80: {  	_ =	shalt  }
0x81: {  	_ =	shalt  }
0x82: {  	_ =	shalt  }
0x83: {  	_ =	shalt  }
0x84: {  	_ =	shalt  }
0x85: {  	_ =	shalt  }
0x86: {  	_ =	shalt  }
0x87: {  	_ =	shalt  }
.Lfunc_end0:
.L_simem_size_0:
called_computation.3_lowered:
.L_overlay_start_0:
0x88: {  	s2 =	sld [smem:$0x3FD9]  }
0x89: {  	s3 =	sld [smem:$0x3FFE];
	_ =	sdelay $0x1  }
0x8a: {  	s1 =	srdreg.scid  }
0x8b: {  	s0 =	sand.u32 $0x1, s1  }
0x8c: {  	s16 =	sshll.u32 s0, $0xA;
	s2 =	sadd.s32 s3, s2  }
0x8d: {  	s2 =	sadd.s32 s2, s16  }
0x8e: {  	[smem:$0x3FC2] =	sst s2  }
0x8f: {  	_ = 	snop  }
0x90: {  	(tm) =	ssettm $0x1  }
0x91: {  	s17 =	sld [smem:$0x3FFB];
	_ =	sdelay $0x3  }
0x92: {  	_ =	strace s17  }
0x93: {  	s2 =	sld [smem:$0x3FFC];
	_ =	sdelay $0x3  }
0x94: {  	_ =	strace s2  }
0x95: {  	s2 =	sld [smem:$0x3FFD];
	_ =	sdelay $0x3  }
0x96: {  	_ =	strace s2  }
0x97: {  	_ =	strace $0x8FFFFFFF  }
0x98: {  	s18 =	sld [smem:$0x3FDB];
	_ =	sdelay $0x1  }
0x99: {  	s19 =	simm.s32 $_scs_section_size  }
0x9a: {  	s4 =	simm.s32 $_size__tile_overlayer_lowered;
	s5 =	simm.s32 $_tile_overlayer_lowered  }
0x9b: {  	s22 =	simm.s32 $0x1BFF;
	s21 =	sshll.u32 s5, $0x1;
	s2 =	sadd.s32 s19, s18  }
0x9c: {  	s6 =	simm.s32 $0x0;
	s20 =	sshll.u32 s4, $0x1;
	s4 =	sadd.s32 s21, s2  }
0x9d: {  	[timem:s6], [sflag:s22] =	dma.local [hbm:s4], s20  }
0x9e: {  	_ =	swait.ge [sflag:s22], s20  }
0x9f: {  	s3 =	ssub.s32 $0x0, s20;
	[sflag:s22] =	ssyncset.done $0x0  }
0xa0: {  	[sflag:s22] =	ssyncadd.s32 s3;
	_ =	sdelay $0x1  }
0xa1: {  	s23 =	simm.s32 $0x1B8B  }
0xa2: {  	_ =	swait.ge [sflag:s23], $0x1  }
0xa3: {  	[sflag:s23] =	ssyncset.done $0x0  }
0xa4: {  	s25 =	simm.s32 $0x1B8E;
	s24 =	sld [smem:$0x3FFE];
	[sflag:s23] =	ssyncadd.s32 $0xFFFFFFFF  }
0xa5: {  	s26 =	simm.s32 $execute0_lowered;
	[smem:$0x3FD2] =	sst s25  }
0xa6: {  	s4 =	sshll.u32 s26, $0x1;
	_ =	strace $0x8000004F;
	[dreg:$0x1] =	wrdreg $0xFFFFFFFF  }
0xa7: {  	s28 =	simm.s32 $_size_execute0_lowered;
	s2 =	sadd.s32 s2, s4;
	[dreg:$0x0] =	wrdreg $0x0  }
0xa8: {  	s4 =	sshll.u32 s28, $0x1;
	[dreg:$0x2] =	wrdreg s2  }
0xa9: {  	[dreg:$0x3] =	wrdreg s4  }
0xaa: {  	[dreg:$0x4] =	wrdreg $0xC0  }
0xab: {  	_ =	task [dreg:s6], $0x5FFFF  }
0xac: {  	[dreg:$0x1] =	wrdreg $0xFFFFFFFF  }
0xad: {  	[dreg:$0x0] =	wrdreg $0x60  }
0xae: {  	[dreg:$0x2] =	wrdreg s24  }
0xaf: {  	[dreg:$0x3] =	wrdreg $0x90000  }
0xb0: {  	[dreg:$0x4] =	wrdreg $0x130000  }
0xb1: {  	[dreg:$0x5] =	wrdreg $0x9  }
0xb2: {  	_ =	task.clear_ibuf [dreg:s6], $0x6FFFF;
	_ =	strace $0x9000004F  }
0xb3: {  	s29 =	simm.s32 $0x9;
	_ =	strace $0x80000051  }
0xb4: {  	_ =	swait.ge [sflag:s29], $0x1  }
0xb5: {  	[sflag:s29] =	ssyncadd.s32 $0xFFFFFFFF  }
0xb6: {  	_ =	strace $0x90000051  }
0xb7: {  	_ =	sfence  }
0xb8: {  	s30 =	sld [smem:$0x0];
	_ =	sdelay $0x2  }
0xb9: {  	s31 =	sshll.u32 s1, $0xD;
	s1 =	sshrl.u32 s1, $0x2  }
0xba: {  	s3 =	sand.u32 $0x4000, s31;
	s1 =	sadd.s32 s1, s30  }
0xbb: {  	s0 =	sor.u32 s3, s0;
	s1 =	sshll.u32 s1, $0x11  }
0xbc: {  	s0 =	sor.u32 s1, s0  }
0xbd: {  	s0 =	sadd.s32 $0x8F2B, s0  }
0xbe: {  	[sflag:s0] =	ssyncadd.remote.s32 $0x1  }
0xbf: {  	_ =	sfence.sel $0xFFFF  }
0xc0: {  	[dreg:$0x0] =	wrdreg $0xFFFFFFFF;
	(pc) =	sbr.abs _section_cstart, $3  }
0xc1: {  	[dreg:$0x1] =	wrdreg $0xFFFFFFFF  }
0xc2: {  	_ =	task.clear_ibuf [dreg:s6], $0x2FFFF;
	_ =	strace $0x9FFFFFFF  }
0xc3: {  	(tm) =	ssettm $0x7FFFFFFF  }
tec
execute0_lowered:
.L_overlay_start_1:
0x0: {  	(tag) =	ssettag $0x1  }
0x1: {  	s0 =	rddreg [dreg:$0x0];
	s1 =	srdreg.scid  }
0x2: {  	s10 =	stileid.u32;
	s2 =	rddreg [dreg:$0x1]  }
0x3: {  	s3 =	rddreg [dreg:$0x2];
	s4 =	simm.s32 $0x0;
	s23 =	simm.s32 $0x3  }
0x4: {  	s24 =	simm.s32 $0x5000;
	s25 =	simm.s32 $0x2800;
	s28 =	simm.s32 $0x7000  }
0x5: {  	s29 =	simm.s32 $0x1;
	s30 =	simm.s32 $0x2;
	s31 =	simm.s32 $0x4F00  }
0x6: {  	s1 =	sand.u32 $0x1, s1;
	s5 =	smul.u32 $0xA000, s10;
	[smem:$0x7FF] =	sst s4  }
0x7: {  	s14 =	sadd.s32 $0xCA00, s0;
	s15 =	sadd.s32 $0x2A00, s0;
	s11 =	smul.u32 $0x5000, s10  }
0x8: {  	s26 =	sshll.u32 s10, $0x6;
	s18 =	smul.u32 $0xA0000, s1;
	s1 =	ssub.s32 $0x2, s1  }
0x9: {  	s13 =	smul.u32 $0xA00, s10;
	_ =	strace $0x80000050;
	s7 =	sshrl.u32 s1, $0x1  }
0xa: {  	s22 =	sadd.s32 s5, s2;
	s17 =	sadd.s32 $0x2000, s5;
	s19 =	sadd.s32 $0x4000, s5  }
0xb: {  	s20 =	sadd.s32 $0x6000, s5;
	s21 =	sshrl.u32 s11, $0x3;
	s12 =	sadd.s32 s14, s13  }
0xc: {  	s13 =	sadd.s32 s15, s13;
	s6 =	sadd.s32 s5, s18;
	s1 =	ssub.s32 s1, s7  }
0xd: {  	s7 =	sadd.s32 s5, s3;
	s8 =	sadd.s32 s17, s3;
	s9 =	sadd.s32 s19, s3  }
0xe: {  	s10 =	sadd.s32 s20, s3;
	s5 =	sadd.s32 $0x8000, s5;
	[dreg:$0x5] =	wrdreg s12  }
0xf: {  	s21 =	sadd.s32 $0x500, s21;
	s17 =	sadd.s32 s18, s17;
	s19 =	sadd.s32 s18, s19  }
0x10: {  	s20 =	sadd.s32 s18, s20;
	s22 =	sshrl.u32 s22, $0x3;
	s16 =	sshrl.u32 s6, $0x3  }
0x11: {  	s11 =	sadd.s32 s5, s3;
	s14 =	sadd.s32 s14, s21;
	s15 =	sadd.s32 s15, s21  }
0x12: {  	s17 =	sshrl.u32 s17, $0x3;
	s19 =	sshrl.u32 s19, $0x3;
	s20 =	sshrl.u32 s20, $0x3  }
0x13: {  	s5 =	sadd.s32 s18, s5;
	s21 =	smax.u32 s1, $0x1;
	s1 =	simm.s32 $0x4F80  }
0x14: {  	s6 =	sadd.s32 s16, s0;
	s0 =	sadd.s32 $0x3EA00, s0;
	s5 =	sshrl.u32 s5, $0x3  }
0x15: {  	s6 =	sadd.s32 $0x16A00, s6;
	s16 =	sadd.s32 s0, s16;
	s17 =	sadd.s32 s0, s17  }
0x16: {  	s18 =	sadd.s32 s0, s19;
	s19 =	sadd.s32 s0, s20;
	s20 =	sadd.s32 s0, s5  }
0x17: {  	v0 =	vimm.f32 $0.0e+00;
	[dreg:$0x4] =	wrdreg s6;
	s6 =	sor.u32 $0x1C03, s26;
	s26 =	simm.s32 $0x80  }
.LBB2_1:
0x18: {  	s0 =	rddreg [dreg:$0x4]  }
0x19: {  	[spmem:s22], [sflag:s6] =	dma.local [hbm:s0], $0x1400  }
0x1a: {  	_ =	swait.ge [sflag:s23], $0x1400  }
0x1b: {  	[sflag:s23] =	ssyncset.done $0x0  }
0x1c: {  	s5 =	simm.s32 $0x100;
	s0 =	simm.s32 $0x0;
	[sflag:s23] =	ssyncadd.s32 $0xFFFFEC00  }
.LBB2_2:
0x1d: {  	p0 =	sne.s32 s5, $0x7F00;
	[tilespmem:s0+$0x5030] =	vst v0;
	s12 =	smov.u32 s5;
	s5 =	sadd.s32 $0x100, s5  }
.Ltmp0:
0x1e: {  	[tilespmem:s0+$0x5020] =	vst v0;
	(pc) =	sbr.rel @p0 .LBB2_2-.Ltmp0, $3  }
0x1f: {  	[tilespmem:s0+$0x5000] =	vst v0  }
0x20: {  	[tilespmem:s0+$0x5010] =	vst v0;
	_ =	sdelay $0x1  }
0x21: {  	s0 =	sshra.s32 s12, $0x2  }
0x22: {  	[tilespmem:s0+$0x5030] =	vst v0  }
0x23: {  	[tilespmem:s0+$0x5020] =	vst v0  }
0x24: {  	[tilespmem:s0+$0x5000] =	vst v0  }
0x25: {  	[tilespmem:s0+$0x5010] =	vst v0  }
0x26: {  	[spmem:s7] =	stream.linear.scatter [tilespmem:s24], [sflag:$0x3], $0x2000, $0x38;
	[tilespmem:$0x1D000] =	vst v63  }
0x27: {  	_ =	swait.ge [sflag:s23], $0x2000  }
0x28: {  	[sflag:s23] =	ssyncset.done $0x0  }
0x29: {  	[sflag:s23] =	ssyncadd.s32 $0xFFFFE000  }
0x2a: {  	[spmem:s8] =	stream.linear.scatter [tilespmem:s24], [sflag:$0x3], $0x2000, $0x38;
	[tilespmem:$0x1D000] =	vst v63  }
0x2b: {  	_ =	swait.ge [sflag:s23], $0x2000  }
0x2c: {  	[sflag:s23] =	ssyncset.done $0x0  }
0x2d: {  	[sflag:s23] =	ssyncadd.s32 $0xFFFFE000  }
0x2e: {  	[spmem:s9] =	stream.linear.scatter [tilespmem:s24], [sflag:$0x3], $0x2000, $0x38;
	[tilespmem:$0x1D000] =	vst v63  }
0x2f: {  	_ =	swait.ge [sflag:s23], $0x2000  }
0x30: {  	[sflag:s23] =	ssyncset.done $0x0  }
0x31: {  	[sflag:s23] =	ssyncadd.s32 $0xFFFFE000  }
0x32: {  	[spmem:s10] =	stream.linear.scatter [tilespmem:s24], [sflag:$0x3], $0x2000, $0x38;
	[tilespmem:$0x1D000] =	vst v63  }
0x33: {  	_ =	swait.ge [sflag:s23], $0x2000  }
0x34: {  	[sflag:s23] =	ssyncset.done $0x0  }
0x35: {  	[sflag:s23] =	ssyncadd.s32 $0xFFFFE000  }
0x36: {  	[spmem:s11] =	stream.linear.scatter [tilespmem:s24], [sflag:$0x3], $0x2000, $0x38;
	[tilespmem:$0x1D000] =	vst v63  }
0x37: {  	_ =	swait.ge [sflag:s23], $0x2000  }
0x38: {  	[sflag:s23] =	ssyncset.done $0x0  }
0x39: {  	[sflag:s23] =	ssyncadd.s32 $0xFFFFE000  }
0x3a: {  	[bflag:$0x0] =	sbarrier.arrive $0xFFFF  }
0x3b: {  	s12 =	simm.s32 $0x0;
	s5 =	rddreg [dreg:$0x5]  }
0x3c: {  	[tilespmem:s12], [sflag:$0x3] =	stream.linear.gather [hbm4b:s5+s12], $0x2800, $0x38;
	[tilespmem:$0x1D000] =	vst v63  }
0x3d: {  	_ =	swait.ge [sflag:s23], $0x2800  }
0x3e: {  	[sflag:s23] =	ssyncset.done $0x0  }
0x3f: {  	[sflag:s23] =	ssyncadd.s32 $0xFFFFD800  }
0x40: {  	[tilespmem:s25], [sflag:$0x3] =	stream.linear.gather [hbm4b:s13+s12], $0x2800, $0x38;
	[tilespmem:$0x1D000] =	vst v63  }
0x41: {  	_ =	swait.ge [sflag:s23], $0x2800  }
0x42: {  	[sflag:s23] =	ssyncset.done $0x0  }
0x43: {  	[sflag:s23] =	ssyncadd.s32 $0xFFFFD800  }
0x44: {  	[tilespmem:s24], [sflag:$0x1] =	stream.indirect.gather [spmem:s2], $0x40, s12, s26, $0xb8;
	[tilespmem:$0x1D000] =	vst v63  }
0x45: {  	_ = 	snop  }
0x46: {  	[tilespmem:s28], [sflag:$0x2] =	stream.indirect.gather [spmem:s2], $0x40, s26, s26, $0xb8;
	[tilespmem:$0x1D000] =	vst v63  }
0x47: {  	_ =	swait.ge [sflag:s29], $0x2000  }
0x48: {  	[sflag:s29] =	ssyncset.done $0x0  }
0x49: {  	s12 =	simm.s32 $0x2800;
	[sflag:s29] =	ssyncadd.s32 $0xFFFFE000  }
0x4a: {  	[spmem:s3] =	stream.indirect.scatter.add.f32 [tilespmem:s24], [sflag:$0x3], $0x40, s12, s26, $0xb8;
	[tilespmem:$0x1D000] =	vst v63  }
0x4b: {  	_ =	swait.ge [sflag:s23], $0x2000  }
0x4c: {  	[sflag:s23] =	ssyncset.done $0x0  }
0x4d: {  	s5 =	simm.s32 $0x100;
	[sflag:s23] =	ssyncadd.s32 $0xFFFFE000  }
0x4e: {  	[tilespmem:s24], [sflag:$0x1] =	stream.indirect.gather [spmem:s2], $0x40, s5, s26, $0xb8;
	[tilespmem:$0x1D000] =	vst v63  }
0x4f: {  	_ =	swait.ge [sflag:s30], $0x2000  }
0x50: {  	[sflag:s30] =	ssyncset.done $0x0  }
0x51: {  	s12 =	simm.s32 $0x2880;
	[sflag:s30] =	ssyncadd.s32 $0xFFFFE000  }
0x52: {  	[spmem:s3] =	stream.indirect.scatter.add.f32 [tilespmem:s28], [sflag:$0x3], $0x40, s12, s26, $0xb8;
	[tilespmem:$0x1D000] =	vst v63  }
0x53: {  	_ =	swait.ge [sflag:s23], $0x2000  }
0x54: {  	[sflag:s23] =	ssyncset.done $0x0  }
0x55: {  	s0 =	simm.s32 $0x400;
	s5 =	simm.s32 $0x180;
	[sflag:s23] =	ssyncadd.s32 $0xFFFFE000  }
.LBB2_4:
0x56: {  	[tilespmem:s28], [sflag:$0x2] =	stream.indirect.gather [spmem:s2], $0x40, s5, s26, $0xb8;
	[tilespmem:$0x1D000] =	vst v63  }
0x57: {  	s5 =	smov.u32 s0  }
0x58: {  	p0 =	sne.s32 s0, $0x9800;
	s0 =	sadd.s32 $0x400, s0;
	_ =	swait.ge [sflag:s29], $0x2000  }
0x59: {  	s5 =	sshra.s32 s5, $0x2;
	[sflag:s29] =	ssyncset.done $0x0  }
0x5a: {  	s12 =	sadd.s32 $0x2800, s5;
	[sflag:s29] =	ssyncadd.s32 $0xFFFFE000  }
0x5b: {  	[spmem:s3] =	stream.indirect.scatter.add.f32 [tilespmem:s24], [sflag:$0x3], $0x40, s12, s26, $0xb8;
	[tilespmem:$0x1D000] =	vst v63  }
0x5c: {  	_ =	swait.ge [sflag:s23], $0x2000  }
0x5d: {  	[sflag:s23] =	ssyncset.done $0x0  }
0x5e: {  	s12 =	sadd.s32 $0x100, s5;
	[sflag:s23] =	ssyncadd.s32 $0xFFFFE000  }
0x5f: {  	[tilespmem:s24], [sflag:$0x1] =	stream.indirect.gather [spmem:s2], $0x40, s12, s26, $0xb8;
	[tilespmem:$0x1D000] =	vst v63  }
0x60: {  	_ =	swait.ge [sflag:s30], $0x2000  }
0x61: {  	[sflag:s30] =	ssyncset.done $0x0  }
.Ltmp1:
0x62: {  	s12 =	sadd.s32 $0x2880, s5;
	[sflag:s30] =	ssyncadd.s32 $0xFFFFE000;
	(pc) =	sbr.rel @p0 .LBB2_4-.Ltmp1, $4  }
0x63: {  	[spmem:s3] =	stream.indirect.scatter.add.f32 [tilespmem:s28], [sflag:$0x3], $0x40, s12, s26, $0xb8;
	[tilespmem:$0x1D000] =	vst v63  }
0x64: {  	_ =	swait.ge [sflag:s23], $0x2000  }
0x65: {  	[sflag:s23] =	ssyncset.done $0x0  }
0x66: {  	s5 =	sadd.s32 $0x180, s5;
	[sflag:s23] =	ssyncadd.s32 $0xFFFFE000  }
0x67: {  	[tilespmem:s28], [sflag:$0x2] =	stream.indirect.gather [spmem:s2], $0x40, s5, s26, $0xb8;
	[tilespmem:$0x1D000] =	vst v63  }
0x68: {  	_ =	swait.ge [sflag:s29], $0x2000  }
0x69: {  	[sflag:s29] =	ssyncset.done $0x0  }
0x6a: {  	[sflag:s29] =	ssyncadd.s32 $0xFFFFE000  }
0x6b: {  	[spmem:s3] =	stream.indirect.scatter.add.f32 [tilespmem:s24], [sflag:$0x3], $0x40, s31, s26, $0xb8;
	[tilespmem:$0x1D000] =	vst v63  }
0x6c: {  	_ =	swait.ge [sflag:s23], $0x2000  }
0x6d: {  	[sflag:s23] =	ssyncset.done $0x0  }
0x6e: {  	[sflag:s23] =	ssyncadd.s32 $0xFFFFE000  }
0x6f: {  	_ =	swait.ge [sflag:s30], $0x2000  }
0x70: {  	[sflag:s30] =	ssyncset.done $0x0  }
0x71: {  	[sflag:s30] =	ssyncadd.s32 $0xFFFFE000  }
0x72: {  	[spmem:s3] =	stream.indirect.scatter.add.f32 [tilespmem:s28], [sflag:$0x3], $0x40, s1, s26, $0xb8;
	[tilespmem:$0x1D000] =	vst v63  }
0x73: {  	_ =	swait.ge [sflag:s23], $0x2000  }
0x74: {  	[sflag:s23] =	ssyncset.done $0x0  }
0x75: {  	s0 =	simm.s32 $0x0;
	[sflag:s23] =	ssyncadd.s32 $0xFFFFE000  }
0x76: {  	[tilespmem:s0], [sflag:$0x3] =	stream.linear.gather [hbm4b:s14+s0], $0x2800, $0x38;
	[tilespmem:$0x1D000] =	vst v63  }
0x77: {  	_ =	swait.ge [sflag:s23], $0x2800  }
0x78: {  	[sflag:s23] =	ssyncset.done $0x0  }
0x79: {  	[sflag:s23] =	ssyncadd.s32 $0xFFFFD800  }
0x7a: {  	[tilespmem:s25], [sflag:$0x3] =	stream.linear.gather [hbm4b:s15+s0], $0x2800, $0x38;
	[tilespmem:$0x1D000] =	vst v63  }
0x7b: {  	_ =	swait.ge [sflag:s23], $0x2800  }
0x7c: {  	[sflag:s23] =	ssyncset.done $0x0  }
0x7d: {  	[sflag:s23] =	ssyncadd.s32 $0xFFFFD800  }
0x7e: {  	[tilespmem:s24], [sflag:$0x1] =	stream.indirect.gather [spmem:s2], $0x40, s0, s26, $0xb8;
	[tilespmem:$0x1D000] =	vst v63  }
0x7f: {  	_ = 	snop  }
0x80: {  	[tilespmem:s28], [sflag:$0x2] =	stream.indirect.gather [spmem:s2], $0x40, s26, s26, $0xb8;
	[tilespmem:$0x1D000] =	vst v63  }
0x81: {  	_ =	swait.ge [sflag:s29], $0x2000  }
0x82: {  	[sflag:s29] =	ssyncset.done $0x0  }
0x83: {  	s12 =	simm.s32 $0x2800;
	[sflag:s29] =	ssyncadd.s32 $0xFFFFE000  }
0x84: {  	[spmem:s3] =	stream.indirect.scatter.add.f32 [tilespmem:s24], [sflag:$0x3], $0x40, s12, s26, $0xb8;
	[tilespmem:$0x1D000] =	vst v63  }
0x85: {  	_ =	swait.ge [sflag:s23], $0x2000  }
0x86: {  	[sflag:s23] =	ssyncset.done $0x0  }
0x87: {  	s5 =	simm.s32 $0x100;
	[sflag:s23] =	ssyncadd.s32 $0xFFFFE000  }
0x88: {  	[tilespmem:s24], [sflag:$0x1] =	stream.indirect.gather [spmem:s2], $0x40, s5, s26, $0xb8;
	[tilespmem:$0x1D000] =	vst v63  }
0x89: {  	_ =	swait.ge [sflag:s30], $0x2000  }
0x8a: {  	[sflag:s30] =	ssyncset.done $0x0  }
0x8b: {  	s12 =	simm.s32 $0x2880;
	[sflag:s30] =	ssyncadd.s32 $0xFFFFE000  }
0x8c: {  	[spmem:s3] =	stream.indirect.scatter.add.f32 [tilespmem:s28], [sflag:$0x3], $0x40, s12, s26, $0xb8;
	[tilespmem:$0x1D000] =	vst v63  }
0x8d: {  	_ =	swait.ge [sflag:s23], $0x2000  }
0x8e: {  	[sflag:s23] =	ssyncset.done $0x0  }
0x8f: {  	s0 =	simm.s32 $0x400;
	s5 =	simm.s32 $0x180;
	[sflag:s23] =	ssyncadd.s32 $0xFFFFE000  }
.LBB2_6:
0x90: {  	[tilespmem:s28], [sflag:$0x2] =	stream.indirect.gather [spmem:s2], $0x40, s5, s26, $0xb8;
	[tilespmem:$0x1D000] =	vst v63  }
0x91: {  	s5 =	smov.u32 s0  }
0x92: {  	p0 =	sne.s32 s0, $0x9800;
	s0 =	sadd.s32 $0x400, s0;
	_ =	swait.ge [sflag:s29], $0x2000  }
0x93: {  	s5 =	sshra.s32 s5, $0x2;
	[sflag:s29] =	ssyncset.done $0x0  }
0x94: {  	s12 =	sadd.s32 $0x2800, s5;
	[sflag:s29] =	ssyncadd.s32 $0xFFFFE000  }
0x95: {  	[spmem:s3] =	stream.indirect.scatter.add.f32 [tilespmem:s24], [sflag:$0x3], $0x40, s12, s26, $0xb8;
	[tilespmem:$0x1D000] =	vst v63  }
0x96: {  	_ =	swait.ge [sflag:s23], $0x2000  }
0x97: {  	[sflag:s23] =	ssyncset.done $0x0  }
0x98: {  	s12 =	sadd.s32 $0x100, s5;
	[sflag:s23] =	ssyncadd.s32 $0xFFFFE000  }
0x99: {  	[tilespmem:s24], [sflag:$0x1] =	stream.indirect.gather [spmem:s2], $0x40, s12, s26, $0xb8;
	[tilespmem:$0x1D000] =	vst v63  }
0x9a: {  	_ =	swait.ge [sflag:s30], $0x2000  }
0x9b: {  	[sflag:s30] =	ssyncset.done $0x0  }
.Ltmp2:
0x9c: {  	s12 =	sadd.s32 $0x2880, s5;
	[sflag:s30] =	ssyncadd.s32 $0xFFFFE000;
	(pc) =	sbr.rel @p0 .LBB2_6-.Ltmp2, $4  }
0x9d: {  	[spmem:s3] =	stream.indirect.scatter.add.f32 [tilespmem:s28], [sflag:$0x3], $0x40, s12, s26, $0xb8;
	[tilespmem:$0x1D000] =	vst v63  }
0x9e: {  	_ =	swait.ge [sflag:s23], $0x2000  }
0x9f: {  	[sflag:s23] =	ssyncset.done $0x0  }
0xa0: {  	s5 =	sadd.s32 $0x180, s5;
	[sflag:s23] =	ssyncadd.s32 $0xFFFFE000  }
0xa1: {  	[tilespmem:s28], [sflag:$0x2] =	stream.indirect.gather [spmem:s2], $0x40, s5, s26, $0xb8;
	[tilespmem:$0x1D000] =	vst v63  }
0xa2: {  	_ =	swait.ge [sflag:s29], $0x2000  }
0xa3: {  	[sflag:s29] =	ssyncset.done $0x0  }
0xa4: {  	[sflag:s29] =	ssyncadd.s32 $0xFFFFE000  }
0xa5: {  	[spmem:s3] =	stream.indirect.scatter.add.f32 [tilespmem:s24], [sflag:$0x3], $0x40, s31, s26, $0xb8;
	[tilespmem:$0x1D000] =	vst v63  }
0xa6: {  	_ =	swait.ge [sflag:s23], $0x2000  }
0xa7: {  	[sflag:s23] =	ssyncset.done $0x0  }
0xa8: {  	[sflag:s23] =	ssyncadd.s32 $0xFFFFE000  }
0xa9: {  	_ =	swait.ge [sflag:s30], $0x2000  }
0xaa: {  	[sflag:s30] =	ssyncset.done $0x0  }
0xab: {  	[sflag:s30] =	ssyncadd.s32 $0xFFFFE000  }
0xac: {  	[spmem:s3] =	stream.indirect.scatter.add.f32 [tilespmem:s28], [sflag:$0x3], $0x40, s1, s26, $0xb8;
	[tilespmem:$0x1D000] =	vst v63  }
0xad: {  	_ =	swait.ge [sflag:s23], $0x2000  }
0xae: {  	[sflag:s23] =	ssyncset.done $0x0  }
0xaf: {  	[sflag:s23] =	ssyncadd.s32 $0xFFFFE000  }
0xb0: {  	s0 =	sshrl.u32 s7, $0x3;
	[bflag:$0x0] =	sbarrier.arrive $0xFFFF  }
0xb1: {  	[hbm:s16], [sflag:s6] =	dma.local [spmem:s0], $0x400  }
0xb2: {  	_ =	swait.ge [sflag:s23], $0x400  }
0xb3: {  	[sflag:s23] =	ssyncset.done $0x0  }
0xb4: {  	s5 =	sshrl.u32 s8, $0x3;
	[sflag:s23] =	ssyncadd.s32 $0xFFFFFC00  }
0xb5: {  	[hbm:s17], [sflag:s6] =	dma.local [spmem:s5], $0x400  }
0xb6: {  	_ =	swait.ge [sflag:s23], $0x400  }
0xb7: {  	[sflag:s23] =	ssyncset.done $0x0  }
0xb8: {  	s12 =	sshrl.u32 s9, $0x3;
	[sflag:s23] =	ssyncadd.s32 $0xFFFFFC00  }
0xb9: {  	[hbm:s18], [sflag:s6] =	dma.local [spmem:s12], $0x400  }
0xba: {  	_ =	swait.ge [sflag:s23], $0x400  }
0xbb: {  	[sflag:s23] =	ssyncset.done $0x0  }
0xbc: {  	s5 =	sshrl.u32 s10, $0x3;
	[sflag:s23] =	ssyncadd.s32 $0xFFFFFC00  }
0xbd: {  	[hbm:s19], [sflag:s6] =	dma.local [spmem:s5], $0x400  }
0xbe: {  	s4 =	sadd.s32 $0x1, s4;
	_ =	swait.ge [sflag:s23], $0x400  }
0xbf: {  	p0 =	sne.s32 s4, s21;
	[sflag:s23] =	ssyncset.done $0x0  }
.Ltmp3:
0xc0: {  	s12 =	sshrl.u32 s11, $0x3;
	[sflag:s23] =	ssyncadd.s32 $0xFFFFFC00;
	(pc) =	sbr.rel @p0 .LBB2_1-.Ltmp3, $4  }
0xc1: {  	[hbm:s20], [sflag:s6] =	dma.local [spmem:s12], $0x400  }
0xc2: {  	_ =	swait.ge [sflag:s23], $0x400  }
0xc3: {  	[sflag:s23] =	ssyncset.done $0x0  }
0xc4: {  	[sflag:s23] =	ssyncadd.s32 $0xFFFFFC00  }
0xc5: {  	_ =	sfence.sel $0x180000  }
0xc6: {  	[bflag:$0x0] =	sbarrier.arrive $0xFFFF  }
0xc7: {  	_ =	strace $0x90000050  }
0xc8: {  	s0 =	stileid.u32;
	[bflag:$0x2] =	sbarrier.arrive $0xFFFF  }
0xc9: {  	p0 =	sne.s32 s0, $0x0;
	s0 =	rddreg [dreg:$0x3]  }
0xca: {  	s0 =	sadd.s32 @!p0 $0x100000, s0  }
0xcb: {  	[sflag:s0] =	ssyncadd.tile.s32 @!p0 $0x1;
	_ =	shalt  }
.Lfunc_end2:
_tile_overlayer_lowered:
.L_overlay_start_2:
0xcc: {  	(tag) =	ssettag $0x2  }
0xcd: {  	s0 =	rddreg [dreg:$0x0];
	s2 =	stileid.u32  }
0xce: {  	s1 =	rddreg [dreg:$0x1];
	p0 =	sne.s32 s2, $0x0  }
0xcf: {  	s3 =	rddreg [dreg:$0x2];
	[bflag:$0x3] =	sbarrier.arrive $0xFFFF;
	s2 =	simm.s32 @!p0 $0x1C03  }
0xd0: {  	[timem:s3], [sflag:s2] =	dma.local @!p0 [hbm:s0], s1  }
0xd1: {  	s0 =	simm.s32 @!p0 $0x3  }
0xd2: {  	_ =	swait.ge @!p0 [sflag:s0], s1  }
0xd3: {  	s1 =	ssub.s32 @!p0 $0x0, s1;
	[sflag:s0] =	ssyncset.done @!p0 $0x0  }
0xd4: {  	[sflag:s0] =	ssyncadd.s32 @!p0 s1  }
0xd5: {  	[bflag:$0x3] =	sbarrier.arrive $0xFFFF  }
0xd6: {  	_ =	shalt  }

// kernel: kernel.25.cloned.1.call-start
scs
__scs_entry_jumppad:
0x0: {  	(pc) =	sbr.rel $0x88, $3  }
0x1: {  	(tag) =	ssettag $0x0;
	lr =	simm.s32 $0x1  }
0x2: {  	[smem:$0x3F9B] =	sst lr;
	_ =	strace $0xD0000000  }
0x3: {  	_ = 	snop  }
0x4: {  	_ = 	snop  }
0x5: {  	_ = 	snop  }
0x6: {  	_ = 	snop  }
0x7: {  	_ = 	snop  }
__scs_overlays_trampoline_lowered:
0x8: {  	[smem:$0x3FAA] =	sst s0  }
0x9: {  	[smem:$0x3FAB] =	sst s1  }
0xa: {  	[smem:$0x3FAC] =	sst s2  }
0xb: {  	[smem:$0x3FAD] =	sst s3  }
0xc: {  	[smem:$0x3FAE] =	sst s4  }
0xd: {  	[smem:$0x3FAF] =	sst s5  }
0xe: {  	[smem:$0x3FB0] =	sst s6  }
0xf: {  	[smem:$0x3FB1] =	sst s7  }
0x10: {  	[smem:$0x3FB2] =	sst s8  }
0x11: {  	[smem:$0x3FB3] =	sst s9;
	s0 =	simm.s32 @!p0 $0x0  }
0x12: {  	s1 =	sld [smem:$0x3F99];
	s0 =	simm.s32 @p0 $0x1  }
0x13: {  	[smem:$0x3FB4] =	sst s0;
	s0 =	simm.s32 @!p1 $0x0  }
0x14: {  	s2 =	sld [smem:$0x3F98];
	s0 =	simm.s32 @p1 $0x1  }
0x15: {  	[smem:$0x3FB5] =	sst s0;
	s0 =	simm.s32 @!p2 $0x0  }
0x16: {  	s3 =	sld [smem:$0x3FDB];
	s0 =	simm.s32 @p2 $0x1  }
0x17: {  	s4 =	simm.s32 $0x1BF5;
	[smem:$0x3FB7] =	sst s0  }
0x18: {  	s0 =	sld [smem:$0x3F9A];
	_ =	swait.ge [sflag:s4], $0x0  }
0x19: {  	s7 =	sld [smem:$0x3F9B]  }
0x1a: {  	s8 =	sadd.s32 $0xFFFFE003, lr  }
0x1b: {  	s9 =	sadd.s32 $0xFFFFFEF7, lr;
	s5 =	simm.s32 $0xFFFFFFFF;
	p2 =	slt.u32 s8, $0xFFFFF086  }
0x1c: {  	p1 =	slt.u32 s9, $0xF7A;
	s5 =	simm.s32 @!p2 $0x0  }
0x1d: {  	s5 =	simm.s32 @p1 $0x1;
	p0 =	seq.s32 s7, s2  }
0x1e: {  	s7 =	smul.u32 @!p0 $0xF7A, s2;
	p2 =	seq.s32 @!p0 s5, $0x0  }
0x1f: {  	s9 =	smul.u32 $0xF7A, s1;
	s8 =	simm.s32 @!p0 $0x1BF5;
	p2 =	por !p2, p0  }
0x20: {  	[sflag:s8] =	ssyncset.s32 @!p0 $0xFFFFF086;
	s6 =	sadd.s32 @!p0 s3, s7;
	s7 =	simm.s32 @!p0 $0x108  }
0x21: {  	s3 =	sadd.s32 s3, s9;
	s6 =	sadd.s32 @!p0 $0x88, s6;
	s7 =	simm.s32 @p2 $0x1082  }
0x22: {  	[simem:s7], [sflag:s8] =	dma.local @!p0 [hbm:s6], $0xF7A  }
0x23: {  	s9 =	sor.u32 $0xD0000000, s2;
	s6 =	simm.s32 $0x108;
	_ =	swait.ge @!p0 [sflag:s8], $0x0  }
0x24: {  	s3 =	sadd.s32 $0x88, s3;
	s6 =	simm.s32 @!p1 $0x1082;
	[sflag:s4] =	ssyncset.s32 $0xFFFFF086  }
0x25: {  	[simem:s6], [sflag:s4] =	dma.local [hbm:s3], $0xF7A  }
0x26: {  	[smem:$0x3F9B] =	sst s1;
	(tag) =	ssettag s2;
	_ =	strace s9  }
0x27: {  	s1 =	sld [smem:$0x3FAB]  }
0x28: {  	s2 =	sld [smem:$0x3FAC]  }
0x29: {  	s4 =	sld [smem:$0x3FAE]  }
0x2a: {  	p0 =	seq.s32 s5, $0x0;
	s5 =	sld [smem:$0x3FAF]  }
0x2b: {  	s6 =	sld [smem:$0x3FB0]  }
0x2c: {  	s7 =	sld [smem:$0x3FB1]  }
0x2d: {  	s3 =	simm.s32 $0x108;
	s8 =	sld [smem:$0x3FB2]  }
0x2e: {  	s3 =	simm.s32 @!p0 $0x1082;
	s9 =	sld [smem:$0x3FB3]  }
0x2f: {  	lr =	sadd.s32 s0, s3;
	s0 =	sld [smem:$0x3FAA]  }
0x30: {  	s3 =	sld [smem:$0x3FAD]  }
0x31: {  	[smem:$0x3FB6] =	sst s10  }
0x32: {  	s10 =	sld [smem:$0x3FB4];
	_ =	sdelay $0x3  }
0x33: {  	p0 =	seq.s32 s10, $0x1;
	s10 =	sld [smem:$0x3FB6];
	_ =	sdelay $0x3  }
0x34: {  	[smem:$0x3FB6] =	sst s10  }
0x35: {  	s10 =	sld [smem:$0x3FB5];
	_ =	sdelay $0x3  }
0x36: {  	p1 =	seq.s32 s10, $0x1;
	s10 =	sld [smem:$0x3FB6];
	_ =	sdelay $0x3  }
0x37: {  	[smem:$0x3FB6] =	sst s10  }
0x38: {  	s10 =	sld [smem:$0x3FB7]  }
0x39: {  	_ = 	snop;
	(pc) =	sbr.ind lr, $3  }
0x3a: {  	_ = 	snop  }
0x3b: {  	_ = 	snop  }
0x3c: {  	p2 =	seq.s32 s10, $0x1;
	s10 =	sld [smem:$0x3FB6]  }
0x3d: {  	_ =	shalt  }
0x3e: {  	_ =	shalt  }
0x3f: {  	_ =	shalt  }
0x40: {  	_ =	shalt  }
0x41: {  	_ =	shalt  }
0x42: {  	_ =	shalt  }
0x43: {  	_ =	shalt  }
0x44: {  	_ =	shalt  }
0x45: {  	_ =	shalt  }
0x46: {  	_ =	shalt  }
0x47: {  	_ =	shalt  }
0x48: {  	_ =	shalt  }
0x49: {  	_ =	shalt  }
0x4a: {  	_ =	shalt  }
0x4b: {  	_ =	shalt  }
0x4c: {  	_ =	shalt  }
0x4d: {  	_ =	shalt  }
0x4e: {  	_ =	shalt  }
0x4f: {  	_ =	shalt  }
0x50: {  	_ =	shalt  }
0x51: {  	_ =	shalt  }
0x52: {  	_ =	shalt  }
0x53: {  	_ =	shalt  }
0x54: {  	_ =	shalt  }
0x55: {  	_ =	shalt  }
0x56: {  	_ =	shalt  }
0x57: {  	_ =	shalt  }
0x58: {  	_ =	shalt  }
0x59: {  	_ =	shalt  }
0x5a: {  	_ =	shalt  }
0x5b: {  	_ =	shalt  }
0x5c: {  	_ =	shalt  }
0x5d: {  	_ =	shalt  }
0x5e: {  	_ =	shalt  }
0x5f: {  	_ =	shalt  }
0x60: {  	_ =	shalt  }
0x61: {  	_ =	shalt  }
0x62: {  	_ =	shalt  }
0x63: {  	_ =	shalt  }
0x64: {  	_ =	shalt  }
0x65: {  	_ =	shalt  }
0x66: {  	_ =	shalt  }
0x67: {  	_ =	shalt  }
0x68: {  	_ =	shalt  }
0x69: {  	_ =	shalt  }
0x6a: {  	_ =	shalt  }
0x6b: {  	_ =	shalt  }
0x6c: {  	_ =	shalt  }
0x6d: {  	_ =	shalt  }
0x6e: {  	_ =	shalt  }
0x6f: {  	_ =	shalt  }
0x70: {  	_ =	shalt  }
0x71: {  	_ =	shalt  }
0x72: {  	_ =	shalt  }
0x73: {  	_ =	shalt  }
0x74: {  	_ =	shalt  }
0x75: {  	_ =	shalt  }
0x76: {  	_ =	shalt  }
0x77: {  	_ =	shalt  }
0x78: {  	_ =	shalt  }
0x79: {  	_ =	shalt  }
0x7a: {  	_ =	shalt  }
0x7b: {  	_ =	shalt  }
0x7c: {  	_ =	shalt  }
0x7d: {  	_ =	shalt  }
0x7e: {  	_ =	shalt  }
0x7f: {  	_ =	shalt  }
0x80: {  	_ =	shalt  }
0x81: {  	_ =	shalt  }
0x82: {  	_ =	shalt  }
0x83: {  	_ =	shalt  }
0x84: {  	_ =	shalt  }
0x85: {  	_ =	shalt  }
0x86: {  	_ =	shalt  }
0x87: {  	_ =	shalt  }
.Lfunc_end0:
.L_simem_size_0:
called_computation.4_lowered:
.L_overlay_start_0:
0x88: {  	s2 =	sld [smem:$0x3FD9]  }
0x89: {  	s3 =	sld [smem:$0x3FFE];
	_ =	sdelay $0x1  }
0x8a: {  	s1 =	srdreg.scid  }
0x8b: {  	s0 =	sand.u32 $0x1, s1  }
0x8c: {  	s16 =	sshll.u32 s0, $0xA;
	s2 =	sadd.s32 s3, s2  }
0x8d: {  	s2 =	sadd.s32 s2, s16  }
0x8e: {  	[smem:$0x3FC2] =	sst s2  }
0x8f: {  	_ = 	snop  }
0x90: {  	(tm) =	ssettm $0x1  }
0x91: {  	s17 =	sld [smem:$0x3FFB];
	_ =	sdelay $0x3  }
0x92: {  	_ =	strace s17  }
0x93: {  	s2 =	sld [smem:$0x3FFC];
	_ =	sdelay $0x3  }
0x94: {  	_ =	strace s2  }
0x95: {  	s2 =	sld [smem:$0x3FFD];
	_ =	sdelay $0x3  }
0x96: {  	_ =	strace s2  }
0x97: {  	_ =	strace $0x8FFFFFFF  }
0x98: {  	s18 =	sld [smem:$0x3FDB];
	_ =	sdelay $0x1  }
0x99: {  	s19 =	simm.s32 $_scs_section_size  }
0x9a: {  	s4 =	simm.s32 $_size__tile_overlayer_lowered;
	s5 =	simm.s32 $_tile_overlayer_lowered  }
0x9b: {  	s22 =	simm.s32 $0x1BFF;
	s21 =	sshll.u32 s5, $0x1;
	s2 =	sadd.s32 s19, s18  }
0x9c: {  	s6 =	simm.s32 $0x0;
	s20 =	sshll.u32 s4, $0x1;
	s4 =	sadd.s32 s21, s2  }
0x9d: {  	[timem:s6], [sflag:s22] =	dma.local [hbm:s4], s20  }
0x9e: {  	_ =	swait.ge [sflag:s22], s20  }
0x9f: {  	s3 =	ssub.s32 $0x0, s20;
	[sflag:s22] =	ssyncset.done $0x0  }
0xa0: {  	[sflag:s22] =	ssyncadd.s32 s3;
	_ =	sdelay $0x1  }
0xa1: {  	s23 =	simm.s32 $0x1B8B  }
0xa2: {  	_ =	swait.ge [sflag:s23], $0x1  }
0xa3: {  	[sflag:s23] =	ssyncset.done $0x0  }
0xa4: {  	s25 =	simm.s32 $0x1B8E;
	s24 =	sld [smem:$0x3FFE];
	[sflag:s23] =	ssyncadd.s32 $0xFFFFFFFF  }
0xa5: {  	s26 =	simm.s32 $execute0_lowered;
	[smem:$0x3FD2] =	sst s25  }
0xa6: {  	s4 =	sshll.u32 s26, $0x1;
	_ =	strace $0x80000052;
	[dreg:$0x1] =	wrdreg $0xFFFFFFFF  }
0xa7: {  	s28 =	simm.s32 $_size_execute0_lowered;
	s2 =	sadd.s32 s2, s4;
	[dreg:$0x0] =	wrdreg $0x0  }
0xa8: {  	s4 =	sshll.u32 s28, $0x1;
	[dreg:$0x2] =	wrdreg s2  }
0xa9: {  	[dreg:$0x3] =	wrdreg s4  }
0xaa: {  	[dreg:$0x4] =	wrdreg $0xC0  }
0xab: {  	_ =	task [dreg:s6], $0x5FFFF  }
0xac: {  	[dreg:$0x1] =	wrdreg $0xFFFFFFFF  }
0xad: {  	[dreg:$0x0] =	wrdreg $0x60  }
0xae: {  	[dreg:$0x2] =	wrdreg s24  }
0xaf: {  	[dreg:$0x3] =	wrdreg $0x90000  }
0xb0: {  	[dreg:$0x4] =	wrdreg $0x130000  }
0xb1: {  	[dreg:$0x5] =	wrdreg $0x9  }
0xb2: {  	_ =	task.clear_ibuf [dreg:s6], $0x6FFFF;
	_ =	strace $0x90000052  }
0xb3: {  	s29 =	simm.s32 $0x9;
	_ =	strace $0x80000054  }
0xb4: {  	_ =	swait.ge [sflag:s29], $0x1  }
0xb5: {  	[sflag:s29] =	ssyncadd.s32 $0xFFFFFFFF  }
0xb6: {  	_ =	strace $0x90000054  }
0xb7: {  	_ =	sfence  }
0xb8: {  	s30 =	sld [smem:$0x0];
	_ =	sdelay $0x2  }
0xb9: {  	s31 =	sshll.u32 s1, $0xD;
	s1 =	sshrl.u32 s1, $0x2  }
0xba: {  	s3 =	sand.u32 $0x4000, s31;
	s1 =	sadd.s32 s1, s30  }
0xbb: {  	s0 =	sor.u32 s3, s0;
	s1 =	sshll.u32 s1, $0x11  }
0xbc: {  	s0 =	sor.u32 s1, s0  }
0xbd: {  	s0 =	sadd.s32 $0x8F2B, s0  }
0xbe: {  	[sflag:s0] =	ssyncadd.remote.s32 $0x1  }
0xbf: {  	_ =	sfence.sel $0xFFFF  }
0xc0: {  	[dreg:$0x0] =	wrdreg $0xFFFFFFFF;
	(pc) =	sbr.abs _section_cstart, $3  }
0xc1: {  	[dreg:$0x1] =	wrdreg $0xFFFFFFFF  }
0xc2: {  	_ =	task.clear_ibuf [dreg:s6], $0x2FFFF;
	_ =	strace $0x9FFFFFFF  }
0xc3: {  	(tm) =	ssettm $0x7FFFFFFF  }
tec
execute0_lowered:
.L_overlay_start_1:
0x0: {  	(tag) =	ssettag $0x1  }
0x1: {  	s0 =	rddreg [dreg:$0x0];
	s1 =	srdreg.scid  }
0x2: {  	s10 =	stileid.u32;
	s2 =	rddreg [dreg:$0x1]  }
0x3: {  	s3 =	rddreg [dreg:$0x2];
	s4 =	simm.s32 $0x0;
	s23 =	simm.s32 $0x3  }
0x4: {  	s24 =	simm.s32 $0x5000;
	s25 =	simm.s32 $0x2800;
	s28 =	simm.s32 $0x7000  }
0x5: {  	s29 =	simm.s32 $0x1;
	s30 =	simm.s32 $0x2;
	s31 =	simm.s32 $0x4F00  }
0x6: {  	s1 =	sand.u32 $0x1, s1;
	s5 =	smul.u32 $0xA000, s10;
	[smem:$0x7FF] =	sst s4  }
0x7: {  	s14 =	sadd.s32 $0xCA00, s0;
	s15 =	sadd.s32 $0x2A00, s0;
	s11 =	smul.u32 $0x5000, s10  }
0x8: {  	s26 =	sshll.u32 s10, $0x6;
	s18 =	smul.u32 $0xA0000, s1;
	s1 =	ssub.s32 $0x2, s1  }
0x9: {  	s13 =	smul.u32 $0xA00, s10;
	_ =	strace $0x80000053;
	s7 =	sshrl.u32 s1, $0x1  }
0xa: {  	s22 =	sadd.s32 s5, s2;
	s17 =	sadd.s32 $0x2000, s5;
	s19 =	sadd.s32 $0x4000, s5  }
0xb: {  	s20 =	sadd.s32 $0x6000, s5;
	s21 =	sshrl.u32 s11, $0x3;
	s12 =	sadd.s32 s14, s13  }
0xc: {  	s13 =	sadd.s32 s15, s13;
	s6 =	sadd.s32 s5, s18;
	s1 =	ssub.s32 s1, s7  }
0xd: {  	s7 =	sadd.s32 s5, s3;
	s8 =	sadd.s32 s17, s3;
	s9 =	sadd.s32 s19, s3  }
0xe: {  	s10 =	sadd.s32 s20, s3;
	s5 =	sadd.s32 $0x8000, s5;
	[dreg:$0x5] =	wrdreg s12  }
0xf: {  	s21 =	sadd.s32 $0x500, s21;
	s17 =	sadd.s32 s18, s17;
	s19 =	sadd.s32 s18, s19  }
0x10: {  	s20 =	sadd.s32 s18, s20;
	s22 =	sshrl.u32 s22, $0x3;
	s16 =	sshrl.u32 s6, $0x3  }
0x11: {  	s11 =	sadd.s32 s5, s3;
	s14 =	sadd.s32 s14, s21;
	s15 =	sadd.s32 s15, s21  }
0x12: {  	s17 =	sshrl.u32 s17, $0x3;
	s19 =	sshrl.u32 s19, $0x3;
	s20 =	sshrl.u32 s20, $0x3  }
0x13: {  	s5 =	sadd.s32 s18, s5;
	s21 =	smax.u32 s1, $0x1;
	s1 =	simm.s32 $0x4F80  }
0x14: {  	s6 =	sadd.s32 s16, s0;
	s0 =	sadd.s32 $0x16A00, s0;
	s5 =	sshrl.u32 s5, $0x3  }
0x15: {  	s6 =	sadd.s32 $0x66A00, s6;
	s16 =	sadd.s32 s0, s16;
	s17 =	sadd.s32 s0, s17  }
0x16: {  	s18 =	sadd.s32 s0, s19;
	s19 =	sadd.s32 s0, s20;
	s20 =	sadd.s32 s0, s5  }
0x17: {  	v0 =	vimm.f32 $0.0e+00;
	[dreg:$0x4] =	wrdreg s6;
	s6 =	sor.u32 $0x1C03, s26;
	s26 =	simm.s32 $0x80  }
.LBB2_1:
0x18: {  	s0 =	rddreg [dreg:$0x4]  }
0x19: {  	[spmem:s22], [sflag:s6] =	dma.local [hbm:s0], $0x1400  }
0x1a: {  	_ =	swait.ge [sflag:s23], $0x1400  }
0x1b: {  	[sflag:s23] =	ssyncset.done $0x0  }
0x1c: {  	s5 =	simm.s32 $0x100;
	s0 =	simm.s32 $0x0;
	[sflag:s23] =	ssyncadd.s32 $0xFFFFEC00  }
.LBB2_2:
0x1d: {  	p0 =	sne.s32 s5, $0x7F00;
	[tilespmem:s0+$0x5030] =	vst v0;
	s12 =	smov.u32 s5;
	s5 =	sadd.s32 $0x100, s5  }
.Ltmp0:
0x1e: {  	[tilespmem:s0+$0x5020] =	vst v0;
	(pc) =	sbr.rel @p0 .LBB2_2-.Ltmp0, $3  }
0x1f: {  	[tilespmem:s0+$0x5000] =	vst v0  }
0x20: {  	[tilespmem:s0+$0x5010] =	vst v0;
	_ =	sdelay $0x1  }
0x21: {  	s0 =	sshra.s32 s12, $0x2  }
0x22: {  	[tilespmem:s0+$0x5030] =	vst v0  }
0x23: {  	[tilespmem:s0+$0x5020] =	vst v0  }
0x24: {  	[tilespmem:s0+$0x5000] =	vst v0  }
0x25: {  	[tilespmem:s0+$0x5010] =	vst v0  }
0x26: {  	[spmem:s7] =	stream.linear.scatter [tilespmem:s24], [sflag:$0x3], $0x2000, $0x38;
	[tilespmem:$0x1D000] =	vst v63  }
0x27: {  	_ =	swait.ge [sflag:s23], $0x2000  }
0x28: {  	[sflag:s23] =	ssyncset.done $0x0  }
0x29: {  	[sflag:s23] =	ssyncadd.s32 $0xFFFFE000  }
0x2a: {  	[spmem:s8] =	stream.linear.scatter [tilespmem:s24], [sflag:$0x3], $0x2000, $0x38;
	[tilespmem:$0x1D000] =	vst v63  }
0x2b: {  	_ =	swait.ge [sflag:s23], $0x2000  }
0x2c: {  	[sflag:s23] =	ssyncset.done $0x0  }
0x2d: {  	[sflag:s23] =	ssyncadd.s32 $0xFFFFE000  }
0x2e: {  	[spmem:s9] =	stream.linear.scatter [tilespmem:s24], [sflag:$0x3], $0x2000, $0x38;
	[tilespmem:$0x1D000] =	vst v63  }
0x2f: {  	_ =	swait.ge [sflag:s23], $0x2000  }
0x30: {  	[sflag:s23] =	ssyncset.done $0x0  }
0x31: {  	[sflag:s23] =	ssyncadd.s32 $0xFFFFE000  }
0x32: {  	[spmem:s10] =	stream.linear.scatter [tilespmem:s24], [sflag:$0x3], $0x2000, $0x38;
	[tilespmem:$0x1D000] =	vst v63  }
0x33: {  	_ =	swait.ge [sflag:s23], $0x2000  }
0x34: {  	[sflag:s23] =	ssyncset.done $0x0  }
0x35: {  	[sflag:s23] =	ssyncadd.s32 $0xFFFFE000  }
0x36: {  	[spmem:s11] =	stream.linear.scatter [tilespmem:s24], [sflag:$0x3], $0x2000, $0x38;
	[tilespmem:$0x1D000] =	vst v63  }
0x37: {  	_ =	swait.ge [sflag:s23], $0x2000  }
0x38: {  	[sflag:s23] =	ssyncset.done $0x0  }
0x39: {  	[sflag:s23] =	ssyncadd.s32 $0xFFFFE000  }
0x3a: {  	[bflag:$0x0] =	sbarrier.arrive $0xFFFF  }
0x3b: {  	s12 =	simm.s32 $0x0;
	s5 =	rddreg [dreg:$0x5]  }
0x3c: {  	[tilespmem:s12], [sflag:$0x3] =	stream.linear.gather [hbm4b:s5+s12], $0x2800, $0x38;
	[tilespmem:$0x1D000] =	vst v63  }
0x3d: {  	_ =	swait.ge [sflag:s23], $0x2800  }
0x3e: {  	[sflag:s23] =	ssyncset.done $0x0  }
0x3f: {  	[sflag:s23] =	ssyncadd.s32 $0xFFFFD800  }
0x40: {  	[tilespmem:s25], [sflag:$0x3] =	stream.linear.gather [hbm4b:s13+s12], $0x2800, $0x38;
	[tilespmem:$0x1D000] =	vst v63  }
0x41: {  	_ =	swait.ge [sflag:s23], $0x2800  }
0x42: {  	[sflag:s23] =	ssyncset.done $0x0  }
0x43: {  	[sflag:s23] =	ssyncadd.s32 $0xFFFFD800  }
0x44: {  	[tilespmem:s24], [sflag:$0x1] =	stream.indirect.gather [spmem:s2], $0x40, s12, s26, $0xb8;
	[tilespmem:$0x1D000] =	vst v63  }
0x45: {  	_ = 	snop  }
0x46: {  	[tilespmem:s28], [sflag:$0x2] =	stream.indirect.gather [spmem:s2], $0x40, s26, s26, $0xb8;
	[tilespmem:$0x1D000] =	vst v63  }
0x47: {  	_ =	swait.ge [sflag:s29], $0x2000  }
0x48: {  	[sflag:s29] =	ssyncset.done $0x0  }
0x49: {  	s12 =	simm.s32 $0x2800;
	[sflag:s29] =	ssyncadd.s32 $0xFFFFE000  }
0x4a: {  	[spmem:s3] =	stream.indirect.scatter.add.f32 [tilespmem:s24], [sflag:$0x3], $0x40, s12, s26, $0xb8;
	[tilespmem:$0x1D000] =	vst v63  }
0x4b: {  	_ =	swait.ge [sflag:s23], $0x2000  }
0x4c: {  	[sflag:s23] =	ssyncset.done $0x0  }
0x4d: {  	s5 =	simm.s32 $0x100;
	[sflag:s23] =	ssyncadd.s32 $0xFFFFE000  }
0x4e: {  	[tilespmem:s24], [sflag:$0x1] =	stream.indirect.gather [spmem:s2], $0x40, s5, s26, $0xb8;
	[tilespmem:$0x1D000] =	vst v63  }
0x4f: {  	_ =	swait.ge [sflag:s30], $0x2000  }
0x50: {  	[sflag:s30] =	ssyncset.done $0x0  }
0x51: {  	s12 =	simm.s32 $0x2880;
	[sflag:s30] =	ssyncadd.s32 $0xFFFFE000  }
0x52: {  	[spmem:s3] =	stream.indirect.scatter.add.f32 [tilespmem:s28], [sflag:$0x3], $0x40, s12, s26, $0xb8;
	[tilespmem:$0x1D000] =	vst v63  }
0x53: {  	_ =	swait.ge [sflag:s23], $0x2000  }
0x54: {  	[sflag:s23] =	ssyncset.done $0x0  }
0x55: {  	s0 =	simm.s32 $0x400;
	s5 =	simm.s32 $0x180;
	[sflag:s23] =	ssyncadd.s32 $0xFFFFE000  }
.LBB2_4:
0x56: {  	[tilespmem:s28], [sflag:$0x2] =	stream.indirect.gather [spmem:s2], $0x40, s5, s26, $0xb8;
	[tilespmem:$0x1D000] =	vst v63  }
0x57: {  	s5 =	smov.u32 s0  }
0x58: {  	p0 =	sne.s32 s0, $0x9800;
	s0 =	sadd.s32 $0x400, s0;
	_ =	swait.ge [sflag:s29], $0x2000  }
0x59: {  	s5 =	sshra.s32 s5, $0x2;
	[sflag:s29] =	ssyncset.done $0x0  }
0x5a: {  	s12 =	sadd.s32 $0x2800, s5;
	[sflag:s29] =	ssyncadd.s32 $0xFFFFE000  }
0x5b: {  	[spmem:s3] =	stream.indirect.scatter.add.f32 [tilespmem:s24], [sflag:$0x3], $0x40, s12, s26, $0xb8;
	[tilespmem:$0x1D000] =	vst v63  }
0x5c: {  	_ =	swait.ge [sflag:s23], $0x2000  }
0x5d: {  	[sflag:s23] =	ssyncset.done $0x0  }
0x5e: {  	s12 =	sadd.s32 $0x100, s5;
	[sflag:s23] =	ssyncadd.s32 $0xFFFFE000  }
0x5f: {  	[tilespmem:s24], [sflag:$0x1] =	stream.indirect.gather [spmem:s2], $0x40, s12, s26, $0xb8;
	[tilespmem:$0x1D000] =	vst v63  }
0x60: {  	_ =	swait.ge [sflag:s30], $0x2000  }
0x61: {  	[sflag:s30] =	ssyncset.done $0x0  }
.Ltmp1:
0x62: {  	s12 =	sadd.s32 $0x2880, s5;
	[sflag:s30] =	ssyncadd.s32 $0xFFFFE000;
	(pc) =	sbr.rel @p0 .LBB2_4-.Ltmp1, $4  }
0x63: {  	[spmem:s3] =	stream.indirect.scatter.add.f32 [tilespmem:s28], [sflag:$0x3], $0x40, s12, s26, $0xb8;
	[tilespmem:$0x1D000] =	vst v63  }
0x64: {  	_ =	swait.ge [sflag:s23], $0x2000  }
0x65: {  	[sflag:s23] =	ssyncset.done $0x0  }
0x66: {  	s5 =	sadd.s32 $0x180, s5;
	[sflag:s23] =	ssyncadd.s32 $0xFFFFE000  }
0x67: {  	[tilespmem:s28], [sflag:$0x2] =	stream.indirect.gather [spmem:s2], $0x40, s5, s26, $0xb8;
	[tilespmem:$0x1D000] =	vst v63  }
0x68: {  	_ =	swait.ge [sflag:s29], $0x2000  }
0x69: {  	[sflag:s29] =	ssyncset.done $0x0  }
0x6a: {  	[sflag:s29] =	ssyncadd.s32 $0xFFFFE000  }
0x6b: {  	[spmem:s3] =	stream.indirect.scatter.add.f32 [tilespmem:s24], [sflag:$0x3], $0x40, s31, s26, $0xb8;
	[tilespmem:$0x1D000] =	vst v63  }
0x6c: {  	_ =	swait.ge [sflag:s23], $0x2000  }
0x6d: {  	[sflag:s23] =	ssyncset.done $0x0  }
0x6e: {  	[sflag:s23] =	ssyncadd.s32 $0xFFFFE000  }
0x6f: {  	_ =	swait.ge [sflag:s30], $0x2000  }
0x70: {  	[sflag:s30] =	ssyncset.done $0x0  }
0x71: {  	[sflag:s30] =	ssyncadd.s32 $0xFFFFE000  }
0x72: {  	[spmem:s3] =	stream.indirect.scatter.add.f32 [tilespmem:s28], [sflag:$0x3], $0x40, s1, s26, $0xb8;
	[tilespmem:$0x1D000] =	vst v63  }
0x73: {  	_ =	swait.ge [sflag:s23], $0x2000  }
0x74: {  	[sflag:s23] =	ssyncset.done $0x0  }
0x75: {  	s0 =	simm.s32 $0x0;
	[sflag:s23] =	ssyncadd.s32 $0xFFFFE000  }
0x76: {  	[tilespmem:s0], [sflag:$0x3] =	stream.linear.gather [hbm4b:s14+s0], $0x2800, $0x38;
	[tilespmem:$0x1D000] =	vst v63  }
0x77: {  	_ =	swait.ge [sflag:s23], $0x2800  }
0x78: {  	[sflag:s23] =	ssyncset.done $0x0  }
0x79: {  	[sflag:s23] =	ssyncadd.s32 $0xFFFFD800  }
0x7a: {  	[tilespmem:s25], [sflag:$0x3] =	stream.linear.gather [hbm4b:s15+s0], $0x2800, $0x38;
	[tilespmem:$0x1D000] =	vst v63  }
0x7b: {  	_ =	swait.ge [sflag:s23], $0x2800  }
0x7c: {  	[sflag:s23] =	ssyncset.done $0x0  }
0x7d: {  	[sflag:s23] =	ssyncadd.s32 $0xFFFFD800  }
0x7e: {  	[tilespmem:s24], [sflag:$0x1] =	stream.indirect.gather [spmem:s2], $0x40, s0, s26, $0xb8;
	[tilespmem:$0x1D000] =	vst v63  }
0x7f: {  	_ = 	snop  }
0x80: {  	[tilespmem:s28], [sflag:$0x2] =	stream.indirect.gather [spmem:s2], $0x40, s26, s26, $0xb8;
	[tilespmem:$0x1D000] =	vst v63  }
0x81: {  	_ =	swait.ge [sflag:s29], $0x2000  }
0x82: {  	[sflag:s29] =	ssyncset.done $0x0  }
0x83: {  	s12 =	simm.s32 $0x2800;
	[sflag:s29] =	ssyncadd.s32 $0xFFFFE000  }
0x84: {  	[spmem:s3] =	stream.indirect.scatter.add.f32 [tilespmem:s24], [sflag:$0x3], $0x40, s12, s26, $0xb8;
	[tilespmem:$0x1D000] =	vst v63  }
0x85: {  	_ =	swait.ge [sflag:s23], $0x2000  }
0x86: {  	[sflag:s23] =	ssyncset.done $0x0  }
0x87: {  	s5 =	simm.s32 $0x100;
	[sflag:s23] =	ssyncadd.s32 $0xFFFFE000  }
0x88: {  	[tilespmem:s24], [sflag:$0x1] =	stream.indirect.gather [spmem:s2], $0x40, s5, s26, $0xb8;
	[tilespmem:$0x1D000] =	vst v63  }
0x89: {  	_ =	swait.ge [sflag:s30], $0x2000  }
0x8a: {  	[sflag:s30] =	ssyncset.done $0x0  }
0x8b: {  	s12 =	simm.s32 $0x2880;
	[sflag:s30] =	ssyncadd.s32 $0xFFFFE000  }
0x8c: {  	[spmem:s3] =	stream.indirect.scatter.add.f32 [tilespmem:s28], [sflag:$0x3], $0x40, s12, s26, $0xb8;
	[tilespmem:$0x1D000] =	vst v63  }
0x8d: {  	_ =	swait.ge [sflag:s23], $0x2000  }
0x8e: {  	[sflag:s23] =	ssyncset.done $0x0  }
0x8f: {  	s0 =	simm.s32 $0x400;
	s5 =	simm.s32 $0x180;
	[sflag:s23] =	ssyncadd.s32 $0xFFFFE000  }
.LBB2_6:
0x90: {  	[tilespmem:s28], [sflag:$0x2] =	stream.indirect.gather [spmem:s2], $0x40, s5, s26, $0xb8;
	[tilespmem:$0x1D000] =	vst v63  }
0x91: {  	s5 =	smov.u32 s0  }
0x92: {  	p0 =	sne.s32 s0, $0x9800;
	s0 =	sadd.s32 $0x400, s0;
	_ =	swait.ge [sflag:s29], $0x2000  }
0x93: {  	s5 =	sshra.s32 s5, $0x2;
	[sflag:s29] =	ssyncset.done $0x0  }
0x94: {  	s12 =	sadd.s32 $0x2800, s5;
	[sflag:s29] =	ssyncadd.s32 $0xFFFFE000  }
0x95: {  	[spmem:s3] =	stream.indirect.scatter.add.f32 [tilespmem:s24], [sflag:$0x3], $0x40, s12, s26, $0xb8;
	[tilespmem:$0x1D000] =	vst v63  }
0x96: {  	_ =	swait.ge [sflag:s23], $0x2000  }
0x97: {  	[sflag:s23] =	ssyncset.done $0x0  }
0x98: {  	s12 =	sadd.s32 $0x100, s5;
	[sflag:s23] =	ssyncadd.s32 $0xFFFFE000  }
0x99: {  	[tilespmem:s24], [sflag:$0x1] =	stream.indirect.gather [spmem:s2], $0x40, s12, s26, $0xb8;
	[tilespmem:$0x1D000] =	vst v63  }
0x9a: {  	_ =	swait.ge [sflag:s30], $0x2000  }
0x9b: {  	[sflag:s30] =	ssyncset.done $0x0  }
.Ltmp2:
0x9c: {  	s12 =	sadd.s32 $0x2880, s5;
	[sflag:s30] =	ssyncadd.s32 $0xFFFFE000;
	(pc) =	sbr.rel @p0 .LBB2_6-.Ltmp2, $4  }
0x9d: {  	[spmem:s3] =	stream.indirect.scatter.add.f32 [tilespmem:s28], [sflag:$0x3], $0x40, s12, s26, $0xb8;
	[tilespmem:$0x1D000] =	vst v63  }
0x9e: {  	_ =	swait.ge [sflag:s23], $0x2000  }
0x9f: {  	[sflag:s23] =	ssyncset.done $0x0  }
0xa0: {  	s5 =	sadd.s32 $0x180, s5;
	[sflag:s23] =	ssyncadd.s32 $0xFFFFE000  }
0xa1: {  	[tilespmem:s28], [sflag:$0x2] =	stream.indirect.gather [spmem:s2], $0x40, s5, s26, $0xb8;
	[tilespmem:$0x1D000] =	vst v63  }
0xa2: {  	_ =	swait.ge [sflag:s29], $0x2000  }
0xa3: {  	[sflag:s29] =	ssyncset.done $0x0  }
0xa4: {  	[sflag:s29] =	ssyncadd.s32 $0xFFFFE000  }
0xa5: {  	[spmem:s3] =	stream.indirect.scatter.add.f32 [tilespmem:s24], [sflag:$0x3], $0x40, s31, s26, $0xb8;
	[tilespmem:$0x1D000] =	vst v63  }
0xa6: {  	_ =	swait.ge [sflag:s23], $0x2000  }
0xa7: {  	[sflag:s23] =	ssyncset.done $0x0  }
0xa8: {  	[sflag:s23] =	ssyncadd.s32 $0xFFFFE000  }
0xa9: {  	_ =	swait.ge [sflag:s30], $0x2000  }
0xaa: {  	[sflag:s30] =	ssyncset.done $0x0  }
0xab: {  	[sflag:s30] =	ssyncadd.s32 $0xFFFFE000  }
0xac: {  	[spmem:s3] =	stream.indirect.scatter.add.f32 [tilespmem:s28], [sflag:$0x3], $0x40, s1, s26, $0xb8;
	[tilespmem:$0x1D000] =	vst v63  }
0xad: {  	_ =	swait.ge [sflag:s23], $0x2000  }
0xae: {  	[sflag:s23] =	ssyncset.done $0x0  }
0xaf: {  	[sflag:s23] =	ssyncadd.s32 $0xFFFFE000  }
0xb0: {  	s0 =	sshrl.u32 s7, $0x3;
	[bflag:$0x0] =	sbarrier.arrive $0xFFFF  }
0xb1: {  	[hbm:s16], [sflag:s6] =	dma.local [spmem:s0], $0x400  }
0xb2: {  	_ =	swait.ge [sflag:s23], $0x400  }
0xb3: {  	[sflag:s23] =	ssyncset.done $0x0  }
0xb4: {  	s5 =	sshrl.u32 s8, $0x3;
	[sflag:s23] =	ssyncadd.s32 $0xFFFFFC00  }
0xb5: {  	[hbm:s17], [sflag:s6] =	dma.local [spmem:s5], $0x400  }
0xb6: {  	_ =	swait.ge [sflag:s23], $0x400  }
0xb7: {  	[sflag:s23] =	ssyncset.done $0x0  }
0xb8: {  	s12 =	sshrl.u32 s9, $0x3;
	[sflag:s23] =	ssyncadd.s32 $0xFFFFFC00  }
0xb9: {  	[hbm:s18], [sflag:s6] =	dma.local [spmem:s12], $0x400  }
0xba: {  	_ =	swait.ge [sflag:s23], $0x400  }
0xbb: {  	[sflag:s23] =	ssyncset.done $0x0  }
0xbc: {  	s5 =	sshrl.u32 s10, $0x3;
	[sflag:s23] =	ssyncadd.s32 $0xFFFFFC00  }
0xbd: {  	[hbm:s19], [sflag:s6] =	dma.local [spmem:s5], $0x400  }
0xbe: {  	s4 =	sadd.s32 $0x1, s4;
	_ =	swait.ge [sflag:s23], $0x400  }
0xbf: {  	p0 =	sne.s32 s4, s21;
	[sflag:s23] =	ssyncset.done $0x0  }
.Ltmp3:
0xc0: {  	s12 =	sshrl.u32 s11, $0x3;
	[sflag:s23] =	ssyncadd.s32 $0xFFFFFC00;
	(pc) =	sbr.rel @p0 .LBB2_1-.Ltmp3, $4  }
0xc1: {  	[hbm:s20], [sflag:s6] =	dma.local [spmem:s12], $0x400  }
0xc2: {  	_ =	swait.ge [sflag:s23], $0x400  }
0xc3: {  	[sflag:s23] =	ssyncset.done $0x0  }
0xc4: {  	[sflag:s23] =	ssyncadd.s32 $0xFFFFFC00  }
0xc5: {  	_ =	sfence.sel $0x180000  }
0xc6: {  	[bflag:$0x0] =	sbarrier.arrive $0xFFFF  }
0xc7: {  	_ =	strace $0x90000053  }
0xc8: {  	s0 =	stileid.u32;
	[bflag:$0x2] =	sbarrier.arrive $0xFFFF  }
0xc9: {  	p0 =	sne.s32 s0, $0x0;
	s0 =	rddreg [dreg:$0x3]  }
0xca: {  	s0 =	sadd.s32 @!p0 $0x100000, s0  }
0xcb: {  	[sflag:s0] =	ssyncadd.tile.s32 @!p0 $0x1;
	_ =	shalt  }
.Lfunc_end2:
_tile_overlayer_lowered:
.L_overlay_start_2:
0xcc: {  	(tag) =	ssettag $0x2  }
0xcd: {  	s0 =	rddreg [dreg:$0x0];
	s2 =	stileid.u32  }
0xce: {  	s1 =	rddreg [dreg:$0x1];
	p0 =	sne.s32 s2, $0x0  }
0xcf: {  	s3 =	rddreg [dreg:$0x2];
	[bflag:$0x3] =	sbarrier.arrive $0xFFFF;
	s2 =	simm.s32 @!p0 $0x1C03  }
0xd0: {  	[timem:s3], [sflag:s2] =	dma.local @!p0 [hbm:s0], s1  }
0xd1: {  	s0 =	simm.s32 @!p0 $0x3  }
0xd2: {  	_ =	swait.ge @!p0 [sflag:s0], s1  }
0xd3: {  	s1 =	ssub.s32 @!p0 $0x0, s1;
	[sflag:s0] =	ssyncset.done @!p0 $0x0  }
0xd4: {  	[sflag:s0] =	ssyncadd.s32 @!p0 s1  }
0xd5: {  	[bflag:$0x3] =	sbarrier.arrive $0xFFFF  }
0xd6: {  	_ =	shalt  }

</sc_bundles>
